<compile_context>
chip_gen: v7x
topology: tpu7x:2x2x1
jax: 0.10.2.dev20260603
libtpu: 0.0.44.dev20260713+nightly
codegen_flags: <defaults>
</compile_context>

<pallas_src>
import dataclasses

import jax
import jax.numpy as jnp
from jax import lax
from jax.experimental import pallas as pl
from jax.experimental.pallas import tpu as pltpu
from jax.experimental.pallas import tpu_sc as plsc

N = 10000
E = 320000
EPRIME = E + N
IN = 128
H = 8
C = 16
HC = H * C
NEG = 0.2

NW = 32
B = 128
NCH = 82
T = NCH * B
EP = NW * T
NP = 10240
RPT = NP // 16
BF = B // 8
EPF = EP // 8

_mesh = plsc.VectorSubcoreMesh(core_axis_name="c", subcore_axis_name="s")

_GDN = lax.GatherDimensionNumbers(
    offset_dims=(), collapsed_slice_dims=(0,), start_index_map=(0,))


def _splat(vec, j):
    idx = jnp.full((16, 1), j, dtype=jnp.int32)
    return lax.gather(vec, idx, _GDN, (1,),
                      mode=lax.GatherScatterMode.PROMISE_IN_BOUNDS)


def _sc_params():
    cp = pltpu.CompilerParams()
    fields = pltpu.CompilerParams.__dataclass_fields__
    if "needs_layout_passes" in fields:
        cp = dataclasses.replace(cp, needs_layout_passes=False)
    if "use_tc_tiling_on_sc" in fields:
        cp = dataclasses.replace(cp, use_tc_tiling_on_sc=False)
    return cp


def _tc_prep_body(x_ref, w_ref, a1w_ref, a2w_ref, h_ref, a1_ref, a2_ref):
    h = lax.dot_general(x_ref[...], w_ref[...], (((1,), (0,)), ((), ())),
                        precision=lax.Precision.HIGHEST,
                        preferred_element_type=jnp.float32)
    h_ref[...] = h
    a1_ref[...] = lax.dot_general(h, a1w_ref[...], (((1,), (0,)), ((), ())),
                                  precision=lax.Precision.HIGHEST,
                                  preferred_element_type=jnp.float32)
    a2_ref[...] = lax.dot_general(h, a2w_ref[...], (((1,), (0,)), ((), ())),
                                  precision=lax.Precision.HIGHEST,
                                  preferred_element_type=jnp.float32)


def _tc_prep(xp, W, A1, A2):
    blk = 1280
    grid = NP // blk
    return pl.pallas_call(
        _tc_prep_body,
        grid=(grid,),
        in_specs=[
            pl.BlockSpec((blk, IN), lambda i: (i, 0)),
            pl.BlockSpec((IN, HC), lambda i: (0, 0)),
            pl.BlockSpec((IN, 16), lambda i: (0, 0)),
            pl.BlockSpec((IN, 16), lambda i: (0, 0)),
        ],
        out_specs=[
            pl.BlockSpec((blk, HC), lambda i: (i, 0)),
            pl.BlockSpec((blk, 16), lambda i: (i, 0)),
            pl.BlockSpec((blk, 16), lambda i: (i, 0)),
        ],
        out_shape=[
            jax.ShapeDtypeStruct((NP, HC), jnp.float32),
            jax.ShapeDtypeStruct((NP, 16), jnp.float32),
            jax.ShapeDtypeStruct((NP, 16), jnp.float32),
        ],
    )(xp, W, A1, A2)


def _copy_idx_whole(src2d, ch, dst1d):
    for k in range(B // 16):
        dst1d[pl.ds(16 * k, 16)] = src2d[ch, pl.ds(16 * k, 16)]


def _sc1_body(src_hbm, dst_hbm, a1_hbm, a2_hbm,
              ex_hbm, d0_hbm, d1_hbm,
              srcM, dstM, didxs_0, didxs_1,
              ga1_0, ga1_1, ga2_0, ga2_1, exb_0, exb_1, den_sh,
              gsem0, gsem1, ssem0, ssem1):
    cc = lax.axis_index("c")
    ss = lax.axis_index("s")
    wid = ss * 2 + cc
    tbase = wid * T

    ga1 = (ga1_0, ga1_1)
    ga2 = (ga2_0, ga2_1)
    exb = (exb_0, exb_1)
    didxs = (didxs_0, didxs_1)
    gsem = (gsem0, gsem1)
    ssem = (ssem0, ssem1)

    @pl.loop(0, B)
    def _z(j):
        ga1_0[j, :] = jnp.zeros((16,), jnp.float32)

    for r in range(RPT // B):
        pltpu.sync_copy(ga1_0, den_sh.at[pl.ds(ss * RPT + r * B, B)])
    pltpu.sync_copy(src_hbm.at[wid], srcM)
    pltpu.sync_copy(dst_hbm.at[wid], dstM)
    plsc.subcore_barrier()

    def fire_gathers(ch, p):
        pltpu.async_copy(a1_hbm.at[srcM.at[ch]], ga1[p], gsem[p])
        pltpu.async_copy(a2_hbm.at[dstM.at[ch]], ga2[p], gsem[p])

    def drain_gathers(p):
        pltpu.make_async_copy(a1_hbm.at[pl.ds(0, B)], ga1[p], gsem[p]).wait()
        pltpu.make_async_copy(a2_hbm.at[pl.ds(0, B)], ga2[p], gsem[p]).wait()

    def drain_stores(q):
        pltpu.make_async_copy(exb[q], ex_hbm.at[pl.ds(0, BF)],
                              ssem[q]).wait()

    fire_gathers(0, 0)

    @pl.loop(0, NCH // 2)
    def _outer(it):
        for p in (0, 1):
            ch = 2 * it + p
            drain_gathers(p)
            _copy_idx_whole(dstM, ch, didxs[p])

            @pl.when(ch + 1 < NCH)
            def _prefetch():
                @pl.when(ch >= 1)
                def _reclaim():
                    drain_stores(1 - p)
                fire_gathers(ch + 1, 1 - p)

            @pl.loop(0, BF)
            def _row(r):
                for c in range(8):
                    j = 8 * r + c
                    v = ga1[p][j, :] + ga2[p][j, :]
                    v = jnp.where(v >= 0.0, v, NEG * v)
                    e = jnp.exp(v)
                    ga1[p][j, :] = e
                    exb[p][r, pl.ds(16 * c, 16)] = e

            pltpu.async_copy(exb[p],
                             ex_hbm.at[pl.ds((tbase + ch * B) // 8, BF)],
                             ssem[p])
            pltpu.sync_copy(ga1[p], den_sh.at[didxs[p]], add=True)

    drain_stores(0)
    drain_stores(1)
    plsc.subcore_barrier()

    @pl.when(cc == 0)
    def _dump0():
        pltpu.sync_copy(den_sh.at[pl.ds(ss * RPT, RPT)],
                        d0_hbm.at[pl.ds(ss * RPT, RPT)])

    @pl.when(cc == 1)
    def _dump1():
        pltpu.sync_copy(den_sh.at[pl.ds(ss * RPT, RPT)],
                        d1_hbm.at[pl.ds(ss * RPT, RPT)])


def _sc1(src3, dst3, a1, a2):
    f = pl.kernel(
        _sc1_body,
        out_type=[
            jax.ShapeDtypeStruct((EPF, 128), jnp.float32),
            jax.ShapeDtypeStruct((NP, 16), jnp.float32),
            jax.ShapeDtypeStruct((NP, 16), jnp.float32),
        ],
        mesh=_mesh,
        scratch_types=[
            pltpu.VMEM((NCH, B), jnp.int32),
            pltpu.VMEM((NCH, B), jnp.int32),
            pltpu.VMEM((B,), jnp.int32),
            pltpu.VMEM((B,), jnp.int32),
            pltpu.VMEM((B, 16), jnp.float32),
            pltpu.VMEM((B, 16), jnp.float32),
            pltpu.VMEM((B, 16), jnp.float32),
            pltpu.VMEM((B, 16), jnp.float32),
            pltpu.VMEM((BF, 128), jnp.float32),
            pltpu.VMEM((BF, 128), jnp.float32),
            pltpu.VMEM_SHARED((NP, 16), jnp.float32),
            pltpu.SemaphoreType.DMA,
            pltpu.SemaphoreType.DMA,
            pltpu.SemaphoreType.DMA,
            pltpu.SemaphoreType.DMA,
        ],
        compiler_params=_sc_params(),
    )
    return f(src3, dst3, a1, a2)


def _sc2_body(src_hbm, dst_hbm, ex_hbm, d0_hbm, d1_hbm, h_hbm,
              alpha_hbm, o0_hbm, o1_hbm,
              sidx_0, sidx_1, didxg_0, didxg_1, didxs_0, didxs_1,
              exb_0, exb_1, d0b_0, d0b_1, d1b_0, d1b_1,
              hb_0, hb_1, acc_sh,
              gsem0, gsem1, isem0, isem1, ssem0, ssem1):
    cc = lax.axis_index("c")
    ss = lax.axis_index("s")
    wid = ss * 2 + cc
    tbase = wid * T

    sidx = (sidx_0, sidx_1)
    didxg = (didxg_0, didxg_1)
    didxs = (didxs_0, didxs_1)
    exb = (exb_0, exb_1)
    d0b = (d0b_0, d0b_1)
    d1b = (d1b_0, d1b_1)
    hb = (hb_0, hb_1)
    gsem = (gsem0, gsem1)
    isem = (isem0, isem1)
    ssem = (ssem0, ssem1)

    @pl.loop(0, B)
    def _z(j):
        for k in range(HC // 16):
            hb_0[j, pl.ds(16 * k, 16)] = jnp.zeros((16,), jnp.float32)

    for r in range(RPT // B):
        pltpu.sync_copy(hb_0, acc_sh.at[pl.ds(ss * RPT + r * B, B)])
    plsc.subcore_barrier()

    def fire_idx(ch, q):
        pltpu.async_copy(src_hbm.at[wid, ch], sidx[q], isem[q])
        pltpu.async_copy(dst_hbm.at[wid, ch], didxg[q], isem[q])

    def drain_idx(q):
        pltpu.make_async_copy(src_hbm.at[0, 0], sidx[q], isem[q]).wait()
        pltpu.make_async_copy(dst_hbm.at[0, 0], didxg[q], isem[q]).wait()

    def fire_gathers(ch, p):
        pltpu.async_copy(ex_hbm.at[pl.ds((tbase + ch * B) // 8, BF)],
                         exb[p], gsem[p])
        pltpu.async_copy(d0_hbm.at[didxg[p]], d0b[p], gsem[p])
        pltpu.async_copy(d1_hbm.at[didxg[p]], d1b[p], gsem[p])
        pltpu.async_copy(h_hbm.at[sidx[p]], hb[p], gsem[p])

    def drain_gathers(p):
        pltpu.make_async_copy(ex_hbm.at[pl.ds(0, BF)], exb[p], gsem[p]).wait()
        pltpu.make_async_copy(d0_hbm.at[pl.ds(0, B)], d0b[p], gsem[p]).wait()
        pltpu.make_async_copy(d1_hbm.at[pl.ds(0, B)], d1b[p], gsem[p]).wait()
        pltpu.make_async_copy(h_hbm.at[pl.ds(0, B)], hb[p], gsem[p]).wait()

    def drain_stores(q):
        pltpu.make_async_copy(exb[q], alpha_hbm.at[pl.ds(0, BF)],
                              ssem[q]).wait()

    pltpu.sync_copy(src_hbm.at[wid, 0], sidx[0])
    pltpu.sync_copy(dst_hbm.at[wid, 0], didxg[0])
    fire_idx(1, 1)
    fire_gathers(0, 0)

    @pl.loop(0, NCH // 2)
    def _outer(it):
        for p in (0, 1):
            ch = 2 * it + p
            drain_gathers(p)
            _copy_idx_whole_1d(didxg[p], didxs[p])

            @pl.when(ch + 1 < NCH)
            def _prefetch():
                @pl.when(ch >= 1)
                def _reclaim():
                    drain_stores(1 - p)
                drain_idx(1 - p)
                fire_gathers(ch + 1, 1 - p)

                @pl.when(ch + 2 < NCH)
                def _nextidx():
                    fire_idx(ch + 2, p)

            @pl.loop(0, BF)
            def _edge(r):
                for c in range(8):
                    j = 8 * r + c
                    den = d0b[p][j, :] + d1b[p][j, :] + 1e-16
                    anv = exb[p][r, pl.ds(16 * c, 16)] / den
                    exb[p][r, pl.ds(16 * c, 16)] = anv
                    for hh in range(H):
                        spl = _splat(anv, hh)
                        hv = hb[p][j, pl.ds(16 * hh, 16)]
                        hb[p][j, pl.ds(16 * hh, 16)] = hv * spl

            pltpu.async_copy(exb[p],
                             alpha_hbm.at[pl.ds((tbase + ch * B) // 8, BF)],
                             ssem[p])
            pltpu.sync_copy(hb[p], acc_sh.at[didxs[p]], add=True)

    drain_stores(0)
    drain_stores(1)
    plsc.subcore_barrier()

    @pl.when(cc == 0)
    def _dump0():
        pltpu.sync_copy(acc_sh.at[pl.ds(ss * RPT, RPT)],
                        o0_hbm.at[pl.ds(ss * RPT, RPT)])

    @pl.when(cc == 1)
    def _dump1():
        pltpu.sync_copy(acc_sh.at[pl.ds(ss * RPT, RPT)],
                        o1_hbm.at[pl.ds(ss * RPT, RPT)])


def _copy_idx_whole_1d(src1d, dst1d):
    for k in range(B // 16):
        dst1d[pl.ds(16 * k, 16)] = src1d[pl.ds(16 * k, 16)]


def _sc2(src3, dst3, ex, d0, d1, h):
    f = pl.kernel(
        _sc2_body,
        out_type=[
            jax.ShapeDtypeStruct((EPF, 128), jnp.float32),
            jax.ShapeDtypeStruct((NP, HC), jnp.float32),
            jax.ShapeDtypeStruct((NP, HC), jnp.float32),
        ],
        mesh=_mesh,
        scratch_types=[
            pltpu.VMEM((B,), jnp.int32),
            pltpu.VMEM((B,), jnp.int32),
            pltpu.VMEM((B,), jnp.int32),
            pltpu.VMEM((B,), jnp.int32),
            pltpu.VMEM((B,), jnp.int32),
            pltpu.VMEM((B,), jnp.int32),
            pltpu.VMEM((BF, 128), jnp.float32),
            pltpu.VMEM((BF, 128), jnp.float32),
            pltpu.VMEM((B, 16), jnp.float32),
            pltpu.VMEM((B, 16), jnp.float32),
            pltpu.VMEM((B, 16), jnp.float32),
            pltpu.VMEM((B, 16), jnp.float32),
            pltpu.VMEM((B, HC), jnp.float32),
            pltpu.VMEM((B, HC), jnp.float32),
            pltpu.VMEM_SHARED((NP, HC), jnp.float32),
            pltpu.SemaphoreType.DMA,
            pltpu.SemaphoreType.DMA,
            pltpu.SemaphoreType.DMA,
            pltpu.SemaphoreType.DMA,
            pltpu.SemaphoreType.DMA,
            pltpu.SemaphoreType.DMA,
        ],
        compiler_params=_sc_params(),
    )
    return f(src3, dst3, ex, d0, d1, h)


def _tc_final_body(p0_ref, p1_ref, b_ref, o_ref):
    o_ref[...] = p0_ref[...] + p1_ref[...] + b_ref[...]


def _tc_final(o0, o1, bias2):
    blk = 1000
    grid = N // blk
    return pl.pallas_call(
        _tc_final_body,
        grid=(grid,),
        in_specs=[
            pl.BlockSpec((blk, HC), lambda i: (i, 0)),
            pl.BlockSpec((blk, HC), lambda i: (i, 0)),
            pl.BlockSpec((1, HC), lambda i: (0, 0)),
        ],
        out_specs=pl.BlockSpec((blk, HC), lambda i: (i, 0)),
        out_shape=jax.ShapeDtypeStruct((N, HC), jnp.float32),
    )(o0, o1, bias2)


def kernel(x, edge_index, W, att_src, att_dst, bias):
    n = x.shape[0]
    idt = edge_index.dtype
    loop = jnp.arange(n, dtype=idt)
    ei = jnp.concatenate([edge_index, jnp.stack([loop, loop], axis=0)], axis=1)

    src = jnp.concatenate(
        [ei[0].astype(jnp.int32), jnp.zeros((EP - EPRIME,), jnp.int32)])
    dum = N + (jnp.arange(EP - EPRIME, dtype=jnp.int32) % (NP - N))
    dst = jnp.concatenate([ei[1].astype(jnp.int32), dum])
    src3 = src.reshape(NW, NCH, B)
    dst3 = dst.reshape(NW, NCH, B)

    xp = jnp.pad(x, ((0, NP - n), (0, 0)))
    eye = jnp.eye(H, dtype=jnp.float32)
    A_src = (att_src.reshape(H, C)[:, :, None] * eye[:, None, :]).reshape(HC, H)
    A_dst = (att_dst.reshape(H, C)[:, :, None] * eye[:, None, :]).reshape(HC, H)
    A1 = jnp.concatenate([A_src, A_dst], axis=1)
    A2 = jnp.concatenate([A_dst, A_src], axis=1)

    h, a1, a2 = _tc_prep(xp, W, A1, A2)

    ex, d0, d1 = _sc1(src3, dst3, a1, a2)
    alpha, o0, o1 = _sc2(src3, dst3, ex, d0, d1, h)

    out = _tc_final(o0, o1, bias.reshape(1, HC))
    alpha_n = alpha.reshape(EP, 16)[:EPRIME, :H]
    return out, (ei, alpha_n)

# --- scband reference (transcript-rebuilt; emitter-appended) ---
"""Pipeline reference for scband-gatmodel-39694087750195 (READ-ONLY COPY).

The authoritative reference and input builder live on the scoring server;
editing this copy changes nothing except your own understanding.
"""

import jax, jax.numpy as jnp
import numpy as np

N = 10000
E = 320000
IN = 128
H = 8
C = 16  # out_channels // num_heads = 128 // 8
NEG_SLOPE = 0.2


def setup_inputs(seed: int = 0) -> dict:
    key = jax.random.key(seed)
    k1, k2, k3, k4, k5 = jax.random.split(key, 5)
    x = jax.random.normal(k1, (N, IN), dtype=jnp.float32)
    edge_index = jax.random.randint(k2, (2, E), 0, N)
    # learned params of GATConv(128, 16, heads=8): lin weight, att_src, att_dst, bias
    W = jax.random.normal(k3, (IN, H * C), dtype=jnp.float32) * (1.0 / np.sqrt(IN))
    att_src = jax.random.normal(k4, (1, H, C), dtype=jnp.float32) * 0.1
    att_dst = jax.random.normal(k5, (1, H, C), dtype=jnp.float32) * 0.1
    bias = jnp.zeros((H * C,), dtype=jnp.float32)
    return {"x": x, "edge_index": edge_index, "W": W, "att_src": att_src, "att_dst": att_dst, "bias": bias}


def reference(x, edge_index, W, att_src, att_dst, bias):
    n = x.shape[0]
    # PyG GATConv default: add_self_loops=True
    loop = jnp.arange(n, dtype=edge_index.dtype)
    ei = jnp.concatenate([edge_index, jnp.stack([loop, loop], axis=0)], axis=1)
    src, dst = ei[0], ei[1]
    # linear projection per head
    h = (x @ W).reshape(n, H, C)  # [N, H, C]
    a_src = jnp.sum(h * att_src, axis=-1)  # [N, H]
    a_dst = jnp.sum(h * att_dst, axis=-1)  # [N, H]
    # per-edge attention logits (gather)
    alpha = a_src[src] + a_dst[dst]  # [E', H]
    alpha = jax.nn.leaky_relu(alpha, negative_slope=NEG_SLOPE)
    # segment softmax over edges grouped by destination node
    amax = jax.ops.segment_max(alpha, dst, num_segments=n)
    amax = jnp.where(jnp.isfinite(amax), amax, 0.0)
    ex = jnp.exp(alpha - amax[dst])
    denom = jax.ops.segment_sum(ex, dst, num_segments=n)
    alpha_n = ex / (denom[dst] + 1e-16)  # [E', H]
    # dropout on attention is identity in eval mode
    msg = h[src] * alpha_n[:, :, None]  # [E', H, C]
    out = jax.ops.segment_sum(msg, dst, num_segments=n).reshape(n, H * C) + bias
    return out, (ei, alpha_n)

if __name__ == "__main__":
    import jax
    _d = setup_inputs()
    print(jax.jit(kernel)(*tuple(_d.values())))

</pallas_src>

<mosaic_0001>
#map = affine_map<(d0, d1) -> (0, 0, 0)>
#map1 = affine_map<(d0, d1) -> (0, 0)>
module attributes {stable_mosaic.version = 14 : i64} {
  func.func @_sc2_body(%arg0: i32, %arg1: i32, %arg2: memref<32x82x128xi32, #tpu.memory_space<hbm>>, %arg3: memref<32x82x128xi32, #tpu.memory_space<hbm>>, %arg4: memref<41984x128xf32, #tpu.memory_space<hbm>>, %arg5: memref<10240x16xf32, #tpu.memory_space<hbm>>, %arg6: memref<10240x16xf32, #tpu.memory_space<hbm>>, %arg7: memref<10240x128xf32, #tpu.memory_space<hbm>>, %arg8: memref<41984x128xf32, #tpu.memory_space<hbm>>, %arg9: memref<10240x128xf32, #tpu.memory_space<hbm>>, %arg10: memref<10240x128xf32, #tpu.memory_space<hbm>>, %arg11: memref<128xi32, #tpu.memory_space<vmem>>, %arg12: memref<128xi32, #tpu.memory_space<vmem>>, %arg13: memref<128xi32, #tpu.memory_space<vmem>>, %arg14: memref<128xi32, #tpu.memory_space<vmem>>, %arg15: memref<128xi32, #tpu.memory_space<vmem>>, %arg16: memref<128xi32, #tpu.memory_space<vmem>>, %arg17: memref<16x128xf32, #tpu.memory_space<vmem>>, %arg18: memref<16x128xf32, #tpu.memory_space<vmem>>, %arg19: memref<128x16xf32, #tpu.memory_space<vmem>>, %arg20: memref<128x16xf32, #tpu.memory_space<vmem>>, %arg21: memref<128x16xf32, #tpu.memory_space<vmem>>, %arg22: memref<128x16xf32, #tpu.memory_space<vmem>>, %arg23: memref<128x128xf32, #tpu.memory_space<vmem>>, %arg24: memref<128x128xf32, #tpu.memory_space<vmem>>, %arg25: memref<10240x128xf32, #tpu.memory_space<vmem_shared>>, %arg26: memref<!tpu.dma_semaphore, #tpu.memory_space<semaphore_mem>>, %arg27: memref<!tpu.dma_semaphore, #tpu.memory_space<semaphore_mem>>, %arg28: memref<!tpu.dma_semaphore, #tpu.memory_space<semaphore_mem>>, %arg29: memref<!tpu.dma_semaphore, #tpu.memory_space<semaphore_mem>>, %arg30: memref<!tpu.dma_semaphore, #tpu.memory_space<semaphore_mem>>, %arg31: memref<!tpu.dma_semaphore, #tpu.memory_space<semaphore_mem>>) attributes {dimension_semantics = [#tpu.dimension_semantics<core_parallel>, #tpu.dimension_semantics<subcore_parallel>], iteration_bounds = array<i64: 2, 16>, scalar_prefetch = 0 : i64, scratch_operands = 21 : i64, tpu.core_type = #tpu.core_type<sc_vector_subcore>, window_params = [{transform_indices = #map}, {transform_indices = #map}, {transform_indices = #map1}, {transform_indices = #map1}, {transform_indices = #map1}, {transform_indices = #map1}, {transform_indices = #map1}, {transform_indices = #map1}, {transform_indices = #map1}]} {
    %mul3A = arith.constant 2 : i32
    %mul3A_0 = arith.muli %arg1, %mul3A : i32
    %add3A = arith.addi %mul3A_0, %arg0 : i32
    %mul3A_1 = arith.constant 10496 : i32
    %mul3A_2 = arith.muli %add3A, %mul3A_1 : i32
    %scan3A = arith.constant 0 : i32
    %scan3A_3 = arith.constant 128 : i32
    %scan3A_4 = arith.addi %scan3A, %scan3A_3 : i32
    %scan3A_5 = arith.constant 1 : i32
    scf.for %scan3A_96 = %scan3A to %scan3A_4 step %scan3A_5  : i32 {
      %mul3A_97 = arith.constant 1 : i32
      %mul3A_98 = arith.muli %scan3A_96, %mul3A_97 : i32
      %add3A_99 = arith.constant 0 : i32
      %add3A_100 = arith.addi %add3A_99, %mul3A_98 : i32
      %broadcast_in_dim3A = arith.constant 0.000000e+00 : f32
      %broadcast_in_dim3A_101 = vector.broadcast %broadcast_in_dim3A : f32 to vector<16xf32>
      %swap3A = arith.index_cast %add3A_100 : i32 to index
      %swap3A_102 = arith.constant 0 : index
      %swap3A_103 = tpu.vector_load %arg23[%swap3A, %swap3A_102] {strides = array<i32>} : memref<128x128xf32, #tpu.memory_space<vmem>>, vector<16xf32>,
      tpu.vector_store %arg23[%swap3A, %swap3A_102], %broadcast_in_dim3A_101 {strides = array<i32>} : memref<128x128xf32, #tpu.memory_space<vmem>>, vector<16xf32>,
      %broadcast_in_dim3A_104 = arith.constant 0.000000e+00 : f32
      %broadcast_in_dim3A_105 = vector.broadcast %broadcast_in_dim3A_104 : f32 to vector<16xf32>
      %swap3A_106 = arith.index_cast %add3A_100 : i32 to index
      %swap3A_107 = arith.constant 16 : index
      %swap3A_108 = tpu.vector_load %arg23[%swap3A_106, %swap3A_107] {strides = array<i32>} : memref<128x128xf32, #tpu.memory_space<vmem>>, vector<16xf32>,
      tpu.vector_store %arg23[%swap3A_106, %swap3A_107], %broadcast_in_dim3A_105 {strides = array<i32>} : memref<128x128xf32, #tpu.memory_space<vmem>>, vector<16xf32>,
      %broadcast_in_dim3A_109 = arith.constant 0.000000e+00 : f32
      %broadcast_in_dim3A_110 = vector.broadcast %broadcast_in_dim3A_109 : f32 to vector<16xf32>
      %swap3A_111 = arith.index_cast %add3A_100 : i32 to index
      %swap3A_112 = arith.constant 32 : index
      %swap3A_113 = tpu.vector_load %arg23[%swap3A_111, %swap3A_112] {strides = array<i32>} : memref<128x128xf32, #tpu.memory_space<vmem>>, vector<16xf32>,
      tpu.vector_store %arg23[%swap3A_111, %swap3A_112], %broadcast_in_dim3A_110 {strides = array<i32>} : memref<128x128xf32, #tpu.memory_space<vmem>>, vector<16xf32>,
      %broadcast_in_dim3A_114 = arith.constant 0.000000e+00 : f32
      %broadcast_in_dim3A_115 = vector.broadcast %broadcast_in_dim3A_114 : f32 to vector<16xf32>
      %swap3A_116 = arith.index_cast %add3A_100 : i32 to index
      %swap3A_117 = arith.constant 48 : index
      %swap3A_118 = tpu.vector_load %arg23[%swap3A_116, %swap3A_117] {strides = array<i32>} : memref<128x128xf32, #tpu.memory_space<vmem>>, vector<16xf32>,
      tpu.vector_store %arg23[%swap3A_116, %swap3A_117], %broadcast_in_dim3A_115 {strides = array<i32>} : memref<128x128xf32, #tpu.memory_space<vmem>>, vector<16xf32>,
      %broadcast_in_dim3A_119 = arith.constant 0.000000e+00 : f32
      %broadcast_in_dim3A_120 = vector.broadcast %broadcast_in_dim3A_119 : f32 to vector<16xf32>
      %swap3A_121 = arith.index_cast %add3A_100 : i32 to index
      %swap3A_122 = arith.constant 64 : index
      %swap3A_123 = tpu.vector_load %arg23[%swap3A_121, %swap3A_122] {strides = array<i32>} : memref<128x128xf32, #tpu.memory_space<vmem>>, vector<16xf32>,
      tpu.vector_store %arg23[%swap3A_121, %swap3A_122], %broadcast_in_dim3A_120 {strides = array<i32>} : memref<128x128xf32, #tpu.memory_space<vmem>>, vector<16xf32>,
      %broadcast_in_dim3A_124 = arith.constant 0.000000e+00 : f32
      %broadcast_in_dim3A_125 = vector.broadcast %broadcast_in_dim3A_124 : f32 to vector<16xf32>
      %swap3A_126 = arith.index_cast %add3A_100 : i32 to index
      %swap3A_127 = arith.constant 80 : index
      %swap3A_128 = tpu.vector_load %arg23[%swap3A_126, %swap3A_127] {strides = array<i32>} : memref<128x128xf32, #tpu.memory_space<vmem>>, vector<16xf32>,
      tpu.vector_store %arg23[%swap3A_126, %swap3A_127], %broadcast_in_dim3A_125 {strides = array<i32>} : memref<128x128xf32, #tpu.memory_space<vmem>>, vector<16xf32>,
      %broadcast_in_dim3A_129 = arith.constant 0.000000e+00 : f32
      %broadcast_in_dim3A_130 = vector.broadcast %broadcast_in_dim3A_129 : f32 to vector<16xf32>
      %swap3A_131 = arith.index_cast %add3A_100 : i32 to index
      %swap3A_132 = arith.constant 96 : index
      %swap3A_133 = tpu.vector_load %arg23[%swap3A_131, %swap3A_132] {strides = array<i32>} : memref<128x128xf32, #tpu.memory_space<vmem>>, vector<16xf32>,
      tpu.vector_store %arg23[%swap3A_131, %swap3A_132], %broadcast_in_dim3A_130 {strides = array<i32>} : memref<128x128xf32, #tpu.memory_space<vmem>>, vector<16xf32>,
      %broadcast_in_dim3A_134 = arith.constant 0.000000e+00 : f32
      %broadcast_in_dim3A_135 = vector.broadcast %broadcast_in_dim3A_134 : f32 to vector<16xf32>
      %swap3A_136 = arith.index_cast %add3A_100 : i32 to index
      %swap3A_137 = arith.constant 112 : index
      %swap3A_138 = tpu.vector_load %arg23[%swap3A_136, %swap3A_137] {strides = array<i32>} : memref<128x128xf32, #tpu.memory_space<vmem>>, vector<16xf32>,
      tpu.vector_store %arg23[%swap3A_136, %swap3A_137], %broadcast_in_dim3A_135 {strides = array<i32>} : memref<128x128xf32, #tpu.memory_space<vmem>>, vector<16xf32>,
    }
    %scan3A_6 = arith.constant 128 : i32
    %mul3A_7 = arith.constant 640 : i32
    %mul3A_8 = arith.muli %arg1, %mul3A_7 : i32
    %add3A_9 = arith.constant 0 : i32
    %add3A_10 = arith.addi %mul3A_8, %add3A_9 : i32
    "tpu.region"() ({
      %run_scoped3A_96 = tpu.sem_alloc : memref<!tpu.dma_semaphore, #tpu.memory_space<semaphore_mem>>
      %dma_start3A_97 = arith.constant 0 : i32
      %dma_start3A_98 = tpu.memref_slice %arg25[%add3A_10, %dma_start3A_97] : memref<10240x128xf32, #tpu.memory_space<vmem_shared>> -> memref<128x128xf32, #tpu.memory_space<vmem_shared>>
      %dma_start3A_99 = arith.constant 0 : i32
      %dma_start3A_100 = tpu.memref_slice %arg25[%add3A_10, %dma_start3A_99] : memref<10240x128xf32, #tpu.memory_space<vmem_shared>> -> memref<128x128xf32, #tpu.memory_space<vmem_shared>>
      tpu.enqueue_dma source(%arg23 : memref<128x128xf32, #tpu.memory_space<vmem>>) target(%dma_start3A_100 : memref<128x128xf32, #tpu.memory_space<vmem_shared>>) target_semaphore(%run_scoped3A_96 : memref<!tpu.dma_semaphore, #tpu.memory_space<semaphore_mem>>)
      %dma_wait3A_101 = arith.constant 0 : i32
      %dma_wait3A_102 = tpu.memref_slice %arg25[%add3A_10, %dma_wait3A_101] : memref<10240x128xf32, #tpu.memory_space<vmem_shared>> -> memref<128x128xf32, #tpu.memory_space<vmem_shared>>
      %dma_wait3A_103 = arith.constant 0 : i32
      %dma_wait3A_104 = tpu.memref_slice %arg25[%add3A_10, %dma_wait3A_103] : memref<10240x128xf32, #tpu.memory_space<vmem_shared>> -> memref<128x128xf32, #tpu.memory_space<vmem_shared>>
      tpu.wait_dma2 semaphore(%run_scoped3A_96 : memref<!tpu.dma_semaphore, #tpu.memory_space<semaphore_mem>>) src(%arg23 : memref<128x128xf32, #tpu.memory_space<vmem>>) dst(%dma_wait3A_104 : memref<128x128xf32, #tpu.memory_space<vmem_shared>>)
      tpu.yield
    }) : () -> ()
    %mul3A_11 = arith.constant 640 : i32
    %mul3A_12 = arith.muli %arg1, %mul3A_11 : i32
    %add3A_13 = arith.constant 128 : i32
    %add3A_14 = arith.addi %mul3A_12, %add3A_13 : i32
    "tpu.region"() ({
      %run_scoped3A_96 = tpu.sem_alloc : memref<!tpu.dma_semaphore, #tpu.memory_space<semaphore_mem>>
      %dma_start3A_97 = arith.constant 0 : i32
      %dma_start3A_98 = tpu.memref_slice %arg25[%add3A_14, %dma_start3A_97] : memref<10240x128xf32, #tpu.memory_space<vmem_shared>> -> memref<128x128xf32, #tpu.memory_space<vmem_shared>>
      %dma_start3A_99 = arith.constant 0 : i32
      %dma_start3A_100 = tpu.memref_slice %arg25[%add3A_14, %dma_start3A_99] : memref<10240x128xf32, #tpu.memory_space<vmem_shared>> -> memref<128x128xf32, #tpu.memory_space<vmem_shared>>
      tpu.enqueue_dma source(%arg23 : memref<128x128xf32, #tpu.memory_space<vmem>>) target(%dma_start3A_100 : memref<128x128xf32, #tpu.memory_space<vmem_shared>>) target_semaphore(%run_scoped3A_96 : memref<!tpu.dma_semaphore, #tpu.memory_space<semaphore_mem>>)
      %dma_wait3A_101 = arith.constant 0 : i32
      %dma_wait3A_102 = tpu.memref_slice %arg25[%add3A_14, %dma_wait3A_101] : memref<10240x128xf32, #tpu.memory_space<vmem_shared>> -> memref<128x128xf32, #tpu.memory_space<vmem_shared>>
      %dma_wait3A_103 = arith.constant 0 : i32
      %dma_wait3A_104 = tpu.memref_slice %arg25[%add3A_14, %dma_wait3A_103] : memref<10240x128xf32, #tpu.memory_space<vmem_shared>> -> memref<128x128xf32, #tpu.memory_space<vmem_shared>>
      tpu.wait_dma2 semaphore(%run_scoped3A_96 : memref<!tpu.dma_semaphore, #tpu.memory_space<semaphore_mem>>) src(%arg23 : memref<128x128xf32, #tpu.memory_space<vmem>>) dst(%dma_wait3A_104 : memref<128x128xf32, #tpu.memory_space<vmem_shared>>)
      tpu.yield
    }) : () -> ()
    %mul3A_15 = arith.constant 640 : i32
    %mul3A_16 = arith.muli %arg1, %mul3A_15 : i32
    %add3A_17 = arith.constant 256 : i32
    %add3A_18 = arith.addi %mul3A_16, %add3A_17 : i32
    "tpu.region"() ({
      %run_scoped3A_96 = tpu.sem_alloc : memref<!tpu.dma_semaphore, #tpu.memory_space<semaphore_mem>>
      %dma_start3A_97 = arith.constant 0 : i32
      %dma_start3A_98 = tpu.memref_slice %arg25[%add3A_18, %dma_start3A_97] : memref<10240x128xf32, #tpu.memory_space<vmem_shared>> -> memref<128x128xf32, #tpu.memory_space<vmem_shared>>
      %dma_start3A_99 = arith.constant 0 : i32
      %dma_start3A_100 = tpu.memref_slice %arg25[%add3A_18, %dma_start3A_99] : memref<10240x128xf32, #tpu.memory_space<vmem_shared>> -> memref<128x128xf32, #tpu.memory_space<vmem_shared>>
      tpu.enqueue_dma source(%arg23 : memref<128x128xf32, #tpu.memory_space<vmem>>) target(%dma_start3A_100 : memref<128x128xf32, #tpu.memory_space<vmem_shared>>) target_semaphore(%run_scoped3A_96 : memref<!tpu.dma_semaphore, #tpu.memory_space<semaphore_mem>>)
      %dma_wait3A_101 = arith.constant 0 : i32
      %dma_wait3A_102 = tpu.memref_slice %arg25[%add3A_18, %dma_wait3A_101] : memref<10240x128xf32, #tpu.memory_space<vmem_shared>> -> memref<128x128xf32, #tpu.memory_space<vmem_shared>>
      %dma_wait3A_103 = arith.constant 0 : i32
      %dma_wait3A_104 = tpu.memref_slice %arg25[%add3A_18, %dma_wait3A_103] : memref<10240x128xf32, #tpu.memory_space<vmem_shared>> -> memref<128x128xf32, #tpu.memory_space<vmem_shared>>
      tpu.wait_dma2 semaphore(%run_scoped3A_96 : memref<!tpu.dma_semaphore, #tpu.memory_space<semaphore_mem>>) src(%arg23 : memref<128x128xf32, #tpu.memory_space<vmem>>) dst(%dma_wait3A_104 : memref<128x128xf32, #tpu.memory_space<vmem_shared>>)
      tpu.yield
    }) : () -> ()
    %mul3A_19 = arith.constant 640 : i32
    %mul3A_20 = arith.muli %arg1, %mul3A_19 : i32
    %add3A_21 = arith.constant 384 : i32
    %add3A_22 = arith.addi %mul3A_20, %add3A_21 : i32
    "tpu.region"() ({
      %run_scoped3A_96 = tpu.sem_alloc : memref<!tpu.dma_semaphore, #tpu.memory_space<semaphore_mem>>
      %dma_start3A_97 = arith.constant 0 : i32
      %dma_start3A_98 = tpu.memref_slice %arg25[%add3A_22, %dma_start3A_97] : memref<10240x128xf32, #tpu.memory_space<vmem_shared>> -> memref<128x128xf32, #tpu.memory_space<vmem_shared>>
      %dma_start3A_99 = arith.constant 0 : i32
      %dma_start3A_100 = tpu.memref_slice %arg25[%add3A_22, %dma_start3A_99] : memref<10240x128xf32, #tpu.memory_space<vmem_shared>> -> memref<128x128xf32, #tpu.memory_space<vmem_shared>>
      tpu.enqueue_dma source(%arg23 : memref<128x128xf32, #tpu.memory_space<vmem>>) target(%dma_start3A_100 : memref<128x128xf32, #tpu.memory_space<vmem_shared>>) target_semaphore(%run_scoped3A_96 : memref<!tpu.dma_semaphore, #tpu.memory_space<semaphore_mem>>)
      %dma_wait3A_101 = arith.constant 0 : i32
      %dma_wait3A_102 = tpu.memref_slice %arg25[%add3A_22, %dma_wait3A_101] : memref<10240x128xf32, #tpu.memory_space<vmem_shared>> -> memref<128x128xf32, #tpu.memory_space<vmem_shared>>
      %dma_wait3A_103 = arith.constant 0 : i32
      %dma_wait3A_104 = tpu.memref_slice %arg25[%add3A_22, %dma_wait3A_103] : memref<10240x128xf32, #tpu.memory_space<vmem_shared>> -> memref<128x128xf32, #tpu.memory_space<vmem_shared>>
      tpu.wait_dma2 semaphore(%run_scoped3A_96 : memref<!tpu.dma_semaphore, #tpu.memory_space<semaphore_mem>>) src(%arg23 : memref<128x128xf32, #tpu.memory_space<vmem>>) dst(%dma_wait3A_104 : memref<128x128xf32, #tpu.memory_space<vmem_shared>>)
      tpu.yield
    }) : () -> ()
    %mul3A_23 = arith.constant 640 : i32
    %mul3A_24 = arith.muli %arg1, %mul3A_23 : i32
    %add3A_25 = arith.constant 512 : i32
    %add3A_26 = arith.addi %mul3A_24, %add3A_25 : i32
    "tpu.region"() ({
      %run_scoped3A_96 = tpu.sem_alloc : memref<!tpu.dma_semaphore, #tpu.memory_space<semaphore_mem>>
      %dma_start3A_97 = arith.constant 0 : i32
      %dma_start3A_98 = tpu.memref_slice %arg25[%add3A_26, %dma_start3A_97] : memref<10240x128xf32, #tpu.memory_space<vmem_shared>> -> memref<128x128xf32, #tpu.memory_space<vmem_shared>>
      %dma_start3A_99 = arith.constant 0 : i32
      %dma_start3A_100 = tpu.memref_slice %arg25[%add3A_26, %dma_start3A_99] : memref<10240x128xf32, #tpu.memory_space<vmem_shared>> -> memref<128x128xf32, #tpu.memory_space<vmem_shared>>
      tpu.enqueue_dma source(%arg23 : memref<128x128xf32, #tpu.memory_space<vmem>>) target(%dma_start3A_100 : memref<128x128xf32, #tpu.memory_space<vmem_shared>>) target_semaphore(%run_scoped3A_96 : memref<!tpu.dma_semaphore, #tpu.memory_space<semaphore_mem>>)
      %dma_wait3A_101 = arith.constant 0 : i32
      %dma_wait3A_102 = tpu.memref_slice %arg25[%add3A_26, %dma_wait3A_101] : memref<10240x128xf32, #tpu.memory_space<vmem_shared>> -> memref<128x128xf32, #tpu.memory_space<vmem_shared>>
      %dma_wait3A_103 = arith.constant 0 : i32
      %dma_wait3A_104 = tpu.memref_slice %arg25[%add3A_26, %dma_wait3A_103] : memref<10240x128xf32, #tpu.memory_space<vmem_shared>> -> memref<128x128xf32, #tpu.memory_space<vmem_shared>>
      tpu.wait_dma2 semaphore(%run_scoped3A_96 : memref<!tpu.dma_semaphore, #tpu.memory_space<semaphore_mem>>) src(%arg23 : memref<128x128xf32, #tpu.memory_space<vmem>>) dst(%dma_wait3A_104 : memref<128x128xf32, #tpu.memory_space<vmem_shared>>)
      tpu.yield
    }) : () -> ()
    %barrier3A = arith.constant 0 : index
    tpu.barrier barrier_id(%barrier3A)
    %run_scoped3A = arith.constant 0 : i32
    "tpu.region"() ({
      %run_scoped3A_96 = tpu.sem_alloc : memref<!tpu.dma_semaphore, #tpu.memory_space<semaphore_mem>>
      %dma_start3A_97 = arith.constant 0 : i32
      %dma_start3A_98 = tpu.memref_slice %arg2[%add3A, %run_scoped3A, %dma_start3A_97] : memref<32x82x128xi32, #tpu.memory_space<hbm>> -> memref<1x1x128xi32, #tpu.memory_space<hbm>>
      %dma_start3A_99 = tpu.memref_squeeze %dma_start3A_98 : memref<1x1x128xi32, #tpu.memory_space<hbm>> -> memref<128xi32, #tpu.memory_space<hbm>>
      %dma_start3A_100 = arith.constant 0 : i32
      %dma_start3A_101 = tpu.memref_slice %arg2[%add3A, %run_scoped3A, %dma_start3A_100] : memref<32x82x128xi32, #tpu.memory_space<hbm>> -> memref<1x1x128xi32, #tpu.memory_space<hbm>>
      %dma_start3A_102 = tpu.memref_squeeze %dma_start3A_101 : memref<1x1x128xi32, #tpu.memory_space<hbm>> -> memref<128xi32, #tpu.memory_space<hbm>>
      tpu.enqueue_dma source(%dma_start3A_102 : memref<128xi32, #tpu.memory_space<hbm>>) target(%arg11 : memref<128xi32, #tpu.memory_space<vmem>>) target_semaphore(%run_scoped3A_96 : memref<!tpu.dma_semaphore, #tpu.memory_space<semaphore_mem>>)
      %dma_wait3A_103 = arith.constant 0 : i32
      %dma_wait3A_104 = tpu.memref_slice %arg2[%add3A, %run_scoped3A, %dma_wait3A_103] : memref<32x82x128xi32, #tpu.memory_space<hbm>> -> memref<1x1x128xi32, #tpu.memory_space<hbm>>
      %dma_wait3A_105 = tpu.memref_squeeze %dma_wait3A_104 : memref<1x1x128xi32, #tpu.memory_space<hbm>> -> memref<128xi32, #tpu.memory_space<hbm>>
      %dma_wait3A_106 = arith.constant 0 : i32
      %dma_wait3A_107 = tpu.memref_slice %arg2[%add3A, %run_scoped3A, %dma_wait3A_106] : memref<32x82x128xi32, #tpu.memory_space<hbm>> -> memref<1x1x128xi32, #tpu.memory_space<hbm>>
      %dma_wait3A_108 = tpu.memref_squeeze %dma_wait3A_107 : memref<1x1x128xi32, #tpu.memory_space<hbm>> -> memref<128xi32, #tpu.memory_space<hbm>>
      tpu.wait_dma2 semaphore(%run_scoped3A_96 : memref<!tpu.dma_semaphore, #tpu.memory_space<semaphore_mem>>) src(%dma_wait3A_108 : memref<128xi32, #tpu.memory_space<hbm>>) dst(%arg11 : memref<128xi32, #tpu.memory_space<vmem>>)
      tpu.yield
    }) : () -> ()
    %run_scoped3A_27 = arith.constant 0 : i32
    "tpu.region"() ({
      %run_scoped3A_96 = tpu.sem_alloc : memref<!tpu.dma_semaphore, #tpu.memory_space<semaphore_mem>>
      %dma_start3A_97 = arith.constant 0 : i32
      %dma_start3A_98 = tpu.memref_slice %arg3[%add3A, %run_scoped3A_27, %dma_start3A_97] : memref<32x82x128xi32, #tpu.memory_space<hbm>> -> memref<1x1x128xi32, #tpu.memory_space<hbm>>
      %dma_start3A_99 = tpu.memref_squeeze %dma_start3A_98 : memref<1x1x128xi32, #tpu.memory_space<hbm>> -> memref<128xi32, #tpu.memory_space<hbm>>
      %dma_start3A_100 = arith.constant 0 : i32
      %dma_start3A_101 = tpu.memref_slice %arg3[%add3A, %run_scoped3A_27, %dma_start3A_100] : memref<32x82x128xi32, #tpu.memory_space<hbm>> -> memref<1x1x128xi32, #tpu.memory_space<hbm>>
      %dma_start3A_102 = tpu.memref_squeeze %dma_start3A_101 : memref<1x1x128xi32, #tpu.memory_space<hbm>> -> memref<128xi32, #tpu.memory_space<hbm>>
      tpu.enqueue_dma source(%dma_start3A_102 : memref<128xi32, #tpu.memory_space<hbm>>) target(%arg13 : memref<128xi32, #tpu.memory_space<vmem>>) target_semaphore(%run_scoped3A_96 : memref<!tpu.dma_semaphore, #tpu.memory_space<semaphore_mem>>)
      %dma_wait3A_103 = arith.constant 0 : i32
      %dma_wait3A_104 = tpu.memref_slice %arg3[%add3A, %run_scoped3A_27, %dma_wait3A_103] : memref<32x82x128xi32, #tpu.memory_space<hbm>> -> memref<1x1x128xi32, #tpu.memory_space<hbm>>
      %dma_wait3A_105 = tpu.memref_squeeze %dma_wait3A_104 : memref<1x1x128xi32, #tpu.memory_space<hbm>> -> memref<128xi32, #tpu.memory_space<hbm>>
      %dma_wait3A_106 = arith.constant 0 : i32
      %dma_wait3A_107 = tpu.memref_slice %arg3[%add3A, %run_scoped3A_27, %dma_wait3A_106] : memref<32x82x128xi32, #tpu.memory_space<hbm>> -> memref<1x1x128xi32, #tpu.memory_space<hbm>>
      %dma_wait3A_108 = tpu.memref_squeeze %dma_wait3A_107 : memref<1x1x128xi32, #tpu.memory_space<hbm>> -> memref<128xi32, #tpu.memory_space<hbm>>
      tpu.wait_dma2 semaphore(%run_scoped3A_96 : memref<!tpu.dma_semaphore, #tpu.memory_space<semaphore_mem>>) src(%dma_wait3A_108 : memref<128xi32, #tpu.memory_space<hbm>>) dst(%arg13 : memref<128xi32, #tpu.memory_space<vmem>>)
      tpu.yield
    }) : () -> ()
    %dma_start3A = arith.constant 1 : i32
    %dma_start3A_28 = arith.constant 0 : i32
    %dma_start3A_29 = tpu.memref_slice %arg2[%add3A, %dma_start3A, %dma_start3A_28] : memref<32x82x128xi32, #tpu.memory_space<hbm>> -> memref<1x1x128xi32, #tpu.memory_space<hbm>>
    %dma_start3A_30 = tpu.memref_squeeze %dma_start3A_29 : memref<1x1x128xi32, #tpu.memory_space<hbm>> -> memref<128xi32, #tpu.memory_space<hbm>>
    %dma_start3A_31 = arith.constant 0 : i32
    %dma_start3A_32 = tpu.memref_slice %arg2[%add3A, %dma_start3A, %dma_start3A_31] : memref<32x82x128xi32, #tpu.memory_space<hbm>> -> memref<1x1x128xi32, #tpu.memory_space<hbm>>
    %dma_start3A_33 = tpu.memref_squeeze %dma_start3A_32 : memref<1x1x128xi32, #tpu.memory_space<hbm>> -> memref<128xi32, #tpu.memory_space<hbm>>
    tpu.enqueue_dma source(%dma_start3A_33 : memref<128xi32, #tpu.memory_space<hbm>>) target(%arg12 : memref<128xi32, #tpu.memory_space<vmem>>) target_semaphore(%arg29 : memref<!tpu.dma_semaphore, #tpu.memory_space<semaphore_mem>>)
    %dma_start3A_34 = arith.constant 1 : i32
    %dma_start3A_35 = arith.constant 0 : i32
    %dma_start3A_36 = tpu.memref_slice %arg3[%add3A, %dma_start3A_34, %dma_start3A_35] : memref<32x82x128xi32, #tpu.memory_space<hbm>> -> memref<1x1x128xi32, #tpu.memory_space<hbm>>
    %dma_start3A_37 = tpu.memref_squeeze %dma_start3A_36 : memref<1x1x128xi32, #tpu.memory_space<hbm>> -> memref<128xi32, #tpu.memory_space<hbm>>
    %dma_start3A_38 = arith.constant 0 : i32
    %dma_start3A_39 = tpu.memref_slice %arg3[%add3A, %dma_start3A_34, %dma_start3A_38] : memref<32x82x128xi32, #tpu.memory_space<hbm>> -> memref<1x1x128xi32, #tpu.memory_space<hbm>>
    %dma_start3A_40 = tpu.memref_squeeze %dma_start3A_39 : memref<1x1x128xi32, #tpu.memory_space<hbm>> -> memref<128xi32, #tpu.memory_space<hbm>>
    tpu.enqueue_dma source(%dma_start3A_40 : memref<128xi32, #tpu.memory_space<hbm>>) target(%arg14 : memref<128xi32, #tpu.memory_space<vmem>>) target_semaphore(%arg29 : memref<!tpu.dma_semaphore, #tpu.memory_space<semaphore_mem>>)
    %add3A_41 = arith.constant 0 : i32
    %add3A_42 = arith.addi %mul3A_2, %add3A_41 : i32
    %jit3A = arith.constant 8 : i32
    %div3A = arith.divsi %add3A_42, %jit3A : i32
    %sign3A = arith.constant 0 : i32
    %sign3A_43 = arith.cmpi sgt, %add3A_42, %sign3A : i32
    %sign3A_44 = arith.extui %sign3A_43 : i1 to i32
    %sign3A_45 = arith.constant 0 : i32
    %sign3A_46 = arith.cmpi slt, %add3A_42, %sign3A_45 : i32
    %sign3A_47 = arith.extui %sign3A_46 : i1 to i32
    %sign3A_48 = arith.subi %sign3A_44, %sign3A_47 : i32
    %sign3A_49 = arith.constant 0 : i32
    %sign3A_50 = arith.cmpi sgt, %jit3A, %sign3A_49 : i32
    %sign3A_51 = arith.extui %sign3A_50 : i1 to i32
    %sign3A_52 = arith.constant 0 : i32
    %sign3A_53 = arith.cmpi slt, %jit3A, %sign3A_52 : i32
    %sign3A_54 = arith.extui %sign3A_53 : i1 to i32
    %sign3A_55 = arith.subi %sign3A_51, %sign3A_54 : i32
    %ne3A = arith.cmpi ne, %sign3A_48, %sign3A_55 : i32
    %rem3A = arith.remsi %add3A_42, %jit3A : i32
    %ne3A_56 = arith.constant 0 : i32
    %ne3A_57 = arith.cmpi ne, %rem3A, %ne3A_56 : i32
    %and3A = arith.andi %ne3A, %ne3A_57 : i1
    %sub3A = arith.constant 1 : i32
    %sub3A_58 = arith.subi %div3A, %sub3A : i32
    %select_n3A = arith.select %and3A, %sub3A_58, %div3A : i32
    %dma_start3A_59 = arith.constant 0 : i32
    %dma_start3A_60 = tpu.memref_slice %arg4[%select_n3A, %dma_start3A_59] : memref<41984x128xf32, #tpu.memory_space<hbm>> -> memref<16x128xf32, #tpu.memory_space<hbm>>
    %dma_start3A_61 = arith.constant 0 : i32
    %dma_start3A_62 = tpu.memref_slice %arg4[%select_n3A, %dma_start3A_61] : memref<41984x128xf32, #tpu.memory_space<hbm>> -> memref<16x128xf32, #tpu.memory_space<hbm>>
    tpu.enqueue_dma source(%dma_start3A_62 : memref<16x128xf32, #tpu.memory_space<hbm>>) target(%arg17 : memref<16x128xf32, #tpu.memory_space<vmem>>) target_semaphore(%arg26 : memref<!tpu.dma_semaphore, #tpu.memory_space<semaphore_mem>>)
    %dma_start3A_63 = arith.constant 0 : i32
    %dma_start3A_64 = arith.constant 0 : i32
    %dma_start3A_65 = tpu.memref_slice %arg5[%dma_start3A_63, %dma_start3A_64] : memref<10240x16xf32, #tpu.memory_space<hbm>> -> memref<10240x16xf32, #tpu.memory_space<hbm>>
    tpu.enqueue_indirect_dma source(%dma_start3A_65 : memref<10240x16xf32, #tpu.memory_space<hbm>>) target(%arg19 : memref<128x16xf32, #tpu.memory_space<vmem>>) offsets(%arg13 : memref<128xi32, #tpu.memory_space<vmem>>) semaphore(%arg26 : memref<!tpu.dma_semaphore, #tpu.memory_space<semaphore_mem>>)
    %dma_start3A_66 = arith.constant 0 : i32
    %dma_start3A_67 = arith.constant 0 : i32
    %dma_start3A_68 = tpu.memref_slice %arg6[%dma_start3A_66, %dma_start3A_67] : memref<10240x16xf32, #tpu.memory_space<hbm>> -> memref<10240x16xf32, #tpu.memory_space<hbm>>
    tpu.enqueue_indirect_dma source(%dma_start3A_68 : memref<10240x16xf32, #tpu.memory_space<hbm>>) target(%arg21 : memref<128x16xf32, #tpu.memory_space<vmem>>) offsets(%arg13 : memref<128xi32, #tpu.memory_space<vmem>>) semaphore(%arg26 : memref<!tpu.dma_semaphore, #tpu.memory_space<semaphore_mem>>)
    %dma_start3A_69 = arith.constant 0 : i32
    %dma_start3A_70 = arith.constant 0 : i32
    %dma_start3A_71 = tpu.memref_slice %arg7[%dma_start3A_69, %dma_start3A_70] : memref<10240x128xf32, #tpu.memory_space<hbm>> -> memref<10240x128xf32, #tpu.memory_space<hbm>>
    tpu.enqueue_indirect_dma source(%dma_start3A_71 : memref<10240x128xf32, #tpu.memory_space<hbm>>) target(%arg23 : memref<128x128xf32, #tpu.memory_space<vmem>>) offsets(%arg11 : memref<128xi32, #tpu.memory_space<vmem>>) semaphore(%arg26 : memref<!tpu.dma_semaphore, #tpu.memory_space<semaphore_mem>>)
    %scan3A_72 = arith.constant 0 : i32
    %scan3A_73 = arith.constant 41 : i32
    %scan3A_74 = arith.addi %scan3A_72, %scan3A_73 : i32
    %scan3A_75 = arith.constant 1 : i32
    scf.for %scan3A_96 = %scan3A_72 to %scan3A_74 step %scan3A_75  : i32 {
      %mul3A_97 = arith.constant 1 : i32
      %mul3A_98 = arith.muli %scan3A_96, %mul3A_97 : i32
      %add3A_99 = arith.constant 0 : i32
      %add3A_100 = arith.addi %add3A_99, %mul3A_98 : i32
      %mul3A_101 = arith.constant 2 : i32
      %mul3A_102 = arith.muli %mul3A_101, %add3A_100 : i32
      %add3A_103 = arith.constant 0 : i32
      %add3A_104 = arith.addi %mul3A_102, %add3A_103 : i32
      %dma_wait3A_105 = arith.constant 0 : i32
      %dma_wait3A_106 = arith.constant 0 : i32
      %dma_wait3A_107 = tpu.memref_slice %arg4[%dma_wait3A_105, %dma_wait3A_106] : memref<41984x128xf32, #tpu.memory_space<hbm>> -> memref<16x128xf32, #tpu.memory_space<hbm>>
      %dma_wait3A_108 = arith.constant 0 : i32
      %dma_wait3A_109 = arith.constant 0 : i32
      %dma_wait3A_110 = tpu.memref_slice %arg4[%dma_wait3A_108, %dma_wait3A_109] : memref<41984x128xf32, #tpu.memory_space<hbm>> -> memref<16x128xf32, #tpu.memory_space<hbm>>
      tpu.wait_dma2 semaphore(%arg26 : memref<!tpu.dma_semaphore, #tpu.memory_space<semaphore_mem>>) src(%dma_wait3A_110 : memref<16x128xf32, #tpu.memory_space<hbm>>) dst(%arg17 : memref<16x128xf32, #tpu.memory_space<vmem>>)
      %dma_wait3A_111 = arith.constant 0 : i32
      %dma_wait3A_112 = arith.constant 0 : i32
      %dma_wait3A_113 = tpu.memref_slice %arg5[%dma_wait3A_111, %dma_wait3A_112] : memref<10240x16xf32, #tpu.memory_space<hbm>> -> memref<128x16xf32, #tpu.memory_space<hbm>>
      %dma_wait3A_114 = arith.constant 0 : i32
      %dma_wait3A_115 = arith.constant 0 : i32
      %dma_wait3A_116 = tpu.memref_slice %arg5[%dma_wait3A_114, %dma_wait3A_115] : memref<10240x16xf32, #tpu.memory_space<hbm>> -> memref<128x16xf32, #tpu.memory_space<hbm>>
      tpu.wait_dma2 semaphore(%arg26 : memref<!tpu.dma_semaphore, #tpu.memory_space<semaphore_mem>>) src(%dma_wait3A_116 : memref<128x16xf32, #tpu.memory_space<hbm>>) dst(%arg19 : memref<128x16xf32, #tpu.memory_space<vmem>>)
      %dma_wait3A_117 = arith.constant 0 : i32
      %dma_wait3A_118 = arith.constant 0 : i32
      %dma_wait3A_119 = tpu.memref_slice %arg6[%dma_wait3A_117, %dma_wait3A_118] : memref<10240x16xf32, #tpu.memory_space<hbm>> -> memref<128x16xf32, #tpu.memory_space<hbm>>
      %dma_wait3A_120 = arith.constant 0 : i32
      %dma_wait3A_121 = arith.constant 0 : i32
      %dma_wait3A_122 = tpu.memref_slice %arg6[%dma_wait3A_120, %dma_wait3A_121] : memref<10240x16xf32, #tpu.memory_space<hbm>> -> memref<128x16xf32, #tpu.memory_space<hbm>>
      tpu.wait_dma2 semaphore(%arg26 : memref<!tpu.dma_semaphore, #tpu.memory_space<semaphore_mem>>) src(%dma_wait3A_122 : memref<128x16xf32, #tpu.memory_space<hbm>>) dst(%arg21 : memref<128x16xf32, #tpu.memory_space<vmem>>)
      %dma_wait3A_123 = arith.constant 0 : i32
      %dma_wait3A_124 = arith.constant 0 : i32
      %dma_wait3A_125 = tpu.memref_slice %arg7[%dma_wait3A_123, %dma_wait3A_124] : memref<10240x128xf32, #tpu.memory_space<hbm>> -> memref<128x128xf32, #tpu.memory_space<hbm>>
      %dma_wait3A_126 = arith.constant 0 : i32
      %dma_wait3A_127 = arith.constant 0 : i32
      %dma_wait3A_128 = tpu.memref_slice %arg7[%dma_wait3A_126, %dma_wait3A_127] : memref<10240x128xf32, #tpu.memory_space<hbm>> -> memref<128x128xf32, #tpu.memory_space<hbm>>
      tpu.wait_dma2 semaphore(%arg26 : memref<!tpu.dma_semaphore, #tpu.memory_space<semaphore_mem>>) src(%dma_wait3A_128 : memref<128x128xf32, #tpu.memory_space<hbm>>) dst(%arg23 : memref<128x128xf32, #tpu.memory_space<vmem>>)
      %get3A = arith.constant 0 : index
      %get3A_129 = tpu.vector_load %arg13[%get3A] {strides = array<i32>} : memref<128xi32, #tpu.memory_space<vmem>>, vector<16xi32>,
      %swap3A = arith.constant 0 : index
      %swap3A_130 = tpu.vector_load %arg15[%swap3A] {strides = array<i32>} : memref<128xi32, #tpu.memory_space<vmem>>, vector<16xi32>,
      tpu.vector_store %arg15[%swap3A], %get3A_129 {strides = array<i32>} : memref<128xi32, #tpu.memory_space<vmem>>, vector<16xi32>,
      %get3A_131 = arith.constant 16 : index
      %get3A_132 = tpu.vector_load %arg13[%get3A_131] {strides = array<i32>} : memref<128xi32, #tpu.memory_space<vmem>>, vector<16xi32>,
      %swap3A_133 = arith.constant 16 : index
      %swap3A_134 = tpu.vector_load %arg15[%swap3A_133] {strides = array<i32>} : memref<128xi32, #tpu.memory_space<vmem>>, vector<16xi32>,
      tpu.vector_store %arg15[%swap3A_133], %get3A_132 {strides = array<i32>} : memref<128xi32, #tpu.memory_space<vmem>>, vector<16xi32>,
      %get3A_135 = arith.constant 32 : index
      %get3A_136 = tpu.vector_load %arg13[%get3A_135] {strides = array<i32>} : memref<128xi32, #tpu.memory_space<vmem>>, vector<16xi32>,
      %swap3A_137 = arith.constant 32 : index
      %swap3A_138 = tpu.vector_load %arg15[%swap3A_137] {strides = array<i32>} : memref<128xi32, #tpu.memory_space<vmem>>, vector<16xi32>,
      tpu.vector_store %arg15[%swap3A_137], %get3A_136 {strides = array<i32>} : memref<128xi32, #tpu.memory_space<vmem>>, vector<16xi32>,
      %get3A_139 = arith.constant 48 : index
      %get3A_140 = tpu.vector_load %arg13[%get3A_139] {strides = array<i32>} : memref<128xi32, #tpu.memory_space<vmem>>, vector<16xi32>,
      %swap3A_141 = arith.constant 48 : index
      %swap3A_142 = tpu.vector_load %arg15[%swap3A_141] {strides = array<i32>} : memref<128xi32, #tpu.memory_space<vmem>>, vector<16xi32>,
      tpu.vector_store %arg15[%swap3A_141], %get3A_140 {strides = array<i32>} : memref<128xi32, #tpu.memory_space<vmem>>, vector<16xi32>,
      %get3A_143 = arith.constant 64 : index
      %get3A_144 = tpu.vector_load %arg13[%get3A_143] {strides = array<i32>} : memref<128xi32, #tpu.memory_space<vmem>>, vector<16xi32>,
      %swap3A_145 = arith.constant 64 : index
      %swap3A_146 = tpu.vector_load %arg15[%swap3A_145] {strides = array<i32>} : memref<128xi32, #tpu.memory_space<vmem>>, vector<16xi32>,
      tpu.vector_store %arg15[%swap3A_145], %get3A_144 {strides = array<i32>} : memref<128xi32, #tpu.memory_space<vmem>>, vector<16xi32>,
      %get3A_147 = arith.constant 80 : index
      %get3A_148 = tpu.vector_load %arg13[%get3A_147] {strides = array<i32>} : memref<128xi32, #tpu.memory_space<vmem>>, vector<16xi32>,
      %swap3A_149 = arith.constant 80 : index
      %swap3A_150 = tpu.vector_load %arg15[%swap3A_149] {strides = array<i32>} : memref<128xi32, #tpu.memory_space<vmem>>, vector<16xi32>,
      tpu.vector_store %arg15[%swap3A_149], %get3A_148 {strides = array<i32>} : memref<128xi32, #tpu.memory_space<vmem>>, vector<16xi32>,
      %get3A_151 = arith.constant 96 : index
      %get3A_152 = tpu.vector_load %arg13[%get3A_151] {strides = array<i32>} : memref<128xi32, #tpu.memory_space<vmem>>, vector<16xi32>,
      %swap3A_153 = arith.constant 96 : index
      %swap3A_154 = tpu.vector_load %arg15[%swap3A_153] {strides = array<i32>} : memref<128xi32, #tpu.memory_space<vmem>>, vector<16xi32>,
      tpu.vector_store %arg15[%swap3A_153], %get3A_152 {strides = array<i32>} : memref<128xi32, #tpu.memory_space<vmem>>, vector<16xi32>,
      %get3A_155 = arith.constant 112 : index
      %get3A_156 = tpu.vector_load %arg13[%get3A_155] {strides = array<i32>} : memref<128xi32, #tpu.memory_space<vmem>>, vector<16xi32>,
      %swap3A_157 = arith.constant 112 : index
      %swap3A_158 = tpu.vector_load %arg15[%swap3A_157] {strides = array<i32>} : memref<128xi32, #tpu.memory_space<vmem>>, vector<16xi32>,
      tpu.vector_store %arg15[%swap3A_157], %get3A_156 {strides = array<i32>} : memref<128xi32, #tpu.memory_space<vmem>>, vector<16xi32>,
      %add3A_159 = arith.constant 1 : i32
      %add3A_160 = arith.addi %add3A_104, %add3A_159 : i32
      %lt3A = arith.constant 82 : i32
      %lt3A_161 = arith.cmpi slt, %add3A_160, %lt3A : i32
      %convert_element_type3A_162 = arith.extui %lt3A_161 : i1 to i32
      %cond3A_163 = arith.constant 0 : i32
      %cond3A_164 = arith.cmpi ne, %convert_element_type3A_162, %cond3A_163 : i32
      scf.if %cond3A_164 {
        %ge3A = arith.constant 1 : i32
        %ge3A_304 = arith.cmpi sge, %add3A_104, %ge3A : i32
        %convert_element_type3A_305 = arith.extui %ge3A_304 : i1 to i32
        %cond3A_306 = arith.constant 0 : i32
        %cond3A_307 = arith.cmpi ne, %convert_element_type3A_305, %cond3A_306 : i32
        scf.if %cond3A_307 {
          %dma_wait3A_373 = arith.constant 0 : i32
          %dma_wait3A_374 = arith.constant 0 : i32
          %dma_wait3A_375 = tpu.memref_slice %arg8[%dma_wait3A_373, %dma_wait3A_374] : memref<41984x128xf32, #tpu.memory_space<hbm>> -> memref<16x128xf32, #tpu.memory_space<hbm>>
          %dma_wait3A_376 = arith.constant 0 : i32
          %dma_wait3A_377 = arith.constant 0 : i32
          %dma_wait3A_378 = tpu.memref_slice %arg8[%dma_wait3A_376, %dma_wait3A_377] : memref<41984x128xf32, #tpu.memory_space<hbm>> -> memref<16x128xf32, #tpu.memory_space<hbm>>
          tpu.wait_dma2 semaphore(%arg31 : memref<!tpu.dma_semaphore, #tpu.memory_space<semaphore_mem>>) src(%arg18 : memref<16x128xf32, #tpu.memory_space<vmem>>) dst(%dma_wait3A_378 : memref<16x128xf32, #tpu.memory_space<hbm>>)
        } else {
        }
        %dma_wait3A_308 = arith.constant 0 : i32
        %dma_wait3A_309 = arith.constant 0 : i32
        %dma_wait3A_310 = arith.constant 0 : i32
        %dma_wait3A_311 = tpu.memref_slice %arg2[%dma_wait3A_308, %dma_wait3A_309, %dma_wait3A_310] : memref<32x82x128xi32, #tpu.memory_space<hbm>> -> memref<1x1x128xi32, #tpu.memory_space<hbm>>
        %dma_wait3A_312 = tpu.memref_squeeze %dma_wait3A_311 : memref<1x1x128xi32, #tpu.memory_space<hbm>> -> memref<128xi32, #tpu.memory_space<hbm>>
        %dma_wait3A_313 = arith.constant 0 : i32
        %dma_wait3A_314 = tpu.memref_slice %arg2[%dma_wait3A_308, %dma_wait3A_309, %dma_wait3A_313] : memref<32x82x128xi32, #tpu.memory_space<hbm>> -> memref<1x1x128xi32, #tpu.memory_space<hbm>>
        %dma_wait3A_315 = tpu.memref_squeeze %dma_wait3A_314 : memref<1x1x128xi32, #tpu.memory_space<hbm>> -> memref<128xi32, #tpu.memory_space<hbm>>
        tpu.wait_dma2 semaphore(%arg29 : memref<!tpu.dma_semaphore, #tpu.memory_space<semaphore_mem>>) src(%dma_wait3A_315 : memref<128xi32, #tpu.memory_space<hbm>>) dst(%arg12 : memref<128xi32, #tpu.memory_space<vmem>>)
        %dma_wait3A_316 = arith.constant 0 : i32
        %dma_wait3A_317 = arith.constant 0 : i32
        %dma_wait3A_318 = arith.constant 0 : i32
        %dma_wait3A_319 = tpu.memref_slice %arg3[%dma_wait3A_316, %dma_wait3A_317, %dma_wait3A_318] : memref<32x82x128xi32, #tpu.memory_space<hbm>> -> memref<1x1x128xi32, #tpu.memory_space<hbm>>
        %dma_wait3A_320 = tpu.memref_squeeze %dma_wait3A_319 : memref<1x1x128xi32, #tpu.memory_space<hbm>> -> memref<128xi32, #tpu.memory_space<hbm>>
        %dma_wait3A_321 = arith.constant 0 : i32
        %dma_wait3A_322 = tpu.memref_slice %arg3[%dma_wait3A_316, %dma_wait3A_317, %dma_wait3A_321] : memref<32x82x128xi32, #tpu.memory_space<hbm>> -> memref<1x1x128xi32, #tpu.memory_space<hbm>>
        %dma_wait3A_323 = tpu.memref_squeeze %dma_wait3A_322 : memref<1x1x128xi32, #tpu.memory_space<hbm>> -> memref<128xi32, #tpu.memory_space<hbm>>
        tpu.wait_dma2 semaphore(%arg29 : memref<!tpu.dma_semaphore, #tpu.memory_space<semaphore_mem>>) src(%dma_wait3A_323 : memref<128xi32, #tpu.memory_space<hbm>>) dst(%arg14 : memref<128xi32, #tpu.memory_space<vmem>>)
        %add3A_324 = arith.constant 1 : i32
        %add3A_325 = arith.addi %add3A_104, %add3A_324 : i32
        %mul3A_326 = arith.constant 128 : i32
        %mul3A_327 = arith.muli %add3A_325, %mul3A_326 : i32
        %add3A_328 = arith.addi %mul3A_2, %mul3A_327 : i32
        %jit3A_329 = arith.constant 8 : i32
        %div3A_330 = arith.divsi %add3A_328, %jit3A_329 : i32
        %sign3A_331 = arith.constant 0 : i32
        %sign3A_332 = arith.cmpi sgt, %add3A_328, %sign3A_331 : i32
        %sign3A_333 = arith.extui %sign3A_332 : i1 to i32
        %sign3A_334 = arith.constant 0 : i32
        %sign3A_335 = arith.cmpi slt, %add3A_328, %sign3A_334 : i32
        %sign3A_336 = arith.extui %sign3A_335 : i1 to i32
        %sign3A_337 = arith.subi %sign3A_333, %sign3A_336 : i32
        %sign3A_338 = arith.constant 0 : i32
        %sign3A_339 = arith.cmpi sgt, %jit3A_329, %sign3A_338 : i32
        %sign3A_340 = arith.extui %sign3A_339 : i1 to i32
        %sign3A_341 = arith.constant 0 : i32
        %sign3A_342 = arith.cmpi slt, %jit3A_329, %sign3A_341 : i32
        %sign3A_343 = arith.extui %sign3A_342 : i1 to i32
        %sign3A_344 = arith.subi %sign3A_340, %sign3A_343 : i32
        %ne3A_345 = arith.cmpi ne, %sign3A_337, %sign3A_344 : i32
        %rem3A_346 = arith.remsi %add3A_328, %jit3A_329 : i32
        %ne3A_347 = arith.constant 0 : i32
        %ne3A_348 = arith.cmpi ne, %rem3A_346, %ne3A_347 : i32
        %and3A_349 = arith.andi %ne3A_345, %ne3A_348 : i1
        %sub3A_350 = arith.constant 1 : i32
        %sub3A_351 = arith.subi %div3A_330, %sub3A_350 : i32
        %select_n3A_352 = arith.select %and3A_349, %sub3A_351, %div3A_330 : i32
        %dma_start3A_353 = arith.constant 0 : i32
        %dma_start3A_354 = tpu.memref_slice %arg4[%select_n3A_352, %dma_start3A_353] : memref<41984x128xf32, #tpu.memory_space<hbm>> -> memref<16x128xf32, #tpu.memory_space<hbm>>
        %dma_start3A_355 = arith.constant 0 : i32
        %dma_start3A_356 = tpu.memref_slice %arg4[%select_n3A_352, %dma_start3A_355] : memref<41984x128xf32, #tpu.memory_space<hbm>> -> memref<16x128xf32, #tpu.memory_space<hbm>>
        tpu.enqueue_dma source(%dma_start3A_356 : memref<16x128xf32, #tpu.memory_space<hbm>>) target(%arg18 : memref<16x128xf32, #tpu.memory_space<vmem>>) target_semaphore(%arg27 : memref<!tpu.dma_semaphore, #tpu.memory_space<semaphore_mem>>)
        %dma_start3A_357 = arith.constant 0 : i32
        %dma_start3A_358 = arith.constant 0 : i32
        %dma_start3A_359 = tpu.memref_slice %arg5[%dma_start3A_357, %dma_start3A_358] : memref<10240x16xf32, #tpu.memory_space<hbm>> -> memref<10240x16xf32, #tpu.memory_space<hbm>>
        tpu.enqueue_indirect_dma source(%dma_start3A_359 : memref<10240x16xf32, #tpu.memory_space<hbm>>) target(%arg20 : memref<128x16xf32, #tpu.memory_space<vmem>>) offsets(%arg14 : memref<128xi32, #tpu.memory_space<vmem>>) semaphore(%arg27 : memref<!tpu.dma_semaphore, #tpu.memory_space<semaphore_mem>>)
        %dma_start3A_360 = arith.constant 0 : i32
        %dma_start3A_361 = arith.constant 0 : i32
        %dma_start3A_362 = tpu.memref_slice %arg6[%dma_start3A_360, %dma_start3A_361] : memref<10240x16xf32, #tpu.memory_space<hbm>> -> memref<10240x16xf32, #tpu.memory_space<hbm>>
        tpu.enqueue_indirect_dma source(%dma_start3A_362 : memref<10240x16xf32, #tpu.memory_space<hbm>>) target(%arg22 : memref<128x16xf32, #tpu.memory_space<vmem>>) offsets(%arg14 : memref<128xi32, #tpu.memory_space<vmem>>) semaphore(%arg27 : memref<!tpu.dma_semaphore, #tpu.memory_space<semaphore_mem>>)
        %dma_start3A_363 = arith.constant 0 : i32
        %dma_start3A_364 = arith.constant 0 : i32
        %dma_start3A_365 = tpu.memref_slice %arg7[%dma_start3A_363, %dma_start3A_364] : memref<10240x128xf32, #tpu.memory_space<hbm>> -> memref<10240x128xf32, #tpu.memory_space<hbm>>
        tpu.enqueue_indirect_dma source(%dma_start3A_365 : memref<10240x128xf32, #tpu.memory_space<hbm>>) target(%arg24 : memref<128x128xf32, #tpu.memory_space<vmem>>) offsets(%arg12 : memref<128xi32, #tpu.memory_space<vmem>>) semaphore(%arg27 : memref<!tpu.dma_semaphore, #tpu.memory_space<semaphore_mem>>)
        %add3A_366 = arith.constant 2 : i32
        %add3A_367 = arith.addi %add3A_104, %add3A_366 : i32
        %lt3A_368 = arith.constant 82 : i32
        %lt3A_369 = arith.cmpi slt, %add3A_367, %lt3A_368 : i32
        %convert_element_type3A_370 = arith.extui %lt3A_369 : i1 to i32
        %cond3A_371 = arith.constant 0 : i32
        %cond3A_372 = arith.cmpi ne, %convert_element_type3A_370, %cond3A_371 : i32
        scf.if %cond3A_372 {
          %add3A_373 = arith.constant 2 : i32
          %add3A_374 = arith.addi %add3A_104, %add3A_373 : i32
          %dma_start3A_375 = arith.constant 0 : i32
          %dma_start3A_376 = tpu.memref_slice %arg2[%add3A, %add3A_374, %dma_start3A_375] : memref<32x82x128xi32, #tpu.memory_space<hbm>> -> memref<1x1x128xi32, #tpu.memory_space<hbm>>
          %dma_start3A_377 = tpu.memref_squeeze %dma_start3A_376 : memref<1x1x128xi32, #tpu.memory_space<hbm>> -> memref<128xi32, #tpu.memory_space<hbm>>
          %dma_start3A_378 = arith.constant 0 : i32
          %dma_start3A_379 = tpu.memref_slice %arg2[%add3A, %add3A_374, %dma_start3A_378] : memref<32x82x128xi32, #tpu.memory_space<hbm>> -> memref<1x1x128xi32, #tpu.memory_space<hbm>>
          %dma_start3A_380 = tpu.memref_squeeze %dma_start3A_379 : memref<1x1x128xi32, #tpu.memory_space<hbm>> -> memref<128xi32, #tpu.memory_space<hbm>>
          tpu.enqueue_dma source(%dma_start3A_380 : memref<128xi32, #tpu.memory_space<hbm>>) target(%arg11 : memref<128xi32, #tpu.memory_space<vmem>>) target_semaphore(%arg28 : memref<!tpu.dma_semaphore, #tpu.memory_space<semaphore_mem>>)
          %dma_start3A_381 = arith.constant 0 : i32
          %dma_start3A_382 = tpu.memref_slice %arg3[%add3A, %add3A_374, %dma_start3A_381] : memref<32x82x128xi32, #tpu.memory_space<hbm>> -> memref<1x1x128xi32, #tpu.memory_space<hbm>>
          %dma_start3A_383 = tpu.memref_squeeze %dma_start3A_382 : memref<1x1x128xi32, #tpu.memory_space<hbm>> -> memref<128xi32, #tpu.memory_space<hbm>>
          %dma_start3A_384 = arith.constant 0 : i32
          %dma_start3A_385 = tpu.memref_slice %arg3[%add3A, %add3A_374, %dma_start3A_384] : memref<32x82x128xi32, #tpu.memory_space<hbm>> -> memref<1x1x128xi32, #tpu.memory_space<hbm>>
          %dma_start3A_386 = tpu.memref_squeeze %dma_start3A_385 : memref<1x1x128xi32, #tpu.memory_space<hbm>> -> memref<128xi32, #tpu.memory_space<hbm>>
          tpu.enqueue_dma source(%dma_start3A_386 : memref<128xi32, #tpu.memory_space<hbm>>) target(%arg13 : memref<128xi32, #tpu.memory_space<vmem>>) target_semaphore(%arg28 : memref<!tpu.dma_semaphore, #tpu.memory_space<semaphore_mem>>)
        } else {
        }
      } else {
      }
      %scan3A_165 = arith.constant 0 : i32
      %scan3A_166 = arith.constant 16 : i32
      %scan3A_167 = arith.addi %scan3A_165, %scan3A_166 : i32
      %scan3A_168 = arith.constant 1 : i32
      scf.for %scan3A_304 = %scan3A_165 to %scan3A_167 step %scan3A_168  : i32 {
        %mul3A_305 = arith.constant 1 : i32
        %mul3A_306 = arith.muli %scan3A_304, %mul3A_305 : i32
        %add3A_307 = arith.constant 0 : i32
        %add3A_308 = arith.addi %add3A_307, %mul3A_306 : i32
        %mul3A_309 = arith.constant 8 : i32
        %mul3A_310 = arith.muli %mul3A_309, %add3A_308 : i32
        %add3A_311 = arith.constant 0 : i32
        %add3A_312 = arith.addi %mul3A_310, %add3A_311 : i32
        %get3A_313 = arith.index_cast %add3A_312 : i32 to index
        %get3A_314 = arith.constant 0 : index
        %get3A_315 = tpu.vector_load %arg19[%get3A_313, %get3A_314] {strides = array<i32>} : memref<128x16xf32, #tpu.memory_space<vmem>>, vector<16xf32>,
        %get3A_316 = arith.index_cast %add3A_312 : i32 to index
        %get3A_317 = arith.constant 0 : index
        %get3A_318 = tpu.vector_load %arg21[%get3A_316, %get3A_317] {strides = array<i32>} : memref<128x16xf32, #tpu.memory_space<vmem>>, vector<16xf32>,
        %add3A_319 = arith.addf %get3A_315, %get3A_318 : vector<16xf32>
        %add3A_320 = arith.constant 1.000000e-16 : f32
        %add3A_321 = vector.broadcast %add3A_320 : f32 to vector<16xf32>
        %add3A_322 = arith.addf %add3A_319, %add3A_321 : vector<16xf32>
        %get3A_323 = arith.index_cast %add3A_308 : i32 to index
        %get3A_324 = arith.constant 0 : index
        %get3A_325 = tpu.vector_load %arg17[%get3A_323, %get3A_324] {strides = array<i32>} : memref<16x128xf32, #tpu.memory_space<vmem>>, vector<16xf32>,
        %div3A_326 = arith.divf %get3A_325, %add3A_322 : vector<16xf32>
        %swap3A_327 = arith.index_cast %add3A_308 : i32 to index
        %swap3A_328 = arith.constant 0 : index
        %swap3A_329 = tpu.vector_load %arg17[%swap3A_327, %swap3A_328] {strides = array<i32>} : memref<16x128xf32, #tpu.memory_space<vmem>>, vector<16xf32>,
        tpu.vector_store %arg17[%swap3A_327, %swap3A_328], %div3A_326 {strides = array<i32>} : memref<16x128xf32, #tpu.memory_space<vmem>>, vector<16xf32>,
        %broadcast_in_dim3A = arith.constant 0 : i32
        %broadcast_in_dim3A_330 = vector.broadcast %broadcast_in_dim3A : i32 to vector<16x1xi32>
        %gather3A = vector.shape_cast %broadcast_in_dim3A_330 : vector<16x1xi32> to vector<16xi32>
        %gather3A_331 = tpu.dynamic_gather %div3A_326[%gather3A] in [0] : vector<16xf32>, vector<16xi32> -> vector<16xf32>
        %get3A_332 = arith.index_cast %add3A_312 : i32 to index
        %get3A_333 = arith.constant 0 : index
        %get3A_334 = tpu.vector_load %arg23[%get3A_332, %get3A_333] {strides = array<i32>} : memref<128x128xf32, #tpu.memory_space<vmem>>, vector<16xf32>,
        %mul3A_335 = arith.mulf %get3A_334, %gather3A_331 : vector<16xf32>
        %swap3A_336 = arith.index_cast %add3A_312 : i32 to index
        %swap3A_337 = arith.constant 0 : index
        %swap3A_338 = tpu.vector_load %arg23[%swap3A_336, %swap3A_337] {strides = array<i32>} : memref<128x128xf32, #tpu.memory_space<vmem>>, vector<16xf32>,
        tpu.vector_store %arg23[%swap3A_336, %swap3A_337], %mul3A_335 {strides = array<i32>} : memref<128x128xf32, #tpu.memory_space<vmem>>, vector<16xf32>,
        %broadcast_in_dim3A_339 = arith.constant 1 : i32
        %broadcast_in_dim3A_340 = vector.broadcast %broadcast_in_dim3A_339 : i32 to vector<16x1xi32>
        %gather3A_341 = vector.shape_cast %broadcast_in_dim3A_340 : vector<16x1xi32> to vector<16xi32>
        %gather3A_342 = tpu.dynamic_gather %div3A_326[%gather3A_341] in [0] : vector<16xf32>, vector<16xi32> -> vector<16xf32>
        %get3A_343 = arith.index_cast %add3A_312 : i32 to index
        %get3A_344 = arith.constant 16 : index
        %get3A_345 = tpu.vector_load %arg23[%get3A_343, %get3A_344] {strides = array<i32>} : memref<128x128xf32, #tpu.memory_space<vmem>>, vector<16xf32>,
        %mul3A_346 = arith.mulf %get3A_345, %gather3A_342 : vector<16xf32>
        %swap3A_347 = arith.index_cast %add3A_312 : i32 to index
        %swap3A_348 = arith.constant 16 : index
        %swap3A_349 = tpu.vector_load %arg23[%swap3A_347, %swap3A_348] {strides = array<i32>} : memref<128x128xf32, #tpu.memory_space<vmem>>, vector<16xf32>,
        tpu.vector_store %arg23[%swap3A_347, %swap3A_348], %mul3A_346 {strides = array<i32>} : memref<128x128xf32, #tpu.memory_space<vmem>>, vector<16xf32>,
        %broadcast_in_dim3A_350 = arith.constant 2 : i32
        %broadcast_in_dim3A_351 = vector.broadcast %broadcast_in_dim3A_350 : i32 to vector<16x1xi32>
        %gather3A_352 = vector.shape_cast %broadcast_in_dim3A_351 : vector<16x1xi32> to vector<16xi32>
        %gather3A_353 = tpu.dynamic_gather %div3A_326[%gather3A_352] in [0] : vector<16xf32>, vector<16xi32> -> vector<16xf32>
        %get3A_354 = arith.index_cast %add3A_312 : i32 to index
        %get3A_355 = arith.constant 32 : index
        %get3A_356 = tpu.vector_load %arg23[%get3A_354, %get3A_355] {strides = array<i32>} : memref<128x128xf32, #tpu.memory_space<vmem>>, vector<16xf32>,
        %mul3A_357 = arith.mulf %get3A_356, %gather3A_353 : vector<16xf32>
        %swap3A_358 = arith.index_cast %add3A_312 : i32 to index
        %swap3A_359 = arith.constant 32 : index
        %swap3A_360 = tpu.vector_load %arg23[%swap3A_358, %swap3A_359] {strides = array<i32>} : memref<128x128xf32, #tpu.memory_space<vmem>>, vector<16xf32>,
        tpu.vector_store %arg23[%swap3A_358, %swap3A_359], %mul3A_357 {strides = array<i32>} : memref<128x128xf32, #tpu.memory_space<vmem>>, vector<16xf32>,
        %broadcast_in_dim3A_361 = arith.constant 3 : i32
        %broadcast_in_dim3A_362 = vector.broadcast %broadcast_in_dim3A_361 : i32 to vector<16x1xi32>
        %gather3A_363 = vector.shape_cast %broadcast_in_dim3A_362 : vector<16x1xi32> to vector<16xi32>
        %gather3A_364 = tpu.dynamic_gather %div3A_326[%gather3A_363] in [0] : vector<16xf32>, vector<16xi32> -> vector<16xf32>
        %get3A_365 = arith.index_cast %add3A_312 : i32 to index
        %get3A_366 = arith.constant 48 : index
        %get3A_367 = tpu.vector_load %arg23[%get3A_365, %get3A_366] {strides = array<i32>} : memref<128x128xf32, #tpu.memory_space<vmem>>, vector<16xf32>,
        %mul3A_368 = arith.mulf %get3A_367, %gather3A_364 : vector<16xf32>
        %swap3A_369 = arith.index_cast %add3A_312 : i32 to index
        %swap3A_370 = arith.constant 48 : index
        %swap3A_371 = tpu.vector_load %arg23[%swap3A_369, %swap3A_370] {strides = array<i32>} : memref<128x128xf32, #tpu.memory_space<vmem>>, vector<16xf32>,
        tpu.vector_store %arg23[%swap3A_369, %swap3A_370], %mul3A_368 {strides = array<i32>} : memref<128x128xf32, #tpu.memory_space<vmem>>, vector<16xf32>,
        %broadcast_in_dim3A_372 = arith.constant 4 : i32
        %broadcast_in_dim3A_373 = vector.broadcast %broadcast_in_dim3A_372 : i32 to vector<16x1xi32>
        %gather3A_374 = vector.shape_cast %broadcast_in_dim3A_373 : vector<16x1xi32> to vector<16xi32>
        %gather3A_375 = tpu.dynamic_gather %div3A_326[%gather3A_374] in [0] : vector<16xf32>, vector<16xi32> -> vector<16xf32>
        %get3A_376 = arith.index_cast %add3A_312 : i32 to index
        %get3A_377 = arith.constant 64 : index
        %get3A_378 = tpu.vector_load %arg23[%get3A_376, %get3A_377] {strides = array<i32>} : memref<128x128xf32, #tpu.memory_space<vmem>>, vector<16xf32>,
        %mul3A_379 = arith.mulf %get3A_378, %gather3A_375 : vector<16xf32>
        %swap3A_380 = arith.index_cast %add3A_312 : i32 to index
        %swap3A_381 = arith.constant 64 : index
        %swap3A_382 = tpu.vector_load %arg23[%swap3A_380, %swap3A_381] {strides = array<i32>} : memref<128x128xf32, #tpu.memory_space<vmem>>, vector<16xf32>,
        tpu.vector_store %arg23[%swap3A_380, %swap3A_381], %mul3A_379 {strides = array<i32>} : memref<128x128xf32, #tpu.memory_space<vmem>>, vector<16xf32>,
        %broadcast_in_dim3A_383 = arith.constant 5 : i32
        %broadcast_in_dim3A_384 = vector.broadcast %broadcast_in_dim3A_383 : i32 to vector<16x1xi32>
        %gather3A_385 = vector.shape_cast %broadcast_in_dim3A_384 : vector<16x1xi32> to vector<16xi32>
        %gather3A_386 = tpu.dynamic_gather %div3A_326[%gather3A_385] in [0] : vector<16xf32>, vector<16xi32> -> vector<16xf32>
        %get3A_387 = arith.index_cast %add3A_312 : i32 to index
        %get3A_388 = arith.constant 80 : index
        %get3A_389 = tpu.vector_load %arg23[%get3A_387, %get3A_388] {strides = array<i32>} : memref<128x128xf32, #tpu.memory_space<vmem>>, vector<16xf32>,
        %mul3A_390 = arith.mulf %get3A_389, %gather3A_386 : vector<16xf32>
        %swap3A_391 = arith.index_cast %add3A_312 : i32 to index
        %swap3A_392 = arith.constant 80 : index
        %swap3A_393 = tpu.vector_load %arg23[%swap3A_391, %swap3A_392] {strides = array<i32>} : memref<128x128xf32, #tpu.memory_space<vmem>>, vector<16xf32>,
        tpu.vector_store %arg23[%swap3A_391, %swap3A_392], %mul3A_390 {strides = array<i32>} : memref<128x128xf32, #tpu.memory_space<vmem>>, vector<16xf32>,
        %broadcast_in_dim3A_394 = arith.constant 6 : i32
        %broadcast_in_dim3A_395 = vector.broadcast %broadcast_in_dim3A_394 : i32 to vector<16x1xi32>
        %gather3A_396 = vector.shape_cast %broadcast_in_dim3A_395 : vector<16x1xi32> to vector<16xi32>
        %gather3A_397 = tpu.dynamic_gather %div3A_326[%gather3A_396] in [0] : vector<16xf32>, vector<16xi32> -> vector<16xf32>
        %get3A_398 = arith.index_cast %add3A_312 : i32 to index
        %get3A_399 = arith.constant 96 : index
        %get3A_400 = tpu.vector_load %arg23[%get3A_398, %get3A_399] {strides = array<i32>} : memref<128x128xf32, #tpu.memory_space<vmem>>, vector<16xf32>,
        %mul3A_401 = arith.mulf %get3A_400, %gather3A_397 : vector<16xf32>
        %swap3A_402 = arith.index_cast %add3A_312 : i32 to index
        %swap3A_403 = arith.constant 96 : index
        %swap3A_404 = tpu.vector_load %arg23[%swap3A_402, %swap3A_403] {strides = array<i32>} : memref<128x128xf32, #tpu.memory_space<vmem>>, vector<16xf32>,
        tpu.vector_store %arg23[%swap3A_402, %swap3A_403], %mul3A_401 {strides = array<i32>} : memref<128x128xf32, #tpu.memory_space<vmem>>, vector<16xf32>,
        %broadcast_in_dim3A_405 = arith.constant 7 : i32
        %broadcast_in_dim3A_406 = vector.broadcast %broadcast_in_dim3A_405 : i32 to vector<16x1xi32>
        %gather3A_407 = vector.shape_cast %broadcast_in_dim3A_406 : vector<16x1xi32> to vector<16xi32>
        %gather3A_408 = tpu.dynamic_gather %div3A_326[%gather3A_407] in [0] : vector<16xf32>, vector<16xi32> -> vector<16xf32>
        %get3A_409 = arith.index_cast %add3A_312 : i32 to index
        %get3A_410 = arith.constant 112 : index
        %get3A_411 = tpu.vector_load %arg23[%get3A_409, %get3A_410] {strides = array<i32>} : memref<128x128xf32, #tpu.memory_space<vmem>>, vector<16xf32>,
        %mul3A_412 = arith.mulf %get3A_411, %gather3A_408 : vector<16xf32>
        %swap3A_413 = arith.index_cast %add3A_312 : i32 to index
        %swap3A_414 = arith.constant 112 : index
        %swap3A_415 = tpu.vector_load %arg23[%swap3A_413, %swap3A_414] {strides = array<i32>} : memref<128x128xf32, #tpu.memory_space<vmem>>, vector<16xf32>,
        tpu.vector_store %arg23[%swap3A_413, %swap3A_414], %mul3A_412 {strides = array<i32>} : memref<128x128xf32, #tpu.memory_space<vmem>>, vector<16xf32>,
        %mul3A_416 = arith.constant 8 : i32
        %mul3A_417 = arith.muli %mul3A_416, %add3A_308 : i32
        %add3A_418 = arith.constant 1 : i32
        %add3A_419 = arith.addi %mul3A_417, %add3A_418 : i32
        %get3A_420 = arith.index_cast %add3A_419 : i32 to index
        %get3A_421 = arith.constant 0 : index
        %get3A_422 = tpu.vector_load %arg19[%get3A_420, %get3A_421] {strides = array<i32>} : memref<128x16xf32, #tpu.memory_space<vmem>>, vector<16xf32>,
        %get3A_423 = arith.index_cast %add3A_419 : i32 to index
        %get3A_424 = arith.constant 0 : index
        %get3A_425 = tpu.vector_load %arg21[%get3A_423, %get3A_424] {strides = array<i32>} : memref<128x16xf32, #tpu.memory_space<vmem>>, vector<16xf32>,
        %add3A_426 = arith.addf %get3A_422, %get3A_425 : vector<16xf32>
        %add3A_427 = arith.constant 1.000000e-16 : f32
        %add3A_428 = vector.broadcast %add3A_427 : f32 to vector<16xf32>
        %add3A_429 = arith.addf %add3A_426, %add3A_428 : vector<16xf32>
        %get3A_430 = arith.index_cast %add3A_308 : i32 to index
        %get3A_431 = arith.constant 16 : index
        %get3A_432 = tpu.vector_load %arg17[%get3A_430, %get3A_431] {strides = array<i32>} : memref<16x128xf32, #tpu.memory_space<vmem>>, vector<16xf32>,
        %div3A_433 = arith.divf %get3A_432, %add3A_429 : vector<16xf32>
        %swap3A_434 = arith.index_cast %add3A_308 : i32 to index
        %swap3A_435 = arith.constant 16 : index
        %swap3A_436 = tpu.vector_load %arg17[%swap3A_434, %swap3A_435] {strides = array<i32>} : memref<16x128xf32, #tpu.memory_space<vmem>>, vector<16xf32>,
        tpu.vector_store %arg17[%swap3A_434, %swap3A_435], %div3A_433 {strides = array<i32>} : memref<16x128xf32, #tpu.memory_space<vmem>>, vector<16xf32>,
        %broadcast_in_dim3A_437 = arith.constant 0 : i32
        %broadcast_in_dim3A_438 = vector.broadcast %broadcast_in_dim3A_437 : i32 to vector<16x1xi32>
        %gather3A_439 = vector.shape_cast %broadcast_in_dim3A_438 : vector<16x1xi32> to vector<16xi32>
        %gather3A_440 = tpu.dynamic_gather %div3A_433[%gather3A_439] in [0] : vector<16xf32>, vector<16xi32> -> vector<16xf32>
        %get3A_441 = arith.index_cast %add3A_419 : i32 to index
        %get3A_442 = arith.constant 0 : index
        %get3A_443 = tpu.vector_load %arg23[%get3A_441, %get3A_442] {strides = array<i32>} : memref<128x128xf32, #tpu.memory_space<vmem>>, vector<16xf32>,
        %mul3A_444 = arith.mulf %get3A_443, %gather3A_440 : vector<16xf32>
        %swap3A_445 = arith.index_cast %add3A_419 : i32 to index
        %swap3A_446 = arith.constant 0 : index
        %swap3A_447 = tpu.vector_load %arg23[%swap3A_445, %swap3A_446] {strides = array<i32>} : memref<128x128xf32, #tpu.memory_space<vmem>>, vector<16xf32>,
        tpu.vector_store %arg23[%swap3A_445, %swap3A_446], %mul3A_444 {strides = array<i32>} : memref<128x128xf32, #tpu.memory_space<vmem>>, vector<16xf32>,
        %broadcast_in_dim3A_448 = arith.constant 1 : i32
        %broadcast_in_dim3A_449 = vector.broadcast %broadcast_in_dim3A_448 : i32 to vector<16x1xi32>
        %gather3A_450 = vector.shape_cast %broadcast_in_dim3A_449 : vector<16x1xi32> to vector<16xi32>
        %gather3A_451 = tpu.dynamic_gather %div3A_433[%gather3A_450] in [0] : vector<16xf32>, vector<16xi32> -> vector<16xf32>
        %get3A_452 = arith.index_cast %add3A_419 : i32 to index
        %get3A_453 = arith.constant 16 : index
        %get3A_454 = tpu.vector_load %arg23[%get3A_452, %get3A_453] {strides = array<i32>} : memref<128x128xf32, #tpu.memory_space<vmem>>, vector<16xf32>,
        %mul3A_455 = arith.mulf %get3A_454, %gather3A_451 : vector<16xf32>
        %swap3A_456 = arith.index_cast %add3A_419 : i32 to index
        %swap3A_457 = arith.constant 16 : index
        %swap3A_458 = tpu.vector_load %arg23[%swap3A_456, %swap3A_457] {strides = array<i32>} : memref<128x128xf32, #tpu.memory_space<vmem>>, vector<16xf32>,
        tpu.vector_store %arg23[%swap3A_456, %swap3A_457], %mul3A_455 {strides = array<i32>} : memref<128x128xf32, #tpu.memory_space<vmem>>, vector<16xf32>,
        %broadcast_in_dim3A_459 = arith.constant 2 : i32
        %broadcast_in_dim3A_460 = vector.broadcast %broadcast_in_dim3A_459 : i32 to vector<16x1xi32>
        %gather3A_461 = vector.shape_cast %broadcast_in_dim3A_460 : vector<16x1xi32> to vector<16xi32>
        %gather3A_462 = tpu.dynamic_gather %div3A_433[%gather3A_461] in [0] : vector<16xf32>, vector<16xi32> -> vector<16xf32>
        %get3A_463 = arith.index_cast %add3A_419 : i32 to index
        %get3A_464 = arith.constant 32 : index
        %get3A_465 = tpu.vector_load %arg23[%get3A_463, %get3A_464] {strides = array<i32>} : memref<128x128xf32, #tpu.memory_space<vmem>>, vector<16xf32>,
        %mul3A_466 = arith.mulf %get3A_465, %gather3A_462 : vector<16xf32>
        %swap3A_467 = arith.index_cast %add3A_419 : i32 to index
        %swap3A_468 = arith.constant 32 : index
        %swap3A_469 = tpu.vector_load %arg23[%swap3A_467, %swap3A_468] {strides = array<i32>} : memref<128x128xf32, #tpu.memory_space<vmem>>, vector<16xf32>,
        tpu.vector_store %arg23[%swap3A_467, %swap3A_468], %mul3A_466 {strides = array<i32>} : memref<128x128xf32, #tpu.memory_space<vmem>>, vector<16xf32>,
        %broadcast_in_dim3A_470 = arith.constant 3 : i32
        %broadcast_in_dim3A_471 = vector.broadcast %broadcast_in_dim3A_470 : i32 to vector<16x1xi32>
        %gather3A_472 = vector.shape_cast %broadcast_in_dim3A_471 : vector<16x1xi32> to vector<16xi32>
        %gather3A_473 = tpu.dynamic_gather %div3A_433[%gather3A_472] in [0] : vector<16xf32>, vector<16xi32> -> vector<16xf32>
        %get3A_474 = arith.index_cast %add3A_419 : i32 to index
        %get3A_475 = arith.constant 48 : index
        %get3A_476 = tpu.vector_load %arg23[%get3A_474, %get3A_475] {strides = array<i32>} : memref<128x128xf32, #tpu.memory_space<vmem>>, vector<16xf32>,
        %mul3A_477 = arith.mulf %get3A_476, %gather3A_473 : vector<16xf32>
        %swap3A_478 = arith.index_cast %add3A_419 : i32 to index
        %swap3A_479 = arith.constant 48 : index
        %swap3A_480 = tpu.vector_load %arg23[%swap3A_478, %swap3A_479] {strides = array<i32>} : memref<128x128xf32, #tpu.memory_space<vmem>>, vector<16xf32>,
        tpu.vector_store %arg23[%swap3A_478, %swap3A_479], %mul3A_477 {strides = array<i32>} : memref<128x128xf32, #tpu.memory_space<vmem>>, vector<16xf32>,
        %broadcast_in_dim3A_481 = arith.constant 4 : i32
        %broadcast_in_dim3A_482 = vector.broadcast %broadcast_in_dim3A_481 : i32 to vector<16x1xi32>
        %gather3A_483 = vector.shape_cast %broadcast_in_dim3A_482 : vector<16x1xi32> to vector<16xi32>
        %gather3A_484 = tpu.dynamic_gather %div3A_433[%gather3A_483] in [0] : vector<16xf32>, vector<16xi32> -> vector<16xf32>
        %get3A_485 = arith.index_cast %add3A_419 : i32 to index
        %get3A_486 = arith.constant 64 : index
        %get3A_487 = tpu.vector_load %arg23[%get3A_485, %get3A_486] {strides = array<i32>} : memref<128x128xf32, #tpu.memory_space<vmem>>, vector<16xf32>,
        %mul3A_488 = arith.mulf %get3A_487, %gather3A_484 : vector<16xf32>
        %swap3A_489 = arith.index_cast %add3A_419 : i32 to index
        %swap3A_490 = arith.constant 64 : index
        %swap3A_491 = tpu.vector_load %arg23[%swap3A_489, %swap3A_490] {strides = array<i32>} : memref<128x128xf32, #tpu.memory_space<vmem>>, vector<16xf32>,
        tpu.vector_store %arg23[%swap3A_489, %swap3A_490], %mul3A_488 {strides = array<i32>} : memref<128x128xf32, #tpu.memory_space<vmem>>, vector<16xf32>,
        %broadcast_in_dim3A_492 = arith.constant 5 : i32
        %broadcast_in_dim3A_493 = vector.broadcast %broadcast_in_dim3A_492 : i32 to vector<16x1xi32>
        %gather3A_494 = vector.shape_cast %broadcast_in_dim3A_493 : vector<16x1xi32> to vector<16xi32>
        %gather3A_495 = tpu.dynamic_gather %div3A_433[%gather3A_494] in [0] : vector<16xf32>, vector<16xi32> -> vector<16xf32>
        %get3A_496 = arith.index_cast %add3A_419 : i32 to index
        %get3A_497 = arith.constant 80 : index
        %get3A_498 = tpu.vector_load %arg23[%get3A_496, %get3A_497] {strides = array<i32>} : memref<128x128xf32, #tpu.memory_space<vmem>>, vector<16xf32>,
        %mul3A_499 = arith.mulf %get3A_498, %gather3A_495 : vector<16xf32>
        %swap3A_500 = arith.index_cast %add3A_419 : i32 to index
        %swap3A_501 = arith.constant 80 : index
        %swap3A_502 = tpu.vector_load %arg23[%swap3A_500, %swap3A_501] {strides = array<i32>} : memref<128x128xf32, #tpu.memory_space<vmem>>, vector<16xf32>,
        tpu.vector_store %arg23[%swap3A_500, %swap3A_501], %mul3A_499 {strides = array<i32>} : memref<128x128xf32, #tpu.memory_space<vmem>>, vector<16xf32>,
        %broadcast_in_dim3A_503 = arith.constant 6 : i32
        %broadcast_in_dim3A_504 = vector.broadcast %broadcast_in_dim3A_503 : i32 to vector<16x1xi32>
        %gather3A_505 = vector.shape_cast %broadcast_in_dim3A_504 : vector<16x1xi32> to vector<16xi32>
        %gather3A_506 = tpu.dynamic_gather %div3A_433[%gather3A_505] in [0] : vector<16xf32>, vector<16xi32> -> vector<16xf32>
        %get3A_507 = arith.index_cast %add3A_419 : i32 to index
        %get3A_508 = arith.constant 96 : index
        %get3A_509 = tpu.vector_load %arg23[%get3A_507, %get3A_508] {strides = array<i32>} : memref<128x128xf32, #tpu.memory_space<vmem>>, vector<16xf32>,
        %mul3A_510 = arith.mulf %get3A_509, %gather3A_506 : vector<16xf32>
        %swap3A_511 = arith.index_cast %add3A_419 : i32 to index
        %swap3A_512 = arith.constant 96 : index
        %swap3A_513 = tpu.vector_load %arg23[%swap3A_511, %swap3A_512] {strides = array<i32>} : memref<128x128xf32, #tpu.memory_space<vmem>>, vector<16xf32>,
        tpu.vector_store %arg23[%swap3A_511, %swap3A_512], %mul3A_510 {strides = array<i32>} : memref<128x128xf32, #tpu.memory_space<vmem>>, vector<16xf32>,
        %broadcast_in_dim3A_514 = arith.constant 7 : i32
        %broadcast_in_dim3A_515 = vector.broadcast %broadcast_in_dim3A_514 : i32 to vector<16x1xi32>
        %gather3A_516 = vector.shape_cast %broadcast_in_dim3A_515 : vector<16x1xi32> to vector<16xi32>
        %gather3A_517 = tpu.dynamic_gather %div3A_433[%gather3A_516] in [0] : vector<16xf32>, vector<16xi32> -> vector<16xf32>
        %get3A_518 = arith.index_cast %add3A_419 : i32 to index
        %get3A_519 = arith.constant 112 : index
        %get3A_520 = tpu.vector_load %arg23[%get3A_518, %get3A_519] {strides = array<i32>} : memref<128x128xf32, #tpu.memory_space<vmem>>, vector<16xf32>,
        %mul3A_521 = arith.mulf %get3A_520, %gather3A_517 : vector<16xf32>
        %swap3A_522 = arith.index_cast %add3A_419 : i32 to index
        %swap3A_523 = arith.constant 112 : index
        %swap3A_524 = tpu.vector_load %arg23[%swap3A_522, %swap3A_523] {strides = array<i32>} : memref<128x128xf32, #tpu.memory_space<vmem>>, vector<16xf32>,
        tpu.vector_store %arg23[%swap3A_522, %swap3A_523], %mul3A_521 {strides = array<i32>} : memref<128x128xf32, #tpu.memory_space<vmem>>, vector<16xf32>,
        %mul3A_525 = arith.constant 8 : i32
        %mul3A_526 = arith.muli %mul3A_525, %add3A_308 : i32
        %add3A_527 = arith.constant 2 : i32
        %add3A_528 = arith.addi %mul3A_526, %add3A_527 : i32
        %get3A_529 = arith.index_cast %add3A_528 : i32 to index
        %get3A_530 = arith.constant 0 : index
        %get3A_531 = tpu.vector_load %arg19[%get3A_529, %get3A_530] {strides = array<i32>} : memref<128x16xf32, #tpu.memory_space<vmem>>, vector<16xf32>,
        %get3A_532 = arith.index_cast %add3A_528 : i32 to index
        %get3A_533 = arith.constant 0 : index
        %get3A_534 = tpu.vector_load %arg21[%get3A_532, %get3A_533] {strides = array<i32>} : memref<128x16xf32, #tpu.memory_space<vmem>>, vector<16xf32>,
        %add3A_535 = arith.addf %get3A_531, %get3A_534 : vector<16xf32>
        %add3A_536 = arith.constant 1.000000e-16 : f32
        %add3A_537 = vector.broadcast %add3A_536 : f32 to vector<16xf32>
        %add3A_538 = arith.addf %add3A_535, %add3A_537 : vector<16xf32>
        %get3A_539 = arith.index_cast %add3A_308 : i32 to index
        %get3A_540 = arith.constant 32 : index
        %get3A_541 = tpu.vector_load %arg17[%get3A_539, %get3A_540] {strides = array<i32>} : memref<16x128xf32, #tpu.memory_space<vmem>>, vector<16xf32>,
        %div3A_542 = arith.divf %get3A_541, %add3A_538 : vector<16xf32>
        %swap3A_543 = arith.index_cast %add3A_308 : i32 to index
        %swap3A_544 = arith.constant 32 : index
        %swap3A_545 = tpu.vector_load %arg17[%swap3A_543, %swap3A_544] {strides = array<i32>} : memref<16x128xf32, #tpu.memory_space<vmem>>, vector<16xf32>,
        tpu.vector_store %arg17[%swap3A_543, %swap3A_544], %div3A_542 {strides = array<i32>} : memref<16x128xf32, #tpu.memory_space<vmem>>, vector<16xf32>,
        %broadcast_in_dim3A_546 = arith.constant 0 : i32
        %broadcast_in_dim3A_547 = vector.broadcast %broadcast_in_dim3A_546 : i32 to vector<16x1xi32>
        %gather3A_548 = vector.shape_cast %broadcast_in_dim3A_547 : vector<16x1xi32> to vector<16xi32>
        %gather3A_549 = tpu.dynamic_gather %div3A_542[%gather3A_548] in [0] : vector<16xf32>, vector<16xi32> -> vector<16xf32>
        %get3A_550 = arith.index_cast %add3A_528 : i32 to index
        %get3A_551 = arith.constant 0 : index
        %get3A_552 = tpu.vector_load %arg23[%get3A_550, %get3A_551] {strides = array<i32>} : memref<128x128xf32, #tpu.memory_space<vmem>>, vector<16xf32>,
        %mul3A_553 = arith.mulf %get3A_552, %gather3A_549 : vector<16xf32>
        %swap3A_554 = arith.index_cast %add3A_528 : i32 to index
        %swap3A_555 = arith.constant 0 : index
        %swap3A_556 = tpu.vector_load %arg23[%swap3A_554, %swap3A_555] {strides = array<i32>} : memref<128x128xf32, #tpu.memory_space<vmem>>, vector<16xf32>,
        tpu.vector_store %arg23[%swap3A_554, %swap3A_555], %mul3A_553 {strides = array<i32>} : memref<128x128xf32, #tpu.memory_space<vmem>>, vector<16xf32>,
        %broadcast_in_dim3A_557 = arith.constant 1 : i32
        %broadcast_in_dim3A_558 = vector.broadcast %broadcast_in_dim3A_557 : i32 to vector<16x1xi32>
        %gather3A_559 = vector.shape_cast %broadcast_in_dim3A_558 : vector<16x1xi32> to vector<16xi32>
        %gather3A_560 = tpu.dynamic_gather %div3A_542[%gather3A_559] in [0] : vector<16xf32>, vector<16xi32> -> vector<16xf32>
        %get3A_561 = arith.index_cast %add3A_528 : i32 to index
        %get3A_562 = arith.constant 16 : index
        %get3A_563 = tpu.vector_load %arg23[%get3A_561, %get3A_562] {strides = array<i32>} : memref<128x128xf32, #tpu.memory_space<vmem>>, vector<16xf32>,
        %mul3A_564 = arith.mulf %get3A_563, %gather3A_560 : vector<16xf32>
        %swap3A_565 = arith.index_cast %add3A_528 : i32 to index
        %swap3A_566 = arith.constant 16 : index
        %swap3A_567 = tpu.vector_load %arg23[%swap3A_565, %swap3A_566] {strides = array<i32>} : memref<128x128xf32, #tpu.memory_space<vmem>>, vector<16xf32>,
        tpu.vector_store %arg23[%swap3A_565, %swap3A_566], %mul3A_564 {strides = array<i32>} : memref<128x128xf32, #tpu.memory_space<vmem>>, vector<16xf32>,
        %broadcast_in_dim3A_568 = arith.constant 2 : i32
        %broadcast_in_dim3A_569 = vector.broadcast %broadcast_in_dim3A_568 : i32 to vector<16x1xi32>
        %gather3A_570 = vector.shape_cast %broadcast_in_dim3A_569 : vector<16x1xi32> to vector<16xi32>
        %gather3A_571 = tpu.dynamic_gather %div3A_542[%gather3A_570] in [0] : vector<16xf32>, vector<16xi32> -> vector<16xf32>
        %get3A_572 = arith.index_cast %add3A_528 : i32 to index
        %get3A_573 = arith.constant 32 : index
        %get3A_574 = tpu.vector_load %arg23[%get3A_572, %get3A_573] {strides = array<i32>} : memref<128x128xf32, #tpu.memory_space<vmem>>, vector<16xf32>,
        %mul3A_575 = arith.mulf %get3A_574, %gather3A_571 : vector<16xf32>
        %swap3A_576 = arith.index_cast %add3A_528 : i32 to index
        %swap3A_577 = arith.constant 32 : index
        %swap3A_578 = tpu.vector_load %arg23[%swap3A_576, %swap3A_577] {strides = array<i32>} : memref<128x128xf32, #tpu.memory_space<vmem>>, vector<16xf32>,
        tpu.vector_store %arg23[%swap3A_576, %swap3A_577], %mul3A_575 {strides = array<i32>} : memref<128x128xf32, #tpu.memory_space<vmem>>, vector<16xf32>,
        %broadcast_in_dim3A_579 = arith.constant 3 : i32
        %broadcast_in_dim3A_580 = vector.broadcast %broadcast_in_dim3A_579 : i32 to vector<16x1xi32>
        %gather3A_581 = vector.shape_cast %broadcast_in_dim3A_580 : vector<16x1xi32> to vector<16xi32>
        %gather3A_582 = tpu.dynamic_gather %div3A_542[%gather3A_581] in [0] : vector<16xf32>, vector<16xi32> -> vector<16xf32>
        %get3A_583 = arith.index_cast %add3A_528 : i32 to index
        %get3A_584 = arith.constant 48 : index
        %get3A_585 = tpu.vector_load %arg23[%get3A_583, %get3A_584] {strides = array<i32>} : memref<128x128xf32, #tpu.memory_space<vmem>>, vector<16xf32>,
        %mul3A_586 = arith.mulf %get3A_585, %gather3A_582 : vector<16xf32>
        %swap3A_587 = arith.index_cast %add3A_528 : i32 to index
        %swap3A_588 = arith.constant 48 : index
        %swap3A_589 = tpu.vector_load %arg23[%swap3A_587, %swap3A_588] {strides = array<i32>} : memref<128x128xf32, #tpu.memory_space<vmem>>, vector<16xf32>,
        tpu.vector_store %arg23[%swap3A_587, %swap3A_588], %mul3A_586 {strides = array<i32>} : memref<128x128xf32, #tpu.memory_space<vmem>>, vector<16xf32>,
        %broadcast_in_dim3A_590 = arith.constant 4 : i32
        %broadcast_in_dim3A_591 = vector.broadcast %broadcast_in_dim3A_590 : i32 to vector<16x1xi32>
        %gather3A_592 = vector.shape_cast %broadcast_in_dim3A_591 : vector<16x1xi32> to vector<16xi32>
        %gather3A_593 = tpu.dynamic_gather %div3A_542[%gather3A_592] in [0] : vector<16xf32>, vector<16xi32> -> vector<16xf32>
        %get3A_594 = arith.index_cast %add3A_528 : i32 to index
        %get3A_595 = arith.constant 64 : index
        %get3A_596 = tpu.vector_load %arg23[%get3A_594, %get3A_595] {strides = array<i32>} : memref<128x128xf32, #tpu.memory_space<vmem>>, vector<16xf32>,
        %mul3A_597 = arith.mulf %get3A_596, %gather3A_593 : vector<16xf32>
        %swap3A_598 = arith.index_cast %add3A_528 : i32 to index
        %swap3A_599 = arith.constant 64 : index
        %swap3A_600 = tpu.vector_load %arg23[%swap3A_598, %swap3A_599] {strides = array<i32>} : memref<128x128xf32, #tpu.memory_space<vmem>>, vector<16xf32>,
        tpu.vector_store %arg23[%swap3A_598, %swap3A_599], %mul3A_597 {strides = array<i32>} : memref<128x128xf32, #tpu.memory_space<vmem>>, vector<16xf32>,
        %broadcast_in_dim3A_601 = arith.constant 5 : i32
        %broadcast_in_dim3A_602 = vector.broadcast %broadcast_in_dim3A_601 : i32 to vector<16x1xi32>
        %gather3A_603 = vector.shape_cast %broadcast_in_dim3A_602 : vector<16x1xi32> to vector<16xi32>
        %gather3A_604 = tpu.dynamic_gather %div3A_542[%gather3A_603] in [0] : vector<16xf32>, vector<16xi32> -> vector<16xf32>
        %get3A_605 = arith.index_cast %add3A_528 : i32 to index
        %get3A_606 = arith.constant 80 : index
        %get3A_607 = tpu.vector_load %arg23[%get3A_605, %get3A_606] {strides = array<i32>} : memref<128x128xf32, #tpu.memory_space<vmem>>, vector<16xf32>,
        %mul3A_608 = arith.mulf %get3A_607, %gather3A_604 : vector<16xf32>
        %swap3A_609 = arith.index_cast %add3A_528 : i32 to index
        %swap3A_610 = arith.constant 80 : index
        %swap3A_611 = tpu.vector_load %arg23[%swap3A_609, %swap3A_610] {strides = array<i32>} : memref<128x128xf32, #tpu.memory_space<vmem>>, vector<16xf32>,
        tpu.vector_store %arg23[%swap3A_609, %swap3A_610], %mul3A_608 {strides = array<i32>} : memref<128x128xf32, #tpu.memory_space<vmem>>, vector<16xf32>,
        %broadcast_in_dim3A_612 = arith.constant 6 : i32
        %broadcast_in_dim3A_613 = vector.broadcast %broadcast_in_dim3A_612 : i32 to vector<16x1xi32>
        %gather3A_614 = vector.shape_cast %broadcast_in_dim3A_613 : vector<16x1xi32> to vector<16xi32>
        %gather3A_615 = tpu.dynamic_gather %div3A_542[%gather3A_614] in [0] : vector<16xf32>, vector<16xi32> -> vector<16xf32>
        %get3A_616 = arith.index_cast %add3A_528 : i32 to index
        %get3A_617 = arith.constant 96 : index
        %get3A_618 = tpu.vector_load %arg23[%get3A_616, %get3A_617] {strides = array<i32>} : memref<128x128xf32, #tpu.memory_space<vmem>>, vector<16xf32>,
        %mul3A_619 = arith.mulf %get3A_618, %gather3A_615 : vector<16xf32>
        %swap3A_620 = arith.index_cast %add3A_528 : i32 to index
        %swap3A_621 = arith.constant 96 : index
        %swap3A_622 = tpu.vector_load %arg23[%swap3A_620, %swap3A_621] {strides = array<i32>} : memref<128x128xf32, #tpu.memory_space<vmem>>, vector<16xf32>,
        tpu.vector_store %arg23[%swap3A_620, %swap3A_621], %mul3A_619 {strides = array<i32>} : memref<128x128xf32, #tpu.memory_space<vmem>>, vector<16xf32>,
        %broadcast_in_dim3A_623 = arith.constant 7 : i32
        %broadcast_in_dim3A_624 = vector.broadcast %broadcast_in_dim3A_623 : i32 to vector<16x1xi32>
        %gather3A_625 = vector.shape_cast %broadcast_in_dim3A_624 : vector<16x1xi32> to vector<16xi32>
        %gather3A_626 = tpu.dynamic_gather %div3A_542[%gather3A_625] in [0] : vector<16xf32>, vector<16xi32> -> vector<16xf32>
        %get3A_627 = arith.index_cast %add3A_528 : i32 to index
        %get3A_628 = arith.constant 112 : index
        %get3A_629 = tpu.vector_load %arg23[%get3A_627, %get3A_628] {strides = array<i32>} : memref<128x128xf32, #tpu.memory_space<vmem>>, vector<16xf32>,
        %mul3A_630 = arith.mulf %get3A_629, %gather3A_626 : vector<16xf32>
        %swap3A_631 = arith.index_cast %add3A_528 : i32 to index
        %swap3A_632 = arith.constant 112 : index
        %swap3A_633 = tpu.vector_load %arg23[%swap3A_631, %swap3A_632] {strides = array<i32>} : memref<128x128xf32, #tpu.memory_space<vmem>>, vector<16xf32>,
        tpu.vector_store %arg23[%swap3A_631, %swap3A_632], %mul3A_630 {strides = array<i32>} : memref<128x128xf32, #tpu.memory_space<vmem>>, vector<16xf32>,
        %mul3A_634 = arith.constant 8 : i32
        %mul3A_635 = arith.muli %mul3A_634, %add3A_308 : i32
        %add3A_636 = arith.constant 3 : i32
        %add3A_637 = arith.addi %mul3A_635, %add3A_636 : i32
        %get3A_638 = arith.index_cast %add3A_637 : i32 to index
        %get3A_639 = arith.constant 0 : index
        %get3A_640 = tpu.vector_load %arg19[%get3A_638, %get3A_639] {strides = array<i32>} : memref<128x16xf32, #tpu.memory_space<vmem>>, vector<16xf32>,
        %get3A_641 = arith.index_cast %add3A_637 : i32 to index
        %get3A_642 = arith.constant 0 : index
        %get3A_643 = tpu.vector_load %arg21[%get3A_641, %get3A_642] {strides = array<i32>} : memref<128x16xf32, #tpu.memory_space<vmem>>, vector<16xf32>,
        %add3A_644 = arith.addf %get3A_640, %get3A_643 : vector<16xf32>
        %add3A_645 = arith.constant 1.000000e-16 : f32
        %add3A_646 = vector.broadcast %add3A_645 : f32 to vector<16xf32>
        %add3A_647 = arith.addf %add3A_644, %add3A_646 : vector<16xf32>
        %get3A_648 = arith.index_cast %add3A_308 : i32 to index
        %get3A_649 = arith.constant 48 : index
        %get3A_650 = tpu.vector_load %arg17[%get3A_648, %get3A_649] {strides = array<i32>} : memref<16x128xf32, #tpu.memory_space<vmem>>, vector<16xf32>,
        %div3A_651 = arith.divf %get3A_650, %add3A_647 : vector<16xf32>
        %swap3A_652 = arith.index_cast %add3A_308 : i32 to index
        %swap3A_653 = arith.constant 48 : index
        %swap3A_654 = tpu.vector_load %arg17[%swap3A_652, %swap3A_653] {strides = array<i32>} : memref<16x128xf32, #tpu.memory_space<vmem>>, vector<16xf32>,
        tpu.vector_store %arg17[%swap3A_652, %swap3A_653], %div3A_651 {strides = array<i32>} : memref<16x128xf32, #tpu.memory_space<vmem>>, vector<16xf32>,
        %broadcast_in_dim3A_655 = arith.constant 0 : i32
        %broadcast_in_dim3A_656 = vector.broadcast %broadcast_in_dim3A_655 : i32 to vector<16x1xi32>
        %gather3A_657 = vector.shape_cast %broadcast_in_dim3A_656 : vector<16x1xi32> to vector<16xi32>
        %gather3A_658 = tpu.dynamic_gather %div3A_651[%gather3A_657] in [0] : vector<16xf32>, vector<16xi32> -> vector<16xf32>
        %get3A_659 = arith.index_cast %add3A_637 : i32 to index
        %get3A_660 = arith.constant 0 : index
        %get3A_661 = tpu.vector_load %arg23[%get3A_659, %get3A_660] {strides = array<i32>} : memref<128x128xf32, #tpu.memory_space<vmem>>, vector<16xf32>,
        %mul3A_662 = arith.mulf %get3A_661, %gather3A_658 : vector<16xf32>
        %swap3A_663 = arith.index_cast %add3A_637 : i32 to index
        %swap3A_664 = arith.constant 0 : index
        %swap3A_665 = tpu.vector_load %arg23[%swap3A_663, %swap3A_664] {strides = array<i32>} : memref<128x128xf32, #tpu.memory_space<vmem>>, vector<16xf32>,
        tpu.vector_store %arg23[%swap3A_663, %swap3A_664], %mul3A_662 {strides = array<i32>} : memref<128x128xf32, #tpu.memory_space<vmem>>, vector<16xf32>,
        %broadcast_in_dim3A_666 = arith.constant 1 : i32
        %broadcast_in_dim3A_667 = vector.broadcast %broadcast_in_dim3A_666 : i32 to vector<16x1xi32>
        %gather3A_668 = vector.shape_cast %broadcast_in_dim3A_667 : vector<16x1xi32> to vector<16xi32>
        %gather3A_669 = tpu.dynamic_gather %div3A_651[%gather3A_668] in [0] : vector<16xf32>, vector<16xi32> -> vector<16xf32>
        %get3A_670 = arith.index_cast %add3A_637 : i32 to index
        %get3A_671 = arith.constant 16 : index
        %get3A_672 = tpu.vector_load %arg23[%get3A_670, %get3A_671] {strides = array<i32>} : memref<128x128xf32, #tpu.memory_space<vmem>>, vector<16xf32>,
        %mul3A_673 = arith.mulf %get3A_672, %gather3A_669 : vector<16xf32>
        %swap3A_674 = arith.index_cast %add3A_637 : i32 to index
        %swap3A_675 = arith.constant 16 : index
        %swap3A_676 = tpu.vector_load %arg23[%swap3A_674, %swap3A_675] {strides = array<i32>} : memref<128x128xf32, #tpu.memory_space<vmem>>, vector<16xf32>,
        tpu.vector_store %arg23[%swap3A_674, %swap3A_675], %mul3A_673 {strides = array<i32>} : memref<128x128xf32, #tpu.memory_space<vmem>>, vector<16xf32>,
        %broadcast_in_dim3A_677 = arith.constant 2 : i32
        %broadcast_in_dim3A_678 = vector.broadcast %broadcast_in_dim3A_677 : i32 to vector<16x1xi32>
        %gather3A_679 = vector.shape_cast %broadcast_in_dim3A_678 : vector<16x1xi32> to vector<16xi32>
        %gather3A_680 = tpu.dynamic_gather %div3A_651[%gather3A_679] in [0] : vector<16xf32>, vector<16xi32> -> vector<16xf32>
        %get3A_681 = arith.index_cast %add3A_637 : i32 to index
        %get3A_682 = arith.constant 32 : index
        %get3A_683 = tpu.vector_load %arg23[%get3A_681, %get3A_682] {strides = array<i32>} : memref<128x128xf32, #tpu.memory_space<vmem>>, vector<16xf32>,
        %mul3A_684 = arith.mulf %get3A_683, %gather3A_680 : vector<16xf32>
        %swap3A_685 = arith.index_cast %add3A_637 : i32 to index
        %swap3A_686 = arith.constant 32 : index
        %swap3A_687 = tpu.vector_load %arg23[%swap3A_685, %swap3A_686] {strides = array<i32>} : memref<128x128xf32, #tpu.memory_space<vmem>>, vector<16xf32>,
        tpu.vector_store %arg23[%swap3A_685, %swap3A_686], %mul3A_684 {strides = array<i32>} : memref<128x128xf32, #tpu.memory_space<vmem>>, vector<16xf32>,
        %broadcast_in_dim3A_688 = arith.constant 3 : i32
        %broadcast_in_dim3A_689 = vector.broadcast %broadcast_in_dim3A_688 : i32 to vector<16x1xi32>
        %gather3A_690 = vector.shape_cast %broadcast_in_dim3A_689 : vector<16x1xi32> to vector<16xi32>
        %gather3A_691 = tpu.dynamic_gather %div3A_651[%gather3A_690] in [0] : vector<16xf32>, vector<16xi32> -> vector<16xf32>
        %get3A_692 = arith.index_cast %add3A_637 : i32 to index
        %get3A_693 = arith.constant 48 : index
        %get3A_694 = tpu.vector_load %arg23[%get3A_692, %get3A_693] {strides = array<i32>} : memref<128x128xf32, #tpu.memory_space<vmem>>, vector<16xf32>,
        %mul3A_695 = arith.mulf %get3A_694, %gather3A_691 : vector<16xf32>
        %swap3A_696 = arith.index_cast %add3A_637 : i32 to index
        %swap3A_697 = arith.constant 48 : index
        %swap3A_698 = tpu.vector_load %arg23[%swap3A_696, %swap3A_697] {strides = array<i32>} : memref<128x128xf32, #tpu.memory_space<vmem>>, vector<16xf32>,
        tpu.vector_store %arg23[%swap3A_696, %swap3A_697], %mul3A_695 {strides = array<i32>} : memref<128x128xf32, #tpu.memory_space<vmem>>, vector<16xf32>,
        %broadcast_in_dim3A_699 = arith.constant 4 : i32
        %broadcast_in_dim3A_700 = vector.broadcast %broadcast_in_dim3A_699 : i32 to vector<16x1xi32>
        %gather3A_701 = vector.shape_cast %broadcast_in_dim3A_700 : vector<16x1xi32> to vector<16xi32>
        %gather3A_702 = tpu.dynamic_gather %div3A_651[%gather3A_701] in [0] : vector<16xf32>, vector<16xi32> -> vector<16xf32>
        %get3A_703 = arith.index_cast %add3A_637 : i32 to index
        %get3A_704 = arith.constant 64 : index
        %get3A_705 = tpu.vector_load %arg23[%get3A_703, %get3A_704] {strides = array<i32>} : memref<128x128xf32, #tpu.memory_space<vmem>>, vector<16xf32>,
        %mul3A_706 = arith.mulf %get3A_705, %gather3A_702 : vector<16xf32>
        %swap3A_707 = arith.index_cast %add3A_637 : i32 to index
        %swap3A_708 = arith.constant 64 : index
        %swap3A_709 = tpu.vector_load %arg23[%swap3A_707, %swap3A_708] {strides = array<i32>} : memref<128x128xf32, #tpu.memory_space<vmem>>, vector<16xf32>,
        tpu.vector_store %arg23[%swap3A_707, %swap3A_708], %mul3A_706 {strides = array<i32>} : memref<128x128xf32, #tpu.memory_space<vmem>>, vector<16xf32>,
        %broadcast_in_dim3A_710 = arith.constant 5 : i32
        %broadcast_in_dim3A_711 = vector.broadcast %broadcast_in_dim3A_710 : i32 to vector<16x1xi32>
        %gather3A_712 = vector.shape_cast %broadcast_in_dim3A_711 : vector<16x1xi32> to vector<16xi32>
        %gather3A_713 = tpu.dynamic_gather %div3A_651[%gather3A_712] in [0] : vector<16xf32>, vector<16xi32> -> vector<16xf32>
        %get3A_714 = arith.index_cast %add3A_637 : i32 to index
        %get3A_715 = arith.constant 80 : index
        %get3A_716 = tpu.vector_load %arg23[%get3A_714, %get3A_715] {strides = array<i32>} : memref<128x128xf32, #tpu.memory_space<vmem>>, vector<16xf32>,
        %mul3A_717 = arith.mulf %get3A_716, %gather3A_713 : vector<16xf32>
        %swap3A_718 = arith.index_cast %add3A_637 : i32 to index
        %swap3A_719 = arith.constant 80 : index
        %swap3A_720 = tpu.vector_load %arg23[%swap3A_718, %swap3A_719] {strides = array<i32>} : memref<128x128xf32, #tpu.memory_space<vmem>>, vector<16xf32>,
        tpu.vector_store %arg23[%swap3A_718, %swap3A_719], %mul3A_717 {strides = array<i32>} : memref<128x128xf32, #tpu.memory_space<vmem>>, vector<16xf32>,
        %broadcast_in_dim3A_721 = arith.constant 6 : i32
        %broadcast_in_dim3A_722 = vector.broadcast %broadcast_in_dim3A_721 : i32 to vector<16x1xi32>
        %gather3A_723 = vector.shape_cast %broadcast_in_dim3A_722 : vector<16x1xi32> to vector<16xi32>
        %gather3A_724 = tpu.dynamic_gather %div3A_651[%gather3A_723] in [0] : vector<16xf32>, vector<16xi32> -> vector<16xf32>
        %get3A_725 = arith.index_cast %add3A_637 : i32 to index
        %get3A_726 = arith.constant 96 : index
        %get3A_727 = tpu.vector_load %arg23[%get3A_725, %get3A_726] {strides = array<i32>} : memref<128x128xf32, #tpu.memory_space<vmem>>, vector<16xf32>,
        %mul3A_728 = arith.mulf %get3A_727, %gather3A_724 : vector<16xf32>
        %swap3A_729 = arith.index_cast %add3A_637 : i32 to index
        %swap3A_730 = arith.constant 96 : index
        %swap3A_731 = tpu.vector_load %arg23[%swap3A_729, %swap3A_730] {strides = array<i32>} : memref<128x128xf32, #tpu.memory_space<vmem>>, vector<16xf32>,
        tpu.vector_store %arg23[%swap3A_729, %swap3A_730], %mul3A_728 {strides = array<i32>} : memref<128x128xf32, #tpu.memory_space<vmem>>, vector<16xf32>,
        %broadcast_in_dim3A_732 = arith.constant 7 : i32
        %broadcast_in_dim3A_733 = vector.broadcast %broadcast_in_dim3A_732 : i32 to vector<16x1xi32>
        %gather3A_734 = vector.shape_cast %broadcast_in_dim3A_733 : vector<16x1xi32> to vector<16xi32>
        %gather3A_735 = tpu.dynamic_gather %div3A_651[%gather3A_734] in [0] : vector<16xf32>, vector<16xi32> -> vector<16xf32>
        %get3A_736 = arith.index_cast %add3A_637 : i32 to index
        %get3A_737 = arith.constant 112 : index
        %get3A_738 = tpu.vector_load %arg23[%get3A_736, %get3A_737] {strides = array<i32>} : memref<128x128xf32, #tpu.memory_space<vmem>>, vector<16xf32>,
        %mul3A_739 = arith.mulf %get3A_738, %gather3A_735 : vector<16xf32>
        %swap3A_740 = arith.index_cast %add3A_637 : i32 to index
        %swap3A_741 = arith.constant 112 : index
        %swap3A_742 = tpu.vector_load %arg23[%swap3A_740, %swap3A_741] {strides = array<i32>} : memref<128x128xf32, #tpu.memory_space<vmem>>, vector<16xf32>,
        tpu.vector_store %arg23[%swap3A_740, %swap3A_741], %mul3A_739 {strides = array<i32>} : memref<128x128xf32, #tpu.memory_space<vmem>>, vector<16xf32>,
        %mul3A_743 = arith.constant 8 : i32
        %mul3A_744 = arith.muli %mul3A_743, %add3A_308 : i32
        %add3A_745 = arith.constant 4 : i32
        %add3A_746 = arith.addi %mul3A_744, %add3A_745 : i32
        %get3A_747 = arith.index_cast %add3A_746 : i32 to index
        %get3A_748 = arith.constant 0 : index
        %get3A_749 = tpu.vector_load %arg19[%get3A_747, %get3A_748] {strides = array<i32>} : memref<128x16xf32, #tpu.memory_space<vmem>>, vector<16xf32>,
        %get3A_750 = arith.index_cast %add3A_746 : i32 to index
        %get3A_751 = arith.constant 0 : index
        %get3A_752 = tpu.vector_load %arg21[%get3A_750, %get3A_751] {strides = array<i32>} : memref<128x16xf32, #tpu.memory_space<vmem>>, vector<16xf32>,
        %add3A_753 = arith.addf %get3A_749, %get3A_752 : vector<16xf32>
        %add3A_754 = arith.constant 1.000000e-16 : f32
        %add3A_755 = vector.broadcast %add3A_754 : f32 to vector<16xf32>
        %add3A_756 = arith.addf %add3A_753, %add3A_755 : vector<16xf32>
        %get3A_757 = arith.index_cast %add3A_308 : i32 to index
        %get3A_758 = arith.constant 64 : index
        %get3A_759 = tpu.vector_load %arg17[%get3A_757, %get3A_758] {strides = array<i32>} : memref<16x128xf32, #tpu.memory_space<vmem>>, vector<16xf32>,
        %div3A_760 = arith.divf %get3A_759, %add3A_756 : vector<16xf32>
        %swap3A_761 = arith.index_cast %add3A_308 : i32 to index
        %swap3A_762 = arith.constant 64 : index
        %swap3A_763 = tpu.vector_load %arg17[%swap3A_761, %swap3A_762] {strides = array<i32>} : memref<16x128xf32, #tpu.memory_space<vmem>>, vector<16xf32>,
        tpu.vector_store %arg17[%swap3A_761, %swap3A_762], %div3A_760 {strides = array<i32>} : memref<16x128xf32, #tpu.memory_space<vmem>>, vector<16xf32>,
        %broadcast_in_dim3A_764 = arith.constant 0 : i32
        %broadcast_in_dim3A_765 = vector.broadcast %broadcast_in_dim3A_764 : i32 to vector<16x1xi32>
        %gather3A_766 = vector.shape_cast %broadcast_in_dim3A_765 : vector<16x1xi32> to vector<16xi32>
        %gather3A_767 = tpu.dynamic_gather %div3A_760[%gather3A_766] in [0] : vector<16xf32>, vector<16xi32> -> vector<16xf32>
        %get3A_768 = arith.index_cast %add3A_746 : i32 to index
        %get3A_769 = arith.constant 0 : index
        %get3A_770 = tpu.vector_load %arg23[%get3A_768, %get3A_769] {strides = array<i32>} : memref<128x128xf32, #tpu.memory_space<vmem>>, vector<16xf32>,
        %mul3A_771 = arith.mulf %get3A_770, %gather3A_767 : vector<16xf32>
        %swap3A_772 = arith.index_cast %add3A_746 : i32 to index
        %swap3A_773 = arith.constant 0 : index
        %swap3A_774 = tpu.vector_load %arg23[%swap3A_772, %swap3A_773] {strides = array<i32>} : memref<128x128xf32, #tpu.memory_space<vmem>>, vector<16xf32>,
        tpu.vector_store %arg23[%swap3A_772, %swap3A_773], %mul3A_771 {strides = array<i32>} : memref<128x128xf32, #tpu.memory_space<vmem>>, vector<16xf32>,
        %broadcast_in_dim3A_775 = arith.constant 1 : i32
        %broadcast_in_dim3A_776 = vector.broadcast %broadcast_in_dim3A_775 : i32 to vector<16x1xi32>
        %gather3A_777 = vector.shape_cast %broadcast_in_dim3A_776 : vector<16x1xi32> to vector<16xi32>
        %gather3A_778 = tpu.dynamic_gather %div3A_760[%gather3A_777] in [0] : vector<16xf32>, vector<16xi32> -> vector<16xf32>
        %get3A_779 = arith.index_cast %add3A_746 : i32 to index
        %get3A_780 = arith.constant 16 : index
        %get3A_781 = tpu.vector_load %arg23[%get3A_779, %get3A_780] {strides = array<i32>} : memref<128x128xf32, #tpu.memory_space<vmem>>, vector<16xf32>,
        %mul3A_782 = arith.mulf %get3A_781, %gather3A_778 : vector<16xf32>
        %swap3A_783 = arith.index_cast %add3A_746 : i32 to index
        %swap3A_784 = arith.constant 16 : index
        %swap3A_785 = tpu.vector_load %arg23[%swap3A_783, %swap3A_784] {strides = array<i32>} : memref<128x128xf32, #tpu.memory_space<vmem>>, vector<16xf32>,
        tpu.vector_store %arg23[%swap3A_783, %swap3A_784], %mul3A_782 {strides = array<i32>} : memref<128x128xf32, #tpu.memory_space<vmem>>, vector<16xf32>,
        %broadcast_in_dim3A_786 = arith.constant 2 : i32
        %broadcast_in_dim3A_787 = vector.broadcast %broadcast_in_dim3A_786 : i32 to vector<16x1xi32>
        %gather3A_788 = vector.shape_cast %broadcast_in_dim3A_787 : vector<16x1xi32> to vector<16xi32>
        %gather3A_789 = tpu.dynamic_gather %div3A_760[%gather3A_788] in [0] : vector<16xf32>, vector<16xi32> -> vector<16xf32>
        %get3A_790 = arith.index_cast %add3A_746 : i32 to index
        %get3A_791 = arith.constant 32 : index
        %get3A_792 = tpu.vector_load %arg23[%get3A_790, %get3A_791] {strides = array<i32>} : memref<128x128xf32, #tpu.memory_space<vmem>>, vector<16xf32>,
        %mul3A_793 = arith.mulf %get3A_792, %gather3A_789 : vector<16xf32>
        %swap3A_794 = arith.index_cast %add3A_746 : i32 to index
        %swap3A_795 = arith.constant 32 : index
        %swap3A_796 = tpu.vector_load %arg23[%swap3A_794, %swap3A_795] {strides = array<i32>} : memref<128x128xf32, #tpu.memory_space<vmem>>, vector<16xf32>,
        tpu.vector_store %arg23[%swap3A_794, %swap3A_795], %mul3A_793 {strides = array<i32>} : memref<128x128xf32, #tpu.memory_space<vmem>>, vector<16xf32>,
        %broadcast_in_dim3A_797 = arith.constant 3 : i32
        %broadcast_in_dim3A_798 = vector.broadcast %broadcast_in_dim3A_797 : i32 to vector<16x1xi32>
        %gather3A_799 = vector.shape_cast %broadcast_in_dim3A_798 : vector<16x1xi32> to vector<16xi32>
        %gather3A_800 = tpu.dynamic_gather %div3A_760[%gather3A_799] in [0] : vector<16xf32>, vector<16xi32> -> vector<16xf32>
        %get3A_801 = arith.index_cast %add3A_746 : i32 to index
        %get3A_802 = arith.constant 48 : index
        %get3A_803 = tpu.vector_load %arg23[%get3A_801, %get3A_802] {strides = array<i32>} : memref<128x128xf32, #tpu.memory_space<vmem>>, vector<16xf32>,
        %mul3A_804 = arith.mulf %get3A_803, %gather3A_800 : vector<16xf32>
        %swap3A_805 = arith.index_cast %add3A_746 : i32 to index
        %swap3A_806 = arith.constant 48 : index
        %swap3A_807 = tpu.vector_load %arg23[%swap3A_805, %swap3A_806] {strides = array<i32>} : memref<128x128xf32, #tpu.memory_space<vmem>>, vector<16xf32>,
        tpu.vector_store %arg23[%swap3A_805, %swap3A_806], %mul3A_804 {strides = array<i32>} : memref<128x128xf32, #tpu.memory_space<vmem>>, vector<16xf32>,
        %broadcast_in_dim3A_808 = arith.constant 4 : i32
        %broadcast_in_dim3A_809 = vector.broadcast %broadcast_in_dim3A_808 : i32 to vector<16x1xi32>
        %gather3A_810 = vector.shape_cast %broadcast_in_dim3A_809 : vector<16x1xi32> to vector<16xi32>
        %gather3A_811 = tpu.dynamic_gather %div3A_760[%gather3A_810] in [0] : vector<16xf32>, vector<16xi32> -> vector<16xf32>
        %get3A_812 = arith.index_cast %add3A_746 : i32 to index
        %get3A_813 = arith.constant 64 : index
        %get3A_814 = tpu.vector_load %arg23[%get3A_812, %get3A_813] {strides = array<i32>} : memref<128x128xf32, #tpu.memory_space<vmem>>, vector<16xf32>,
        %mul3A_815 = arith.mulf %get3A_814, %gather3A_811 : vector<16xf32>
        %swap3A_816 = arith.index_cast %add3A_746 : i32 to index
        %swap3A_817 = arith.constant 64 : index
        %swap3A_818 = tpu.vector_load %arg23[%swap3A_816, %swap3A_817] {strides = array<i32>} : memref<128x128xf32, #tpu.memory_space<vmem>>, vector<16xf32>,
        tpu.vector_store %arg23[%swap3A_816, %swap3A_817], %mul3A_815 {strides = array<i32>} : memref<128x128xf32, #tpu.memory_space<vmem>>, vector<16xf32>,
        %broadcast_in_dim3A_819 = arith.constant 5 : i32
        %broadcast_in_dim3A_820 = vector.broadcast %broadcast_in_dim3A_819 : i32 to vector<16x1xi32>
        %gather3A_821 = vector.shape_cast %broadcast_in_dim3A_820 : vector<16x1xi32> to vector<16xi32>
        %gather3A_822 = tpu.dynamic_gather %div3A_760[%gather3A_821] in [0] : vector<16xf32>, vector<16xi32> -> vector<16xf32>
        %get3A_823 = arith.index_cast %add3A_746 : i32 to index
        %get3A_824 = arith.constant 80 : index
        %get3A_825 = tpu.vector_load %arg23[%get3A_823, %get3A_824] {strides = array<i32>} : memref<128x128xf32, #tpu.memory_space<vmem>>, vector<16xf32>,
        %mul3A_826 = arith.mulf %get3A_825, %gather3A_822 : vector<16xf32>
        %swap3A_827 = arith.index_cast %add3A_746 : i32 to index
        %swap3A_828 = arith.constant 80 : index
        %swap3A_829 = tpu.vector_load %arg23[%swap3A_827, %swap3A_828] {strides = array<i32>} : memref<128x128xf32, #tpu.memory_space<vmem>>, vector<16xf32>,
        tpu.vector_store %arg23[%swap3A_827, %swap3A_828], %mul3A_826 {strides = array<i32>} : memref<128x128xf32, #tpu.memory_space<vmem>>, vector<16xf32>,
        %broadcast_in_dim3A_830 = arith.constant 6 : i32
        %broadcast_in_dim3A_831 = vector.broadcast %broadcast_in_dim3A_830 : i32 to vector<16x1xi32>
        %gather3A_832 = vector.shape_cast %broadcast_in_dim3A_831 : vector<16x1xi32> to vector<16xi32>
        %gather3A_833 = tpu.dynamic_gather %div3A_760[%gather3A_832] in [0] : vector<16xf32>, vector<16xi32> -> vector<16xf32>
        %get3A_834 = arith.index_cast %add3A_746 : i32 to index
        %get3A_835 = arith.constant 96 : index
        %get3A_836 = tpu.vector_load %arg23[%get3A_834, %get3A_835] {strides = array<i32>} : memref<128x128xf32, #tpu.memory_space<vmem>>, vector<16xf32>,
        %mul3A_837 = arith.mulf %get3A_836, %gather3A_833 : vector<16xf32>
        %swap3A_838 = arith.index_cast %add3A_746 : i32 to index
        %swap3A_839 = arith.constant 96 : index
        %swap3A_840 = tpu.vector_load %arg23[%swap3A_838, %swap3A_839] {strides = array<i32>} : memref<128x128xf32, #tpu.memory_space<vmem>>, vector<16xf32>,
        tpu.vector_store %arg23[%swap3A_838, %swap3A_839], %mul3A_837 {strides = array<i32>} : memref<128x128xf32, #tpu.memory_space<vmem>>, vector<16xf32>,
        %broadcast_in_dim3A_841 = arith.constant 7 : i32
        %broadcast_in_dim3A_842 = vector.broadcast %broadcast_in_dim3A_841 : i32 to vector<16x1xi32>
        %gather3A_843 = vector.shape_cast %broadcast_in_dim3A_842 : vector<16x1xi32> to vector<16xi32>
        %gather3A_844 = tpu.dynamic_gather %div3A_760[%gather3A_843] in [0] : vector<16xf32>, vector<16xi32> -> vector<16xf32>
        %get3A_845 = arith.index_cast %add3A_746 : i32 to index
        %get3A_846 = arith.constant 112 : index
        %get3A_847 = tpu.vector_load %arg23[%get3A_845, %get3A_846] {strides = array<i32>} : memref<128x128xf32, #tpu.memory_space<vmem>>, vector<16xf32>,
        %mul3A_848 = arith.mulf %get3A_847, %gather3A_844 : vector<16xf32>
        %swap3A_849 = arith.index_cast %add3A_746 : i32 to index
        %swap3A_850 = arith.constant 112 : index
        %swap3A_851 = tpu.vector_load %arg23[%swap3A_849, %swap3A_850] {strides = array<i32>} : memref<128x128xf32, #tpu.memory_space<vmem>>, vector<16xf32>,
        tpu.vector_store %arg23[%swap3A_849, %swap3A_850], %mul3A_848 {strides = array<i32>} : memref<128x128xf32, #tpu.memory_space<vmem>>, vector<16xf32>,
        %mul3A_852 = arith.constant 8 : i32
        %mul3A_853 = arith.muli %mul3A_852, %add3A_308 : i32
        %add3A_854 = arith.constant 5 : i32
        %add3A_855 = arith.addi %mul3A_853, %add3A_854 : i32
        %get3A_856 = arith.index_cast %add3A_855 : i32 to index
        %get3A_857 = arith.constant 0 : index
        %get3A_858 = tpu.vector_load %arg19[%get3A_856, %get3A_857] {strides = array<i32>} : memref<128x16xf32, #tpu.memory_space<vmem>>, vector<16xf32>,
        %get3A_859 = arith.index_cast %add3A_855 : i32 to index
        %get3A_860 = arith.constant 0 : index
        %get3A_861 = tpu.vector_load %arg21[%get3A_859, %get3A_860] {strides = array<i32>} : memref<128x16xf32, #tpu.memory_space<vmem>>, vector<16xf32>,
        %add3A_862 = arith.addf %get3A_858, %get3A_861 : vector<16xf32>
        %add3A_863 = arith.constant 1.000000e-16 : f32
        %add3A_864 = vector.broadcast %add3A_863 : f32 to vector<16xf32>
        %add3A_865 = arith.addf %add3A_862, %add3A_864 : vector<16xf32>
        %get3A_866 = arith.index_cast %add3A_308 : i32 to index
        %get3A_867 = arith.constant 80 : index
        %get3A_868 = tpu.vector_load %arg17[%get3A_866, %get3A_867] {strides = array<i32>} : memref<16x128xf32, #tpu.memory_space<vmem>>, vector<16xf32>,
        %div3A_869 = arith.divf %get3A_868, %add3A_865 : vector<16xf32>
        %swap3A_870 = arith.index_cast %add3A_308 : i32 to index
        %swap3A_871 = arith.constant 80 : index
        %swap3A_872 = tpu.vector_load %arg17[%swap3A_870, %swap3A_871] {strides = array<i32>} : memref<16x128xf32, #tpu.memory_space<vmem>>, vector<16xf32>,
        tpu.vector_store %arg17[%swap3A_870, %swap3A_871], %div3A_869 {strides = array<i32>} : memref<16x128xf32, #tpu.memory_space<vmem>>, vector<16xf32>,
        %broadcast_in_dim3A_873 = arith.constant 0 : i32
        %broadcast_in_dim3A_874 = vector.broadcast %broadcast_in_dim3A_873 : i32 to vector<16x1xi32>
        %gather3A_875 = vector.shape_cast %broadcast_in_dim3A_874 : vector<16x1xi32> to vector<16xi32>
        %gather3A_876 = tpu.dynamic_gather %div3A_869[%gather3A_875] in [0] : vector<16xf32>, vector<16xi32> -> vector<16xf32>
        %get3A_877 = arith.index_cast %add3A_855 : i32 to index
        %get3A_878 = arith.constant 0 : index
        %get3A_879 = tpu.vector_load %arg23[%get3A_877, %get3A_878] {strides = array<i32>} : memref<128x128xf32, #tpu.memory_space<vmem>>, vector<16xf32>,
        %mul3A_880 = arith.mulf %get3A_879, %gather3A_876 : vector<16xf32>
        %swap3A_881 = arith.index_cast %add3A_855 : i32 to index
        %swap3A_882 = arith.constant 0 : index
        %swap3A_883 = tpu.vector_load %arg23[%swap3A_881, %swap3A_882] {strides = array<i32>} : memref<128x128xf32, #tpu.memory_space<vmem>>, vector<16xf32>,
        tpu.vector_store %arg23[%swap3A_881, %swap3A_882], %mul3A_880 {strides = array<i32>} : memref<128x128xf32, #tpu.memory_space<vmem>>, vector<16xf32>,
        %broadcast_in_dim3A_884 = arith.constant 1 : i32
        %broadcast_in_dim3A_885 = vector.broadcast %broadcast_in_dim3A_884 : i32 to vector<16x1xi32>
        %gather3A_886 = vector.shape_cast %broadcast_in_dim3A_885 : vector<16x1xi32> to vector<16xi32>
        %gather3A_887 = tpu.dynamic_gather %div3A_869[%gather3A_886] in [0] : vector<16xf32>, vector<16xi32> -> vector<16xf32>
        %get3A_888 = arith.index_cast %add3A_855 : i32 to index
        %get3A_889 = arith.constant 16 : index
        %get3A_890 = tpu.vector_load %arg23[%get3A_888, %get3A_889] {strides = array<i32>} : memref<128x128xf32, #tpu.memory_space<vmem>>, vector<16xf32>,
        %mul3A_891 = arith.mulf %get3A_890, %gather3A_887 : vector<16xf32>
        %swap3A_892 = arith.index_cast %add3A_855 : i32 to index
        %swap3A_893 = arith.constant 16 : index
        %swap3A_894 = tpu.vector_load %arg23[%swap3A_892, %swap3A_893] {strides = array<i32>} : memref<128x128xf32, #tpu.memory_space<vmem>>, vector<16xf32>,
        tpu.vector_store %arg23[%swap3A_892, %swap3A_893], %mul3A_891 {strides = array<i32>} : memref<128x128xf32, #tpu.memory_space<vmem>>, vector<16xf32>,
        %broadcast_in_dim3A_895 = arith.constant 2 : i32
        %broadcast_in_dim3A_896 = vector.broadcast %broadcast_in_dim3A_895 : i32 to vector<16x1xi32>
        %gather3A_897 = vector.shape_cast %broadcast_in_dim3A_896 : vector<16x1xi32> to vector<16xi32>
        %gather3A_898 = tpu.dynamic_gather %div3A_869[%gather3A_897] in [0] : vector<16xf32>, vector<16xi32> -> vector<16xf32>
        %get3A_899 = arith.index_cast %add3A_855 : i32 to index
        %get3A_900 = arith.constant 32 : index
        %get3A_901 = tpu.vector_load %arg23[%get3A_899, %get3A_900] {strides = array<i32>} : memref<128x128xf32, #tpu.memory_space<vmem>>, vector<16xf32>,
        %mul3A_902 = arith.mulf %get3A_901, %gather3A_898 : vector<16xf32>
        %swap3A_903 = arith.index_cast %add3A_855 : i32 to index
        %swap3A_904 = arith.constant 32 : index
        %swap3A_905 = tpu.vector_load %arg23[%swap3A_903, %swap3A_904] {strides = array<i32>} : memref<128x128xf32, #tpu.memory_space<vmem>>, vector<16xf32>,
        tpu.vector_store %arg23[%swap3A_903, %swap3A_904], %mul3A_902 {strides = array<i32>} : memref<128x128xf32, #tpu.memory_space<vmem>>, vector<16xf32>,
        %broadcast_in_dim3A_906 = arith.constant 3 : i32
        %broadcast_in_dim3A_907 = vector.broadcast %broadcast_in_dim3A_906 : i32 to vector<16x1xi32>
        %gather3A_908 = vector.shape_cast %broadcast_in_dim3A_907 : vector<16x1xi32> to vector<16xi32>
        %gather3A_909 = tpu.dynamic_gather %div3A_869[%gather3A_908] in [0] : vector<16xf32>, vector<16xi32> -> vector<16xf32>
        %get3A_910 = arith.index_cast %add3A_855 : i32 to index
        %get3A_911 = arith.constant 48 : index
        %get3A_912 = tpu.vector_load %arg23[%get3A_910, %get3A_911] {strides = array<i32>} : memref<128x128xf32, #tpu.memory_space<vmem>>, vector<16xf32>,
        %mul3A_913 = arith.mulf %get3A_912, %gather3A_909 : vector<16xf32>
        %swap3A_914 = arith.index_cast %add3A_855 : i32 to index
        %swap3A_915 = arith.constant 48 : index
        %swap3A_916 = tpu.vector_load %arg23[%swap3A_914, %swap3A_915] {strides = array<i32>} : memref<128x128xf32, #tpu.memory_space<vmem>>, vector<16xf32>,
        tpu.vector_store %arg23[%swap3A_914, %swap3A_915], %mul3A_913 {strides = array<i32>} : memref<128x128xf32, #tpu.memory_space<vmem>>, vector<16xf32>,
        %broadcast_in_dim3A_917 = arith.constant 4 : i32
        %broadcast_in_dim3A_918 = vector.broadcast %broadcast_in_dim3A_917 : i32 to vector<16x1xi32>
        %gather3A_919 = vector.shape_cast %broadcast_in_dim3A_918 : vector<16x1xi32> to vector<16xi32>
        %gather3A_920 = tpu.dynamic_gather %div3A_869[%gather3A_919] in [0] : vector<16xf32>, vector<16xi32> -> vector<16xf32>
        %get3A_921 = arith.index_cast %add3A_855 : i32 to index
        %get3A_922 = arith.constant 64 : index
        %get3A_923 = tpu.vector_load %arg23[%get3A_921, %get3A_922] {strides = array<i32>} : memref<128x128xf32, #tpu.memory_space<vmem>>, vector<16xf32>,
        %mul3A_924 = arith.mulf %get3A_923, %gather3A_920 : vector<16xf32>
        %swap3A_925 = arith.index_cast %add3A_855 : i32 to index
        %swap3A_926 = arith.constant 64 : index
        %swap3A_927 = tpu.vector_load %arg23[%swap3A_925, %swap3A_926] {strides = array<i32>} : memref<128x128xf32, #tpu.memory_space<vmem>>, vector<16xf32>,
        tpu.vector_store %arg23[%swap3A_925, %swap3A_926], %mul3A_924 {strides = array<i32>} : memref<128x128xf32, #tpu.memory_space<vmem>>, vector<16xf32>,
        %broadcast_in_dim3A_928 = arith.constant 5 : i32
        %broadcast_in_dim3A_929 = vector.broadcast %broadcast_in_dim3A_928 : i32 to vector<16x1xi32>
        %gather3A_930 = vector.shape_cast %broadcast_in_dim3A_929 : vector<16x1xi32> to vector<16xi32>
        %gather3A_931 = tpu.dynamic_gather %div3A_869[%gather3A_930] in [0] : vector<16xf32>, vector<16xi32> -> vector<16xf32>
        %get3A_932 = arith.index_cast %add3A_855 : i32 to index
        %get3A_933 = arith.constant 80 : index
        %get3A_934 = tpu.vector_load %arg23[%get3A_932, %get3A_933] {strides = array<i32>} : memref<128x128xf32, #tpu.memory_space<vmem>>, vector<16xf32>,
        %mul3A_935 = arith.mulf %get3A_934, %gather3A_931 : vector<16xf32>
        %swap3A_936 = arith.index_cast %add3A_855 : i32 to index
        %swap3A_937 = arith.constant 80 : index
        %swap3A_938 = tpu.vector_load %arg23[%swap3A_936, %swap3A_937] {strides = array<i32>} : memref<128x128xf32, #tpu.memory_space<vmem>>, vector<16xf32>,
        tpu.vector_store %arg23[%swap3A_936, %swap3A_937], %mul3A_935 {strides = array<i32>} : memref<128x128xf32, #tpu.memory_space<vmem>>, vector<16xf32>,
        %broadcast_in_dim3A_939 = arith.constant 6 : i32
        %broadcast_in_dim3A_940 = vector.broadcast %broadcast_in_dim3A_939 : i32 to vector<16x1xi32>
        %gather3A_941 = vector.shape_cast %broadcast_in_dim3A_940 : vector<16x1xi32> to vector<16xi32>
        %gather3A_942 = tpu.dynamic_gather %div3A_869[%gather3A_941] in [0] : vector<16xf32>, vector<16xi32> -> vector<16xf32>
        %get3A_943 = arith.index_cast %add3A_855 : i32 to index
        %get3A_944 = arith.constant 96 : index
        %get3A_945 = tpu.vector_load %arg23[%get3A_943, %get3A_944] {strides = array<i32>} : memref<128x128xf32, #tpu.memory_space<vmem>>, vector<16xf32>,
        %mul3A_946 = arith.mulf %get3A_945, %gather3A_942 : vector<16xf32>
        %swap3A_947 = arith.index_cast %add3A_855 : i32 to index
        %swap3A_948 = arith.constant 96 : index
        %swap3A_949 = tpu.vector_load %arg23[%swap3A_947, %swap3A_948] {strides = array<i32>} : memref<128x128xf32, #tpu.memory_space<vmem>>, vector<16xf32>,
        tpu.vector_store %arg23[%swap3A_947, %swap3A_948], %mul3A_946 {strides = array<i32>} : memref<128x128xf32, #tpu.memory_space<vmem>>, vector<16xf32>,
        %broadcast_in_dim3A_950 = arith.constant 7 : i32
        %broadcast_in_dim3A_951 = vector.broadcast %broadcast_in_dim3A_950 : i32 to vector<16x1xi32>
        %gather3A_952 = vector.shape_cast %broadcast_in_dim3A_951 : vector<16x1xi32> to vector<16xi32>
        %gather3A_953 = tpu.dynamic_gather %div3A_869[%gather3A_952] in [0] : vector<16xf32>, vector<16xi32> -> vector<16xf32>
        %get3A_954 = arith.index_cast %add3A_855 : i32 to index
        %get3A_955 = arith.constant 112 : index
        %get3A_956 = tpu.vector_load %arg23[%get3A_954, %get3A_955] {strides = array<i32>} : memref<128x128xf32, #tpu.memory_space<vmem>>, vector<16xf32>,
        %mul3A_957 = arith.mulf %get3A_956, %gather3A_953 : vector<16xf32>
        %swap3A_958 = arith.index_cast %add3A_855 : i32 to index
        %swap3A_959 = arith.constant 112 : index
        %swap3A_960 = tpu.vector_load %arg23[%swap3A_958, %swap3A_959] {strides = array<i32>} : memref<128x128xf32, #tpu.memory_space<vmem>>, vector<16xf32>,
        tpu.vector_store %arg23[%swap3A_958, %swap3A_959], %mul3A_957 {strides = array<i32>} : memref<128x128xf32, #tpu.memory_space<vmem>>, vector<16xf32>,
        %mul3A_961 = arith.constant 8 : i32
        %mul3A_962 = arith.muli %mul3A_961, %add3A_308 : i32
        %add3A_963 = arith.constant 6 : i32
        %add3A_964 = arith.addi %mul3A_962, %add3A_963 : i32
        %get3A_965 = arith.index_cast %add3A_964 : i32 to index
        %get3A_966 = arith.constant 0 : index
        %get3A_967 = tpu.vector_load %arg19[%get3A_965, %get3A_966] {strides = array<i32>} : memref<128x16xf32, #tpu.memory_space<vmem>>, vector<16xf32>,
        %get3A_968 = arith.index_cast %add3A_964 : i32 to index
        %get3A_969 = arith.constant 0 : index
        %get3A_970 = tpu.vector_load %arg21[%get3A_968, %get3A_969] {strides = array<i32>} : memref<128x16xf32, #tpu.memory_space<vmem>>, vector<16xf32>,
        %add3A_971 = arith.addf %get3A_967, %get3A_970 : vector<16xf32>
        %add3A_972 = arith.constant 1.000000e-16 : f32
        %add3A_973 = vector.broadcast %add3A_972 : f32 to vector<16xf32>
        %add3A_974 = arith.addf %add3A_971, %add3A_973 : vector<16xf32>
        %get3A_975 = arith.index_cast %add3A_308 : i32 to index
        %get3A_976 = arith.constant 96 : index
        %get3A_977 = tpu.vector_load %arg17[%get3A_975, %get3A_976] {strides = array<i32>} : memref<16x128xf32, #tpu.memory_space<vmem>>, vector<16xf32>,
        %div3A_978 = arith.divf %get3A_977, %add3A_974 : vector<16xf32>
        %swap3A_979 = arith.index_cast %add3A_308 : i32 to index
        %swap3A_980 = arith.constant 96 : index
        %swap3A_981 = tpu.vector_load %arg17[%swap3A_979, %swap3A_980] {strides = array<i32>} : memref<16x128xf32, #tpu.memory_space<vmem>>, vector<16xf32>,
        tpu.vector_store %arg17[%swap3A_979, %swap3A_980], %div3A_978 {strides = array<i32>} : memref<16x128xf32, #tpu.memory_space<vmem>>, vector<16xf32>,
        %broadcast_in_dim3A_982 = arith.constant 0 : i32
        %broadcast_in_dim3A_983 = vector.broadcast %broadcast_in_dim3A_982 : i32 to vector<16x1xi32>
        %gather3A_984 = vector.shape_cast %broadcast_in_dim3A_983 : vector<16x1xi32> to vector<16xi32>
        %gather3A_985 = tpu.dynamic_gather %div3A_978[%gather3A_984] in [0] : vector<16xf32>, vector<16xi32> -> vector<16xf32>
        %get3A_986 = arith.index_cast %add3A_964 : i32 to index
        %get3A_987 = arith.constant 0 : index
        %get3A_988 = tpu.vector_load %arg23[%get3A_986, %get3A_987] {strides = array<i32>} : memref<128x128xf32, #tpu.memory_space<vmem>>, vector<16xf32>,
        %mul3A_989 = arith.mulf %get3A_988, %gather3A_985 : vector<16xf32>
        %swap3A_990 = arith.index_cast %add3A_964 : i32 to index
        %swap3A_991 = arith.constant 0 : index
        %swap3A_992 = tpu.vector_load %arg23[%swap3A_990, %swap3A_991] {strides = array<i32>} : memref<128x128xf32, #tpu.memory_space<vmem>>, vector<16xf32>,
        tpu.vector_store %arg23[%swap3A_990, %swap3A_991], %mul3A_989 {strides = array<i32>} : memref<128x128xf32, #tpu.memory_space<vmem>>, vector<16xf32>,
        %broadcast_in_dim3A_993 = arith.constant 1 : i32
        %broadcast_in_dim3A_994 = vector.broadcast %broadcast_in_dim3A_993 : i32 to vector<16x1xi32>
        %gather3A_995 = vector.shape_cast %broadcast_in_dim3A_994 : vector<16x1xi32> to vector<16xi32>
        %gather3A_996 = tpu.dynamic_gather %div3A_978[%gather3A_995] in [0] : vector<16xf32>, vector<16xi32> -> vector<16xf32>
        %get3A_997 = arith.index_cast %add3A_964 : i32 to index
        %get3A_998 = arith.constant 16 : index
        %get3A_999 = tpu.vector_load %arg23[%get3A_997, %get3A_998] {strides = array<i32>} : memref<128x128xf32, #tpu.memory_space<vmem>>, vector<16xf32>,
        %mul3A_1000 = arith.mulf %get3A_999, %gather3A_996 : vector<16xf32>
        %swap3A_1001 = arith.index_cast %add3A_964 : i32 to index
        %swap3A_1002 = arith.constant 16 : index
        %swap3A_1003 = tpu.vector_load %arg23[%swap3A_1001, %swap3A_1002] {strides = array<i32>} : memref<128x128xf32, #tpu.memory_space<vmem>>, vector<16xf32>,
        tpu.vector_store %arg23[%swap3A_1001, %swap3A_1002], %mul3A_1000 {strides = array<i32>} : memref<128x128xf32, #tpu.memory_space<vmem>>, vector<16xf32>,
        %broadcast_in_dim3A_1004 = arith.constant 2 : i32
        %broadcast_in_dim3A_1005 = vector.broadcast %broadcast_in_dim3A_1004 : i32 to vector<16x1xi32>
        %gather3A_1006 = vector.shape_cast %broadcast_in_dim3A_1005 : vector<16x1xi32> to vector<16xi32>
        %gather3A_1007 = tpu.dynamic_gather %div3A_978[%gather3A_1006] in [0] : vector<16xf32>, vector<16xi32> -> vector<16xf32>
        %get3A_1008 = arith.index_cast %add3A_964 : i32 to index
        %get3A_1009 = arith.constant 32 : index
        %get3A_1010 = tpu.vector_load %arg23[%get3A_1008, %get3A_1009] {strides = array<i32>} : memref<128x128xf32, #tpu.memory_space<vmem>>, vector<16xf32>,
        %mul3A_1011 = arith.mulf %get3A_1010, %gather3A_1007 : vector<16xf32>
        %swap3A_1012 = arith.index_cast %add3A_964 : i32 to index
        %swap3A_1013 = arith.constant 32 : index
        %swap3A_1014 = tpu.vector_load %arg23[%swap3A_1012, %swap3A_1013] {strides = array<i32>} : memref<128x128xf32, #tpu.memory_space<vmem>>, vector<16xf32>,
        tpu.vector_store %arg23[%swap3A_1012, %swap3A_1013], %mul3A_1011 {strides = array<i32>} : memref<128x128xf32, #tpu.memory_space<vmem>>, vector<16xf32>,
        %broadcast_in_dim3A_1015 = arith.constant 3 : i32
        %broadcast_in_dim3A_1016 = vector.broadcast %broadcast_in_dim3A_1015 : i32 to vector<16x1xi32>
        %gather3A_1017 = vector.shape_cast %broadcast_in_dim3A_1016 : vector<16x1xi32> to vector<16xi32>
        %gather3A_1018 = tpu.dynamic_gather %div3A_978[%gather3A_1017] in [0] : vector<16xf32>, vector<16xi32> -> vector<16xf32>
        %get3A_1019 = arith.index_cast %add3A_964 : i32 to index
        %get3A_1020 = arith.constant 48 : index
        %get3A_1021 = tpu.vector_load %arg23[%get3A_1019, %get3A_1020] {strides = array<i32>} : memref<128x128xf32, #tpu.memory_space<vmem>>, vector<16xf32>,
        %mul3A_1022 = arith.mulf %get3A_1021, %gather3A_1018 : vector<16xf32>
        %swap3A_1023 = arith.index_cast %add3A_964 : i32 to index
        %swap3A_1024 = arith.constant 48 : index
        %swap3A_1025 = tpu.vector_load %arg23[%swap3A_1023, %swap3A_1024] {strides = array<i32>} : memref<128x128xf32, #tpu.memory_space<vmem>>, vector<16xf32>,
        tpu.vector_store %arg23[%swap3A_1023, %swap3A_1024], %mul3A_1022 {strides = array<i32>} : memref<128x128xf32, #tpu.memory_space<vmem>>, vector<16xf32>,
        %broadcast_in_dim3A_1026 = arith.constant 4 : i32
        %broadcast_in_dim3A_1027 = vector.broadcast %broadcast_in_dim3A_1026 : i32 to vector<16x1xi32>
        %gather3A_1028 = vector.shape_cast %broadcast_in_dim3A_1027 : vector<16x1xi32> to vector<16xi32>
        %gather3A_1029 = tpu.dynamic_gather %div3A_978[%gather3A_1028] in [0] : vector<16xf32>, vector<16xi32> -> vector<16xf32>
        %get3A_1030 = arith.index_cast %add3A_964 : i32 to index
        %get3A_1031 = arith.constant 64 : index
        %get3A_1032 = tpu.vector_load %arg23[%get3A_1030, %get3A_1031] {strides = array<i32>} : memref<128x128xf32, #tpu.memory_space<vmem>>, vector<16xf32>,
        %mul3A_1033 = arith.mulf %get3A_1032, %gather3A_1029 : vector<16xf32>
        %swap3A_1034 = arith.index_cast %add3A_964 : i32 to index
        %swap3A_1035 = arith.constant 64 : index
        %swap3A_1036 = tpu.vector_load %arg23[%swap3A_1034, %swap3A_1035] {strides = array<i32>} : memref<128x128xf32, #tpu.memory_space<vmem>>, vector<16xf32>,
        tpu.vector_store %arg23[%swap3A_1034, %swap3A_1035], %mul3A_1033 {strides = array<i32>} : memref<128x128xf32, #tpu.memory_space<vmem>>, vector<16xf32>,
        %broadcast_in_dim3A_1037 = arith.constant 5 : i32
        %broadcast_in_dim3A_1038 = vector.broadcast %broadcast_in_dim3A_1037 : i32 to vector<16x1xi32>
        %gather3A_1039 = vector.shape_cast %broadcast_in_dim3A_1038 : vector<16x1xi32> to vector<16xi32>
        %gather3A_1040 = tpu.dynamic_gather %div3A_978[%gather3A_1039] in [0] : vector<16xf32>, vector<16xi32> -> vector<16xf32>
        %get3A_1041 = arith.index_cast %add3A_964 : i32 to index
        %get3A_1042 = arith.constant 80 : index
        %get3A_1043 = tpu.vector_load %arg23[%get3A_1041, %get3A_1042] {strides = array<i32>} : memref<128x128xf32, #tpu.memory_space<vmem>>, vector<16xf32>,
        %mul3A_1044 = arith.mulf %get3A_1043, %gather3A_1040 : vector<16xf32>
        %swap3A_1045 = arith.index_cast %add3A_964 : i32 to index
        %swap3A_1046 = arith.constant 80 : index
        %swap3A_1047 = tpu.vector_load %arg23[%swap3A_1045, %swap3A_1046] {strides = array<i32>} : memref<128x128xf32, #tpu.memory_space<vmem>>, vector<16xf32>,
        tpu.vector_store %arg23[%swap3A_1045, %swap3A_1046], %mul3A_1044 {strides = array<i32>} : memref<128x128xf32, #tpu.memory_space<vmem>>, vector<16xf32>,
        %broadcast_in_dim3A_1048 = arith.constant 6 : i32
        %broadcast_in_dim3A_1049 = vector.broadcast %broadcast_in_dim3A_1048 : i32 to vector<16x1xi32>
        %gather3A_1050 = vector.shape_cast %broadcast_in_dim3A_1049 : vector<16x1xi32> to vector<16xi32>
        %gather3A_1051 = tpu.dynamic_gather %div3A_978[%gather3A_1050] in [0] : vector<16xf32>, vector<16xi32> -> vector<16xf32>
        %get3A_1052 = arith.index_cast %add3A_964 : i32 to index
        %get3A_1053 = arith.constant 96 : index
        %get3A_1054 = tpu.vector_load %arg23[%get3A_1052, %get3A_1053] {strides = array<i32>} : memref<128x128xf32, #tpu.memory_space<vmem>>, vector<16xf32>,
        %mul3A_1055 = arith.mulf %get3A_1054, %gather3A_1051 : vector<16xf32>
        %swap3A_1056 = arith.index_cast %add3A_964 : i32 to index
        %swap3A_1057 = arith.constant 96 : index
        %swap3A_1058 = tpu.vector_load %arg23[%swap3A_1056, %swap3A_1057] {strides = array<i32>} : memref<128x128xf32, #tpu.memory_space<vmem>>, vector<16xf32>,
        tpu.vector_store %arg23[%swap3A_1056, %swap3A_1057], %mul3A_1055 {strides = array<i32>} : memref<128x128xf32, #tpu.memory_space<vmem>>, vector<16xf32>,
        %broadcast_in_dim3A_1059 = arith.constant 7 : i32
        %broadcast_in_dim3A_1060 = vector.broadcast %broadcast_in_dim3A_1059 : i32 to vector<16x1xi32>
        %gather3A_1061 = vector.shape_cast %broadcast_in_dim3A_1060 : vector<16x1xi32> to vector<16xi32>
        %gather3A_1062 = tpu.dynamic_gather %div3A_978[%gather3A_1061] in [0] : vector<16xf32>, vector<16xi32> -> vector<16xf32>
        %get3A_1063 = arith.index_cast %add3A_964 : i32 to index
        %get3A_1064 = arith.constant 112 : index
        %get3A_1065 = tpu.vector_load %arg23[%get3A_1063, %get3A_1064] {strides = array<i32>} : memref<128x128xf32, #tpu.memory_space<vmem>>, vector<16xf32>,
        %mul3A_1066 = arith.mulf %get3A_1065, %gather3A_1062 : vector<16xf32>
        %swap3A_1067 = arith.index_cast %add3A_964 : i32 to index
        %swap3A_1068 = arith.constant 112 : index
        %swap3A_1069 = tpu.vector_load %arg23[%swap3A_1067, %swap3A_1068] {strides = array<i32>} : memref<128x128xf32, #tpu.memory_space<vmem>>, vector<16xf32>,
        tpu.vector_store %arg23[%swap3A_1067, %swap3A_1068], %mul3A_1066 {strides = array<i32>} : memref<128x128xf32, #tpu.memory_space<vmem>>, vector<16xf32>,
        %mul3A_1070 = arith.constant 8 : i32
        %mul3A_1071 = arith.muli %mul3A_1070, %add3A_308 : i32
        %add3A_1072 = arith.constant 7 : i32
        %add3A_1073 = arith.addi %mul3A_1071, %add3A_1072 : i32
        %get3A_1074 = arith.index_cast %add3A_1073 : i32 to index
        %get3A_1075 = arith.constant 0 : index
        %get3A_1076 = tpu.vector_load %arg19[%get3A_1074, %get3A_1075] {strides = array<i32>} : memref<128x16xf32, #tpu.memory_space<vmem>>, vector<16xf32>,
        %get3A_1077 = arith.index_cast %add3A_1073 : i32 to index
        %get3A_1078 = arith.constant 0 : index
        %get3A_1079 = tpu.vector_load %arg21[%get3A_1077, %get3A_1078] {strides = array<i32>} : memref<128x16xf32, #tpu.memory_space<vmem>>, vector<16xf32>,
        %add3A_1080 = arith.addf %get3A_1076, %get3A_1079 : vector<16xf32>
        %add3A_1081 = arith.constant 1.000000e-16 : f32
        %add3A_1082 = vector.broadcast %add3A_1081 : f32 to vector<16xf32>
        %add3A_1083 = arith.addf %add3A_1080, %add3A_1082 : vector<16xf32>
        %get3A_1084 = arith.index_cast %add3A_308 : i32 to index
        %get3A_1085 = arith.constant 112 : index
        %get3A_1086 = tpu.vector_load %arg17[%get3A_1084, %get3A_1085] {strides = array<i32>} : memref<16x128xf32, #tpu.memory_space<vmem>>, vector<16xf32>,
        %div3A_1087 = arith.divf %get3A_1086, %add3A_1083 : vector<16xf32>
        %swap3A_1088 = arith.index_cast %add3A_308 : i32 to index
        %swap3A_1089 = arith.constant 112 : index
        %swap3A_1090 = tpu.vector_load %arg17[%swap3A_1088, %swap3A_1089] {strides = array<i32>} : memref<16x128xf32, #tpu.memory_space<vmem>>, vector<16xf32>,
        tpu.vector_store %arg17[%swap3A_1088, %swap3A_1089], %div3A_1087 {strides = array<i32>} : memref<16x128xf32, #tpu.memory_space<vmem>>, vector<16xf32>,
        %broadcast_in_dim3A_1091 = arith.constant 0 : i32
        %broadcast_in_dim3A_1092 = vector.broadcast %broadcast_in_dim3A_1091 : i32 to vector<16x1xi32>
        %gather3A_1093 = vector.shape_cast %broadcast_in_dim3A_1092 : vector<16x1xi32> to vector<16xi32>
        %gather3A_1094 = tpu.dynamic_gather %div3A_1087[%gather3A_1093] in [0] : vector<16xf32>, vector<16xi32> -> vector<16xf32>
        %get3A_1095 = arith.index_cast %add3A_1073 : i32 to index
        %get3A_1096 = arith.constant 0 : index
        %get3A_1097 = tpu.vector_load %arg23[%get3A_1095, %get3A_1096] {strides = array<i32>} : memref<128x128xf32, #tpu.memory_space<vmem>>, vector<16xf32>,
        %mul3A_1098 = arith.mulf %get3A_1097, %gather3A_1094 : vector<16xf32>
        %swap3A_1099 = arith.index_cast %add3A_1073 : i32 to index
        %swap3A_1100 = arith.constant 0 : index
        %swap3A_1101 = tpu.vector_load %arg23[%swap3A_1099, %swap3A_1100] {strides = array<i32>} : memref<128x128xf32, #tpu.memory_space<vmem>>, vector<16xf32>,
        tpu.vector_store %arg23[%swap3A_1099, %swap3A_1100], %mul3A_1098 {strides = array<i32>} : memref<128x128xf32, #tpu.memory_space<vmem>>, vector<16xf32>,
        %broadcast_in_dim3A_1102 = arith.constant 1 : i32
        %broadcast_in_dim3A_1103 = vector.broadcast %broadcast_in_dim3A_1102 : i32 to vector<16x1xi32>
        %gather3A_1104 = vector.shape_cast %broadcast_in_dim3A_1103 : vector<16x1xi32> to vector<16xi32>
        %gather3A_1105 = tpu.dynamic_gather %div3A_1087[%gather3A_1104] in [0] : vector<16xf32>, vector<16xi32> -> vector<16xf32>
        %get3A_1106 = arith.index_cast %add3A_1073 : i32 to index
        %get3A_1107 = arith.constant 16 : index
        %get3A_1108 = tpu.vector_load %arg23[%get3A_1106, %get3A_1107] {strides = array<i32>} : memref<128x128xf32, #tpu.memory_space<vmem>>, vector<16xf32>,
        %mul3A_1109 = arith.mulf %get3A_1108, %gather3A_1105 : vector<16xf32>
        %swap3A_1110 = arith.index_cast %add3A_1073 : i32 to index
        %swap3A_1111 = arith.constant 16 : index
        %swap3A_1112 = tpu.vector_load %arg23[%swap3A_1110, %swap3A_1111] {strides = array<i32>} : memref<128x128xf32, #tpu.memory_space<vmem>>, vector<16xf32>,
        tpu.vector_store %arg23[%swap3A_1110, %swap3A_1111], %mul3A_1109 {strides = array<i32>} : memref<128x128xf32, #tpu.memory_space<vmem>>, vector<16xf32>,
        %broadcast_in_dim3A_1113 = arith.constant 2 : i32
        %broadcast_in_dim3A_1114 = vector.broadcast %broadcast_in_dim3A_1113 : i32 to vector<16x1xi32>
        %gather3A_1115 = vector.shape_cast %broadcast_in_dim3A_1114 : vector<16x1xi32> to vector<16xi32>
        %gather3A_1116 = tpu.dynamic_gather %div3A_1087[%gather3A_1115] in [0] : vector<16xf32>, vector<16xi32> -> vector<16xf32>
        %get3A_1117 = arith.index_cast %add3A_1073 : i32 to index
        %get3A_1118 = arith.constant 32 : index
        %get3A_1119 = tpu.vector_load %arg23[%get3A_1117, %get3A_1118] {strides = array<i32>} : memref<128x128xf32, #tpu.memory_space<vmem>>, vector<16xf32>,
        %mul3A_1120 = arith.mulf %get3A_1119, %gather3A_1116 : vector<16xf32>
        %swap3A_1121 = arith.index_cast %add3A_1073 : i32 to index
        %swap3A_1122 = arith.constant 32 : index
        %swap3A_1123 = tpu.vector_load %arg23[%swap3A_1121, %swap3A_1122] {strides = array<i32>} : memref<128x128xf32, #tpu.memory_space<vmem>>, vector<16xf32>,
        tpu.vector_store %arg23[%swap3A_1121, %swap3A_1122], %mul3A_1120 {strides = array<i32>} : memref<128x128xf32, #tpu.memory_space<vmem>>, vector<16xf32>,
        %broadcast_in_dim3A_1124 = arith.constant 3 : i32
        %broadcast_in_dim3A_1125 = vector.broadcast %broadcast_in_dim3A_1124 : i32 to vector<16x1xi32>
        %gather3A_1126 = vector.shape_cast %broadcast_in_dim3A_1125 : vector<16x1xi32> to vector<16xi32>
        %gather3A_1127 = tpu.dynamic_gather %div3A_1087[%gather3A_1126] in [0] : vector<16xf32>, vector<16xi32> -> vector<16xf32>
        %get3A_1128 = arith.index_cast %add3A_1073 : i32 to index
        %get3A_1129 = arith.constant 48 : index
        %get3A_1130 = tpu.vector_load %arg23[%get3A_1128, %get3A_1129] {strides = array<i32>} : memref<128x128xf32, #tpu.memory_space<vmem>>, vector<16xf32>,
        %mul3A_1131 = arith.mulf %get3A_1130, %gather3A_1127 : vector<16xf32>
        %swap3A_1132 = arith.index_cast %add3A_1073 : i32 to index
        %swap3A_1133 = arith.constant 48 : index
        %swap3A_1134 = tpu.vector_load %arg23[%swap3A_1132, %swap3A_1133] {strides = array<i32>} : memref<128x128xf32, #tpu.memory_space<vmem>>, vector<16xf32>,
        tpu.vector_store %arg23[%swap3A_1132, %swap3A_1133], %mul3A_1131 {strides = array<i32>} : memref<128x128xf32, #tpu.memory_space<vmem>>, vector<16xf32>,
        %broadcast_in_dim3A_1135 = arith.constant 4 : i32
        %broadcast_in_dim3A_1136 = vector.broadcast %broadcast_in_dim3A_1135 : i32 to vector<16x1xi32>
        %gather3A_1137 = vector.shape_cast %broadcast_in_dim3A_1136 : vector<16x1xi32> to vector<16xi32>
        %gather3A_1138 = tpu.dynamic_gather %div3A_1087[%gather3A_1137] in [0] : vector<16xf32>, vector<16xi32> -> vector<16xf32>
        %get3A_1139 = arith.index_cast %add3A_1073 : i32 to index
        %get3A_1140 = arith.constant 64 : index
        %get3A_1141 = tpu.vector_load %arg23[%get3A_1139, %get3A_1140] {strides = array<i32>} : memref<128x128xf32, #tpu.memory_space<vmem>>, vector<16xf32>,
        %mul3A_1142 = arith.mulf %get3A_1141, %gather3A_1138 : vector<16xf32>
        %swap3A_1143 = arith.index_cast %add3A_1073 : i32 to index
        %swap3A_1144 = arith.constant 64 : index
        %swap3A_1145 = tpu.vector_load %arg23[%swap3A_1143, %swap3A_1144] {strides = array<i32>} : memref<128x128xf32, #tpu.memory_space<vmem>>, vector<16xf32>,
        tpu.vector_store %arg23[%swap3A_1143, %swap3A_1144], %mul3A_1142 {strides = array<i32>} : memref<128x128xf32, #tpu.memory_space<vmem>>, vector<16xf32>,
        %broadcast_in_dim3A_1146 = arith.constant 5 : i32
        %broadcast_in_dim3A_1147 = vector.broadcast %broadcast_in_dim3A_1146 : i32 to vector<16x1xi32>
        %gather3A_1148 = vector.shape_cast %broadcast_in_dim3A_1147 : vector<16x1xi32> to vector<16xi32>
        %gather3A_1149 = tpu.dynamic_gather %div3A_1087[%gather3A_1148] in [0] : vector<16xf32>, vector<16xi32> -> vector<16xf32>
        %get3A_1150 = arith.index_cast %add3A_1073 : i32 to index
        %get3A_1151 = arith.constant 80 : index
        %get3A_1152 = tpu.vector_load %arg23[%get3A_1150, %get3A_1151] {strides = array<i32>} : memref<128x128xf32, #tpu.memory_space<vmem>>, vector<16xf32>,
        %mul3A_1153 = arith.mulf %get3A_1152, %gather3A_1149 : vector<16xf32>
        %swap3A_1154 = arith.index_cast %add3A_1073 : i32 to index
        %swap3A_1155 = arith.constant 80 : index
        %swap3A_1156 = tpu.vector_load %arg23[%swap3A_1154, %swap3A_1155] {strides = array<i32>} : memref<128x128xf32, #tpu.memory_space<vmem>>, vector<16xf32>,
        tpu.vector_store %arg23[%swap3A_1154, %swap3A_1155], %mul3A_1153 {strides = array<i32>} : memref<128x128xf32, #tpu.memory_space<vmem>>, vector<16xf32>,
        %broadcast_in_dim3A_1157 = arith.constant 6 : i32
        %broadcast_in_dim3A_1158 = vector.broadcast %broadcast_in_dim3A_1157 : i32 to vector<16x1xi32>
        %gather3A_1159 = vector.shape_cast %broadcast_in_dim3A_1158 : vector<16x1xi32> to vector<16xi32>
        %gather3A_1160 = tpu.dynamic_gather %div3A_1087[%gather3A_1159] in [0] : vector<16xf32>, vector<16xi32> -> vector<16xf32>
        %get3A_1161 = arith.index_cast %add3A_1073 : i32 to index
        %get3A_1162 = arith.constant 96 : index
        %get3A_1163 = tpu.vector_load %arg23[%get3A_1161, %get3A_1162] {strides = array<i32>} : memref<128x128xf32, #tpu.memory_space<vmem>>, vector<16xf32>,
        %mul3A_1164 = arith.mulf %get3A_1163, %gather3A_1160 : vector<16xf32>
        %swap3A_1165 = arith.index_cast %add3A_1073 : i32 to index
        %swap3A_1166 = arith.constant 96 : index
        %swap3A_1167 = tpu.vector_load %arg23[%swap3A_1165, %swap3A_1166] {strides = array<i32>} : memref<128x128xf32, #tpu.memory_space<vmem>>, vector<16xf32>,
        tpu.vector_store %arg23[%swap3A_1165, %swap3A_1166], %mul3A_1164 {strides = array<i32>} : memref<128x128xf32, #tpu.memory_space<vmem>>, vector<16xf32>,
        %broadcast_in_dim3A_1168 = arith.constant 7 : i32
        %broadcast_in_dim3A_1169 = vector.broadcast %broadcast_in_dim3A_1168 : i32 to vector<16x1xi32>
        %gather3A_1170 = vector.shape_cast %broadcast_in_dim3A_1169 : vector<16x1xi32> to vector<16xi32>
        %gather3A_1171 = tpu.dynamic_gather %div3A_1087[%gather3A_1170] in [0] : vector<16xf32>, vector<16xi32> -> vector<16xf32>
        %get3A_1172 = arith.index_cast %add3A_1073 : i32 to index
        %get3A_1173 = arith.constant 112 : index
        %get3A_1174 = tpu.vector_load %arg23[%get3A_1172, %get3A_1173] {strides = array<i32>} : memref<128x128xf32, #tpu.memory_space<vmem>>, vector<16xf32>,
        %mul3A_1175 = arith.mulf %get3A_1174, %gather3A_1171 : vector<16xf32>
        %swap3A_1176 = arith.index_cast %add3A_1073 : i32 to index
        %swap3A_1177 = arith.constant 112 : index
        %swap3A_1178 = tpu.vector_load %arg23[%swap3A_1176, %swap3A_1177] {strides = array<i32>} : memref<128x128xf32, #tpu.memory_space<vmem>>, vector<16xf32>,
        tpu.vector_store %arg23[%swap3A_1176, %swap3A_1177], %mul3A_1175 {strides = array<i32>} : memref<128x128xf32, #tpu.memory_space<vmem>>, vector<16xf32>,
      }
      %scan3A_169 = arith.constant 16 : i32
      %mul3A_170 = arith.constant 128 : i32
      %mul3A_171 = arith.muli %add3A_104, %mul3A_170 : i32
      %add3A_172 = arith.addi %mul3A_2, %mul3A_171 : i32
      %jit3A_173 = arith.constant 8 : i32
      %div3A_174 = arith.divsi %add3A_172, %jit3A_173 : i32
      %sign3A_175 = arith.constant 0 : i32
      %sign3A_176 = arith.cmpi sgt, %add3A_172, %sign3A_175 : i32
      %sign3A_177 = arith.extui %sign3A_176 : i1 to i32
      %sign3A_178 = arith.constant 0 : i32
      %sign3A_179 = arith.cmpi slt, %add3A_172, %sign3A_178 : i32
      %sign3A_180 = arith.extui %sign3A_179 : i1 to i32
      %sign3A_181 = arith.subi %sign3A_177, %sign3A_180 : i32
      %sign3A_182 = arith.constant 0 : i32
      %sign3A_183 = arith.cmpi sgt, %jit3A_173, %sign3A_182 : i32
      %sign3A_184 = arith.extui %sign3A_183 : i1 to i32
      %sign3A_185 = arith.constant 0 : i32
      %sign3A_186 = arith.cmpi slt, %jit3A_173, %sign3A_185 : i32
      %sign3A_187 = arith.extui %sign3A_186 : i1 to i32
      %sign3A_188 = arith.subi %sign3A_184, %sign3A_187 : i32
      %ne3A_189 = arith.cmpi ne, %sign3A_181, %sign3A_188 : i32
      %rem3A_190 = arith.remsi %add3A_172, %jit3A_173 : i32
      %ne3A_191 = arith.constant 0 : i32
      %ne3A_192 = arith.cmpi ne, %rem3A_190, %ne3A_191 : i32
      %and3A_193 = arith.andi %ne3A_189, %ne3A_192 : i1
      %sub3A_194 = arith.constant 1 : i32
      %sub3A_195 = arith.subi %div3A_174, %sub3A_194 : i32
      %select_n3A_196 = arith.select %and3A_193, %sub3A_195, %div3A_174 : i32
      %dma_start3A_197 = arith.constant 0 : i32
      %dma_start3A_198 = tpu.memref_slice %arg8[%select_n3A_196, %dma_start3A_197] : memref<41984x128xf32, #tpu.memory_space<hbm>> -> memref<16x128xf32, #tpu.memory_space<hbm>>
      %dma_start3A_199 = arith.constant 0 : i32
      %dma_start3A_200 = tpu.memref_slice %arg8[%select_n3A_196, %dma_start3A_199] : memref<41984x128xf32, #tpu.memory_space<hbm>> -> memref<16x128xf32, #tpu.memory_space<hbm>>
      tpu.enqueue_dma source(%arg17 : memref<16x128xf32, #tpu.memory_space<vmem>>) target(%dma_start3A_200 : memref<16x128xf32, #tpu.memory_space<hbm>>) target_semaphore(%arg30 : memref<!tpu.dma_semaphore, #tpu.memory_space<semaphore_mem>>)
      "tpu.region"() ({
        %run_scoped3A_304 = tpu.sem_alloc : memref<!tpu.dma_semaphore, #tpu.memory_space<semaphore_mem>>
        %dma_start3A_305 = arith.constant 0 : i32
        %dma_start3A_306 = arith.constant 0 : i32
        %dma_start3A_307 = tpu.memref_slice %arg25[%dma_start3A_305, %dma_start3A_306] : memref<10240x128xf32, #tpu.memory_space<vmem_shared>> -> memref<10240x128xf32, #tpu.memory_space<vmem_shared>>
        tpu.enqueue_indirect_dma source(%arg23 : memref<128x128xf32, #tpu.memory_space<vmem>>) target(%dma_start3A_307 : memref<10240x128xf32, #tpu.memory_space<vmem_shared>>) offsets(%arg15 : memref<128xi32, #tpu.memory_space<vmem>>) semaphore(%run_scoped3A_304 : memref<!tpu.dma_semaphore, #tpu.memory_space<semaphore_mem>>) {add = true}
        %dma_wait3A_308 = arith.constant 0 : i32
        %dma_wait3A_309 = arith.constant 0 : i32
        %dma_wait3A_310 = tpu.memref_slice %arg25[%dma_wait3A_308, %dma_wait3A_309] : memref<10240x128xf32, #tpu.memory_space<vmem_shared>> -> memref<10240x128xf32, #tpu.memory_space<vmem_shared>>
        tpu.wait_indirect_dma semaphore(%run_scoped3A_304 : memref<!tpu.dma_semaphore, #tpu.memory_space<semaphore_mem>>) src(%arg23 : memref<128x128xf32, #tpu.memory_space<vmem>>) dst(%dma_wait3A_310 : memref<10240x128xf32, #tpu.memory_space<vmem_shared>>)
        tpu.yield
      }) : () -> ()
      %mul3A_201 = arith.constant 2 : i32
      %mul3A_202 = arith.muli %mul3A_201, %add3A_100 : i32
      %add3A_203 = arith.constant 1 : i32
      %add3A_204 = arith.addi %mul3A_202, %add3A_203 : i32
      %dma_wait3A_205 = arith.constant 0 : i32
      %dma_wait3A_206 = arith.constant 0 : i32
      %dma_wait3A_207 = tpu.memref_slice %arg4[%dma_wait3A_205, %dma_wait3A_206] : memref<41984x128xf32, #tpu.memory_space<hbm>> -> memref<16x128xf32, #tpu.memory_space<hbm>>
      %dma_wait3A_208 = arith.constant 0 : i32
      %dma_wait3A_209 = arith.constant 0 : i32
      %dma_wait3A_210 = tpu.memref_slice %arg4[%dma_wait3A_208, %dma_wait3A_209] : memref<41984x128xf32, #tpu.memory_space<hbm>> -> memref<16x128xf32, #tpu.memory_space<hbm>>
      tpu.wait_dma2 semaphore(%arg27 : memref<!tpu.dma_semaphore, #tpu.memory_space<semaphore_mem>>) src(%dma_wait3A_210 : memref<16x128xf32, #tpu.memory_space<hbm>>) dst(%arg18 : memref<16x128xf32, #tpu.memory_space<vmem>>)
      %dma_wait3A_211 = arith.constant 0 : i32
      %dma_wait3A_212 = arith.constant 0 : i32
      %dma_wait3A_213 = tpu.memref_slice %arg5[%dma_wait3A_211, %dma_wait3A_212] : memref<10240x16xf32, #tpu.memory_space<hbm>> -> memref<128x16xf32, #tpu.memory_space<hbm>>
      %dma_wait3A_214 = arith.constant 0 : i32
      %dma_wait3A_215 = arith.constant 0 : i32
      %dma_wait3A_216 = tpu.memref_slice %arg5[%dma_wait3A_214, %dma_wait3A_215] : memref<10240x16xf32, #tpu.memory_space<hbm>> -> memref<128x16xf32, #tpu.memory_space<hbm>>
      tpu.wait_dma2 semaphore(%arg27 : memref<!tpu.dma_semaphore, #tpu.memory_space<semaphore_mem>>) src(%dma_wait3A_216 : memref<128x16xf32, #tpu.memory_space<hbm>>) dst(%arg20 : memref<128x16xf32, #tpu.memory_space<vmem>>)
      %dma_wait3A_217 = arith.constant 0 : i32
      %dma_wait3A_218 = arith.constant 0 : i32
      %dma_wait3A_219 = tpu.memref_slice %arg6[%dma_wait3A_217, %dma_wait3A_218] : memref<10240x16xf32, #tpu.memory_space<hbm>> -> memref<128x16xf32, #tpu.memory_space<hbm>>
      %dma_wait3A_220 = arith.constant 0 : i32
      %dma_wait3A_221 = arith.constant 0 : i32
      %dma_wait3A_222 = tpu.memref_slice %arg6[%dma_wait3A_220, %dma_wait3A_221] : memref<10240x16xf32, #tpu.memory_space<hbm>> -> memref<128x16xf32, #tpu.memory_space<hbm>>
      tpu.wait_dma2 semaphore(%arg27 : memref<!tpu.dma_semaphore, #tpu.memory_space<semaphore_mem>>) src(%dma_wait3A_222 : memref<128x16xf32, #tpu.memory_space<hbm>>) dst(%arg22 : memref<128x16xf32, #tpu.memory_space<vmem>>)
      %dma_wait3A_223 = arith.constant 0 : i32
      %dma_wait3A_224 = arith.constant 0 : i32
      %dma_wait3A_225 = tpu.memref_slice %arg7[%dma_wait3A_223, %dma_wait3A_224] : memref<10240x128xf32, #tpu.memory_space<hbm>> -> memref<128x128xf32, #tpu.memory_space<hbm>>
      %dma_wait3A_226 = arith.constant 0 : i32
      %dma_wait3A_227 = arith.constant 0 : i32
      %dma_wait3A_228 = tpu.memref_slice %arg7[%dma_wait3A_226, %dma_wait3A_227] : memref<10240x128xf32, #tpu.memory_space<hbm>> -> memref<128x128xf32, #tpu.memory_space<hbm>>
      tpu.wait_dma2 semaphore(%arg27 : memref<!tpu.dma_semaphore, #tpu.memory_space<semaphore_mem>>) src(%dma_wait3A_228 : memref<128x128xf32, #tpu.memory_space<hbm>>) dst(%arg24 : memref<128x128xf32, #tpu.memory_space<vmem>>)
      %get3A_229 = arith.constant 0 : index
      %get3A_230 = tpu.vector_load %arg14[%get3A_229] {strides = array<i32>} : memref<128xi32, #tpu.memory_space<vmem>>, vector<16xi32>,
      %swap3A_231 = arith.constant 0 : index
      %swap3A_232 = tpu.vector_load %arg16[%swap3A_231] {strides = array<i32>} : memref<128xi32, #tpu.memory_space<vmem>>, vector<16xi32>,
      tpu.vector_store %arg16[%swap3A_231], %get3A_230 {strides = array<i32>} : memref<128xi32, #tpu.memory_space<vmem>>, vector<16xi32>,
      %get3A_233 = arith.constant 16 : index
      %get3A_234 = tpu.vector_load %arg14[%get3A_233] {strides = array<i32>} : memref<128xi32, #tpu.memory_space<vmem>>, vector<16xi32>,
      %swap3A_235 = arith.constant 16 : index
      %swap3A_236 = tpu.vector_load %arg16[%swap3A_235] {strides = array<i32>} : memref<128xi32, #tpu.memory_space<vmem>>, vector<16xi32>,
      tpu.vector_store %arg16[%swap3A_235], %get3A_234 {strides = array<i32>} : memref<128xi32, #tpu.memory_space<vmem>>, vector<16xi32>,
      %get3A_237 = arith.constant 32 : index
      %get3A_238 = tpu.vector_load %arg14[%get3A_237] {strides = array<i32>} : memref<128xi32, #tpu.memory_space<vmem>>, vector<16xi32>,
      %swap3A_239 = arith.constant 32 : index
      %swap3A_240 = tpu.vector_load %arg16[%swap3A_239] {strides = array<i32>} : memref<128xi32, #tpu.memory_space<vmem>>, vector<16xi32>,
      tpu.vector_store %arg16[%swap3A_239], %get3A_238 {strides = array<i32>} : memref<128xi32, #tpu.memory_space<vmem>>, vector<16xi32>,
      %get3A_241 = arith.constant 48 : index
      %get3A_242 = tpu.vector_load %arg14[%get3A_241] {strides = array<i32>} : memref<128xi32, #tpu.memory_space<vmem>>, vector<16xi32>,
      %swap3A_243 = arith.constant 48 : index
      %swap3A_244 = tpu.vector_load %arg16[%swap3A_243] {strides = array<i32>} : memref<128xi32, #tpu.memory_space<vmem>>, vector<16xi32>,
      tpu.vector_store %arg16[%swap3A_243], %get3A_242 {strides = array<i32>} : memref<128xi32, #tpu.memory_space<vmem>>, vector<16xi32>,
      %get3A_245 = arith.constant 64 : index
      %get3A_246 = tpu.vector_load %arg14[%get3A_245] {strides = array<i32>} : memref<128xi32, #tpu.memory_space<vmem>>, vector<16xi32>,
      %swap3A_247 = arith.constant 64 : index
      %swap3A_248 = tpu.vector_load %arg16[%swap3A_247] {strides = array<i32>} : memref<128xi32, #tpu.memory_space<vmem>>, vector<16xi32>,
      tpu.vector_store %arg16[%swap3A_247], %get3A_246 {strides = array<i32>} : memref<128xi32, #tpu.memory_space<vmem>>, vector<16xi32>,
      %get3A_249 = arith.constant 80 : index
      %get3A_250 = tpu.vector_load %arg14[%get3A_249] {strides = array<i32>} : memref<128xi32, #tpu.memory_space<vmem>>, vector<16xi32>,
      %swap3A_251 = arith.constant 80 : index
      %swap3A_252 = tpu.vector_load %arg16[%swap3A_251] {strides = array<i32>} : memref<128xi32, #tpu.memory_space<vmem>>, vector<16xi32>,
      tpu.vector_store %arg16[%swap3A_251], %get3A_250 {strides = array<i32>} : memref<128xi32, #tpu.memory_space<vmem>>, vector<16xi32>,
      %get3A_253 = arith.constant 96 : index
      %get3A_254 = tpu.vector_load %arg14[%get3A_253] {strides = array<i32>} : memref<128xi32, #tpu.memory_space<vmem>>, vector<16xi32>,
      %swap3A_255 = arith.constant 96 : index
      %swap3A_256 = tpu.vector_load %arg16[%swap3A_255] {strides = array<i32>} : memref<128xi32, #tpu.memory_space<vmem>>, vector<16xi32>,
      tpu.vector_store %arg16[%swap3A_255], %get3A_254 {strides = array<i32>} : memref<128xi32, #tpu.memory_space<vmem>>, vector<16xi32>,
      %get3A_257 = arith.constant 112 : index
      %get3A_258 = tpu.vector_load %arg14[%get3A_257] {strides = array<i32>} : memref<128xi32, #tpu.memory_space<vmem>>, vector<16xi32>,
      %swap3A_259 = arith.constant 112 : index
      %swap3A_260 = tpu.vector_load %arg16[%swap3A_259] {strides = array<i32>} : memref<128xi32, #tpu.memory_space<vmem>>, vector<16xi32>,
      tpu.vector_store %arg16[%swap3A_259], %get3A_258 {strides = array<i32>} : memref<128xi32, #tpu.memory_space<vmem>>, vector<16xi32>,
      %add3A_261 = arith.constant 1 : i32
      %add3A_262 = arith.addi %add3A_204, %add3A_261 : i32
      %lt3A_263 = arith.constant 82 : i32
      %lt3A_264 = arith.cmpi slt, %add3A_262, %lt3A_263 : i32
      %convert_element_type3A_265 = arith.extui %lt3A_264 : i1 to i32
      %cond3A_266 = arith.constant 0 : i32
      %cond3A_267 = arith.cmpi ne, %convert_element_type3A_265, %cond3A_266 : i32
      scf.if %cond3A_267 {
        %ge3A = arith.constant 1 : i32
        %ge3A_304 = arith.cmpi sge, %add3A_204, %ge3A : i32
        %convert_element_type3A_305 = arith.extui %ge3A_304 : i1 to i32
        %cond3A_306 = arith.constant 0 : i32
        %cond3A_307 = arith.cmpi ne, %convert_element_type3A_305, %cond3A_306 : i32
        scf.if %cond3A_307 {
          %dma_wait3A_373 = arith.constant 0 : i32
          %dma_wait3A_374 = arith.constant 0 : i32
          %dma_wait3A_375 = tpu.memref_slice %arg8[%dma_wait3A_373, %dma_wait3A_374] : memref<41984x128xf32, #tpu.memory_space<hbm>> -> memref<16x128xf32, #tpu.memory_space<hbm>>
          %dma_wait3A_376 = arith.constant 0 : i32
          %dma_wait3A_377 = arith.constant 0 : i32
          %dma_wait3A_378 = tpu.memref_slice %arg8[%dma_wait3A_376, %dma_wait3A_377] : memref<41984x128xf32, #tpu.memory_space<hbm>> -> memref<16x128xf32, #tpu.memory_space<hbm>>
          tpu.wait_dma2 semaphore(%arg30 : memref<!tpu.dma_semaphore, #tpu.memory_space<semaphore_mem>>) src(%arg17 : memref<16x128xf32, #tpu.memory_space<vmem>>) dst(%dma_wait3A_378 : memref<16x128xf32, #tpu.memory_space<hbm>>)
        } else {
        }
        %dma_wait3A_308 = arith.constant 0 : i32
        %dma_wait3A_309 = arith.constant 0 : i32
        %dma_wait3A_310 = arith.constant 0 : i32
        %dma_wait3A_311 = tpu.memref_slice %arg2[%dma_wait3A_308, %dma_wait3A_309, %dma_wait3A_310] : memref<32x82x128xi32, #tpu.memory_space<hbm>> -> memref<1x1x128xi32, #tpu.memory_space<hbm>>
        %dma_wait3A_312 = tpu.memref_squeeze %dma_wait3A_311 : memref<1x1x128xi32, #tpu.memory_space<hbm>> -> memref<128xi32, #tpu.memory_space<hbm>>
        %dma_wait3A_313 = arith.constant 0 : i32
        %dma_wait3A_314 = tpu.memref_slice %arg2[%dma_wait3A_308, %dma_wait3A_309, %dma_wait3A_313] : memref<32x82x128xi32, #tpu.memory_space<hbm>> -> memref<1x1x128xi32, #tpu.memory_space<hbm>>
        %dma_wait3A_315 = tpu.memref_squeeze %dma_wait3A_314 : memref<1x1x128xi32, #tpu.memory_space<hbm>> -> memref<128xi32, #tpu.memory_space<hbm>>
        tpu.wait_dma2 semaphore(%arg28 : memref<!tpu.dma_semaphore, #tpu.memory_space<semaphore_mem>>) src(%dma_wait3A_315 : memref<128xi32, #tpu.memory_space<hbm>>) dst(%arg11 : memref<128xi32, #tpu.memory_space<vmem>>)
        %dma_wait3A_316 = arith.constant 0 : i32
        %dma_wait3A_317 = arith.constant 0 : i32
        %dma_wait3A_318 = arith.constant 0 : i32
        %dma_wait3A_319 = tpu.memref_slice %arg3[%dma_wait3A_316, %dma_wait3A_317, %dma_wait3A_318] : memref<32x82x128xi32, #tpu.memory_space<hbm>> -> memref<1x1x128xi32, #tpu.memory_space<hbm>>
        %dma_wait3A_320 = tpu.memref_squeeze %dma_wait3A_319 : memref<1x1x128xi32, #tpu.memory_space<hbm>> -> memref<128xi32, #tpu.memory_space<hbm>>
        %dma_wait3A_321 = arith.constant 0 : i32
        %dma_wait3A_322 = tpu.memref_slice %arg3[%dma_wait3A_316, %dma_wait3A_317, %dma_wait3A_321] : memref<32x82x128xi32, #tpu.memory_space<hbm>> -> memref<1x1x128xi32, #tpu.memory_space<hbm>>
        %dma_wait3A_323 = tpu.memref_squeeze %dma_wait3A_322 : memref<1x1x128xi32, #tpu.memory_space<hbm>> -> memref<128xi32, #tpu.memory_space<hbm>>
        tpu.wait_dma2 semaphore(%arg28 : memref<!tpu.dma_semaphore, #tpu.memory_space<semaphore_mem>>) src(%dma_wait3A_323 : memref<128xi32, #tpu.memory_space<hbm>>) dst(%arg13 : memref<128xi32, #tpu.memory_space<vmem>>)
        %add3A_324 = arith.constant 1 : i32
        %add3A_325 = arith.addi %add3A_204, %add3A_324 : i32
        %mul3A_326 = arith.constant 128 : i32
        %mul3A_327 = arith.muli %add3A_325, %mul3A_326 : i32
        %add3A_328 = arith.addi %mul3A_2, %mul3A_327 : i32
        %jit3A_329 = arith.constant 8 : i32
        %div3A_330 = arith.divsi %add3A_328, %jit3A_329 : i32
        %sign3A_331 = arith.constant 0 : i32
        %sign3A_332 = arith.cmpi sgt, %add3A_328, %sign3A_331 : i32
        %sign3A_333 = arith.extui %sign3A_332 : i1 to i32
        %sign3A_334 = arith.constant 0 : i32
        %sign3A_335 = arith.cmpi slt, %add3A_328, %sign3A_334 : i32
        %sign3A_336 = arith.extui %sign3A_335 : i1 to i32
        %sign3A_337 = arith.subi %sign3A_333, %sign3A_336 : i32
        %sign3A_338 = arith.constant 0 : i32
        %sign3A_339 = arith.cmpi sgt, %jit3A_329, %sign3A_338 : i32
        %sign3A_340 = arith.extui %sign3A_339 : i1 to i32
        %sign3A_341 = arith.constant 0 : i32
        %sign3A_342 = arith.cmpi slt, %jit3A_329, %sign3A_341 : i32
        %sign3A_343 = arith.extui %sign3A_342 : i1 to i32
        %sign3A_344 = arith.subi %sign3A_340, %sign3A_343 : i32
        %ne3A_345 = arith.cmpi ne, %sign3A_337, %sign3A_344 : i32
        %rem3A_346 = arith.remsi %add3A_328, %jit3A_329 : i32
        %ne3A_347 = arith.constant 0 : i32
        %ne3A_348 = arith.cmpi ne, %rem3A_346, %ne3A_347 : i32
        %and3A_349 = arith.andi %ne3A_345, %ne3A_348 : i1
        %sub3A_350 = arith.constant 1 : i32
        %sub3A_351 = arith.subi %div3A_330, %sub3A_350 : i32
        %select_n3A_352 = arith.select %and3A_349, %sub3A_351, %div3A_330 : i32
        %dma_start3A_353 = arith.constant 0 : i32
        %dma_start3A_354 = tpu.memref_slice %arg4[%select_n3A_352, %dma_start3A_353] : memref<41984x128xf32, #tpu.memory_space<hbm>> -> memref<16x128xf32, #tpu.memory_space<hbm>>
        %dma_start3A_355 = arith.constant 0 : i32
        %dma_start3A_356 = tpu.memref_slice %arg4[%select_n3A_352, %dma_start3A_355] : memref<41984x128xf32, #tpu.memory_space<hbm>> -> memref<16x128xf32, #tpu.memory_space<hbm>>
        tpu.enqueue_dma source(%dma_start3A_356 : memref<16x128xf32, #tpu.memory_space<hbm>>) target(%arg17 : memref<16x128xf32, #tpu.memory_space<vmem>>) target_semaphore(%arg26 : memref<!tpu.dma_semaphore, #tpu.memory_space<semaphore_mem>>)
        %dma_start3A_357 = arith.constant 0 : i32
        %dma_start3A_358 = arith.constant 0 : i32
        %dma_start3A_359 = tpu.memref_slice %arg5[%dma_start3A_357, %dma_start3A_358] : memref<10240x16xf32, #tpu.memory_space<hbm>> -> memref<10240x16xf32, #tpu.memory_space<hbm>>
        tpu.enqueue_indirect_dma source(%dma_start3A_359 : memref<10240x16xf32, #tpu.memory_space<hbm>>) target(%arg19 : memref<128x16xf32, #tpu.memory_space<vmem>>) offsets(%arg13 : memref<128xi32, #tpu.memory_space<vmem>>) semaphore(%arg26 : memref<!tpu.dma_semaphore, #tpu.memory_space<semaphore_mem>>)
        %dma_start3A_360 = arith.constant 0 : i32
        %dma_start3A_361 = arith.constant 0 : i32
        %dma_start3A_362 = tpu.memref_slice %arg6[%dma_start3A_360, %dma_start3A_361] : memref<10240x16xf32, #tpu.memory_space<hbm>> -> memref<10240x16xf32, #tpu.memory_space<hbm>>
        tpu.enqueue_indirect_dma source(%dma_start3A_362 : memref<10240x16xf32, #tpu.memory_space<hbm>>) target(%arg21 : memref<128x16xf32, #tpu.memory_space<vmem>>) offsets(%arg13 : memref<128xi32, #tpu.memory_space<vmem>>) semaphore(%arg26 : memref<!tpu.dma_semaphore, #tpu.memory_space<semaphore_mem>>)
        %dma_start3A_363 = arith.constant 0 : i32
        %dma_start3A_364 = arith.constant 0 : i32
        %dma_start3A_365 = tpu.memref_slice %arg7[%dma_start3A_363, %dma_start3A_364] : memref<10240x128xf32, #tpu.memory_space<hbm>> -> memref<10240x128xf32, #tpu.memory_space<hbm>>
        tpu.enqueue_indirect_dma source(%dma_start3A_365 : memref<10240x128xf32, #tpu.memory_space<hbm>>) target(%arg23 : memref<128x128xf32, #tpu.memory_space<vmem>>) offsets(%arg11 : memref<128xi32, #tpu.memory_space<vmem>>) semaphore(%arg26 : memref<!tpu.dma_semaphore, #tpu.memory_space<semaphore_mem>>)
        %add3A_366 = arith.constant 2 : i32
        %add3A_367 = arith.addi %add3A_204, %add3A_366 : i32
        %lt3A_368 = arith.constant 82 : i32
        %lt3A_369 = arith.cmpi slt, %add3A_367, %lt3A_368 : i32
        %convert_element_type3A_370 = arith.extui %lt3A_369 : i1 to i32
        %cond3A_371 = arith.constant 0 : i32
        %cond3A_372 = arith.cmpi ne, %convert_element_type3A_370, %cond3A_371 : i32
        scf.if %cond3A_372 {
          %add3A_373 = arith.constant 2 : i32
          %add3A_374 = arith.addi %add3A_204, %add3A_373 : i32
          %dma_start3A_375 = arith.constant 0 : i32
          %dma_start3A_376 = tpu.memref_slice %arg2[%add3A, %add3A_374, %dma_start3A_375] : memref<32x82x128xi32, #tpu.memory_space<hbm>> -> memref<1x1x128xi32, #tpu.memory_space<hbm>>
          %dma_start3A_377 = tpu.memref_squeeze %dma_start3A_376 : memref<1x1x128xi32, #tpu.memory_space<hbm>> -> memref<128xi32, #tpu.memory_space<hbm>>
          %dma_start3A_378 = arith.constant 0 : i32
          %dma_start3A_379 = tpu.memref_slice %arg2[%add3A, %add3A_374, %dma_start3A_378] : memref<32x82x128xi32, #tpu.memory_space<hbm>> -> memref<1x1x128xi32, #tpu.memory_space<hbm>>
          %dma_start3A_380 = tpu.memref_squeeze %dma_start3A_379 : memref<1x1x128xi32, #tpu.memory_space<hbm>> -> memref<128xi32, #tpu.memory_space<hbm>>
          tpu.enqueue_dma source(%dma_start3A_380 : memref<128xi32, #tpu.memory_space<hbm>>) target(%arg12 : memref<128xi32, #tpu.memory_space<vmem>>) target_semaphore(%arg29 : memref<!tpu.dma_semaphore, #tpu.memory_space<semaphore_mem>>)
          %dma_start3A_381 = arith.constant 0 : i32
          %dma_start3A_382 = tpu.memref_slice %arg3[%add3A, %add3A_374, %dma_start3A_381] : memref<32x82x128xi32, #tpu.memory_space<hbm>> -> memref<1x1x128xi32, #tpu.memory_space<hbm>>
          %dma_start3A_383 = tpu.memref_squeeze %dma_start3A_382 : memref<1x1x128xi32, #tpu.memory_space<hbm>> -> memref<128xi32, #tpu.memory_space<hbm>>
          %dma_start3A_384 = arith.constant 0 : i32
          %dma_start3A_385 = tpu.memref_slice %arg3[%add3A, %add3A_374, %dma_start3A_384] : memref<32x82x128xi32, #tpu.memory_space<hbm>> -> memref<1x1x128xi32, #tpu.memory_space<hbm>>
          %dma_start3A_386 = tpu.memref_squeeze %dma_start3A_385 : memref<1x1x128xi32, #tpu.memory_space<hbm>> -> memref<128xi32, #tpu.memory_space<hbm>>
          tpu.enqueue_dma source(%dma_start3A_386 : memref<128xi32, #tpu.memory_space<hbm>>) target(%arg14 : memref<128xi32, #tpu.memory_space<vmem>>) target_semaphore(%arg29 : memref<!tpu.dma_semaphore, #tpu.memory_space<semaphore_mem>>)
        } else {
        }
      } else {
      }
      %scan3A_268 = arith.constant 0 : i32
      %scan3A_269 = arith.constant 16 : i32
      %scan3A_270 = arith.addi %scan3A_268, %scan3A_269 : i32
      %scan3A_271 = arith.constant 1 : i32
      scf.for %scan3A_304 = %scan3A_268 to %scan3A_270 step %scan3A_271  : i32 {
        %mul3A_305 = arith.constant 1 : i32
        %mul3A_306 = arith.muli %scan3A_304, %mul3A_305 : i32
        %add3A_307 = arith.constant 0 : i32
        %add3A_308 = arith.addi %add3A_307, %mul3A_306 : i32
        %mul3A_309 = arith.constant 8 : i32
        %mul3A_310 = arith.muli %mul3A_309, %add3A_308 : i32
        %add3A_311 = arith.constant 0 : i32
        %add3A_312 = arith.addi %mul3A_310, %add3A_311 : i32
        %get3A_313 = arith.index_cast %add3A_312 : i32 to index
        %get3A_314 = arith.constant 0 : index
        %get3A_315 = tpu.vector_load %arg20[%get3A_313, %get3A_314] {strides = array<i32>} : memref<128x16xf32, #tpu.memory_space<vmem>>, vector<16xf32>,
        %get3A_316 = arith.index_cast %add3A_312 : i32 to index
        %get3A_317 = arith.constant 0 : index
        %get3A_318 = tpu.vector_load %arg22[%get3A_316, %get3A_317] {strides = array<i32>} : memref<128x16xf32, #tpu.memory_space<vmem>>, vector<16xf32>,
        %add3A_319 = arith.addf %get3A_315, %get3A_318 : vector<16xf32>
        %add3A_320 = arith.constant 1.000000e-16 : f32
        %add3A_321 = vector.broadcast %add3A_320 : f32 to vector<16xf32>
        %add3A_322 = arith.addf %add3A_319, %add3A_321 : vector<16xf32>
        %get3A_323 = arith.index_cast %add3A_308 : i32 to index
        %get3A_324 = arith.constant 0 : index
        %get3A_325 = tpu.vector_load %arg18[%get3A_323, %get3A_324] {strides = array<i32>} : memref<16x128xf32, #tpu.memory_space<vmem>>, vector<16xf32>,
        %div3A_326 = arith.divf %get3A_325, %add3A_322 : vector<16xf32>
        %swap3A_327 = arith.index_cast %add3A_308 : i32 to index
        %swap3A_328 = arith.constant 0 : index
        %swap3A_329 = tpu.vector_load %arg18[%swap3A_327, %swap3A_328] {strides = array<i32>} : memref<16x128xf32, #tpu.memory_space<vmem>>, vector<16xf32>,
        tpu.vector_store %arg18[%swap3A_327, %swap3A_328], %div3A_326 {strides = array<i32>} : memref<16x128xf32, #tpu.memory_space<vmem>>, vector<16xf32>,
        %broadcast_in_dim3A = arith.constant 0 : i32
        %broadcast_in_dim3A_330 = vector.broadcast %broadcast_in_dim3A : i32 to vector<16x1xi32>
        %gather3A = vector.shape_cast %broadcast_in_dim3A_330 : vector<16x1xi32> to vector<16xi32>
        %gather3A_331 = tpu.dynamic_gather %div3A_326[%gather3A] in [0] : vector<16xf32>, vector<16xi32> -> vector<16xf32>
        %get3A_332 = arith.index_cast %add3A_312 : i32 to index
        %get3A_333 = arith.constant 0 : index
        %get3A_334 = tpu.vector_load %arg24[%get3A_332, %get3A_333] {strides = array<i32>} : memref<128x128xf32, #tpu.memory_space<vmem>>, vector<16xf32>,
        %mul3A_335 = arith.mulf %get3A_334, %gather3A_331 : vector<16xf32>
        %swap3A_336 = arith.index_cast %add3A_312 : i32 to index
        %swap3A_337 = arith.constant 0 : index
        %swap3A_338 = tpu.vector_load %arg24[%swap3A_336, %swap3A_337] {strides = array<i32>} : memref<128x128xf32, #tpu.memory_space<vmem>>, vector<16xf32>,
        tpu.vector_store %arg24[%swap3A_336, %swap3A_337], %mul3A_335 {strides = array<i32>} : memref<128x128xf32, #tpu.memory_space<vmem>>, vector<16xf32>,
        %broadcast_in_dim3A_339 = arith.constant 1 : i32
        %broadcast_in_dim3A_340 = vector.broadcast %broadcast_in_dim3A_339 : i32 to vector<16x1xi32>
        %gather3A_341 = vector.shape_cast %broadcast_in_dim3A_340 : vector<16x1xi32> to vector<16xi32>
        %gather3A_342 = tpu.dynamic_gather %div3A_326[%gather3A_341] in [0] : vector<16xf32>, vector<16xi32> -> vector<16xf32>
        %get3A_343 = arith.index_cast %add3A_312 : i32 to index
        %get3A_344 = arith.constant 16 : index
        %get3A_345 = tpu.vector_load %arg24[%get3A_343, %get3A_344] {strides = array<i32>} : memref<128x128xf32, #tpu.memory_space<vmem>>, vector<16xf32>,
        %mul3A_346 = arith.mulf %get3A_345, %gather3A_342 : vector<16xf32>
        %swap3A_347 = arith.index_cast %add3A_312 : i32 to index
        %swap3A_348 = arith.constant 16 : index
        %swap3A_349 = tpu.vector_load %arg24[%swap3A_347, %swap3A_348] {strides = array<i32>} : memref<128x128xf32, #tpu.memory_space<vmem>>, vector<16xf32>,
        tpu.vector_store %arg24[%swap3A_347, %swap3A_348], %mul3A_346 {strides = array<i32>} : memref<128x128xf32, #tpu.memory_space<vmem>>, vector<16xf32>,
        %broadcast_in_dim3A_350 = arith.constant 2 : i32
        %broadcast_in_dim3A_351 = vector.broadcast %broadcast_in_dim3A_350 : i32 to vector<16x1xi32>
        %gather3A_352 = vector.shape_cast %broadcast_in_dim3A_351 : vector<16x1xi32> to vector<16xi32>
        %gather3A_353 = tpu.dynamic_gather %div3A_326[%gather3A_352] in [0] : vector<16xf32>, vector<16xi32> -> vector<16xf32>
        %get3A_354 = arith.index_cast %add3A_312 : i32 to index
        %get3A_355 = arith.constant 32 : index
        %get3A_356 = tpu.vector_load %arg24[%get3A_354, %get3A_355] {strides = array<i32>} : memref<128x128xf32, #tpu.memory_space<vmem>>, vector<16xf32>,
        %mul3A_357 = arith.mulf %get3A_356, %gather3A_353 : vector<16xf32>
        %swap3A_358 = arith.index_cast %add3A_312 : i32 to index
        %swap3A_359 = arith.constant 32 : index
        %swap3A_360 = tpu.vector_load %arg24[%swap3A_358, %swap3A_359] {strides = array<i32>} : memref<128x128xf32, #tpu.memory_space<vmem>>, vector<16xf32>,
        tpu.vector_store %arg24[%swap3A_358, %swap3A_359], %mul3A_357 {strides = array<i32>} : memref<128x128xf32, #tpu.memory_space<vmem>>, vector<16xf32>,
        %broadcast_in_dim3A_361 = arith.constant 3 : i32
        %broadcast_in_dim3A_362 = vector.broadcast %broadcast_in_dim3A_361 : i32 to vector<16x1xi32>
        %gather3A_363 = vector.shape_cast %broadcast_in_dim3A_362 : vector<16x1xi32> to vector<16xi32>
        %gather3A_364 = tpu.dynamic_gather %div3A_326[%gather3A_363] in [0] : vector<16xf32>, vector<16xi32> -> vector<16xf32>
        %get3A_365 = arith.index_cast %add3A_312 : i32 to index
        %get3A_366 = arith.constant 48 : index
        %get3A_367 = tpu.vector_load %arg24[%get3A_365, %get3A_366] {strides = array<i32>} : memref<128x128xf32, #tpu.memory_space<vmem>>, vector<16xf32>,
        %mul3A_368 = arith.mulf %get3A_367, %gather3A_364 : vector<16xf32>
        %swap3A_369 = arith.index_cast %add3A_312 : i32 to index
        %swap3A_370 = arith.constant 48 : index
        %swap3A_371 = tpu.vector_load %arg24[%swap3A_369, %swap3A_370] {strides = array<i32>} : memref<128x128xf32, #tpu.memory_space<vmem>>, vector<16xf32>,
        tpu.vector_store %arg24[%swap3A_369, %swap3A_370], %mul3A_368 {strides = array<i32>} : memref<128x128xf32, #tpu.memory_space<vmem>>, vector<16xf32>,
        %broadcast_in_dim3A_372 = arith.constant 4 : i32
        %broadcast_in_dim3A_373 = vector.broadcast %broadcast_in_dim3A_372 : i32 to vector<16x1xi32>
        %gather3A_374 = vector.shape_cast %broadcast_in_dim3A_373 : vector<16x1xi32> to vector<16xi32>
        %gather3A_375 = tpu.dynamic_gather %div3A_326[%gather3A_374] in [0] : vector<16xf32>, vector<16xi32> -> vector<16xf32>
        %get3A_376 = arith.index_cast %add3A_312 : i32 to index
        %get3A_377 = arith.constant 64 : index
        %get3A_378 = tpu.vector_load %arg24[%get3A_376, %get3A_377] {strides = array<i32>} : memref<128x128xf32, #tpu.memory_space<vmem>>, vector<16xf32>,
        %mul3A_379 = arith.mulf %get3A_378, %gather3A_375 : vector<16xf32>
        %swap3A_380 = arith.index_cast %add3A_312 : i32 to index
        %swap3A_381 = arith.constant 64 : index
        %swap3A_382 = tpu.vector_load %arg24[%swap3A_380, %swap3A_381] {strides = array<i32>} : memref<128x128xf32, #tpu.memory_space<vmem>>, vector<16xf32>,
        tpu.vector_store %arg24[%swap3A_380, %swap3A_381], %mul3A_379 {strides = array<i32>} : memref<128x128xf32, #tpu.memory_space<vmem>>, vector<16xf32>,
        %broadcast_in_dim3A_383 = arith.constant 5 : i32
        %broadcast_in_dim3A_384 = vector.broadcast %broadcast_in_dim3A_383 : i32 to vector<16x1xi32>
        %gather3A_385 = vector.shape_cast %broadcast_in_dim3A_384 : vector<16x1xi32> to vector<16xi32>
        %gather3A_386 = tpu.dynamic_gather %div3A_326[%gather3A_385] in [0] : vector<16xf32>, vector<16xi32> -> vector<16xf32>
        %get3A_387 = arith.index_cast %add3A_312 : i32 to index
        %get3A_388 = arith.constant 80 : index
        %get3A_389 = tpu.vector_load %arg24[%get3A_387, %get3A_388] {strides = array<i32>} : memref<128x128xf32, #tpu.memory_space<vmem>>, vector<16xf32>,
        %mul3A_390 = arith.mulf %get3A_389, %gather3A_386 : vector<16xf32>
        %swap3A_391 = arith.index_cast %add3A_312 : i32 to index
        %swap3A_392 = arith.constant 80 : index
        %swap3A_393 = tpu.vector_load %arg24[%swap3A_391, %swap3A_392] {strides = array<i32>} : memref<128x128xf32, #tpu.memory_space<vmem>>, vector<16xf32>,
        tpu.vector_store %arg24[%swap3A_391, %swap3A_392], %mul3A_390 {strides = array<i32>} : memref<128x128xf32, #tpu.memory_space<vmem>>, vector<16xf32>,
        %broadcast_in_dim3A_394 = arith.constant 6 : i32
        %broadcast_in_dim3A_395 = vector.broadcast %broadcast_in_dim3A_394 : i32 to vector<16x1xi32>
        %gather3A_396 = vector.shape_cast %broadcast_in_dim3A_395 : vector<16x1xi32> to vector<16xi32>
        %gather3A_397 = tpu.dynamic_gather %div3A_326[%gather3A_396] in [0] : vector<16xf32>, vector<16xi32> -> vector<16xf32>
        %get3A_398 = arith.index_cast %add3A_312 : i32 to index
        %get3A_399 = arith.constant 96 : index
        %get3A_400 = tpu.vector_load %arg24[%get3A_398, %get3A_399] {strides = array<i32>} : memref<128x128xf32, #tpu.memory_space<vmem>>, vector<16xf32>,
        %mul3A_401 = arith.mulf %get3A_400, %gather3A_397 : vector<16xf32>
        %swap3A_402 = arith.index_cast %add3A_312 : i32 to index
        %swap3A_403 = arith.constant 96 : index
        %swap3A_404 = tpu.vector_load %arg24[%swap3A_402, %swap3A_403] {strides = array<i32>} : memref<128x128xf32, #tpu.memory_space<vmem>>, vector<16xf32>,
        tpu.vector_store %arg24[%swap3A_402, %swap3A_403], %mul3A_401 {strides = array<i32>} : memref<128x128xf32, #tpu.memory_space<vmem>>, vector<16xf32>,
        %broadcast_in_dim3A_405 = arith.constant 7 : i32
        %broadcast_in_dim3A_406 = vector.broadcast %broadcast_in_dim3A_405 : i32 to vector<16x1xi32>
        %gather3A_407 = vector.shape_cast %broadcast_in_dim3A_406 : vector<16x1xi32> to vector<16xi32>
        %gather3A_408 = tpu.dynamic_gather %div3A_326[%gather3A_407] in [0] : vector<16xf32>, vector<16xi32> -> vector<16xf32>
        %get3A_409 = arith.index_cast %add3A_312 : i32 to index
        %get3A_410 = arith.constant 112 : index
        %get3A_411 = tpu.vector_load %arg24[%get3A_409, %get3A_410] {strides = array<i32>} : memref<128x128xf32, #tpu.memory_space<vmem>>, vector<16xf32>,
        %mul3A_412 = arith.mulf %get3A_411, %gather3A_408 : vector<16xf32>
        %swap3A_413 = arith.index_cast %add3A_312 : i32 to index
        %swap3A_414 = arith.constant 112 : index
        %swap3A_415 = tpu.vector_load %arg24[%swap3A_413, %swap3A_414] {strides = array<i32>} : memref<128x128xf32, #tpu.memory_space<vmem>>, vector<16xf32>,
        tpu.vector_store %arg24[%swap3A_413, %swap3A_414], %mul3A_412 {strides = array<i32>} : memref<128x128xf32, #tpu.memory_space<vmem>>, vector<16xf32>,
        %mul3A_416 = arith.constant 8 : i32
        %mul3A_417 = arith.muli %mul3A_416, %add3A_308 : i32
        %add3A_418 = arith.constant 1 : i32
        %add3A_419 = arith.addi %mul3A_417, %add3A_418 : i32
        %get3A_420 = arith.index_cast %add3A_419 : i32 to index
        %get3A_421 = arith.constant 0 : index
        %get3A_422 = tpu.vector_load %arg20[%get3A_420, %get3A_421] {strides = array<i32>} : memref<128x16xf32, #tpu.memory_space<vmem>>, vector<16xf32>,
        %get3A_423 = arith.index_cast %add3A_419 : i32 to index
        %get3A_424 = arith.constant 0 : index
        %get3A_425 = tpu.vector_load %arg22[%get3A_423, %get3A_424] {strides = array<i32>} : memref<128x16xf32, #tpu.memory_space<vmem>>, vector<16xf32>,
        %add3A_426 = arith.addf %get3A_422, %get3A_425 : vector<16xf32>
        %add3A_427 = arith.constant 1.000000e-16 : f32
        %add3A_428 = vector.broadcast %add3A_427 : f32 to vector<16xf32>
        %add3A_429 = arith.addf %add3A_426, %add3A_428 : vector<16xf32>
        %get3A_430 = arith.index_cast %add3A_308 : i32 to index
        %get3A_431 = arith.constant 16 : index
        %get3A_432 = tpu.vector_load %arg18[%get3A_430, %get3A_431] {strides = array<i32>} : memref<16x128xf32, #tpu.memory_space<vmem>>, vector<16xf32>,
        %div3A_433 = arith.divf %get3A_432, %add3A_429 : vector<16xf32>
        %swap3A_434 = arith.index_cast %add3A_308 : i32 to index
        %swap3A_435 = arith.constant 16 : index
        %swap3A_436 = tpu.vector_load %arg18[%swap3A_434, %swap3A_435] {strides = array<i32>} : memref<16x128xf32, #tpu.memory_space<vmem>>, vector<16xf32>,
        tpu.vector_store %arg18[%swap3A_434, %swap3A_435], %div3A_433 {strides = array<i32>} : memref<16x128xf32, #tpu.memory_space<vmem>>, vector<16xf32>,
        %broadcast_in_dim3A_437 = arith.constant 0 : i32
        %broadcast_in_dim3A_438 = vector.broadcast %broadcast_in_dim3A_437 : i32 to vector<16x1xi32>
        %gather3A_439 = vector.shape_cast %broadcast_in_dim3A_438 : vector<16x1xi32> to vector<16xi32>
        %gather3A_440 = tpu.dynamic_gather %div3A_433[%gather3A_439] in [0] : vector<16xf32>, vector<16xi32> -> vector<16xf32>
        %get3A_441 = arith.index_cast %add3A_419 : i32 to index
        %get3A_442 = arith.constant 0 : index
        %get3A_443 = tpu.vector_load %arg24[%get3A_441, %get3A_442] {strides = array<i32>} : memref<128x128xf32, #tpu.memory_space<vmem>>, vector<16xf32>,
        %mul3A_444 = arith.mulf %get3A_443, %gather3A_440 : vector<16xf32>
        %swap3A_445 = arith.index_cast %add3A_419 : i32 to index
        %swap3A_446 = arith.constant 0 : index
        %swap3A_447 = tpu.vector_load %arg24[%swap3A_445, %swap3A_446] {strides = array<i32>} : memref<128x128xf32, #tpu.memory_space<vmem>>, vector<16xf32>,
        tpu.vector_store %arg24[%swap3A_445, %swap3A_446], %mul3A_444 {strides = array<i32>} : memref<128x128xf32, #tpu.memory_space<vmem>>, vector<16xf32>,
        %broadcast_in_dim3A_448 = arith.constant 1 : i32
        %broadcast_in_dim3A_449 = vector.broadcast %broadcast_in_dim3A_448 : i32 to vector<16x1xi32>
        %gather3A_450 = vector.shape_cast %broadcast_in_dim3A_449 : vector<16x1xi32> to vector<16xi32>
        %gather3A_451 = tpu.dynamic_gather %div3A_433[%gather3A_450] in [0] : vector<16xf32>, vector<16xi32> -> vector<16xf32>
        %get3A_452 = arith.index_cast %add3A_419 : i32 to index
        %get3A_453 = arith.constant 16 : index
        %get3A_454 = tpu.vector_load %arg24[%get3A_452, %get3A_453] {strides = array<i32>} : memref<128x128xf32, #tpu.memory_space<vmem>>, vector<16xf32>,
        %mul3A_455 = arith.mulf %get3A_454, %gather3A_451 : vector<16xf32>
        %swap3A_456 = arith.index_cast %add3A_419 : i32 to index
        %swap3A_457 = arith.constant 16 : index
        %swap3A_458 = tpu.vector_load %arg24[%swap3A_456, %swap3A_457] {strides = array<i32>} : memref<128x128xf32, #tpu.memory_space<vmem>>, vector<16xf32>,
        tpu.vector_store %arg24[%swap3A_456, %swap3A_457], %mul3A_455 {strides = array<i32>} : memref<128x128xf32, #tpu.memory_space<vmem>>, vector<16xf32>,
        %broadcast_in_dim3A_459 = arith.constant 2 : i32
        %broadcast_in_dim3A_460 = vector.broadcast %broadcast_in_dim3A_459 : i32 to vector<16x1xi32>
        %gather3A_461 = vector.shape_cast %broadcast_in_dim3A_460 : vector<16x1xi32> to vector<16xi32>
        %gather3A_462 = tpu.dynamic_gather %div3A_433[%gather3A_461] in [0] : vector<16xf32>, vector<16xi32> -> vector<16xf32>
        %get3A_463 = arith.index_cast %add3A_419 : i32 to index
        %get3A_464 = arith.constant 32 : index
        %get3A_465 = tpu.vector_load %arg24[%get3A_463, %get3A_464] {strides = array<i32>} : memref<128x128xf32, #tpu.memory_space<vmem>>, vector<16xf32>,
        %mul3A_466 = arith.mulf %get3A_465, %gather3A_462 : vector<16xf32>
        %swap3A_467 = arith.index_cast %add3A_419 : i32 to index
        %swap3A_468 = arith.constant 32 : index
        %swap3A_469 = tpu.vector_load %arg24[%swap3A_467, %swap3A_468] {strides = array<i32>} : memref<128x128xf32, #tpu.memory_space<vmem>>, vector<16xf32>,
        tpu.vector_store %arg24[%swap3A_467, %swap3A_468], %mul3A_466 {strides = array<i32>} : memref<128x128xf32, #tpu.memory_space<vmem>>, vector<16xf32>,
        %broadcast_in_dim3A_470 = arith.constant 3 : i32
        %broadcast_in_dim3A_471 = vector.broadcast %broadcast_in_dim3A_470 : i32 to vector<16x1xi32>
        %gather3A_472 = vector.shape_cast %broadcast_in_dim3A_471 : vector<16x1xi32> to vector<16xi32>
        %gather3A_473 = tpu.dynamic_gather %div3A_433[%gather3A_472] in [0] : vector<16xf32>, vector<16xi32> -> vector<16xf32>
        %get3A_474 = arith.index_cast %add3A_419 : i32 to index
        %get3A_475 = arith.constant 48 : index
        %get3A_476 = tpu.vector_load %arg24[%get3A_474, %get3A_475] {strides = array<i32>} : memref<128x128xf32, #tpu.memory_space<vmem>>, vector<16xf32>,
        %mul3A_477 = arith.mulf %get3A_476, %gather3A_473 : vector<16xf32>
        %swap3A_478 = arith.index_cast %add3A_419 : i32 to index
        %swap3A_479 = arith.constant 48 : index
        %swap3A_480 = tpu.vector_load %arg24[%swap3A_478, %swap3A_479] {strides = array<i32>} : memref<128x128xf32, #tpu.memory_space<vmem>>, vector<16xf32>,
        tpu.vector_store %arg24[%swap3A_478, %swap3A_479], %mul3A_477 {strides = array<i32>} : memref<128x128xf32, #tpu.memory_space<vmem>>, vector<16xf32>,
        %broadcast_in_dim3A_481 = arith.constant 4 : i32
        %broadcast_in_dim3A_482 = vector.broadcast %broadcast_in_dim3A_481 : i32 to vector<16x1xi32>
        %gather3A_483 = vector.shape_cast %broadcast_in_dim3A_482 : vector<16x1xi32> to vector<16xi32>
        %gather3A_484 = tpu.dynamic_gather %div3A_433[%gather3A_483] in [0] : vector<16xf32>, vector<16xi32> -> vector<16xf32>
        %get3A_485 = arith.index_cast %add3A_419 : i32 to index
        %get3A_486 = arith.constant 64 : index
        %get3A_487 = tpu.vector_load %arg24[%get3A_485, %get3A_486] {strides = array<i32>} : memref<128x128xf32, #tpu.memory_space<vmem>>, vector<16xf32>,
        %mul3A_488 = arith.mulf %get3A_487, %gather3A_484 : vector<16xf32>
        %swap3A_489 = arith.index_cast %add3A_419 : i32 to index
        %swap3A_490 = arith.constant 64 : index
        %swap3A_491 = tpu.vector_load %arg24[%swap3A_489, %swap3A_490] {strides = array<i32>} : memref<128x128xf32, #tpu.memory_space<vmem>>, vector<16xf32>,
        tpu.vector_store %arg24[%swap3A_489, %swap3A_490], %mul3A_488 {strides = array<i32>} : memref<128x128xf32, #tpu.memory_space<vmem>>, vector<16xf32>,
        %broadcast_in_dim3A_492 = arith.constant 5 : i32
        %broadcast_in_dim3A_493 = vector.broadcast %broadcast_in_dim3A_492 : i32 to vector<16x1xi32>
        %gather3A_494 = vector.shape_cast %broadcast_in_dim3A_493 : vector<16x1xi32> to vector<16xi32>
        %gather3A_495 = tpu.dynamic_gather %div3A_433[%gather3A_494] in [0] : vector<16xf32>, vector<16xi32> -> vector<16xf32>
        %get3A_496 = arith.index_cast %add3A_419 : i32 to index
        %get3A_497 = arith.constant 80 : index
        %get3A_498 = tpu.vector_load %arg24[%get3A_496, %get3A_497] {strides = array<i32>} : memref<128x128xf32, #tpu.memory_space<vmem>>, vector<16xf32>,
        %mul3A_499 = arith.mulf %get3A_498, %gather3A_495 : vector<16xf32>
        %swap3A_500 = arith.index_cast %add3A_419 : i32 to index
        %swap3A_501 = arith.constant 80 : index
        %swap3A_502 = tpu.vector_load %arg24[%swap3A_500, %swap3A_501] {strides = array<i32>} : memref<128x128xf32, #tpu.memory_space<vmem>>, vector<16xf32>,
        tpu.vector_store %arg24[%swap3A_500, %swap3A_501], %mul3A_499 {strides = array<i32>} : memref<128x128xf32, #tpu.memory_space<vmem>>, vector<16xf32>,
        %broadcast_in_dim3A_503 = arith.constant 6 : i32
        %broadcast_in_dim3A_504 = vector.broadcast %broadcast_in_dim3A_503 : i32 to vector<16x1xi32>
        %gather3A_505 = vector.shape_cast %broadcast_in_dim3A_504 : vector<16x1xi32> to vector<16xi32>
        %gather3A_506 = tpu.dynamic_gather %div3A_433[%gather3A_505] in [0] : vector<16xf32>, vector<16xi32> -> vector<16xf32>
        %get3A_507 = arith.index_cast %add3A_419 : i32 to index
        %get3A_508 = arith.constant 96 : index
        %get3A_509 = tpu.vector_load %arg24[%get3A_507, %get3A_508] {strides = array<i32>} : memref<128x128xf32, #tpu.memory_space<vmem>>, vector<16xf32>,
        %mul3A_510 = arith.mulf %get3A_509, %gather3A_506 : vector<16xf32>
        %swap3A_511 = arith.index_cast %add3A_419 : i32 to index
        %swap3A_512 = arith.constant 96 : index
        %swap3A_513 = tpu.vector_load %arg24[%swap3A_511, %swap3A_512] {strides = array<i32>} : memref<128x128xf32, #tpu.memory_space<vmem>>, vector<16xf32>,
        tpu.vector_store %arg24[%swap3A_511, %swap3A_512], %mul3A_510 {strides = array<i32>} : memref<128x128xf32, #tpu.memory_space<vmem>>, vector<16xf32>,
        %broadcast_in_dim3A_514 = arith.constant 7 : i32
        %broadcast_in_dim3A_515 = vector.broadcast %broadcast_in_dim3A_514 : i32 to vector<16x1xi32>
        %gather3A_516 = vector.shape_cast %broadcast_in_dim3A_515 : vector<16x1xi32> to vector<16xi32>
        %gather3A_517 = tpu.dynamic_gather %div3A_433[%gather3A_516] in [0] : vector<16xf32>, vector<16xi32> -> vector<16xf32>
        %get3A_518 = arith.index_cast %add3A_419 : i32 to index
        %get3A_519 = arith.constant 112 : index
        %get3A_520 = tpu.vector_load %arg24[%get3A_518, %get3A_519] {strides = array<i32>} : memref<128x128xf32, #tpu.memory_space<vmem>>, vector<16xf32>,
        %mul3A_521 = arith.mulf %get3A_520, %gather3A_517 : vector<16xf32>
        %swap3A_522 = arith.index_cast %add3A_419 : i32 to index
        %swap3A_523 = arith.constant 112 : index
        %swap3A_524 = tpu.vector_load %arg24[%swap3A_522, %swap3A_523] {strides = array<i32>} : memref<128x128xf32, #tpu.memory_space<vmem>>, vector<16xf32>,
        tpu.vector_store %arg24[%swap3A_522, %swap3A_523], %mul3A_521 {strides = array<i32>} : memref<128x128xf32, #tpu.memory_space<vmem>>, vector<16xf32>,
        %mul3A_525 = arith.constant 8 : i32
        %mul3A_526 = arith.muli %mul3A_525, %add3A_308 : i32
        %add3A_527 = arith.constant 2 : i32
        %add3A_528 = arith.addi %mul3A_526, %add3A_527 : i32
        %get3A_529 = arith.index_cast %add3A_528 : i32 to index
        %get3A_530 = arith.constant 0 : index
        %get3A_531 = tpu.vector_load %arg20[%get3A_529, %get3A_530] {strides = array<i32>} : memref<128x16xf32, #tpu.memory_space<vmem>>, vector<16xf32>,
        %get3A_532 = arith.index_cast %add3A_528 : i32 to index
        %get3A_533 = arith.constant 0 : index
        %get3A_534 = tpu.vector_load %arg22[%get3A_532, %get3A_533] {strides = array<i32>} : memref<128x16xf32, #tpu.memory_space<vmem>>, vector<16xf32>,
        %add3A_535 = arith.addf %get3A_531, %get3A_534 : vector<16xf32>
        %add3A_536 = arith.constant 1.000000e-16 : f32
        %add3A_537 = vector.broadcast %add3A_536 : f32 to vector<16xf32>
        %add3A_538 = arith.addf %add3A_535, %add3A_537 : vector<16xf32>
        %get3A_539 = arith.index_cast %add3A_308 : i32 to index
        %get3A_540 = arith.constant 32 : index
        %get3A_541 = tpu.vector_load %arg18[%get3A_539, %get3A_540] {strides = array<i32>} : memref<16x128xf32, #tpu.memory_space<vmem>>, vector<16xf32>,
        %div3A_542 = arith.divf %get3A_541, %add3A_538 : vector<16xf32>
        %swap3A_543 = arith.index_cast %add3A_308 : i32 to index
        %swap3A_544 = arith.constant 32 : index
        %swap3A_545 = tpu.vector_load %arg18[%swap3A_543, %swap3A_544] {strides = array<i32>} : memref<16x128xf32, #tpu.memory_space<vmem>>, vector<16xf32>,
        tpu.vector_store %arg18[%swap3A_543, %swap3A_544], %div3A_542 {strides = array<i32>} : memref<16x128xf32, #tpu.memory_space<vmem>>, vector<16xf32>,
        %broadcast_in_dim3A_546 = arith.constant 0 : i32
        %broadcast_in_dim3A_547 = vector.broadcast %broadcast_in_dim3A_546 : i32 to vector<16x1xi32>
        %gather3A_548 = vector.shape_cast %broadcast_in_dim3A_547 : vector<16x1xi32> to vector<16xi32>
        %gather3A_549 = tpu.dynamic_gather %div3A_542[%gather3A_548] in [0] : vector<16xf32>, vector<16xi32> -> vector<16xf32>
        %get3A_550 = arith.index_cast %add3A_528 : i32 to index
        %get3A_551 = arith.constant 0 : index
        %get3A_552 = tpu.vector_load %arg24[%get3A_550, %get3A_551] {strides = array<i32>} : memref<128x128xf32, #tpu.memory_space<vmem>>, vector<16xf32>,
        %mul3A_553 = arith.mulf %get3A_552, %gather3A_549 : vector<16xf32>
        %swap3A_554 = arith.index_cast %add3A_528 : i32 to index
        %swap3A_555 = arith.constant 0 : index
        %swap3A_556 = tpu.vector_load %arg24[%swap3A_554, %swap3A_555] {strides = array<i32>} : memref<128x128xf32, #tpu.memory_space<vmem>>, vector<16xf32>,
        tpu.vector_store %arg24[%swap3A_554, %swap3A_555], %mul3A_553 {strides = array<i32>} : memref<128x128xf32, #tpu.memory_space<vmem>>, vector<16xf32>,
        %broadcast_in_dim3A_557 = arith.constant 1 : i32
        %broadcast_in_dim3A_558 = vector.broadcast %broadcast_in_dim3A_557 : i32 to vector<16x1xi32>
        %gather3A_559 = vector.shape_cast %broadcast_in_dim3A_558 : vector<16x1xi32> to vector<16xi32>
        %gather3A_560 = tpu.dynamic_gather %div3A_542[%gather3A_559] in [0] : vector<16xf32>, vector<16xi32> -> vector<16xf32>
        %get3A_561 = arith.index_cast %add3A_528 : i32 to index
        %get3A_562 = arith.constant 16 : index
        %get3A_563 = tpu.vector_load %arg24[%get3A_561, %get3A_562] {strides = array<i32>} : memref<128x128xf32, #tpu.memory_space<vmem>>, vector<16xf32>,
        %mul3A_564 = arith.mulf %get3A_563, %gather3A_560 : vector<16xf32>
        %swap3A_565 = arith.index_cast %add3A_528 : i32 to index
        %swap3A_566 = arith.constant 16 : index
        %swap3A_567 = tpu.vector_load %arg24[%swap3A_565, %swap3A_566] {strides = array<i32>} : memref<128x128xf32, #tpu.memory_space<vmem>>, vector<16xf32>,
        tpu.vector_store %arg24[%swap3A_565, %swap3A_566], %mul3A_564 {strides = array<i32>} : memref<128x128xf32, #tpu.memory_space<vmem>>, vector<16xf32>,
        %broadcast_in_dim3A_568 = arith.constant 2 : i32
        %broadcast_in_dim3A_569 = vector.broadcast %broadcast_in_dim3A_568 : i32 to vector<16x1xi32>
        %gather3A_570 = vector.shape_cast %broadcast_in_dim3A_569 : vector<16x1xi32> to vector<16xi32>
        %gather3A_571 = tpu.dynamic_gather %div3A_542[%gather3A_570] in [0] : vector<16xf32>, vector<16xi32> -> vector<16xf32>
        %get3A_572 = arith.index_cast %add3A_528 : i32 to index
        %get3A_573 = arith.constant 32 : index
        %get3A_574 = tpu.vector_load %arg24[%get3A_572, %get3A_573] {strides = array<i32>} : memref<128x128xf32, #tpu.memory_space<vmem>>, vector<16xf32>,
        %mul3A_575 = arith.mulf %get3A_574, %gather3A_571 : vector<16xf32>
        %swap3A_576 = arith.index_cast %add3A_528 : i32 to index
        %swap3A_577 = arith.constant 32 : index
        %swap3A_578 = tpu.vector_load %arg24[%swap3A_576, %swap3A_577] {strides = array<i32>} : memref<128x128xf32, #tpu.memory_space<vmem>>, vector<16xf32>,
        tpu.vector_store %arg24[%swap3A_576, %swap3A_577], %mul3A_575 {strides = array<i32>} : memref<128x128xf32, #tpu.memory_space<vmem>>, vector<16xf32>,
        %broadcast_in_dim3A_579 = arith.constant 3 : i32
        %broadcast_in_dim3A_580 = vector.broadcast %broadcast_in_dim3A_579 : i32 to vector<16x1xi32>
        %gather3A_581 = vector.shape_cast %broadcast_in_dim3A_580 : vector<16x1xi32> to vector<16xi32>
        %gather3A_582 = tpu.dynamic_gather %div3A_542[%gather3A_581] in [0] : vector<16xf32>, vector<16xi32> -> vector<16xf32>
        %get3A_583 = arith.index_cast %add3A_528 : i32 to index
        %get3A_584 = arith.constant 48 : index
        %get3A_585 = tpu.vector_load %arg24[%get3A_583, %get3A_584] {strides = array<i32>} : memref<128x128xf32, #tpu.memory_space<vmem>>, vector<16xf32>,
        %mul3A_586 = arith.mulf %get3A_585, %gather3A_582 : vector<16xf32>
        %swap3A_587 = arith.index_cast %add3A_528 : i32 to index
        %swap3A_588 = arith.constant 48 : index
        %swap3A_589 = tpu.vector_load %arg24[%swap3A_587, %swap3A_588] {strides = array<i32>} : memref<128x128xf32, #tpu.memory_space<vmem>>, vector<16xf32>,
        tpu.vector_store %arg24[%swap3A_587, %swap3A_588], %mul3A_586 {strides = array<i32>} : memref<128x128xf32, #tpu.memory_space<vmem>>, vector<16xf32>,
        %broadcast_in_dim3A_590 = arith.constant 4 : i32
        %broadcast_in_dim3A_591 = vector.broadcast %broadcast_in_dim3A_590 : i32 to vector<16x1xi32>
        %gather3A_592 = vector.shape_cast %broadcast_in_dim3A_591 : vector<16x1xi32> to vector<16xi32>
        %gather3A_593 = tpu.dynamic_gather %div3A_542[%gather3A_592] in [0] : vector<16xf32>, vector<16xi32> -> vector<16xf32>
        %get3A_594 = arith.index_cast %add3A_528 : i32 to index
        %get3A_595 = arith.constant 64 : index
        %get3A_596 = tpu.vector_load %arg24[%get3A_594, %get3A_595] {strides = array<i32>} : memref<128x128xf32, #tpu.memory_space<vmem>>, vector<16xf32>,
        %mul3A_597 = arith.mulf %get3A_596, %gather3A_593 : vector<16xf32>
        %swap3A_598 = arith.index_cast %add3A_528 : i32 to index
        %swap3A_599 = arith.constant 64 : index
        %swap3A_600 = tpu.vector_load %arg24[%swap3A_598, %swap3A_599] {strides = array<i32>} : memref<128x128xf32, #tpu.memory_space<vmem>>, vector<16xf32>,
        tpu.vector_store %arg24[%swap3A_598, %swap3A_599], %mul3A_597 {strides = array<i32>} : memref<128x128xf32, #tpu.memory_space<vmem>>, vector<16xf32>,
        %broadcast_in_dim3A_601 = arith.constant 5 : i32
        %broadcast_in_dim3A_602 = vector.broadcast %broadcast_in_dim3A_601 : i32 to vector<16x1xi32>
        %gather3A_603 = vector.shape_cast %broadcast_in_dim3A_602 : vector<16x1xi32> to vector<16xi32>
        %gather3A_604 = tpu.dynamic_gather %div3A_542[%gather3A_603] in [0] : vector<16xf32>, vector<16xi32> -> vector<16xf32>
        %get3A_605 = arith.index_cast %add3A_528 : i32 to index
        %get3A_606 = arith.constant 80 : index
        %get3A_607 = tpu.vector_load %arg24[%get3A_605, %get3A_606] {strides = array<i32>} : memref<128x128xf32, #tpu.memory_space<vmem>>, vector<16xf32>,
        %mul3A_608 = arith.mulf %get3A_607, %gather3A_604 : vector<16xf32>
        %swap3A_609 = arith.index_cast %add3A_528 : i32 to index
        %swap3A_610 = arith.constant 80 : index
        %swap3A_611 = tpu.vector_load %arg24[%swap3A_609, %swap3A_610] {strides = array<i32>} : memref<128x128xf32, #tpu.memory_space<vmem>>, vector<16xf32>,
        tpu.vector_store %arg24[%swap3A_609, %swap3A_610], %mul3A_608 {strides = array<i32>} : memref<128x128xf32, #tpu.memory_space<vmem>>, vector<16xf32>,
        %broadcast_in_dim3A_612 = arith.constant 6 : i32
        %broadcast_in_dim3A_613 = vector.broadcast %broadcast_in_dim3A_612 : i32 to vector<16x1xi32>
        %gather3A_614 = vector.shape_cast %broadcast_in_dim3A_613 : vector<16x1xi32> to vector<16xi32>
        %gather3A_615 = tpu.dynamic_gather %div3A_542[%gather3A_614] in [0] : vector<16xf32>, vector<16xi32> -> vector<16xf32>
        %get3A_616 = arith.index_cast %add3A_528 : i32 to index
        %get3A_617 = arith.constant 96 : index
        %get3A_618 = tpu.vector_load %arg24[%get3A_616, %get3A_617] {strides = array<i32>} : memref<128x128xf32, #tpu.memory_space<vmem>>, vector<16xf32>,
        %mul3A_619 = arith.mulf %get3A_618, %gather3A_615 : vector<16xf32>
        %swap3A_620 = arith.index_cast %add3A_528 : i32 to index
        %swap3A_621 = arith.constant 96 : index
        %swap3A_622 = tpu.vector_load %arg24[%swap3A_620, %swap3A_621] {strides = array<i32>} : memref<128x128xf32, #tpu.memory_space<vmem>>, vector<16xf32>,
        tpu.vector_store %arg24[%swap3A_620, %swap3A_621], %mul3A_619 {strides = array<i32>} : memref<128x128xf32, #tpu.memory_space<vmem>>, vector<16xf32>,
        %broadcast_in_dim3A_623 = arith.constant 7 : i32
        %broadcast_in_dim3A_624 = vector.broadcast %broadcast_in_dim3A_623 : i32 to vector<16x1xi32>
        %gather3A_625 = vector.shape_cast %broadcast_in_dim3A_624 : vector<16x1xi32> to vector<16xi32>
        %gather3A_626 = tpu.dynamic_gather %div3A_542[%gather3A_625] in [0] : vector<16xf32>, vector<16xi32> -> vector<16xf32>
        %get3A_627 = arith.index_cast %add3A_528 : i32 to index
        %get3A_628 = arith.constant 112 : index
        %get3A_629 = tpu.vector_load %arg24[%get3A_627, %get3A_628] {strides = array<i32>} : memref<128x128xf32, #tpu.memory_space<vmem>>, vector<16xf32>,
        %mul3A_630 = arith.mulf %get3A_629, %gather3A_626 : vector<16xf32>
        %swap3A_631 = arith.index_cast %add3A_528 : i32 to index
        %swap3A_632 = arith.constant 112 : index
        %swap3A_633 = tpu.vector_load %arg24[%swap3A_631, %swap3A_632] {strides = array<i32>} : memref<128x128xf32, #tpu.memory_space<vmem>>, vector<16xf32>,
        tpu.vector_store %arg24[%swap3A_631, %swap3A_632], %mul3A_630 {strides = array<i32>} : memref<128x128xf32, #tpu.memory_space<vmem>>, vector<16xf32>,
        %mul3A_634 = arith.constant 8 : i32
        %mul3A_635 = arith.muli %mul3A_634, %add3A_308 : i32
        %add3A_636 = arith.constant 3 : i32
        %add3A_637 = arith.addi %mul3A_635, %add3A_636 : i32
        %get3A_638 = arith.index_cast %add3A_637 : i32 to index
        %get3A_639 = arith.constant 0 : index
        %get3A_640 = tpu.vector_load %arg20[%get3A_638, %get3A_639] {strides = array<i32>} : memref<128x16xf32, #tpu.memory_space<vmem>>, vector<16xf32>,
        %get3A_641 = arith.index_cast %add3A_637 : i32 to index
        %get3A_642 = arith.constant 0 : index
        %get3A_643 = tpu.vector_load %arg22[%get3A_641, %get3A_642] {strides = array<i32>} : memref<128x16xf32, #tpu.memory_space<vmem>>, vector<16xf32>,
        %add3A_644 = arith.addf %get3A_640, %get3A_643 : vector<16xf32>
        %add3A_645 = arith.constant 1.000000e-16 : f32
        %add3A_646 = vector.broadcast %add3A_645 : f32 to vector<16xf32>
        %add3A_647 = arith.addf %add3A_644, %add3A_646 : vector<16xf32>
        %get3A_648 = arith.index_cast %add3A_308 : i32 to index
        %get3A_649 = arith.constant 48 : index
        %get3A_650 = tpu.vector_load %arg18[%get3A_648, %get3A_649] {strides = array<i32>} : memref<16x128xf32, #tpu.memory_space<vmem>>, vector<16xf32>,
        %div3A_651 = arith.divf %get3A_650, %add3A_647 : vector<16xf32>
        %swap3A_652 = arith.index_cast %add3A_308 : i32 to index
        %swap3A_653 = arith.constant 48 : index
        %swap3A_654 = tpu.vector_load %arg18[%swap3A_652, %swap3A_653] {strides = array<i32>} : memref<16x128xf32, #tpu.memory_space<vmem>>, vector<16xf32>,
        tpu.vector_store %arg18[%swap3A_652, %swap3A_653], %div3A_651 {strides = array<i32>} : memref<16x128xf32, #tpu.memory_space<vmem>>, vector<16xf32>,
        %broadcast_in_dim3A_655 = arith.constant 0 : i32
        %broadcast_in_dim3A_656 = vector.broadcast %broadcast_in_dim3A_655 : i32 to vector<16x1xi32>
        %gather3A_657 = vector.shape_cast %broadcast_in_dim3A_656 : vector<16x1xi32> to vector<16xi32>
        %gather3A_658 = tpu.dynamic_gather %div3A_651[%gather3A_657] in [0] : vector<16xf32>, vector<16xi32> -> vector<16xf32>
        %get3A_659 = arith.index_cast %add3A_637 : i32 to index
        %get3A_660 = arith.constant 0 : index
        %get3A_661 = tpu.vector_load %arg24[%get3A_659, %get3A_660] {strides = array<i32>} : memref<128x128xf32, #tpu.memory_space<vmem>>, vector<16xf32>,
        %mul3A_662 = arith.mulf %get3A_661, %gather3A_658 : vector<16xf32>
        %swap3A_663 = arith.index_cast %add3A_637 : i32 to index
        %swap3A_664 = arith.constant 0 : index
        %swap3A_665 = tpu.vector_load %arg24[%swap3A_663, %swap3A_664] {strides = array<i32>} : memref<128x128xf32, #tpu.memory_space<vmem>>, vector<16xf32>,
        tpu.vector_store %arg24[%swap3A_663, %swap3A_664], %mul3A_662 {strides = array<i32>} : memref<128x128xf32, #tpu.memory_space<vmem>>, vector<16xf32>,
        %broadcast_in_dim3A_666 = arith.constant 1 : i32
        %broadcast_in_dim3A_667 = vector.broadcast %broadcast_in_dim3A_666 : i32 to vector<16x1xi32>
        %gather3A_668 = vector.shape_cast %broadcast_in_dim3A_667 : vector<16x1xi32> to vector<16xi32>
        %gather3A_669 = tpu.dynamic_gather %div3A_651[%gather3A_668] in [0] : vector<16xf32>, vector<16xi32> -> vector<16xf32>
        %get3A_670 = arith.index_cast %add3A_637 : i32 to index
        %get3A_671 = arith.constant 16 : index
        %get3A_672 = tpu.vector_load %arg24[%get3A_670, %get3A_671] {strides = array<i32>} : memref<128x128xf32, #tpu.memory_space<vmem>>, vector<16xf32>,
        %mul3A_673 = arith.mulf %get3A_672, %gather3A_669 : vector<16xf32>
        %swap3A_674 = arith.index_cast %add3A_637 : i32 to index
        %swap3A_675 = arith.constant 16 : index
        %swap3A_676 = tpu.vector_load %arg24[%swap3A_674, %swap3A_675] {strides = array<i32>} : memref<128x128xf32, #tpu.memory_space<vmem>>, vector<16xf32>,
        tpu.vector_store %arg24[%swap3A_674, %swap3A_675], %mul3A_673 {strides = array<i32>} : memref<128x128xf32, #tpu.memory_space<vmem>>, vector<16xf32>,
        %broadcast_in_dim3A_677 = arith.constant 2 : i32
        %broadcast_in_dim3A_678 = vector.broadcast %broadcast_in_dim3A_677 : i32 to vector<16x1xi32>
        %gather3A_679 = vector.shape_cast %broadcast_in_dim3A_678 : vector<16x1xi32> to vector<16xi32>
        %gather3A_680 = tpu.dynamic_gather %div3A_651[%gather3A_679] in [0] : vector<16xf32>, vector<16xi32> -> vector<16xf32>
        %get3A_681 = arith.index_cast %add3A_637 : i32 to index
        %get3A_682 = arith.constant 32 : index
        %get3A_683 = tpu.vector_load %arg24[%get3A_681, %get3A_682] {strides = array<i32>} : memref<128x128xf32, #tpu.memory_space<vmem>>, vector<16xf32>,
        %mul3A_684 = arith.mulf %get3A_683, %gather3A_680 : vector<16xf32>
        %swap3A_685 = arith.index_cast %add3A_637 : i32 to index
        %swap3A_686 = arith.constant 32 : index
        %swap3A_687 = tpu.vector_load %arg24[%swap3A_685, %swap3A_686] {strides = array<i32>} : memref<128x128xf32, #tpu.memory_space<vmem>>, vector<16xf32>,
        tpu.vector_store %arg24[%swap3A_685, %swap3A_686], %mul3A_684 {strides = array<i32>} : memref<128x128xf32, #tpu.memory_space<vmem>>, vector<16xf32>,
        %broadcast_in_dim3A_688 = arith.constant 3 : i32
        %broadcast_in_dim3A_689 = vector.broadcast %broadcast_in_dim3A_688 : i32 to vector<16x1xi32>
        %gather3A_690 = vector.shape_cast %broadcast_in_dim3A_689 : vector<16x1xi32> to vector<16xi32>
        %gather3A_691 = tpu.dynamic_gather %div3A_651[%gather3A_690] in [0] : vector<16xf32>, vector<16xi32> -> vector<16xf32>
        %get3A_692 = arith.index_cast %add3A_637 : i32 to index
        %get3A_693 = arith.constant 48 : index
        %get3A_694 = tpu.vector_load %arg24[%get3A_692, %get3A_693] {strides = array<i32>} : memref<128x128xf32, #tpu.memory_space<vmem>>, vector<16xf32>,
        %mul3A_695 = arith.mulf %get3A_694, %gather3A_691 : vector<16xf32>
        %swap3A_696 = arith.index_cast %add3A_637 : i32 to index
        %swap3A_697 = arith.constant 48 : index
        %swap3A_698 = tpu.vector_load %arg24[%swap3A_696, %swap3A_697] {strides = array<i32>} : memref<128x128xf32, #tpu.memory_space<vmem>>, vector<16xf32>,
        tpu.vector_store %arg24[%swap3A_696, %swap3A_697], %mul3A_695 {strides = array<i32>} : memref<128x128xf32, #tpu.memory_space<vmem>>, vector<16xf32>,
        %broadcast_in_dim3A_699 = arith.constant 4 : i32
        %broadcast_in_dim3A_700 = vector.broadcast %broadcast_in_dim3A_699 : i32 to vector<16x1xi32>
        %gather3A_701 = vector.shape_cast %broadcast_in_dim3A_700 : vector<16x1xi32> to vector<16xi32>
        %gather3A_702 = tpu.dynamic_gather %div3A_651[%gather3A_701] in [0] : vector<16xf32>, vector<16xi32> -> vector<16xf32>
        %get3A_703 = arith.index_cast %add3A_637 : i32 to index
        %get3A_704 = arith.constant 64 : index
        %get3A_705 = tpu.vector_load %arg24[%get3A_703, %get3A_704] {strides = array<i32>} : memref<128x128xf32, #tpu.memory_space<vmem>>, vector<16xf32>,
        %mul3A_706 = arith.mulf %get3A_705, %gather3A_702 : vector<16xf32>
        %swap3A_707 = arith.index_cast %add3A_637 : i32 to index
        %swap3A_708 = arith.constant 64 : index
        %swap3A_709 = tpu.vector_load %arg24[%swap3A_707, %swap3A_708] {strides = array<i32>} : memref<128x128xf32, #tpu.memory_space<vmem>>, vector<16xf32>,
        tpu.vector_store %arg24[%swap3A_707, %swap3A_708], %mul3A_706 {strides = array<i32>} : memref<128x128xf32, #tpu.memory_space<vmem>>, vector<16xf32>,
        %broadcast_in_dim3A_710 = arith.constant 5 : i32
        %broadcast_in_dim3A_711 = vector.broadcast %broadcast_in_dim3A_710 : i32 to vector<16x1xi32>
        %gather3A_712 = vector.shape_cast %broadcast_in_dim3A_711 : vector<16x1xi32> to vector<16xi32>
        %gather3A_713 = tpu.dynamic_gather %div3A_651[%gather3A_712] in [0] : vector<16xf32>, vector<16xi32> -> vector<16xf32>
        %get3A_714 = arith.index_cast %add3A_637 : i32 to index
        %get3A_715 = arith.constant 80 : index
        %get3A_716 = tpu.vector_load %arg24[%get3A_714, %get3A_715] {strides = array<i32>} : memref<128x128xf32, #tpu.memory_space<vmem>>, vector<16xf32>,
        %mul3A_717 = arith.mulf %get3A_716, %gather3A_713 : vector<16xf32>
        %swap3A_718 = arith.index_cast %add3A_637 : i32 to index
        %swap3A_719 = arith.constant 80 : index
        %swap3A_720 = tpu.vector_load %arg24[%swap3A_718, %swap3A_719] {strides = array<i32>} : memref<128x128xf32, #tpu.memory_space<vmem>>, vector<16xf32>,
        tpu.vector_store %arg24[%swap3A_718, %swap3A_719], %mul3A_717 {strides = array<i32>} : memref<128x128xf32, #tpu.memory_space<vmem>>, vector<16xf32>,
        %broadcast_in_dim3A_721 = arith.constant 6 : i32
        %broadcast_in_dim3A_722 = vector.broadcast %broadcast_in_dim3A_721 : i32 to vector<16x1xi32>
        %gather3A_723 = vector.shape_cast %broadcast_in_dim3A_722 : vector<16x1xi32> to vector<16xi32>
        %gather3A_724 = tpu.dynamic_gather %div3A_651[%gather3A_723] in [0] : vector<16xf32>, vector<16xi32> -> vector<16xf32>
        %get3A_725 = arith.index_cast %add3A_637 : i32 to index
        %get3A_726 = arith.constant 96 : index
        %get3A_727 = tpu.vector_load %arg24[%get3A_725, %get3A_726] {strides = array<i32>} : memref<128x128xf32, #tpu.memory_space<vmem>>, vector<16xf32>,
        %mul3A_728 = arith.mulf %get3A_727, %gather3A_724 : vector<16xf32>
        %swap3A_729 = arith.index_cast %add3A_637 : i32 to index
        %swap3A_730 = arith.constant 96 : index
        %swap3A_731 = tpu.vector_load %arg24[%swap3A_729, %swap3A_730] {strides = array<i32>} : memref<128x128xf32, #tpu.memory_space<vmem>>, vector<16xf32>,
        tpu.vector_store %arg24[%swap3A_729, %swap3A_730], %mul3A_728 {strides = array<i32>} : memref<128x128xf32, #tpu.memory_space<vmem>>, vector<16xf32>,
        %broadcast_in_dim3A_732 = arith.constant 7 : i32
        %broadcast_in_dim3A_733 = vector.broadcast %broadcast_in_dim3A_732 : i32 to vector<16x1xi32>
        %gather3A_734 = vector.shape_cast %broadcast_in_dim3A_733 : vector<16x1xi32> to vector<16xi32>
        %gather3A_735 = tpu.dynamic_gather %div3A_651[%gather3A_734] in [0] : vector<16xf32>, vector<16xi32> -> vector<16xf32>
        %get3A_736 = arith.index_cast %add3A_637 : i32 to index
        %get3A_737 = arith.constant 112 : index
        %get3A_738 = tpu.vector_load %arg24[%get3A_736, %get3A_737] {strides = array<i32>} : memref<128x128xf32, #tpu.memory_space<vmem>>, vector<16xf32>,
        %mul3A_739 = arith.mulf %get3A_738, %gather3A_735 : vector<16xf32>
        %swap3A_740 = arith.index_cast %add3A_637 : i32 to index
        %swap3A_741 = arith.constant 112 : index
        %swap3A_742 = tpu.vector_load %arg24[%swap3A_740, %swap3A_741] {strides = array<i32>} : memref<128x128xf32, #tpu.memory_space<vmem>>, vector<16xf32>,
        tpu.vector_store %arg24[%swap3A_740, %swap3A_741], %mul3A_739 {strides = array<i32>} : memref<128x128xf32, #tpu.memory_space<vmem>>, vector<16xf32>,
        %mul3A_743 = arith.constant 8 : i32
        %mul3A_744 = arith.muli %mul3A_743, %add3A_308 : i32
        %add3A_745 = arith.constant 4 : i32
        %add3A_746 = arith.addi %mul3A_744, %add3A_745 : i32
        %get3A_747 = arith.index_cast %add3A_746 : i32 to index
        %get3A_748 = arith.constant 0 : index
        %get3A_749 = tpu.vector_load %arg20[%get3A_747, %get3A_748] {strides = array<i32>} : memref<128x16xf32, #tpu.memory_space<vmem>>, vector<16xf32>,
        %get3A_750 = arith.index_cast %add3A_746 : i32 to index
        %get3A_751 = arith.constant 0 : index
        %get3A_752 = tpu.vector_load %arg22[%get3A_750, %get3A_751] {strides = array<i32>} : memref<128x16xf32, #tpu.memory_space<vmem>>, vector<16xf32>,
        %add3A_753 = arith.addf %get3A_749, %get3A_752 : vector<16xf32>
        %add3A_754 = arith.constant 1.000000e-16 : f32
        %add3A_755 = vector.broadcast %add3A_754 : f32 to vector<16xf32>
        %add3A_756 = arith.addf %add3A_753, %add3A_755 : vector<16xf32>
        %get3A_757 = arith.index_cast %add3A_308 : i32 to index
        %get3A_758 = arith.constant 64 : index
        %get3A_759 = tpu.vector_load %arg18[%get3A_757, %get3A_758] {strides = array<i32>} : memref<16x128xf32, #tpu.memory_space<vmem>>, vector<16xf32>,
        %div3A_760 = arith.divf %get3A_759, %add3A_756 : vector<16xf32>
        %swap3A_761 = arith.index_cast %add3A_308 : i32 to index
        %swap3A_762 = arith.constant 64 : index
        %swap3A_763 = tpu.vector_load %arg18[%swap3A_761, %swap3A_762] {strides = array<i32>} : memref<16x128xf32, #tpu.memory_space<vmem>>, vector<16xf32>,
        tpu.vector_store %arg18[%swap3A_761, %swap3A_762], %div3A_760 {strides = array<i32>} : memref<16x128xf32, #tpu.memory_space<vmem>>, vector<16xf32>,
        %broadcast_in_dim3A_764 = arith.constant 0 : i32
        %broadcast_in_dim3A_765 = vector.broadcast %broadcast_in_dim3A_764 : i32 to vector<16x1xi32>
        %gather3A_766 = vector.shape_cast %broadcast_in_dim3A_765 : vector<16x1xi32> to vector<16xi32>
        %gather3A_767 = tpu.dynamic_gather %div3A_760[%gather3A_766] in [0] : vector<16xf32>, vector<16xi32> -> vector<16xf32>
        %get3A_768 = arith.index_cast %add3A_746 : i32 to index
        %get3A_769 = arith.constant 0 : index
        %get3A_770 = tpu.vector_load %arg24[%get3A_768, %get3A_769] {strides = array<i32>} : memref<128x128xf32, #tpu.memory_space<vmem>>, vector<16xf32>,
        %mul3A_771 = arith.mulf %get3A_770, %gather3A_767 : vector<16xf32>
        %swap3A_772 = arith.index_cast %add3A_746 : i32 to index
        %swap3A_773 = arith.constant 0 : index
        %swap3A_774 = tpu.vector_load %arg24[%swap3A_772, %swap3A_773] {strides = array<i32>} : memref<128x128xf32, #tpu.memory_space<vmem>>, vector<16xf32>,
        tpu.vector_store %arg24[%swap3A_772, %swap3A_773], %mul3A_771 {strides = array<i32>} : memref<128x128xf32, #tpu.memory_space<vmem>>, vector<16xf32>,
        %broadcast_in_dim3A_775 = arith.constant 1 : i32
        %broadcast_in_dim3A_776 = vector.broadcast %broadcast_in_dim3A_775 : i32 to vector<16x1xi32>
        %gather3A_777 = vector.shape_cast %broadcast_in_dim3A_776 : vector<16x1xi32> to vector<16xi32>
        %gather3A_778 = tpu.dynamic_gather %div3A_760[%gather3A_777] in [0] : vector<16xf32>, vector<16xi32> -> vector<16xf32>
        %get3A_779 = arith.index_cast %add3A_746 : i32 to index
        %get3A_780 = arith.constant 16 : index
        %get3A_781 = tpu.vector_load %arg24[%get3A_779, %get3A_780] {strides = array<i32>} : memref<128x128xf32, #tpu.memory_space<vmem>>, vector<16xf32>,
        %mul3A_782 = arith.mulf %get3A_781, %gather3A_778 : vector<16xf32>
        %swap3A_783 = arith.index_cast %add3A_746 : i32 to index
        %swap3A_784 = arith.constant 16 : index
        %swap3A_785 = tpu.vector_load %arg24[%swap3A_783, %swap3A_784] {strides = array<i32>} : memref<128x128xf32, #tpu.memory_space<vmem>>, vector<16xf32>,
        tpu.vector_store %arg24[%swap3A_783, %swap3A_784], %mul3A_782 {strides = array<i32>} : memref<128x128xf32, #tpu.memory_space<vmem>>, vector<16xf32>,
        %broadcast_in_dim3A_786 = arith.constant 2 : i32
        %broadcast_in_dim3A_787 = vector.broadcast %broadcast_in_dim3A_786 : i32 to vector<16x1xi32>
        %gather3A_788 = vector.shape_cast %broadcast_in_dim3A_787 : vector<16x1xi32> to vector<16xi32>
        %gather3A_789 = tpu.dynamic_gather %div3A_760[%gather3A_788] in [0] : vector<16xf32>, vector<16xi32> -> vector<16xf32>
        %get3A_790 = arith.index_cast %add3A_746 : i32 to index
        %get3A_791 = arith.constant 32 : index
        %get3A_792 = tpu.vector_load %arg24[%get3A_790, %get3A_791] {strides = array<i32>} : memref<128x128xf32, #tpu.memory_space<vmem>>, vector<16xf32>,
        %mul3A_793 = arith.mulf %get3A_792, %gather3A_789 : vector<16xf32>
        %swap3A_794 = arith.index_cast %add3A_746 : i32 to index
        %swap3A_795 = arith.constant 32 : index
        %swap3A_796 = tpu.vector_load %arg24[%swap3A_794, %swap3A_795] {strides = array<i32>} : memref<128x128xf32, #tpu.memory_space<vmem>>, vector<16xf32>,
        tpu.vector_store %arg24[%swap3A_794, %swap3A_795], %mul3A_793 {strides = array<i32>} : memref<128x128xf32, #tpu.memory_space<vmem>>, vector<16xf32>,
        %broadcast_in_dim3A_797 = arith.constant 3 : i32
        %broadcast_in_dim3A_798 = vector.broadcast %broadcast_in_dim3A_797 : i32 to vector<16x1xi32>
        %gather3A_799 = vector.shape_cast %broadcast_in_dim3A_798 : vector<16x1xi32> to vector<16xi32>
        %gather3A_800 = tpu.dynamic_gather %div3A_760[%gather3A_799] in [0] : vector<16xf32>, vector<16xi32> -> vector<16xf32>
        %get3A_801 = arith.index_cast %add3A_746 : i32 to index
        %get3A_802 = arith.constant 48 : index
        %get3A_803 = tpu.vector_load %arg24[%get3A_801, %get3A_802] {strides = array<i32>} : memref<128x128xf32, #tpu.memory_space<vmem>>, vector<16xf32>,
        %mul3A_804 = arith.mulf %get3A_803, %gather3A_800 : vector<16xf32>
        %swap3A_805 = arith.index_cast %add3A_746 : i32 to index
        %swap3A_806 = arith.constant 48 : index
        %swap3A_807 = tpu.vector_load %arg24[%swap3A_805, %swap3A_806] {strides = array<i32>} : memref<128x128xf32, #tpu.memory_space<vmem>>, vector<16xf32>,
        tpu.vector_store %arg24[%swap3A_805, %swap3A_806], %mul3A_804 {strides = array<i32>} : memref<128x128xf32, #tpu.memory_space<vmem>>, vector<16xf32>,
        %broadcast_in_dim3A_808 = arith.constant 4 : i32
        %broadcast_in_dim3A_809 = vector.broadcast %broadcast_in_dim3A_808 : i32 to vector<16x1xi32>
        %gather3A_810 = vector.shape_cast %broadcast_in_dim3A_809 : vector<16x1xi32> to vector<16xi32>
        %gather3A_811 = tpu.dynamic_gather %div3A_760[%gather3A_810] in [0] : vector<16xf32>, vector<16xi32> -> vector<16xf32>
        %get3A_812 = arith.index_cast %add3A_746 : i32 to index
        %get3A_813 = arith.constant 64 : index
        %get3A_814 = tpu.vector_load %arg24[%get3A_812, %get3A_813] {strides = array<i32>} : memref<128x128xf32, #tpu.memory_space<vmem>>, vector<16xf32>,
        %mul3A_815 = arith.mulf %get3A_814, %gather3A_811 : vector<16xf32>
        %swap3A_816 = arith.index_cast %add3A_746 : i32 to index
        %swap3A_817 = arith.constant 64 : index
        %swap3A_818 = tpu.vector_load %arg24[%swap3A_816, %swap3A_817] {strides = array<i32>} : memref<128x128xf32, #tpu.memory_space<vmem>>, vector<16xf32>,
        tpu.vector_store %arg24[%swap3A_816, %swap3A_817], %mul3A_815 {strides = array<i32>} : memref<128x128xf32, #tpu.memory_space<vmem>>, vector<16xf32>,
        %broadcast_in_dim3A_819 = arith.constant 5 : i32
        %broadcast_in_dim3A_820 = vector.broadcast %broadcast_in_dim3A_819 : i32 to vector<16x1xi32>
        %gather3A_821 = vector.shape_cast %broadcast_in_dim3A_820 : vector<16x1xi32> to vector<16xi32>
        %gather3A_822 = tpu.dynamic_gather %div3A_760[%gather3A_821] in [0] : vector<16xf32>, vector<16xi32> -> vector<16xf32>
        %get3A_823 = arith.index_cast %add3A_746 : i32 to index
        %get3A_824 = arith.constant 80 : index
        %get3A_825 = tpu.vector_load %arg24[%get3A_823, %get3A_824] {strides = array<i32>} : memref<128x128xf32, #tpu.memory_space<vmem>>, vector<16xf32>,
        %mul3A_826 = arith.mulf %get3A_825, %gather3A_822 : vector<16xf32>
        %swap3A_827 = arith.index_cast %add3A_746 : i32 to index
        %swap3A_828 = arith.constant 80 : index
        %swap3A_829 = tpu.vector_load %arg24[%swap3A_827, %swap3A_828] {strides = array<i32>} : memref<128x128xf32, #tpu.memory_space<vmem>>, vector<16xf32>,
        tpu.vector_store %arg24[%swap3A_827, %swap3A_828], %mul3A_826 {strides = array<i32>} : memref<128x128xf32, #tpu.memory_space<vmem>>, vector<16xf32>,
        %broadcast_in_dim3A_830 = arith.constant 6 : i32
        %broadcast_in_dim3A_831 = vector.broadcast %broadcast_in_dim3A_830 : i32 to vector<16x1xi32>
        %gather3A_832 = vector.shape_cast %broadcast_in_dim3A_831 : vector<16x1xi32> to vector<16xi32>
        %gather3A_833 = tpu.dynamic_gather %div3A_760[%gather3A_832] in [0] : vector<16xf32>, vector<16xi32> -> vector<16xf32>
        %get3A_834 = arith.index_cast %add3A_746 : i32 to index
        %get3A_835 = arith.constant 96 : index
        %get3A_836 = tpu.vector_load %arg24[%get3A_834, %get3A_835] {strides = array<i32>} : memref<128x128xf32, #tpu.memory_space<vmem>>, vector<16xf32>,
        %mul3A_837 = arith.mulf %get3A_836, %gather3A_833 : vector<16xf32>
        %swap3A_838 = arith.index_cast %add3A_746 : i32 to index
        %swap3A_839 = arith.constant 96 : index
        %swap3A_840 = tpu.vector_load %arg24[%swap3A_838, %swap3A_839] {strides = array<i32>} : memref<128x128xf32, #tpu.memory_space<vmem>>, vector<16xf32>,
        tpu.vector_store %arg24[%swap3A_838, %swap3A_839], %mul3A_837 {strides = array<i32>} : memref<128x128xf32, #tpu.memory_space<vmem>>, vector<16xf32>,
        %broadcast_in_dim3A_841 = arith.constant 7 : i32
        %broadcast_in_dim3A_842 = vector.broadcast %broadcast_in_dim3A_841 : i32 to vector<16x1xi32>
        %gather3A_843 = vector.shape_cast %broadcast_in_dim3A_842 : vector<16x1xi32> to vector<16xi32>
        %gather3A_844 = tpu.dynamic_gather %div3A_760[%gather3A_843] in [0] : vector<16xf32>, vector<16xi32> -> vector<16xf32>
        %get3A_845 = arith.index_cast %add3A_746 : i32 to index
        %get3A_846 = arith.constant 112 : index
        %get3A_847 = tpu.vector_load %arg24[%get3A_845, %get3A_846] {strides = array<i32>} : memref<128x128xf32, #tpu.memory_space<vmem>>, vector<16xf32>,
        %mul3A_848 = arith.mulf %get3A_847, %gather3A_844 : vector<16xf32>
        %swap3A_849 = arith.index_cast %add3A_746 : i32 to index
        %swap3A_850 = arith.constant 112 : index
        %swap3A_851 = tpu.vector_load %arg24[%swap3A_849, %swap3A_850] {strides = array<i32>} : memref<128x128xf32, #tpu.memory_space<vmem>>, vector<16xf32>,
        tpu.vector_store %arg24[%swap3A_849, %swap3A_850], %mul3A_848 {strides = array<i32>} : memref<128x128xf32, #tpu.memory_space<vmem>>, vector<16xf32>,
        %mul3A_852 = arith.constant 8 : i32
        %mul3A_853 = arith.muli %mul3A_852, %add3A_308 : i32
        %add3A_854 = arith.constant 5 : i32
        %add3A_855 = arith.addi %mul3A_853, %add3A_854 : i32
        %get3A_856 = arith.index_cast %add3A_855 : i32 to index
        %get3A_857 = arith.constant 0 : index
        %get3A_858 = tpu.vector_load %arg20[%get3A_856, %get3A_857] {strides = array<i32>} : memref<128x16xf32, #tpu.memory_space<vmem>>, vector<16xf32>,
        %get3A_859 = arith.index_cast %add3A_855 : i32 to index
        %get3A_860 = arith.constant 0 : index
        %get3A_861 = tpu.vector_load %arg22[%get3A_859, %get3A_860] {strides = array<i32>} : memref<128x16xf32, #tpu.memory_space<vmem>>, vector<16xf32>,
        %add3A_862 = arith.addf %get3A_858, %get3A_861 : vector<16xf32>
        %add3A_863 = arith.constant 1.000000e-16 : f32
        %add3A_864 = vector.broadcast %add3A_863 : f32 to vector<16xf32>
        %add3A_865 = arith.addf %add3A_862, %add3A_864 : vector<16xf32>
        %get3A_866 = arith.index_cast %add3A_308 : i32 to index
        %get3A_867 = arith.constant 80 : index
        %get3A_868 = tpu.vector_load %arg18[%get3A_866, %get3A_867] {strides = array<i32>} : memref<16x128xf32, #tpu.memory_space<vmem>>, vector<16xf32>,
        %div3A_869 = arith.divf %get3A_868, %add3A_865 : vector<16xf32>
        %swap3A_870 = arith.index_cast %add3A_308 : i32 to index
        %swap3A_871 = arith.constant 80 : index
        %swap3A_872 = tpu.vector_load %arg18[%swap3A_870, %swap3A_871] {strides = array<i32>} : memref<16x128xf32, #tpu.memory_space<vmem>>, vector<16xf32>,
        tpu.vector_store %arg18[%swap3A_870, %swap3A_871], %div3A_869 {strides = array<i32>} : memref<16x128xf32, #tpu.memory_space<vmem>>, vector<16xf32>,
        %broadcast_in_dim3A_873 = arith.constant 0 : i32
        %broadcast_in_dim3A_874 = vector.broadcast %broadcast_in_dim3A_873 : i32 to vector<16x1xi32>
        %gather3A_875 = vector.shape_cast %broadcast_in_dim3A_874 : vector<16x1xi32> to vector<16xi32>
        %gather3A_876 = tpu.dynamic_gather %div3A_869[%gather3A_875] in [0] : vector<16xf32>, vector<16xi32> -> vector<16xf32>
        %get3A_877 = arith.index_cast %add3A_855 : i32 to index
        %get3A_878 = arith.constant 0 : index
        %get3A_879 = tpu.vector_load %arg24[%get3A_877, %get3A_878] {strides = array<i32>} : memref<128x128xf32, #tpu.memory_space<vmem>>, vector<16xf32>,
        %mul3A_880 = arith.mulf %get3A_879, %gather3A_876 : vector<16xf32>
        %swap3A_881 = arith.index_cast %add3A_855 : i32 to index
        %swap3A_882 = arith.constant 0 : index
        %swap3A_883 = tpu.vector_load %arg24[%swap3A_881, %swap3A_882] {strides = array<i32>} : memref<128x128xf32, #tpu.memory_space<vmem>>, vector<16xf32>,
        tpu.vector_store %arg24[%swap3A_881, %swap3A_882], %mul3A_880 {strides = array<i32>} : memref<128x128xf32, #tpu.memory_space<vmem>>, vector<16xf32>,
        %broadcast_in_dim3A_884 = arith.constant 1 : i32
        %broadcast_in_dim3A_885 = vector.broadcast %broadcast_in_dim3A_884 : i32 to vector<16x1xi32>
        %gather3A_886 = vector.shape_cast %broadcast_in_dim3A_885 : vector<16x1xi32> to vector<16xi32>
        %gather3A_887 = tpu.dynamic_gather %div3A_869[%gather3A_886] in [0] : vector<16xf32>, vector<16xi32> -> vector<16xf32>
        %get3A_888 = arith.index_cast %add3A_855 : i32 to index
        %get3A_889 = arith.constant 16 : index
        %get3A_890 = tpu.vector_load %arg24[%get3A_888, %get3A_889] {strides = array<i32>} : memref<128x128xf32, #tpu.memory_space<vmem>>, vector<16xf32>,
        %mul3A_891 = arith.mulf %get3A_890, %gather3A_887 : vector<16xf32>
        %swap3A_892 = arith.index_cast %add3A_855 : i32 to index
        %swap3A_893 = arith.constant 16 : index
        %swap3A_894 = tpu.vector_load %arg24[%swap3A_892, %swap3A_893] {strides = array<i32>} : memref<128x128xf32, #tpu.memory_space<vmem>>, vector<16xf32>,
        tpu.vector_store %arg24[%swap3A_892, %swap3A_893], %mul3A_891 {strides = array<i32>} : memref<128x128xf32, #tpu.memory_space<vmem>>, vector<16xf32>,
        %broadcast_in_dim3A_895 = arith.constant 2 : i32
        %broadcast_in_dim3A_896 = vector.broadcast %broadcast_in_dim3A_895 : i32 to vector<16x1xi32>
        %gather3A_897 = vector.shape_cast %broadcast_in_dim3A_896 : vector<16x1xi32> to vector<16xi32>
        %gather3A_898 = tpu.dynamic_gather %div3A_869[%gather3A_897] in [0] : vector<16xf32>, vector<16xi32> -> vector<16xf32>
        %get3A_899 = arith.index_cast %add3A_855 : i32 to index
        %get3A_900 = arith.constant 32 : index
        %get3A_901 = tpu.vector_load %arg24[%get3A_899, %get3A_900] {strides = array<i32>} : memref<128x128xf32, #tpu.memory_space<vmem>>, vector<16xf32>,
        %mul3A_902 = arith.mulf %get3A_901, %gather3A_898 : vector<16xf32>
        %swap3A_903 = arith.index_cast %add3A_855 : i32 to index
        %swap3A_904 = arith.constant 32 : index
        %swap3A_905 = tpu.vector_load %arg24[%swap3A_903, %swap3A_904] {strides = array<i32>} : memref<128x128xf32, #tpu.memory_space<vmem>>, vector<16xf32>,
        tpu.vector_store %arg24[%swap3A_903, %swap3A_904], %mul3A_902 {strides = array<i32>} : memref<128x128xf32, #tpu.memory_space<vmem>>, vector<16xf32>,
        %broadcast_in_dim3A_906 = arith.constant 3 : i32
        %broadcast_in_dim3A_907 = vector.broadcast %broadcast_in_dim3A_906 : i32 to vector<16x1xi32>
        %gather3A_908 = vector.shape_cast %broadcast_in_dim3A_907 : vector<16x1xi32> to vector<16xi32>
        %gather3A_909 = tpu.dynamic_gather %div3A_869[%gather3A_908] in [0] : vector<16xf32>, vector<16xi32> -> vector<16xf32>
        %get3A_910 = arith.index_cast %add3A_855 : i32 to index
        %get3A_911 = arith.constant 48 : index
        %get3A_912 = tpu.vector_load %arg24[%get3A_910, %get3A_911] {strides = array<i32>} : memref<128x128xf32, #tpu.memory_space<vmem>>, vector<16xf32>,
        %mul3A_913 = arith.mulf %get3A_912, %gather3A_909 : vector<16xf32>
        %swap3A_914 = arith.index_cast %add3A_855 : i32 to index
        %swap3A_915 = arith.constant 48 : index
        %swap3A_916 = tpu.vector_load %arg24[%swap3A_914, %swap3A_915] {strides = array<i32>} : memref<128x128xf32, #tpu.memory_space<vmem>>, vector<16xf32>,
        tpu.vector_store %arg24[%swap3A_914, %swap3A_915], %mul3A_913 {strides = array<i32>} : memref<128x128xf32, #tpu.memory_space<vmem>>, vector<16xf32>,
        %broadcast_in_dim3A_917 = arith.constant 4 : i32
        %broadcast_in_dim3A_918 = vector.broadcast %broadcast_in_dim3A_917 : i32 to vector<16x1xi32>
        %gather3A_919 = vector.shape_cast %broadcast_in_dim3A_918 : vector<16x1xi32> to vector<16xi32>
        %gather3A_920 = tpu.dynamic_gather %div3A_869[%gather3A_919] in [0] : vector<16xf32>, vector<16xi32> -> vector<16xf32>
        %get3A_921 = arith.index_cast %add3A_855 : i32 to index
        %get3A_922 = arith.constant 64 : index
        %get3A_923 = tpu.vector_load %arg24[%get3A_921, %get3A_922] {strides = array<i32>} : memref<128x128xf32, #tpu.memory_space<vmem>>, vector<16xf32>,
        %mul3A_924 = arith.mulf %get3A_923, %gather3A_920 : vector<16xf32>
        %swap3A_925 = arith.index_cast %add3A_855 : i32 to index
        %swap3A_926 = arith.constant 64 : index
        %swap3A_927 = tpu.vector_load %arg24[%swap3A_925, %swap3A_926] {strides = array<i32>} : memref<128x128xf32, #tpu.memory_space<vmem>>, vector<16xf32>,
        tpu.vector_store %arg24[%swap3A_925, %swap3A_926], %mul3A_924 {strides = array<i32>} : memref<128x128xf32, #tpu.memory_space<vmem>>, vector<16xf32>,
        %broadcast_in_dim3A_928 = arith.constant 5 : i32
        %broadcast_in_dim3A_929 = vector.broadcast %broadcast_in_dim3A_928 : i32 to vector<16x1xi32>
        %gather3A_930 = vector.shape_cast %broadcast_in_dim3A_929 : vector<16x1xi32> to vector<16xi32>
        %gather3A_931 = tpu.dynamic_gather %div3A_869[%gather3A_930] in [0] : vector<16xf32>, vector<16xi32> -> vector<16xf32>
        %get3A_932 = arith.index_cast %add3A_855 : i32 to index
        %get3A_933 = arith.constant 80 : index
        %get3A_934 = tpu.vector_load %arg24[%get3A_932, %get3A_933] {strides = array<i32>} : memref<128x128xf32, #tpu.memory_space<vmem>>, vector<16xf32>,
        %mul3A_935 = arith.mulf %get3A_934, %gather3A_931 : vector<16xf32>
        %swap3A_936 = arith.index_cast %add3A_855 : i32 to index
        %swap3A_937 = arith.constant 80 : index
        %swap3A_938 = tpu.vector_load %arg24[%swap3A_936, %swap3A_937] {strides = array<i32>} : memref<128x128xf32, #tpu.memory_space<vmem>>, vector<16xf32>,
        tpu.vector_store %arg24[%swap3A_936, %swap3A_937], %mul3A_935 {strides = array<i32>} : memref<128x128xf32, #tpu.memory_space<vmem>>, vector<16xf32>,
        %broadcast_in_dim3A_939 = arith.constant 6 : i32
        %broadcast_in_dim3A_940 = vector.broadcast %broadcast_in_dim3A_939 : i32 to vector<16x1xi32>
        %gather3A_941 = vector.shape_cast %broadcast_in_dim3A_940 : vector<16x1xi32> to vector<16xi32>
        %gather3A_942 = tpu.dynamic_gather %div3A_869[%gather3A_941] in [0] : vector<16xf32>, vector<16xi32> -> vector<16xf32>
        %get3A_943 = arith.index_cast %add3A_855 : i32 to index
        %get3A_944 = arith.constant 96 : index
        %get3A_945 = tpu.vector_load %arg24[%get3A_943, %get3A_944] {strides = array<i32>} : memref<128x128xf32, #tpu.memory_space<vmem>>, vector<16xf32>,
        %mul3A_946 = arith.mulf %get3A_945, %gather3A_942 : vector<16xf32>
        %swap3A_947 = arith.index_cast %add3A_855 : i32 to index
        %swap3A_948 = arith.constant 96 : index
        %swap3A_949 = tpu.vector_load %arg24[%swap3A_947, %swap3A_948] {strides = array<i32>} : memref<128x128xf32, #tpu.memory_space<vmem>>, vector<16xf32>,
        tpu.vector_store %arg24[%swap3A_947, %swap3A_948], %mul3A_946 {strides = array<i32>} : memref<128x128xf32, #tpu.memory_space<vmem>>, vector<16xf32>,
        %broadcast_in_dim3A_950 = arith.constant 7 : i32
        %broadcast_in_dim3A_951 = vector.broadcast %broadcast_in_dim3A_950 : i32 to vector<16x1xi32>
        %gather3A_952 = vector.shape_cast %broadcast_in_dim3A_951 : vector<16x1xi32> to vector<16xi32>
        %gather3A_953 = tpu.dynamic_gather %div3A_869[%gather3A_952] in [0] : vector<16xf32>, vector<16xi32> -> vector<16xf32>
        %get3A_954 = arith.index_cast %add3A_855 : i32 to index
        %get3A_955 = arith.constant 112 : index
        %get3A_956 = tpu.vector_load %arg24[%get3A_954, %get3A_955] {strides = array<i32>} : memref<128x128xf32, #tpu.memory_space<vmem>>, vector<16xf32>,
        %mul3A_957 = arith.mulf %get3A_956, %gather3A_953 : vector<16xf32>
        %swap3A_958 = arith.index_cast %add3A_855 : i32 to index
        %swap3A_959 = arith.constant 112 : index
        %swap3A_960 = tpu.vector_load %arg24[%swap3A_958, %swap3A_959] {strides = array<i32>} : memref<128x128xf32, #tpu.memory_space<vmem>>, vector<16xf32>,
        tpu.vector_store %arg24[%swap3A_958, %swap3A_959], %mul3A_957 {strides = array<i32>} : memref<128x128xf32, #tpu.memory_space<vmem>>, vector<16xf32>,
        %mul3A_961 = arith.constant 8 : i32
        %mul3A_962 = arith.muli %mul3A_961, %add3A_308 : i32
        %add3A_963 = arith.constant 6 : i32
        %add3A_964 = arith.addi %mul3A_962, %add3A_963 : i32
        %get3A_965 = arith.index_cast %add3A_964 : i32 to index
        %get3A_966 = arith.constant 0 : index
        %get3A_967 = tpu.vector_load %arg20[%get3A_965, %get3A_966] {strides = array<i32>} : memref<128x16xf32, #tpu.memory_space<vmem>>, vector<16xf32>,
        %get3A_968 = arith.index_cast %add3A_964 : i32 to index
        %get3A_969 = arith.constant 0 : index
        %get3A_970 = tpu.vector_load %arg22[%get3A_968, %get3A_969] {strides = array<i32>} : memref<128x16xf32, #tpu.memory_space<vmem>>, vector<16xf32>,
        %add3A_971 = arith.addf %get3A_967, %get3A_970 : vector<16xf32>
        %add3A_972 = arith.constant 1.000000e-16 : f32
        %add3A_973 = vector.broadcast %add3A_972 : f32 to vector<16xf32>
        %add3A_974 = arith.addf %add3A_971, %add3A_973 : vector<16xf32>
        %get3A_975 = arith.index_cast %add3A_308 : i32 to index
        %get3A_976 = arith.constant 96 : index
        %get3A_977 = tpu.vector_load %arg18[%get3A_975, %get3A_976] {strides = array<i32>} : memref<16x128xf32, #tpu.memory_space<vmem>>, vector<16xf32>,
        %div3A_978 = arith.divf %get3A_977, %add3A_974 : vector<16xf32>
        %swap3A_979 = arith.index_cast %add3A_308 : i32 to index
        %swap3A_980 = arith.constant 96 : index
        %swap3A_981 = tpu.vector_load %arg18[%swap3A_979, %swap3A_980] {strides = array<i32>} : memref<16x128xf32, #tpu.memory_space<vmem>>, vector<16xf32>,
        tpu.vector_store %arg18[%swap3A_979, %swap3A_980], %div3A_978 {strides = array<i32>} : memref<16x128xf32, #tpu.memory_space<vmem>>, vector<16xf32>,
        %broadcast_in_dim3A_982 = arith.constant 0 : i32
        %broadcast_in_dim3A_983 = vector.broadcast %broadcast_in_dim3A_982 : i32 to vector<16x1xi32>
        %gather3A_984 = vector.shape_cast %broadcast_in_dim3A_983 : vector<16x1xi32> to vector<16xi32>
        %gather3A_985 = tpu.dynamic_gather %div3A_978[%gather3A_984] in [0] : vector<16xf32>, vector<16xi32> -> vector<16xf32>
        %get3A_986 = arith.index_cast %add3A_964 : i32 to index
        %get3A_987 = arith.constant 0 : index
        %get3A_988 = tpu.vector_load %arg24[%get3A_986, %get3A_987] {strides = array<i32>} : memref<128x128xf32, #tpu.memory_space<vmem>>, vector<16xf32>,
        %mul3A_989 = arith.mulf %get3A_988, %gather3A_985 : vector<16xf32>
        %swap3A_990 = arith.index_cast %add3A_964 : i32 to index
        %swap3A_991 = arith.constant 0 : index
        %swap3A_992 = tpu.vector_load %arg24[%swap3A_990, %swap3A_991] {strides = array<i32>} : memref<128x128xf32, #tpu.memory_space<vmem>>, vector<16xf32>,
        tpu.vector_store %arg24[%swap3A_990, %swap3A_991], %mul3A_989 {strides = array<i32>} : memref<128x128xf32, #tpu.memory_space<vmem>>, vector<16xf32>,
        %broadcast_in_dim3A_993 = arith.constant 1 : i32
        %broadcast_in_dim3A_994 = vector.broadcast %broadcast_in_dim3A_993 : i32 to vector<16x1xi32>
        %gather3A_995 = vector.shape_cast %broadcast_in_dim3A_994 : vector<16x1xi32> to vector<16xi32>
        %gather3A_996 = tpu.dynamic_gather %div3A_978[%gather3A_995] in [0] : vector<16xf32>, vector<16xi32> -> vector<16xf32>
        %get3A_997 = arith.index_cast %add3A_964 : i32 to index
        %get3A_998 = arith.constant 16 : index
        %get3A_999 = tpu.vector_load %arg24[%get3A_997, %get3A_998] {strides = array<i32>} : memref<128x128xf32, #tpu.memory_space<vmem>>, vector<16xf32>,
        %mul3A_1000 = arith.mulf %get3A_999, %gather3A_996 : vector<16xf32>
        %swap3A_1001 = arith.index_cast %add3A_964 : i32 to index
        %swap3A_1002 = arith.constant 16 : index
        %swap3A_1003 = tpu.vector_load %arg24[%swap3A_1001, %swap3A_1002] {strides = array<i32>} : memref<128x128xf32, #tpu.memory_space<vmem>>, vector<16xf32>,
        tpu.vector_store %arg24[%swap3A_1001, %swap3A_1002], %mul3A_1000 {strides = array<i32>} : memref<128x128xf32, #tpu.memory_space<vmem>>, vector<16xf32>,
        %broadcast_in_dim3A_1004 = arith.constant 2 : i32
        %broadcast_in_dim3A_1005 = vector.broadcast %broadcast_in_dim3A_1004 : i32 to vector<16x1xi32>
        %gather3A_1006 = vector.shape_cast %broadcast_in_dim3A_1005 : vector<16x1xi32> to vector<16xi32>
        %gather3A_1007 = tpu.dynamic_gather %div3A_978[%gather3A_1006] in [0] : vector<16xf32>, vector<16xi32> -> vector<16xf32>
        %get3A_1008 = arith.index_cast %add3A_964 : i32 to index
        %get3A_1009 = arith.constant 32 : index
        %get3A_1010 = tpu.vector_load %arg24[%get3A_1008, %get3A_1009] {strides = array<i32>} : memref<128x128xf32, #tpu.memory_space<vmem>>, vector<16xf32>,
        %mul3A_1011 = arith.mulf %get3A_1010, %gather3A_1007 : vector<16xf32>
        %swap3A_1012 = arith.index_cast %add3A_964 : i32 to index
        %swap3A_1013 = arith.constant 32 : index
        %swap3A_1014 = tpu.vector_load %arg24[%swap3A_1012, %swap3A_1013] {strides = array<i32>} : memref<128x128xf32, #tpu.memory_space<vmem>>, vector<16xf32>,
        tpu.vector_store %arg24[%swap3A_1012, %swap3A_1013], %mul3A_1011 {strides = array<i32>} : memref<128x128xf32, #tpu.memory_space<vmem>>, vector<16xf32>,
        %broadcast_in_dim3A_1015 = arith.constant 3 : i32
        %broadcast_in_dim3A_1016 = vector.broadcast %broadcast_in_dim3A_1015 : i32 to vector<16x1xi32>
        %gather3A_1017 = vector.shape_cast %broadcast_in_dim3A_1016 : vector<16x1xi32> to vector<16xi32>
        %gather3A_1018 = tpu.dynamic_gather %div3A_978[%gather3A_1017] in [0] : vector<16xf32>, vector<16xi32> -> vector<16xf32>
        %get3A_1019 = arith.index_cast %add3A_964 : i32 to index
        %get3A_1020 = arith.constant 48 : index
        %get3A_1021 = tpu.vector_load %arg24[%get3A_1019, %get3A_1020] {strides = array<i32>} : memref<128x128xf32, #tpu.memory_space<vmem>>, vector<16xf32>,
        %mul3A_1022 = arith.mulf %get3A_1021, %gather3A_1018 : vector<16xf32>
        %swap3A_1023 = arith.index_cast %add3A_964 : i32 to index
        %swap3A_1024 = arith.constant 48 : index
        %swap3A_1025 = tpu.vector_load %arg24[%swap3A_1023, %swap3A_1024] {strides = array<i32>} : memref<128x128xf32, #tpu.memory_space<vmem>>, vector<16xf32>,
        tpu.vector_store %arg24[%swap3A_1023, %swap3A_1024], %mul3A_1022 {strides = array<i32>} : memref<128x128xf32, #tpu.memory_space<vmem>>, vector<16xf32>,
        %broadcast_in_dim3A_1026 = arith.constant 4 : i32
        %broadcast_in_dim3A_1027 = vector.broadcast %broadcast_in_dim3A_1026 : i32 to vector<16x1xi32>
        %gather3A_1028 = vector.shape_cast %broadcast_in_dim3A_1027 : vector<16x1xi32> to vector<16xi32>
        %gather3A_1029 = tpu.dynamic_gather %div3A_978[%gather3A_1028] in [0] : vector<16xf32>, vector<16xi32> -> vector<16xf32>
        %get3A_1030 = arith.index_cast %add3A_964 : i32 to index
        %get3A_1031 = arith.constant 64 : index
        %get3A_1032 = tpu.vector_load %arg24[%get3A_1030, %get3A_1031] {strides = array<i32>} : memref<128x128xf32, #tpu.memory_space<vmem>>, vector<16xf32>,
        %mul3A_1033 = arith.mulf %get3A_1032, %gather3A_1029 : vector<16xf32>
        %swap3A_1034 = arith.index_cast %add3A_964 : i32 to index
        %swap3A_1035 = arith.constant 64 : index
        %swap3A_1036 = tpu.vector_load %arg24[%swap3A_1034, %swap3A_1035] {strides = array<i32>} : memref<128x128xf32, #tpu.memory_space<vmem>>, vector<16xf32>,
        tpu.vector_store %arg24[%swap3A_1034, %swap3A_1035], %mul3A_1033 {strides = array<i32>} : memref<128x128xf32, #tpu.memory_space<vmem>>, vector<16xf32>,
        %broadcast_in_dim3A_1037 = arith.constant 5 : i32
        %broadcast_in_dim3A_1038 = vector.broadcast %broadcast_in_dim3A_1037 : i32 to vector<16x1xi32>
        %gather3A_1039 = vector.shape_cast %broadcast_in_dim3A_1038 : vector<16x1xi32> to vector<16xi32>
        %gather3A_1040 = tpu.dynamic_gather %div3A_978[%gather3A_1039] in [0] : vector<16xf32>, vector<16xi32> -> vector<16xf32>
        %get3A_1041 = arith.index_cast %add3A_964 : i32 to index
        %get3A_1042 = arith.constant 80 : index
        %get3A_1043 = tpu.vector_load %arg24[%get3A_1041, %get3A_1042] {strides = array<i32>} : memref<128x128xf32, #tpu.memory_space<vmem>>, vector<16xf32>,
        %mul3A_1044 = arith.mulf %get3A_1043, %gather3A_1040 : vector<16xf32>
        %swap3A_1045 = arith.index_cast %add3A_964 : i32 to index
        %swap3A_1046 = arith.constant 80 : index
        %swap3A_1047 = tpu.vector_load %arg24[%swap3A_1045, %swap3A_1046] {strides = array<i32>} : memref<128x128xf32, #tpu.memory_space<vmem>>, vector<16xf32>,
        tpu.vector_store %arg24[%swap3A_1045, %swap3A_1046], %mul3A_1044 {strides = array<i32>} : memref<128x128xf32, #tpu.memory_space<vmem>>, vector<16xf32>,
        %broadcast_in_dim3A_1048 = arith.constant 6 : i32
        %broadcast_in_dim3A_1049 = vector.broadcast %broadcast_in_dim3A_1048 : i32 to vector<16x1xi32>
        %gather3A_1050 = vector.shape_cast %broadcast_in_dim3A_1049 : vector<16x1xi32> to vector<16xi32>
        %gather3A_1051 = tpu.dynamic_gather %div3A_978[%gather3A_1050] in [0] : vector<16xf32>, vector<16xi32> -> vector<16xf32>
        %get3A_1052 = arith.index_cast %add3A_964 : i32 to index
        %get3A_1053 = arith.constant 96 : index
        %get3A_1054 = tpu.vector_load %arg24[%get3A_1052, %get3A_1053] {strides = array<i32>} : memref<128x128xf32, #tpu.memory_space<vmem>>, vector<16xf32>,
        %mul3A_1055 = arith.mulf %get3A_1054, %gather3A_1051 : vector<16xf32>
        %swap3A_1056 = arith.index_cast %add3A_964 : i32 to index
        %swap3A_1057 = arith.constant 96 : index
        %swap3A_1058 = tpu.vector_load %arg24[%swap3A_1056, %swap3A_1057] {strides = array<i32>} : memref<128x128xf32, #tpu.memory_space<vmem>>, vector<16xf32>,
        tpu.vector_store %arg24[%swap3A_1056, %swap3A_1057], %mul3A_1055 {strides = array<i32>} : memref<128x128xf32, #tpu.memory_space<vmem>>, vector<16xf32>,
        %broadcast_in_dim3A_1059 = arith.constant 7 : i32
        %broadcast_in_dim3A_1060 = vector.broadcast %broadcast_in_dim3A_1059 : i32 to vector<16x1xi32>
        %gather3A_1061 = vector.shape_cast %broadcast_in_dim3A_1060 : vector<16x1xi32> to vector<16xi32>
        %gather3A_1062 = tpu.dynamic_gather %div3A_978[%gather3A_1061] in [0] : vector<16xf32>, vector<16xi32> -> vector<16xf32>
        %get3A_1063 = arith.index_cast %add3A_964 : i32 to index
        %get3A_1064 = arith.constant 112 : index
        %get3A_1065 = tpu.vector_load %arg24[%get3A_1063, %get3A_1064] {strides = array<i32>} : memref<128x128xf32, #tpu.memory_space<vmem>>, vector<16xf32>,
        %mul3A_1066 = arith.mulf %get3A_1065, %gather3A_1062 : vector<16xf32>
        %swap3A_1067 = arith.index_cast %add3A_964 : i32 to index
        %swap3A_1068 = arith.constant 112 : index
        %swap3A_1069 = tpu.vector_load %arg24[%swap3A_1067, %swap3A_1068] {strides = array<i32>} : memref<128x128xf32, #tpu.memory_space<vmem>>, vector<16xf32>,
        tpu.vector_store %arg24[%swap3A_1067, %swap3A_1068], %mul3A_1066 {strides = array<i32>} : memref<128x128xf32, #tpu.memory_space<vmem>>, vector<16xf32>,
        %mul3A_1070 = arith.constant 8 : i32
        %mul3A_1071 = arith.muli %mul3A_1070, %add3A_308 : i32
        %add3A_1072 = arith.constant 7 : i32
        %add3A_1073 = arith.addi %mul3A_1071, %add3A_1072 : i32
        %get3A_1074 = arith.index_cast %add3A_1073 : i32 to index
        %get3A_1075 = arith.constant 0 : index
        %get3A_1076 = tpu.vector_load %arg20[%get3A_1074, %get3A_1075] {strides = array<i32>} : memref<128x16xf32, #tpu.memory_space<vmem>>, vector<16xf32>,
        %get3A_1077 = arith.index_cast %add3A_1073 : i32 to index
        %get3A_1078 = arith.constant 0 : index
        %get3A_1079 = tpu.vector_load %arg22[%get3A_1077, %get3A_1078] {strides = array<i32>} : memref<128x16xf32, #tpu.memory_space<vmem>>, vector<16xf32>,
        %add3A_1080 = arith.addf %get3A_1076, %get3A_1079 : vector<16xf32>
        %add3A_1081 = arith.constant 1.000000e-16 : f32
        %add3A_1082 = vector.broadcast %add3A_1081 : f32 to vector<16xf32>
        %add3A_1083 = arith.addf %add3A_1080, %add3A_1082 : vector<16xf32>
        %get3A_1084 = arith.index_cast %add3A_308 : i32 to index
        %get3A_1085 = arith.constant 112 : index
        %get3A_1086 = tpu.vector_load %arg18[%get3A_1084, %get3A_1085] {strides = array<i32>} : memref<16x128xf32, #tpu.memory_space<vmem>>, vector<16xf32>,
        %div3A_1087 = arith.divf %get3A_1086, %add3A_1083 : vector<16xf32>
        %swap3A_1088 = arith.index_cast %add3A_308 : i32 to index
        %swap3A_1089 = arith.constant 112 : index
        %swap3A_1090 = tpu.vector_load %arg18[%swap3A_1088, %swap3A_1089] {strides = array<i32>} : memref<16x128xf32, #tpu.memory_space<vmem>>, vector<16xf32>,
        tpu.vector_store %arg18[%swap3A_1088, %swap3A_1089], %div3A_1087 {strides = array<i32>} : memref<16x128xf32, #tpu.memory_space<vmem>>, vector<16xf32>,
        %broadcast_in_dim3A_1091 = arith.constant 0 : i32
        %broadcast_in_dim3A_1092 = vector.broadcast %broadcast_in_dim3A_1091 : i32 to vector<16x1xi32>
        %gather3A_1093 = vector.shape_cast %broadcast_in_dim3A_1092 : vector<16x1xi32> to vector<16xi32>
        %gather3A_1094 = tpu.dynamic_gather %div3A_1087[%gather3A_1093] in [0] : vector<16xf32>, vector<16xi32> -> vector<16xf32>
        %get3A_1095 = arith.index_cast %add3A_1073 : i32 to index
        %get3A_1096 = arith.constant 0 : index
        %get3A_1097 = tpu.vector_load %arg24[%get3A_1095, %get3A_1096] {strides = array<i32>} : memref<128x128xf32, #tpu.memory_space<vmem>>, vector<16xf32>,
        %mul3A_1098 = arith.mulf %get3A_1097, %gather3A_1094 : vector<16xf32>
        %swap3A_1099 = arith.index_cast %add3A_1073 : i32 to index
        %swap3A_1100 = arith.constant 0 : index
        %swap3A_1101 = tpu.vector_load %arg24[%swap3A_1099, %swap3A_1100] {strides = array<i32>} : memref<128x128xf32, #tpu.memory_space<vmem>>, vector<16xf32>,
        tpu.vector_store %arg24[%swap3A_1099, %swap3A_1100], %mul3A_1098 {strides = array<i32>} : memref<128x128xf32, #tpu.memory_space<vmem>>, vector<16xf32>,
        %broadcast_in_dim3A_1102 = arith.constant 1 : i32
        %broadcast_in_dim3A_1103 = vector.broadcast %broadcast_in_dim3A_1102 : i32 to vector<16x1xi32>
        %gather3A_1104 = vector.shape_cast %broadcast_in_dim3A_1103 : vector<16x1xi32> to vector<16xi32>
        %gather3A_1105 = tpu.dynamic_gather %div3A_1087[%gather3A_1104] in [0] : vector<16xf32>, vector<16xi32> -> vector<16xf32>
        %get3A_1106 = arith.index_cast %add3A_1073 : i32 to index
        %get3A_1107 = arith.constant 16 : index
        %get3A_1108 = tpu.vector_load %arg24[%get3A_1106, %get3A_1107] {strides = array<i32>} : memref<128x128xf32, #tpu.memory_space<vmem>>, vector<16xf32>,
        %mul3A_1109 = arith.mulf %get3A_1108, %gather3A_1105 : vector<16xf32>
        %swap3A_1110 = arith.index_cast %add3A_1073 : i32 to index
        %swap3A_1111 = arith.constant 16 : index
        %swap3A_1112 = tpu.vector_load %arg24[%swap3A_1110, %swap3A_1111] {strides = array<i32>} : memref<128x128xf32, #tpu.memory_space<vmem>>, vector<16xf32>,
        tpu.vector_store %arg24[%swap3A_1110, %swap3A_1111], %mul3A_1109 {strides = array<i32>} : memref<128x128xf32, #tpu.memory_space<vmem>>, vector<16xf32>,
        %broadcast_in_dim3A_1113 = arith.constant 2 : i32
        %broadcast_in_dim3A_1114 = vector.broadcast %broadcast_in_dim3A_1113 : i32 to vector<16x1xi32>
        %gather3A_1115 = vector.shape_cast %broadcast_in_dim3A_1114 : vector<16x1xi32> to vector<16xi32>
        %gather3A_1116 = tpu.dynamic_gather %div3A_1087[%gather3A_1115] in [0] : vector<16xf32>, vector<16xi32> -> vector<16xf32>
        %get3A_1117 = arith.index_cast %add3A_1073 : i32 to index
        %get3A_1118 = arith.constant 32 : index
        %get3A_1119 = tpu.vector_load %arg24[%get3A_1117, %get3A_1118] {strides = array<i32>} : memref<128x128xf32, #tpu.memory_space<vmem>>, vector<16xf32>,
        %mul3A_1120 = arith.mulf %get3A_1119, %gather3A_1116 : vector<16xf32>
        %swap3A_1121 = arith.index_cast %add3A_1073 : i32 to index
        %swap3A_1122 = arith.constant 32 : index
        %swap3A_1123 = tpu.vector_load %arg24[%swap3A_1121, %swap3A_1122] {strides = array<i32>} : memref<128x128xf32, #tpu.memory_space<vmem>>, vector<16xf32>,
        tpu.vector_store %arg24[%swap3A_1121, %swap3A_1122], %mul3A_1120 {strides = array<i32>} : memref<128x128xf32, #tpu.memory_space<vmem>>, vector<16xf32>,
        %broadcast_in_dim3A_1124 = arith.constant 3 : i32
        %broadcast_in_dim3A_1125 = vector.broadcast %broadcast_in_dim3A_1124 : i32 to vector<16x1xi32>
        %gather3A_1126 = vector.shape_cast %broadcast_in_dim3A_1125 : vector<16x1xi32> to vector<16xi32>
        %gather3A_1127 = tpu.dynamic_gather %div3A_1087[%gather3A_1126] in [0] : vector<16xf32>, vector<16xi32> -> vector<16xf32>
        %get3A_1128 = arith.index_cast %add3A_1073 : i32 to index
        %get3A_1129 = arith.constant 48 : index
        %get3A_1130 = tpu.vector_load %arg24[%get3A_1128, %get3A_1129] {strides = array<i32>} : memref<128x128xf32, #tpu.memory_space<vmem>>, vector<16xf32>,
        %mul3A_1131 = arith.mulf %get3A_1130, %gather3A_1127 : vector<16xf32>
        %swap3A_1132 = arith.index_cast %add3A_1073 : i32 to index
        %swap3A_1133 = arith.constant 48 : index
        %swap3A_1134 = tpu.vector_load %arg24[%swap3A_1132, %swap3A_1133] {strides = array<i32>} : memref<128x128xf32, #tpu.memory_space<vmem>>, vector<16xf32>,
        tpu.vector_store %arg24[%swap3A_1132, %swap3A_1133], %mul3A_1131 {strides = array<i32>} : memref<128x128xf32, #tpu.memory_space<vmem>>, vector<16xf32>,
        %broadcast_in_dim3A_1135 = arith.constant 4 : i32
        %broadcast_in_dim3A_1136 = vector.broadcast %broadcast_in_dim3A_1135 : i32 to vector<16x1xi32>
        %gather3A_1137 = vector.shape_cast %broadcast_in_dim3A_1136 : vector<16x1xi32> to vector<16xi32>
        %gather3A_1138 = tpu.dynamic_gather %div3A_1087[%gather3A_1137] in [0] : vector<16xf32>, vector<16xi32> -> vector<16xf32>
        %get3A_1139 = arith.index_cast %add3A_1073 : i32 to index
        %get3A_1140 = arith.constant 64 : index
        %get3A_1141 = tpu.vector_load %arg24[%get3A_1139, %get3A_1140] {strides = array<i32>} : memref<128x128xf32, #tpu.memory_space<vmem>>, vector<16xf32>,
        %mul3A_1142 = arith.mulf %get3A_1141, %gather3A_1138 : vector<16xf32>
        %swap3A_1143 = arith.index_cast %add3A_1073 : i32 to index
        %swap3A_1144 = arith.constant 64 : index
        %swap3A_1145 = tpu.vector_load %arg24[%swap3A_1143, %swap3A_1144] {strides = array<i32>} : memref<128x128xf32, #tpu.memory_space<vmem>>, vector<16xf32>,
        tpu.vector_store %arg24[%swap3A_1143, %swap3A_1144], %mul3A_1142 {strides = array<i32>} : memref<128x128xf32, #tpu.memory_space<vmem>>, vector<16xf32>,
        %broadcast_in_dim3A_1146 = arith.constant 5 : i32
        %broadcast_in_dim3A_1147 = vector.broadcast %broadcast_in_dim3A_1146 : i32 to vector<16x1xi32>
        %gather3A_1148 = vector.shape_cast %broadcast_in_dim3A_1147 : vector<16x1xi32> to vector<16xi32>
        %gather3A_1149 = tpu.dynamic_gather %div3A_1087[%gather3A_1148] in [0] : vector<16xf32>, vector<16xi32> -> vector<16xf32>
        %get3A_1150 = arith.index_cast %add3A_1073 : i32 to index
        %get3A_1151 = arith.constant 80 : index
        %get3A_1152 = tpu.vector_load %arg24[%get3A_1150, %get3A_1151] {strides = array<i32>} : memref<128x128xf32, #tpu.memory_space<vmem>>, vector<16xf32>,
        %mul3A_1153 = arith.mulf %get3A_1152, %gather3A_1149 : vector<16xf32>
        %swap3A_1154 = arith.index_cast %add3A_1073 : i32 to index
        %swap3A_1155 = arith.constant 80 : index
        %swap3A_1156 = tpu.vector_load %arg24[%swap3A_1154, %swap3A_1155] {strides = array<i32>} : memref<128x128xf32, #tpu.memory_space<vmem>>, vector<16xf32>,
        tpu.vector_store %arg24[%swap3A_1154, %swap3A_1155], %mul3A_1153 {strides = array<i32>} : memref<128x128xf32, #tpu.memory_space<vmem>>, vector<16xf32>,
        %broadcast_in_dim3A_1157 = arith.constant 6 : i32
        %broadcast_in_dim3A_1158 = vector.broadcast %broadcast_in_dim3A_1157 : i32 to vector<16x1xi32>
        %gather3A_1159 = vector.shape_cast %broadcast_in_dim3A_1158 : vector<16x1xi32> to vector<16xi32>
        %gather3A_1160 = tpu.dynamic_gather %div3A_1087[%gather3A_1159] in [0] : vector<16xf32>, vector<16xi32> -> vector<16xf32>
        %get3A_1161 = arith.index_cast %add3A_1073 : i32 to index
        %get3A_1162 = arith.constant 96 : index
        %get3A_1163 = tpu.vector_load %arg24[%get3A_1161, %get3A_1162] {strides = array<i32>} : memref<128x128xf32, #tpu.memory_space<vmem>>, vector<16xf32>,
        %mul3A_1164 = arith.mulf %get3A_1163, %gather3A_1160 : vector<16xf32>
        %swap3A_1165 = arith.index_cast %add3A_1073 : i32 to index
        %swap3A_1166 = arith.constant 96 : index
        %swap3A_1167 = tpu.vector_load %arg24[%swap3A_1165, %swap3A_1166] {strides = array<i32>} : memref<128x128xf32, #tpu.memory_space<vmem>>, vector<16xf32>,
        tpu.vector_store %arg24[%swap3A_1165, %swap3A_1166], %mul3A_1164 {strides = array<i32>} : memref<128x128xf32, #tpu.memory_space<vmem>>, vector<16xf32>,
        %broadcast_in_dim3A_1168 = arith.constant 7 : i32
        %broadcast_in_dim3A_1169 = vector.broadcast %broadcast_in_dim3A_1168 : i32 to vector<16x1xi32>
        %gather3A_1170 = vector.shape_cast %broadcast_in_dim3A_1169 : vector<16x1xi32> to vector<16xi32>
        %gather3A_1171 = tpu.dynamic_gather %div3A_1087[%gather3A_1170] in [0] : vector<16xf32>, vector<16xi32> -> vector<16xf32>
        %get3A_1172 = arith.index_cast %add3A_1073 : i32 to index
        %get3A_1173 = arith.constant 112 : index
        %get3A_1174 = tpu.vector_load %arg24[%get3A_1172, %get3A_1173] {strides = array<i32>} : memref<128x128xf32, #tpu.memory_space<vmem>>, vector<16xf32>,
        %mul3A_1175 = arith.mulf %get3A_1174, %gather3A_1171 : vector<16xf32>
        %swap3A_1176 = arith.index_cast %add3A_1073 : i32 to index
        %swap3A_1177 = arith.constant 112 : index
        %swap3A_1178 = tpu.vector_load %arg24[%swap3A_1176, %swap3A_1177] {strides = array<i32>} : memref<128x128xf32, #tpu.memory_space<vmem>>, vector<16xf32>,
        tpu.vector_store %arg24[%swap3A_1176, %swap3A_1177], %mul3A_1175 {strides = array<i32>} : memref<128x128xf32, #tpu.memory_space<vmem>>, vector<16xf32>,
      }
      %scan3A_272 = arith.constant 16 : i32
      %mul3A_273 = arith.constant 128 : i32
      %mul3A_274 = arith.muli %add3A_204, %mul3A_273 : i32
      %add3A_275 = arith.addi %mul3A_2, %mul3A_274 : i32
      %jit3A_276 = arith.constant 8 : i32
      %div3A_277 = arith.divsi %add3A_275, %jit3A_276 : i32
      %sign3A_278 = arith.constant 0 : i32
      %sign3A_279 = arith.cmpi sgt, %add3A_275, %sign3A_278 : i32
      %sign3A_280 = arith.extui %sign3A_279 : i1 to i32
      %sign3A_281 = arith.constant 0 : i32
      %sign3A_282 = arith.cmpi slt, %add3A_275, %sign3A_281 : i32
      %sign3A_283 = arith.extui %sign3A_282 : i1 to i32
      %sign3A_284 = arith.subi %sign3A_280, %sign3A_283 : i32
      %sign3A_285 = arith.constant 0 : i32
      %sign3A_286 = arith.cmpi sgt, %jit3A_276, %sign3A_285 : i32
      %sign3A_287 = arith.extui %sign3A_286 : i1 to i32
      %sign3A_288 = arith.constant 0 : i32
      %sign3A_289 = arith.cmpi slt, %jit3A_276, %sign3A_288 : i32
      %sign3A_290 = arith.extui %sign3A_289 : i1 to i32
      %sign3A_291 = arith.subi %sign3A_287, %sign3A_290 : i32
      %ne3A_292 = arith.cmpi ne, %sign3A_284, %sign3A_291 : i32
      %rem3A_293 = arith.remsi %add3A_275, %jit3A_276 : i32
      %ne3A_294 = arith.constant 0 : i32
      %ne3A_295 = arith.cmpi ne, %rem3A_293, %ne3A_294 : i32
      %and3A_296 = arith.andi %ne3A_292, %ne3A_295 : i1
      %sub3A_297 = arith.constant 1 : i32
      %sub3A_298 = arith.subi %div3A_277, %sub3A_297 : i32
      %select_n3A_299 = arith.select %and3A_296, %sub3A_298, %div3A_277 : i32
      %dma_start3A_300 = arith.constant 0 : i32
      %dma_start3A_301 = tpu.memref_slice %arg8[%select_n3A_299, %dma_start3A_300] : memref<41984x128xf32, #tpu.memory_space<hbm>> -> memref<16x128xf32, #tpu.memory_space<hbm>>
      %dma_start3A_302 = arith.constant 0 : i32
      %dma_start3A_303 = tpu.memref_slice %arg8[%select_n3A_299, %dma_start3A_302] : memref<41984x128xf32, #tpu.memory_space<hbm>> -> memref<16x128xf32, #tpu.memory_space<hbm>>
      tpu.enqueue_dma source(%arg18 : memref<16x128xf32, #tpu.memory_space<vmem>>) target(%dma_start3A_303 : memref<16x128xf32, #tpu.memory_space<hbm>>) target_semaphore(%arg31 : memref<!tpu.dma_semaphore, #tpu.memory_space<semaphore_mem>>)
      "tpu.region"() ({
        %run_scoped3A_304 = tpu.sem_alloc : memref<!tpu.dma_semaphore, #tpu.memory_space<semaphore_mem>>
        %dma_start3A_305 = arith.constant 0 : i32
        %dma_start3A_306 = arith.constant 0 : i32
        %dma_start3A_307 = tpu.memref_slice %arg25[%dma_start3A_305, %dma_start3A_306] : memref<10240x128xf32, #tpu.memory_space<vmem_shared>> -> memref<10240x128xf32, #tpu.memory_space<vmem_shared>>
        tpu.enqueue_indirect_dma source(%arg24 : memref<128x128xf32, #tpu.memory_space<vmem>>) target(%dma_start3A_307 : memref<10240x128xf32, #tpu.memory_space<vmem_shared>>) offsets(%arg16 : memref<128xi32, #tpu.memory_space<vmem>>) semaphore(%run_scoped3A_304 : memref<!tpu.dma_semaphore, #tpu.memory_space<semaphore_mem>>) {add = true}
        %dma_wait3A_308 = arith.constant 0 : i32
        %dma_wait3A_309 = arith.constant 0 : i32
        %dma_wait3A_310 = tpu.memref_slice %arg25[%dma_wait3A_308, %dma_wait3A_309] : memref<10240x128xf32, #tpu.memory_space<vmem_shared>> -> memref<10240x128xf32, #tpu.memory_space<vmem_shared>>
        tpu.wait_indirect_dma semaphore(%run_scoped3A_304 : memref<!tpu.dma_semaphore, #tpu.memory_space<semaphore_mem>>) src(%arg24 : memref<128x128xf32, #tpu.memory_space<vmem>>) dst(%dma_wait3A_310 : memref<10240x128xf32, #tpu.memory_space<vmem_shared>>)
        tpu.yield
      }) : () -> ()
    }
    %scan3A_76 = arith.constant 41 : i32
    %dma_wait3A = arith.constant 0 : i32
    %dma_wait3A_77 = arith.constant 0 : i32
    %dma_wait3A_78 = tpu.memref_slice %arg8[%dma_wait3A, %dma_wait3A_77] : memref<41984x128xf32, #tpu.memory_space<hbm>> -> memref<16x128xf32, #tpu.memory_space<hbm>>
    %dma_wait3A_79 = arith.constant 0 : i32
    %dma_wait3A_80 = arith.constant 0 : i32
    %dma_wait3A_81 = tpu.memref_slice %arg8[%dma_wait3A_79, %dma_wait3A_80] : memref<41984x128xf32, #tpu.memory_space<hbm>> -> memref<16x128xf32, #tpu.memory_space<hbm>>
    tpu.wait_dma2 semaphore(%arg30 : memref<!tpu.dma_semaphore, #tpu.memory_space<semaphore_mem>>) src(%arg17 : memref<16x128xf32, #tpu.memory_space<vmem>>) dst(%dma_wait3A_81 : memref<16x128xf32, #tpu.memory_space<hbm>>)
    %dma_wait3A_82 = arith.constant 0 : i32
    %dma_wait3A_83 = arith.constant 0 : i32
    %dma_wait3A_84 = tpu.memref_slice %arg8[%dma_wait3A_82, %dma_wait3A_83] : memref<41984x128xf32, #tpu.memory_space<hbm>> -> memref<16x128xf32, #tpu.memory_space<hbm>>
    %dma_wait3A_85 = arith.constant 0 : i32
    %dma_wait3A_86 = arith.constant 0 : i32
    %dma_wait3A_87 = tpu.memref_slice %arg8[%dma_wait3A_85, %dma_wait3A_86] : memref<41984x128xf32, #tpu.memory_space<hbm>> -> memref<16x128xf32, #tpu.memory_space<hbm>>
    tpu.wait_dma2 semaphore(%arg31 : memref<!tpu.dma_semaphore, #tpu.memory_space<semaphore_mem>>) src(%arg18 : memref<16x128xf32, #tpu.memory_space<vmem>>) dst(%dma_wait3A_87 : memref<16x128xf32, #tpu.memory_space<hbm>>)
    %barrier3A_88 = arith.constant 0 : index
    tpu.barrier barrier_id(%barrier3A_88)
    %eq3A = arith.constant 0 : i32
    %eq3A_89 = arith.cmpi eq, %arg0, %eq3A : i32
    %convert_element_type3A = arith.extui %eq3A_89 : i1 to i32
    %cond3A = arith.constant 0 : i32
    %cond3A_90 = arith.cmpi ne, %convert_element_type3A, %cond3A : i32
    scf.if %cond3A_90 {
      %mul3A_96 = arith.constant 640 : i32
      %mul3A_97 = arith.muli %arg1, %mul3A_96 : i32
      %mul3A_98 = arith.constant 640 : i32
      %mul3A_99 = arith.muli %arg1, %mul3A_98 : i32
      "tpu.region"() ({
        %run_scoped3A_100 = tpu.sem_alloc : memref<!tpu.dma_semaphore, #tpu.memory_space<semaphore_mem>>
        %dma_start3A_101 = arith.constant 0 : i32
        %dma_start3A_102 = tpu.memref_slice %arg9[%mul3A_99, %dma_start3A_101] : memref<10240x128xf32, #tpu.memory_space<hbm>> -> memref<640x128xf32, #tpu.memory_space<hbm>>
        %dma_start3A_103 = arith.constant 0 : i32
        %dma_start3A_104 = tpu.memref_slice %arg25[%mul3A_97, %dma_start3A_103] : memref<10240x128xf32, #tpu.memory_space<vmem_shared>> -> memref<640x128xf32, #tpu.memory_space<vmem_shared>>
        tpu.enqueue_dma source(%dma_start3A_104 : memref<640x128xf32, #tpu.memory_space<vmem_shared>>) target(%dma_start3A_102 : memref<640x128xf32, #tpu.memory_space<hbm>>) target_semaphore(%run_scoped3A_100 : memref<!tpu.dma_semaphore, #tpu.memory_space<semaphore_mem>>)
        %dma_wait3A_105 = arith.constant 0 : i32
        %dma_wait3A_106 = tpu.memref_slice %arg9[%mul3A_99, %dma_wait3A_105] : memref<10240x128xf32, #tpu.memory_space<hbm>> -> memref<640x128xf32, #tpu.memory_space<hbm>>
        %dma_wait3A_107 = arith.constant 0 : i32
        %dma_wait3A_108 = tpu.memref_slice %arg25[%mul3A_97, %dma_wait3A_107] : memref<10240x128xf32, #tpu.memory_space<vmem_shared>> -> memref<640x128xf32, #tpu.memory_space<vmem_shared>>
        tpu.wait_dma2 semaphore(%run_scoped3A_100 : memref<!tpu.dma_semaphore, #tpu.memory_space<semaphore_mem>>) src(%dma_wait3A_108 : memref<640x128xf32, #tpu.memory_space<vmem_shared>>) dst(%dma_wait3A_106 : memref<640x128xf32, #tpu.memory_space<hbm>>)
        tpu.yield
      }) : () -> ()
    } else {
    }
    %eq3A_91 = arith.constant 1 : i32
    %eq3A_92 = arith.cmpi eq, %arg0, %eq3A_91 : i32
    %convert_element_type3A_93 = arith.extui %eq3A_92 : i1 to i32
    %cond3A_94 = arith.constant 0 : i32
    %cond3A_95 = arith.cmpi ne, %convert_element_type3A_93, %cond3A_94 : i32
    scf.if %cond3A_95 {
      %mul3A_96 = arith.constant 640 : i32
      %mul3A_97 = arith.muli %arg1, %mul3A_96 : i32
      %mul3A_98 = arith.constant 640 : i32
      %mul3A_99 = arith.muli %arg1, %mul3A_98 : i32
      "tpu.region"() ({
        %run_scoped3A_100 = tpu.sem_alloc : memref<!tpu.dma_semaphore, #tpu.memory_space<semaphore_mem>>
        %dma_start3A_101 = arith.constant 0 : i32
        %dma_start3A_102 = tpu.memref_slice %arg10[%mul3A_99, %dma_start3A_101] : memref<10240x128xf32, #tpu.memory_space<hbm>> -> memref<640x128xf32, #tpu.memory_space<hbm>>
        %dma_start3A_103 = arith.constant 0 : i32
        %dma_start3A_104 = tpu.memref_slice %arg25[%mul3A_97, %dma_start3A_103] : memref<10240x128xf32, #tpu.memory_space<vmem_shared>> -> memref<640x128xf32, #tpu.memory_space<vmem_shared>>
        tpu.enqueue_dma source(%dma_start3A_104 : memref<640x128xf32, #tpu.memory_space<vmem_shared>>) target(%dma_start3A_102 : memref<640x128xf32, #tpu.memory_space<hbm>>) target_semaphore(%run_scoped3A_100 : memref<!tpu.dma_semaphore, #tpu.memory_space<semaphore_mem>>)
        %dma_wait3A_105 = arith.constant 0 : i32
        %dma_wait3A_106 = tpu.memref_slice %arg10[%mul3A_99, %dma_wait3A_105] : memref<10240x128xf32, #tpu.memory_space<hbm>> -> memref<640x128xf32, #tpu.memory_space<hbm>>
        %dma_wait3A_107 = arith.constant 0 : i32
        %dma_wait3A_108 = tpu.memref_slice %arg25[%mul3A_97, %dma_wait3A_107] : memref<10240x128xf32, #tpu.memory_space<vmem_shared>> -> memref<640x128xf32, #tpu.memory_space<vmem_shared>>
        tpu.wait_dma2 semaphore(%run_scoped3A_100 : memref<!tpu.dma_semaphore, #tpu.memory_space<semaphore_mem>>) src(%dma_wait3A_108 : memref<640x128xf32, #tpu.memory_space<vmem_shared>>) dst(%dma_wait3A_106 : memref<640x128xf32, #tpu.memory_space<hbm>>)
        tpu.yield
      }) : () -> ()
    } else {
    }
    return
  }
}

#map = affine_map<(d0, d1) -> (0, 0, 0)>
#map1 = affine_map<(d0, d1) -> (0, 0)>
module attributes {stable_mosaic.version = 14 : i64} {
  func.func @_sc1_body(%arg0: i32, %arg1: i32, %arg2: memref<32x82x128xi32, #tpu.memory_space<hbm>>, %arg3: memref<32x82x128xi32, #tpu.memory_space<hbm>>, %arg4: memref<10240x16xf32, #tpu.memory_space<hbm>>, %arg5: memref<10240x16xf32, #tpu.memory_space<hbm>>, %arg6: memref<41984x128xf32, #tpu.memory_space<hbm>>, %arg7: memref<10240x16xf32, #tpu.memory_space<hbm>>, %arg8: memref<10240x16xf32, #tpu.memory_space<hbm>>, %arg9: memref<82x128xi32, #tpu.memory_space<vmem>>, %arg10: memref<82x128xi32, #tpu.memory_space<vmem>>, %arg11: memref<128xi32, #tpu.memory_space<vmem>>, %arg12: memref<128xi32, #tpu.memory_space<vmem>>, %arg13: memref<128x16xf32, #tpu.memory_space<vmem>>, %arg14: memref<128x16xf32, #tpu.memory_space<vmem>>, %arg15: memref<128x16xf32, #tpu.memory_space<vmem>>, %arg16: memref<128x16xf32, #tpu.memory_space<vmem>>, %arg17: memref<16x128xf32, #tpu.memory_space<vmem>>, %arg18: memref<16x128xf32, #tpu.memory_space<vmem>>, %arg19: memref<10240x16xf32, #tpu.memory_space<vmem_shared>>, %arg20: memref<!tpu.dma_semaphore, #tpu.memory_space<semaphore_mem>>, %arg21: memref<!tpu.dma_semaphore, #tpu.memory_space<semaphore_mem>>, %arg22: memref<!tpu.dma_semaphore, #tpu.memory_space<semaphore_mem>>, %arg23: memref<!tpu.dma_semaphore, #tpu.memory_space<semaphore_mem>>) attributes {dimension_semantics = [#tpu.dimension_semantics<core_parallel>, #tpu.dimension_semantics<subcore_parallel>], iteration_bounds = array<i64: 2, 16>, scalar_prefetch = 0 : i64, scratch_operands = 15 : i64, tpu.core_type = #tpu.core_type<sc_vector_subcore>, window_params = [{transform_indices = #map}, {transform_indices = #map}, {transform_indices = #map1}, {transform_indices = #map1}, {transform_indices = #map1}, {transform_indices = #map1}, {transform_indices = #map1}]} {
    %mul3A = arith.constant 2 : i32
    %mul3A_0 = arith.muli %arg1, %mul3A : i32
    %add3A = arith.addi %mul3A_0, %arg0 : i32
    %mul3A_1 = arith.constant 10496 : i32
    %mul3A_2 = arith.muli %add3A, %mul3A_1 : i32
    %scan3A = arith.constant 0 : i32
    %scan3A_3 = arith.constant 128 : i32
    %scan3A_4 = arith.addi %scan3A, %scan3A_3 : i32
    %scan3A_5 = arith.constant 1 : i32
    scf.for %scan3A_64 = %scan3A to %scan3A_4 step %scan3A_5  : i32 {
      %mul3A_65 = arith.constant 1 : i32
      %mul3A_66 = arith.muli %scan3A_64, %mul3A_65 : i32
      %add3A_67 = arith.constant 0 : i32
      %add3A_68 = arith.addi %add3A_67, %mul3A_66 : i32
      %broadcast_in_dim3A = arith.constant 0.000000e+00 : f32
      %broadcast_in_dim3A_69 = vector.broadcast %broadcast_in_dim3A : f32 to vector<16xf32>
      %swap3A = arith.index_cast %add3A_68 : i32 to index
      %swap3A_70 = arith.constant 0 : index
      %swap3A_71 = tpu.vector_load %arg13[%swap3A, %swap3A_70] {strides = array<i32>} : memref<128x16xf32, #tpu.memory_space<vmem>>, vector<16xf32>,
      tpu.vector_store %arg13[%swap3A, %swap3A_70], %broadcast_in_dim3A_69 {strides = array<i32>} : memref<128x16xf32, #tpu.memory_space<vmem>>, vector<16xf32>,
    }
    %scan3A_6 = arith.constant 128 : i32
    %mul3A_7 = arith.constant 640 : i32
    %mul3A_8 = arith.muli %arg1, %mul3A_7 : i32
    %add3A_9 = arith.constant 0 : i32
    %add3A_10 = arith.addi %mul3A_8, %add3A_9 : i32
    "tpu.region"() ({
      %run_scoped3A = tpu.sem_alloc : memref<!tpu.dma_semaphore, #tpu.memory_space<semaphore_mem>>
      %dma_start3A_64 = arith.constant 0 : i32
      %dma_start3A_65 = tpu.memref_slice %arg19[%add3A_10, %dma_start3A_64] : memref<10240x16xf32, #tpu.memory_space<vmem_shared>> -> memref<128x16xf32, #tpu.memory_space<vmem_shared>>
      %dma_start3A_66 = arith.constant 0 : i32
      %dma_start3A_67 = tpu.memref_slice %arg19[%add3A_10, %dma_start3A_66] : memref<10240x16xf32, #tpu.memory_space<vmem_shared>> -> memref<128x16xf32, #tpu.memory_space<vmem_shared>>
      tpu.enqueue_dma source(%arg13 : memref<128x16xf32, #tpu.memory_space<vmem>>) target(%dma_start3A_67 : memref<128x16xf32, #tpu.memory_space<vmem_shared>>) target_semaphore(%run_scoped3A : memref<!tpu.dma_semaphore, #tpu.memory_space<semaphore_mem>>)
      %dma_wait3A_68 = arith.constant 0 : i32
      %dma_wait3A_69 = tpu.memref_slice %arg19[%add3A_10, %dma_wait3A_68] : memref<10240x16xf32, #tpu.memory_space<vmem_shared>> -> memref<128x16xf32, #tpu.memory_space<vmem_shared>>
      %dma_wait3A_70 = arith.constant 0 : i32
      %dma_wait3A_71 = tpu.memref_slice %arg19[%add3A_10, %dma_wait3A_70] : memref<10240x16xf32, #tpu.memory_space<vmem_shared>> -> memref<128x16xf32, #tpu.memory_space<vmem_shared>>
      tpu.wait_dma2 semaphore(%run_scoped3A : memref<!tpu.dma_semaphore, #tpu.memory_space<semaphore_mem>>) src(%arg13 : memref<128x16xf32, #tpu.memory_space<vmem>>) dst(%dma_wait3A_71 : memref<128x16xf32, #tpu.memory_space<vmem_shared>>)
      tpu.yield
    }) : () -> ()
    %mul3A_11 = arith.constant 640 : i32
    %mul3A_12 = arith.muli %arg1, %mul3A_11 : i32
    %add3A_13 = arith.constant 128 : i32
    %add3A_14 = arith.addi %mul3A_12, %add3A_13 : i32
    "tpu.region"() ({
      %run_scoped3A = tpu.sem_alloc : memref<!tpu.dma_semaphore, #tpu.memory_space<semaphore_mem>>
      %dma_start3A_64 = arith.constant 0 : i32
      %dma_start3A_65 = tpu.memref_slice %arg19[%add3A_14, %dma_start3A_64] : memref<10240x16xf32, #tpu.memory_space<vmem_shared>> -> memref<128x16xf32, #tpu.memory_space<vmem_shared>>
      %dma_start3A_66 = arith.constant 0 : i32
      %dma_start3A_67 = tpu.memref_slice %arg19[%add3A_14, %dma_start3A_66] : memref<10240x16xf32, #tpu.memory_space<vmem_shared>> -> memref<128x16xf32, #tpu.memory_space<vmem_shared>>
      tpu.enqueue_dma source(%arg13 : memref<128x16xf32, #tpu.memory_space<vmem>>) target(%dma_start3A_67 : memref<128x16xf32, #tpu.memory_space<vmem_shared>>) target_semaphore(%run_scoped3A : memref<!tpu.dma_semaphore, #tpu.memory_space<semaphore_mem>>)
      %dma_wait3A_68 = arith.constant 0 : i32
      %dma_wait3A_69 = tpu.memref_slice %arg19[%add3A_14, %dma_wait3A_68] : memref<10240x16xf32, #tpu.memory_space<vmem_shared>> -> memref<128x16xf32, #tpu.memory_space<vmem_shared>>
      %dma_wait3A_70 = arith.constant 0 : i32
      %dma_wait3A_71 = tpu.memref_slice %arg19[%add3A_14, %dma_wait3A_70] : memref<10240x16xf32, #tpu.memory_space<vmem_shared>> -> memref<128x16xf32, #tpu.memory_space<vmem_shared>>
      tpu.wait_dma2 semaphore(%run_scoped3A : memref<!tpu.dma_semaphore, #tpu.memory_space<semaphore_mem>>) src(%arg13 : memref<128x16xf32, #tpu.memory_space<vmem>>) dst(%dma_wait3A_71 : memref<128x16xf32, #tpu.memory_space<vmem_shared>>)
      tpu.yield
    }) : () -> ()
    %mul3A_15 = arith.constant 640 : i32
    %mul3A_16 = arith.muli %arg1, %mul3A_15 : i32
    %add3A_17 = arith.constant 256 : i32
    %add3A_18 = arith.addi %mul3A_16, %add3A_17 : i32
    "tpu.region"() ({
      %run_scoped3A = tpu.sem_alloc : memref<!tpu.dma_semaphore, #tpu.memory_space<semaphore_mem>>
      %dma_start3A_64 = arith.constant 0 : i32
      %dma_start3A_65 = tpu.memref_slice %arg19[%add3A_18, %dma_start3A_64] : memref<10240x16xf32, #tpu.memory_space<vmem_shared>> -> memref<128x16xf32, #tpu.memory_space<vmem_shared>>
      %dma_start3A_66 = arith.constant 0 : i32
      %dma_start3A_67 = tpu.memref_slice %arg19[%add3A_18, %dma_start3A_66] : memref<10240x16xf32, #tpu.memory_space<vmem_shared>> -> memref<128x16xf32, #tpu.memory_space<vmem_shared>>
      tpu.enqueue_dma source(%arg13 : memref<128x16xf32, #tpu.memory_space<vmem>>) target(%dma_start3A_67 : memref<128x16xf32, #tpu.memory_space<vmem_shared>>) target_semaphore(%run_scoped3A : memref<!tpu.dma_semaphore, #tpu.memory_space<semaphore_mem>>)
      %dma_wait3A_68 = arith.constant 0 : i32
      %dma_wait3A_69 = tpu.memref_slice %arg19[%add3A_18, %dma_wait3A_68] : memref<10240x16xf32, #tpu.memory_space<vmem_shared>> -> memref<128x16xf32, #tpu.memory_space<vmem_shared>>
      %dma_wait3A_70 = arith.constant 0 : i32
      %dma_wait3A_71 = tpu.memref_slice %arg19[%add3A_18, %dma_wait3A_70] : memref<10240x16xf32, #tpu.memory_space<vmem_shared>> -> memref<128x16xf32, #tpu.memory_space<vmem_shared>>
      tpu.wait_dma2 semaphore(%run_scoped3A : memref<!tpu.dma_semaphore, #tpu.memory_space<semaphore_mem>>) src(%arg13 : memref<128x16xf32, #tpu.memory_space<vmem>>) dst(%dma_wait3A_71 : memref<128x16xf32, #tpu.memory_space<vmem_shared>>)
      tpu.yield
    }) : () -> ()
    %mul3A_19 = arith.constant 640 : i32
    %mul3A_20 = arith.muli %arg1, %mul3A_19 : i32
    %add3A_21 = arith.constant 384 : i32
    %add3A_22 = arith.addi %mul3A_20, %add3A_21 : i32
    "tpu.region"() ({
      %run_scoped3A = tpu.sem_alloc : memref<!tpu.dma_semaphore, #tpu.memory_space<semaphore_mem>>
      %dma_start3A_64 = arith.constant 0 : i32
      %dma_start3A_65 = tpu.memref_slice %arg19[%add3A_22, %dma_start3A_64] : memref<10240x16xf32, #tpu.memory_space<vmem_shared>> -> memref<128x16xf32, #tpu.memory_space<vmem_shared>>
      %dma_start3A_66 = arith.constant 0 : i32
      %dma_start3A_67 = tpu.memref_slice %arg19[%add3A_22, %dma_start3A_66] : memref<10240x16xf32, #tpu.memory_space<vmem_shared>> -> memref<128x16xf32, #tpu.memory_space<vmem_shared>>
      tpu.enqueue_dma source(%arg13 : memref<128x16xf32, #tpu.memory_space<vmem>>) target(%dma_start3A_67 : memref<128x16xf32, #tpu.memory_space<vmem_shared>>) target_semaphore(%run_scoped3A : memref<!tpu.dma_semaphore, #tpu.memory_space<semaphore_mem>>)
      %dma_wait3A_68 = arith.constant 0 : i32
      %dma_wait3A_69 = tpu.memref_slice %arg19[%add3A_22, %dma_wait3A_68] : memref<10240x16xf32, #tpu.memory_space<vmem_shared>> -> memref<128x16xf32, #tpu.memory_space<vmem_shared>>
      %dma_wait3A_70 = arith.constant 0 : i32
      %dma_wait3A_71 = tpu.memref_slice %arg19[%add3A_22, %dma_wait3A_70] : memref<10240x16xf32, #tpu.memory_space<vmem_shared>> -> memref<128x16xf32, #tpu.memory_space<vmem_shared>>
      tpu.wait_dma2 semaphore(%run_scoped3A : memref<!tpu.dma_semaphore, #tpu.memory_space<semaphore_mem>>) src(%arg13 : memref<128x16xf32, #tpu.memory_space<vmem>>) dst(%dma_wait3A_71 : memref<128x16xf32, #tpu.memory_space<vmem_shared>>)
      tpu.yield
    }) : () -> ()
    %mul3A_23 = arith.constant 640 : i32
    %mul3A_24 = arith.muli %arg1, %mul3A_23 : i32
    %add3A_25 = arith.constant 512 : i32
    %add3A_26 = arith.addi %mul3A_24, %add3A_25 : i32
    "tpu.region"() ({
      %run_scoped3A = tpu.sem_alloc : memref<!tpu.dma_semaphore, #tpu.memory_space<semaphore_mem>>
      %dma_start3A_64 = arith.constant 0 : i32
      %dma_start3A_65 = tpu.memref_slice %arg19[%add3A_26, %dma_start3A_64] : memref<10240x16xf32, #tpu.memory_space<vmem_shared>> -> memref<128x16xf32, #tpu.memory_space<vmem_shared>>
      %dma_start3A_66 = arith.constant 0 : i32
      %dma_start3A_67 = tpu.memref_slice %arg19[%add3A_26, %dma_start3A_66] : memref<10240x16xf32, #tpu.memory_space<vmem_shared>> -> memref<128x16xf32, #tpu.memory_space<vmem_shared>>
      tpu.enqueue_dma source(%arg13 : memref<128x16xf32, #tpu.memory_space<vmem>>) target(%dma_start3A_67 : memref<128x16xf32, #tpu.memory_space<vmem_shared>>) target_semaphore(%run_scoped3A : memref<!tpu.dma_semaphore, #tpu.memory_space<semaphore_mem>>)
      %dma_wait3A_68 = arith.constant 0 : i32
      %dma_wait3A_69 = tpu.memref_slice %arg19[%add3A_26, %dma_wait3A_68] : memref<10240x16xf32, #tpu.memory_space<vmem_shared>> -> memref<128x16xf32, #tpu.memory_space<vmem_shared>>
      %dma_wait3A_70 = arith.constant 0 : i32
      %dma_wait3A_71 = tpu.memref_slice %arg19[%add3A_26, %dma_wait3A_70] : memref<10240x16xf32, #tpu.memory_space<vmem_shared>> -> memref<128x16xf32, #tpu.memory_space<vmem_shared>>
      tpu.wait_dma2 semaphore(%run_scoped3A : memref<!tpu.dma_semaphore, #tpu.memory_space<semaphore_mem>>) src(%arg13 : memref<128x16xf32, #tpu.memory_space<vmem>>) dst(%dma_wait3A_71 : memref<128x16xf32, #tpu.memory_space<vmem_shared>>)
      tpu.yield
    }) : () -> ()
    "tpu.region"() ({
      %run_scoped3A = tpu.sem_alloc : memref<!tpu.dma_semaphore, #tpu.memory_space<semaphore_mem>>
      %dma_start3A_64 = arith.constant 0 : i32
      %dma_start3A_65 = arith.constant 0 : i32
      %dma_start3A_66 = tpu.memref_slice %arg2[%add3A, %dma_start3A_64, %dma_start3A_65] : memref<32x82x128xi32, #tpu.memory_space<hbm>> -> memref<1x82x128xi32, #tpu.memory_space<hbm>>
      %dma_start3A_67 = tpu.memref_squeeze %dma_start3A_66 : memref<1x82x128xi32, #tpu.memory_space<hbm>> -> memref<82x128xi32, #tpu.memory_space<hbm>>
      %dma_start3A_68 = arith.constant 0 : i32
      %dma_start3A_69 = arith.constant 0 : i32
      %dma_start3A_70 = tpu.memref_slice %arg2[%add3A, %dma_start3A_68, %dma_start3A_69] : memref<32x82x128xi32, #tpu.memory_space<hbm>> -> memref<1x82x128xi32, #tpu.memory_space<hbm>>
      %dma_start3A_71 = tpu.memref_squeeze %dma_start3A_70 : memref<1x82x128xi32, #tpu.memory_space<hbm>> -> memref<82x128xi32, #tpu.memory_space<hbm>>
      tpu.enqueue_dma source(%dma_start3A_71 : memref<82x128xi32, #tpu.memory_space<hbm>>) target(%arg9 : memref<82x128xi32, #tpu.memory_space<vmem>>) target_semaphore(%run_scoped3A : memref<!tpu.dma_semaphore, #tpu.memory_space<semaphore_mem>>)
      %dma_wait3A_72 = arith.constant 0 : i32
      %dma_wait3A_73 = arith.constant 0 : i32
      %dma_wait3A_74 = tpu.memref_slice %arg2[%add3A, %dma_wait3A_72, %dma_wait3A_73] : memref<32x82x128xi32, #tpu.memory_space<hbm>> -> memref<1x82x128xi32, #tpu.memory_space<hbm>>
      %dma_wait3A_75 = tpu.memref_squeeze %dma_wait3A_74 : memref<1x82x128xi32, #tpu.memory_space<hbm>> -> memref<82x128xi32, #tpu.memory_space<hbm>>
      %dma_wait3A_76 = arith.constant 0 : i32
      %dma_wait3A_77 = arith.constant 0 : i32
      %dma_wait3A_78 = tpu.memref_slice %arg2[%add3A, %dma_wait3A_76, %dma_wait3A_77] : memref<32x82x128xi32, #tpu.memory_space<hbm>> -> memref<1x82x128xi32, #tpu.memory_space<hbm>>
      %dma_wait3A_79 = tpu.memref_squeeze %dma_wait3A_78 : memref<1x82x128xi32, #tpu.memory_space<hbm>> -> memref<82x128xi32, #tpu.memory_space<hbm>>
      tpu.wait_dma2 semaphore(%run_scoped3A : memref<!tpu.dma_semaphore, #tpu.memory_space<semaphore_mem>>) src(%dma_wait3A_79 : memref<82x128xi32, #tpu.memory_space<hbm>>) dst(%arg9 : memref<82x128xi32, #tpu.memory_space<vmem>>)
      tpu.yield
    }) : () -> ()
    "tpu.region"() ({
      %run_scoped3A = tpu.sem_alloc : memref<!tpu.dma_semaphore, #tpu.memory_space<semaphore_mem>>
      %dma_start3A_64 = arith.constant 0 : i32
      %dma_start3A_65 = arith.constant 0 : i32
      %dma_start3A_66 = tpu.memref_slice %arg3[%add3A, %dma_start3A_64, %dma_start3A_65] : memref<32x82x128xi32, #tpu.memory_space<hbm>> -> memref<1x82x128xi32, #tpu.memory_space<hbm>>
      %dma_start3A_67 = tpu.memref_squeeze %dma_start3A_66 : memref<1x82x128xi32, #tpu.memory_space<hbm>> -> memref<82x128xi32, #tpu.memory_space<hbm>>
      %dma_start3A_68 = arith.constant 0 : i32
      %dma_start3A_69 = arith.constant 0 : i32
      %dma_start3A_70 = tpu.memref_slice %arg3[%add3A, %dma_start3A_68, %dma_start3A_69] : memref<32x82x128xi32, #tpu.memory_space<hbm>> -> memref<1x82x128xi32, #tpu.memory_space<hbm>>
      %dma_start3A_71 = tpu.memref_squeeze %dma_start3A_70 : memref<1x82x128xi32, #tpu.memory_space<hbm>> -> memref<82x128xi32, #tpu.memory_space<hbm>>
      tpu.enqueue_dma source(%dma_start3A_71 : memref<82x128xi32, #tpu.memory_space<hbm>>) target(%arg10 : memref<82x128xi32, #tpu.memory_space<vmem>>) target_semaphore(%run_scoped3A : memref<!tpu.dma_semaphore, #tpu.memory_space<semaphore_mem>>)
      %dma_wait3A_72 = arith.constant 0 : i32
      %dma_wait3A_73 = arith.constant 0 : i32
      %dma_wait3A_74 = tpu.memref_slice %arg3[%add3A, %dma_wait3A_72, %dma_wait3A_73] : memref<32x82x128xi32, #tpu.memory_space<hbm>> -> memref<1x82x128xi32, #tpu.memory_space<hbm>>
      %dma_wait3A_75 = tpu.memref_squeeze %dma_wait3A_74 : memref<1x82x128xi32, #tpu.memory_space<hbm>> -> memref<82x128xi32, #tpu.memory_space<hbm>>
      %dma_wait3A_76 = arith.constant 0 : i32
      %dma_wait3A_77 = arith.constant 0 : i32
      %dma_wait3A_78 = tpu.memref_slice %arg3[%add3A, %dma_wait3A_76, %dma_wait3A_77] : memref<32x82x128xi32, #tpu.memory_space<hbm>> -> memref<1x82x128xi32, #tpu.memory_space<hbm>>
      %dma_wait3A_79 = tpu.memref_squeeze %dma_wait3A_78 : memref<1x82x128xi32, #tpu.memory_space<hbm>> -> memref<82x128xi32, #tpu.memory_space<hbm>>
      tpu.wait_dma2 semaphore(%run_scoped3A : memref<!tpu.dma_semaphore, #tpu.memory_space<semaphore_mem>>) src(%dma_wait3A_79 : memref<82x128xi32, #tpu.memory_space<hbm>>) dst(%arg10 : memref<82x128xi32, #tpu.memory_space<vmem>>)
      tpu.yield
    }) : () -> ()
    %barrier3A = arith.constant 0 : index
    tpu.barrier barrier_id(%barrier3A)
    %dma_start3A = arith.constant 0 : i32
    %dma_start3A_27 = arith.constant 0 : i32
    %dma_start3A_28 = tpu.memref_slice %arg9[%dma_start3A, %dma_start3A_27] : memref<82x128xi32, #tpu.memory_space<vmem>> -> memref<1x128xi32, #tpu.memory_space<vmem>>
    %dma_start3A_29 = tpu.memref_squeeze %dma_start3A_28 : memref<1x128xi32, #tpu.memory_space<vmem>> -> memref<128xi32, #tpu.memory_space<vmem>>
    %dma_start3A_30 = arith.constant 0 : i32
    %dma_start3A_31 = arith.constant 0 : i32
    %dma_start3A_32 = tpu.memref_slice %arg4[%dma_start3A_30, %dma_start3A_31] : memref<10240x16xf32, #tpu.memory_space<hbm>> -> memref<10240x16xf32, #tpu.memory_space<hbm>>
    tpu.enqueue_indirect_dma source(%dma_start3A_32 : memref<10240x16xf32, #tpu.memory_space<hbm>>) target(%arg13 : memref<128x16xf32, #tpu.memory_space<vmem>>) offsets(%dma_start3A_29 : memref<128xi32, #tpu.memory_space<vmem>>) semaphore(%arg20 : memref<!tpu.dma_semaphore, #tpu.memory_space<semaphore_mem>>)
    %dma_start3A_33 = arith.constant 0 : i32
    %dma_start3A_34 = arith.constant 0 : i32
    %dma_start3A_35 = tpu.memref_slice %arg10[%dma_start3A_33, %dma_start3A_34] : memref<82x128xi32, #tpu.memory_space<vmem>> -> memref<1x128xi32, #tpu.memory_space<vmem>>
    %dma_start3A_36 = tpu.memref_squeeze %dma_start3A_35 : memref<1x128xi32, #tpu.memory_space<vmem>> -> memref<128xi32, #tpu.memory_space<vmem>>
    %dma_start3A_37 = arith.constant 0 : i32
    %dma_start3A_38 = arith.constant 0 : i32
    %dma_start3A_39 = tpu.memref_slice %arg5[%dma_start3A_37, %dma_start3A_38] : memref<10240x16xf32, #tpu.memory_space<hbm>> -> memref<10240x16xf32, #tpu.memory_space<hbm>>
    tpu.enqueue_indirect_dma source(%dma_start3A_39 : memref<10240x16xf32, #tpu.memory_space<hbm>>) target(%arg15 : memref<128x16xf32, #tpu.memory_space<vmem>>) offsets(%dma_start3A_36 : memref<128xi32, #tpu.memory_space<vmem>>) semaphore(%arg20 : memref<!tpu.dma_semaphore, #tpu.memory_space<semaphore_mem>>)
    %scan3A_40 = arith.constant 0 : i32
    %scan3A_41 = arith.constant 41 : i32
    %scan3A_42 = arith.addi %scan3A_40, %scan3A_41 : i32
    %scan3A_43 = arith.constant 1 : i32
    scf.for %scan3A_64 = %scan3A_40 to %scan3A_42 step %scan3A_43  : i32 {
      %mul3A_65 = arith.constant 1 : i32
      %mul3A_66 = arith.muli %scan3A_64, %mul3A_65 : i32
      %add3A_67 = arith.constant 0 : i32
      %add3A_68 = arith.addi %add3A_67, %mul3A_66 : i32
      %mul3A_69 = arith.constant 2 : i32
      %mul3A_70 = arith.muli %mul3A_69, %add3A_68 : i32
      %add3A_71 = arith.constant 0 : i32
      %add3A_72 = arith.addi %mul3A_70, %add3A_71 : i32
      %dma_wait3A_73 = arith.constant 0 : i32
      %dma_wait3A_74 = arith.constant 0 : i32
      %dma_wait3A_75 = tpu.memref_slice %arg4[%dma_wait3A_73, %dma_wait3A_74] : memref<10240x16xf32, #tpu.memory_space<hbm>> -> memref<128x16xf32, #tpu.memory_space<hbm>>
      %dma_wait3A_76 = arith.constant 0 : i32
      %dma_wait3A_77 = arith.constant 0 : i32
      %dma_wait3A_78 = tpu.memref_slice %arg4[%dma_wait3A_76, %dma_wait3A_77] : memref<10240x16xf32, #tpu.memory_space<hbm>> -> memref<128x16xf32, #tpu.memory_space<hbm>>
      tpu.wait_dma2 semaphore(%arg20 : memref<!tpu.dma_semaphore, #tpu.memory_space<semaphore_mem>>) src(%dma_wait3A_78 : memref<128x16xf32, #tpu.memory_space<hbm>>) dst(%arg13 : memref<128x16xf32, #tpu.memory_space<vmem>>)
      %dma_wait3A_79 = arith.constant 0 : i32
      %dma_wait3A_80 = arith.constant 0 : i32
      %dma_wait3A_81 = tpu.memref_slice %arg5[%dma_wait3A_79, %dma_wait3A_80] : memref<10240x16xf32, #tpu.memory_space<hbm>> -> memref<128x16xf32, #tpu.memory_space<hbm>>
      %dma_wait3A_82 = arith.constant 0 : i32
      %dma_wait3A_83 = arith.constant 0 : i32
      %dma_wait3A_84 = tpu.memref_slice %arg5[%dma_wait3A_82, %dma_wait3A_83] : memref<10240x16xf32, #tpu.memory_space<hbm>> -> memref<128x16xf32, #tpu.memory_space<hbm>>
      tpu.wait_dma2 semaphore(%arg20 : memref<!tpu.dma_semaphore, #tpu.memory_space<semaphore_mem>>) src(%dma_wait3A_84 : memref<128x16xf32, #tpu.memory_space<hbm>>) dst(%arg15 : memref<128x16xf32, #tpu.memory_space<vmem>>)
      %get3A = arith.index_cast %add3A_72 : i32 to index
      %get3A_85 = arith.constant 0 : index
      %get3A_86 = tpu.vector_load %arg10[%get3A, %get3A_85] {strides = array<i32>} : memref<82x128xi32, #tpu.memory_space<vmem>>, vector<16xi32>,
      %swap3A = arith.constant 0 : index
      %swap3A_87 = tpu.vector_load %arg11[%swap3A] {strides = array<i32>} : memref<128xi32, #tpu.memory_space<vmem>>, vector<16xi32>,
      tpu.vector_store %arg11[%swap3A], %get3A_86 {strides = array<i32>} : memref<128xi32, #tpu.memory_space<vmem>>, vector<16xi32>,
      %get3A_88 = arith.index_cast %add3A_72 : i32 to index
      %get3A_89 = arith.constant 16 : index
      %get3A_90 = tpu.vector_load %arg10[%get3A_88, %get3A_89] {strides = array<i32>} : memref<82x128xi32, #tpu.memory_space<vmem>>, vector<16xi32>,
      %swap3A_91 = arith.constant 16 : index
      %swap3A_92 = tpu.vector_load %arg11[%swap3A_91] {strides = array<i32>} : memref<128xi32, #tpu.memory_space<vmem>>, vector<16xi32>,
      tpu.vector_store %arg11[%swap3A_91], %get3A_90 {strides = array<i32>} : memref<128xi32, #tpu.memory_space<vmem>>, vector<16xi32>,
      %get3A_93 = arith.index_cast %add3A_72 : i32 to index
      %get3A_94 = arith.constant 32 : index
      %get3A_95 = tpu.vector_load %arg10[%get3A_93, %get3A_94] {strides = array<i32>} : memref<82x128xi32, #tpu.memory_space<vmem>>, vector<16xi32>,
      %swap3A_96 = arith.constant 32 : index
      %swap3A_97 = tpu.vector_load %arg11[%swap3A_96] {strides = array<i32>} : memref<128xi32, #tpu.memory_space<vmem>>, vector<16xi32>,
      tpu.vector_store %arg11[%swap3A_96], %get3A_95 {strides = array<i32>} : memref<128xi32, #tpu.memory_space<vmem>>, vector<16xi32>,
      %get3A_98 = arith.index_cast %add3A_72 : i32 to index
      %get3A_99 = arith.constant 48 : index
      %get3A_100 = tpu.vector_load %arg10[%get3A_98, %get3A_99] {strides = array<i32>} : memref<82x128xi32, #tpu.memory_space<vmem>>, vector<16xi32>,
      %swap3A_101 = arith.constant 48 : index
      %swap3A_102 = tpu.vector_load %arg11[%swap3A_101] {strides = array<i32>} : memref<128xi32, #tpu.memory_space<vmem>>, vector<16xi32>,
      tpu.vector_store %arg11[%swap3A_101], %get3A_100 {strides = array<i32>} : memref<128xi32, #tpu.memory_space<vmem>>, vector<16xi32>,
      %get3A_103 = arith.index_cast %add3A_72 : i32 to index
      %get3A_104 = arith.constant 64 : index
      %get3A_105 = tpu.vector_load %arg10[%get3A_103, %get3A_104] {strides = array<i32>} : memref<82x128xi32, #tpu.memory_space<vmem>>, vector<16xi32>,
      %swap3A_106 = arith.constant 64 : index
      %swap3A_107 = tpu.vector_load %arg11[%swap3A_106] {strides = array<i32>} : memref<128xi32, #tpu.memory_space<vmem>>, vector<16xi32>,
      tpu.vector_store %arg11[%swap3A_106], %get3A_105 {strides = array<i32>} : memref<128xi32, #tpu.memory_space<vmem>>, vector<16xi32>,
      %get3A_108 = arith.index_cast %add3A_72 : i32 to index
      %get3A_109 = arith.constant 80 : index
      %get3A_110 = tpu.vector_load %arg10[%get3A_108, %get3A_109] {strides = array<i32>} : memref<82x128xi32, #tpu.memory_space<vmem>>, vector<16xi32>,
      %swap3A_111 = arith.constant 80 : index
      %swap3A_112 = tpu.vector_load %arg11[%swap3A_111] {strides = array<i32>} : memref<128xi32, #tpu.memory_space<vmem>>, vector<16xi32>,
      tpu.vector_store %arg11[%swap3A_111], %get3A_110 {strides = array<i32>} : memref<128xi32, #tpu.memory_space<vmem>>, vector<16xi32>,
      %get3A_113 = arith.index_cast %add3A_72 : i32 to index
      %get3A_114 = arith.constant 96 : index
      %get3A_115 = tpu.vector_load %arg10[%get3A_113, %get3A_114] {strides = array<i32>} : memref<82x128xi32, #tpu.memory_space<vmem>>, vector<16xi32>,
      %swap3A_116 = arith.constant 96 : index
      %swap3A_117 = tpu.vector_load %arg11[%swap3A_116] {strides = array<i32>} : memref<128xi32, #tpu.memory_space<vmem>>, vector<16xi32>,
      tpu.vector_store %arg11[%swap3A_116], %get3A_115 {strides = array<i32>} : memref<128xi32, #tpu.memory_space<vmem>>, vector<16xi32>,
      %get3A_118 = arith.index_cast %add3A_72 : i32 to index
      %get3A_119 = arith.constant 112 : index
      %get3A_120 = tpu.vector_load %arg10[%get3A_118, %get3A_119] {strides = array<i32>} : memref<82x128xi32, #tpu.memory_space<vmem>>, vector<16xi32>,
      %swap3A_121 = arith.constant 112 : index
      %swap3A_122 = tpu.vector_load %arg11[%swap3A_121] {strides = array<i32>} : memref<128xi32, #tpu.memory_space<vmem>>, vector<16xi32>,
      tpu.vector_store %arg11[%swap3A_121], %get3A_120 {strides = array<i32>} : memref<128xi32, #tpu.memory_space<vmem>>, vector<16xi32>,
      %add3A_123 = arith.constant 1 : i32
      %add3A_124 = arith.addi %add3A_72, %add3A_123 : i32
      %lt3A = arith.constant 82 : i32
      %lt3A_125 = arith.cmpi slt, %add3A_124, %lt3A : i32
      %convert_element_type3A_126 = arith.extui %lt3A_125 : i1 to i32
      %cond3A_127 = arith.constant 0 : i32
      %cond3A_128 = arith.cmpi ne, %convert_element_type3A_126, %cond3A_127 : i32
      scf.if %cond3A_128 {
        %ge3A = arith.constant 1 : i32
        %ge3A_256 = arith.cmpi sge, %add3A_72, %ge3A : i32
        %convert_element_type3A_257 = arith.extui %ge3A_256 : i1 to i32
        %cond3A_258 = arith.constant 0 : i32
        %cond3A_259 = arith.cmpi ne, %convert_element_type3A_257, %cond3A_258 : i32
        scf.if %cond3A_259 {
          %dma_wait3A_274 = arith.constant 0 : i32
          %dma_wait3A_275 = arith.constant 0 : i32
          %dma_wait3A_276 = tpu.memref_slice %arg6[%dma_wait3A_274, %dma_wait3A_275] : memref<41984x128xf32, #tpu.memory_space<hbm>> -> memref<16x128xf32, #tpu.memory_space<hbm>>
          %dma_wait3A_277 = arith.constant 0 : i32
          %dma_wait3A_278 = arith.constant 0 : i32
          %dma_wait3A_279 = tpu.memref_slice %arg6[%dma_wait3A_277, %dma_wait3A_278] : memref<41984x128xf32, #tpu.memory_space<hbm>> -> memref<16x128xf32, #tpu.memory_space<hbm>>
          tpu.wait_dma2 semaphore(%arg23 : memref<!tpu.dma_semaphore, #tpu.memory_space<semaphore_mem>>) src(%arg18 : memref<16x128xf32, #tpu.memory_space<vmem>>) dst(%dma_wait3A_279 : memref<16x128xf32, #tpu.memory_space<hbm>>)
        } else {
        }
        %add3A_260 = arith.constant 1 : i32
        %add3A_261 = arith.addi %add3A_72, %add3A_260 : i32
        %dma_start3A_262 = arith.constant 0 : i32
        %dma_start3A_263 = tpu.memref_slice %arg9[%add3A_261, %dma_start3A_262] : memref<82x128xi32, #tpu.memory_space<vmem>> -> memref<1x128xi32, #tpu.memory_space<vmem>>
        %dma_start3A_264 = tpu.memref_squeeze %dma_start3A_263 : memref<1x128xi32, #tpu.memory_space<vmem>> -> memref<128xi32, #tpu.memory_space<vmem>>
        %dma_start3A_265 = arith.constant 0 : i32
        %dma_start3A_266 = arith.constant 0 : i32
        %dma_start3A_267 = tpu.memref_slice %arg4[%dma_start3A_265, %dma_start3A_266] : memref<10240x16xf32, #tpu.memory_space<hbm>> -> memref<10240x16xf32, #tpu.memory_space<hbm>>
        tpu.enqueue_indirect_dma source(%dma_start3A_267 : memref<10240x16xf32, #tpu.memory_space<hbm>>) target(%arg14 : memref<128x16xf32, #tpu.memory_space<vmem>>) offsets(%dma_start3A_264 : memref<128xi32, #tpu.memory_space<vmem>>) semaphore(%arg21 : memref<!tpu.dma_semaphore, #tpu.memory_space<semaphore_mem>>)
        %dma_start3A_268 = arith.constant 0 : i32
        %dma_start3A_269 = tpu.memref_slice %arg10[%add3A_261, %dma_start3A_268] : memref<82x128xi32, #tpu.memory_space<vmem>> -> memref<1x128xi32, #tpu.memory_space<vmem>>
        %dma_start3A_270 = tpu.memref_squeeze %dma_start3A_269 : memref<1x128xi32, #tpu.memory_space<vmem>> -> memref<128xi32, #tpu.memory_space<vmem>>
        %dma_start3A_271 = arith.constant 0 : i32
        %dma_start3A_272 = arith.constant 0 : i32
        %dma_start3A_273 = tpu.memref_slice %arg5[%dma_start3A_271, %dma_start3A_272] : memref<10240x16xf32, #tpu.memory_space<hbm>> -> memref<10240x16xf32, #tpu.memory_space<hbm>>
        tpu.enqueue_indirect_dma source(%dma_start3A_273 : memref<10240x16xf32, #tpu.memory_space<hbm>>) target(%arg16 : memref<128x16xf32, #tpu.memory_space<vmem>>) offsets(%dma_start3A_270 : memref<128xi32, #tpu.memory_space<vmem>>) semaphore(%arg21 : memref<!tpu.dma_semaphore, #tpu.memory_space<semaphore_mem>>)
      } else {
      }
      %scan3A_129 = arith.constant 0 : i32
      %scan3A_130 = arith.constant 16 : i32
      %scan3A_131 = arith.addi %scan3A_129, %scan3A_130 : i32
      %scan3A_132 = arith.constant 1 : i32
      scf.for %scan3A_256 = %scan3A_129 to %scan3A_131 step %scan3A_132  : i32 {
        %mul3A_257 = arith.constant 1 : i32
        %mul3A_258 = arith.muli %scan3A_256, %mul3A_257 : i32
        %add3A_259 = arith.constant 0 : i32
        %add3A_260 = arith.addi %add3A_259, %mul3A_258 : i32
        %mul3A_261 = arith.constant 8 : i32
        %mul3A_262 = arith.muli %mul3A_261, %add3A_260 : i32
        %add3A_263 = arith.constant 0 : i32
        %add3A_264 = arith.addi %mul3A_262, %add3A_263 : i32
        %get3A_265 = arith.index_cast %add3A_264 : i32 to index
        %get3A_266 = arith.constant 0 : index
        %get3A_267 = tpu.vector_load %arg13[%get3A_265, %get3A_266] {strides = array<i32>} : memref<128x16xf32, #tpu.memory_space<vmem>>, vector<16xf32>,
        %get3A_268 = arith.index_cast %add3A_264 : i32 to index
        %get3A_269 = arith.constant 0 : index
        %get3A_270 = tpu.vector_load %arg15[%get3A_268, %get3A_269] {strides = array<i32>} : memref<128x16xf32, #tpu.memory_space<vmem>>, vector<16xf32>,
        %add3A_271 = arith.addf %get3A_267, %get3A_270 : vector<16xf32>
        %ge3A = arith.constant 0.000000e+00 : f32
        %ge3A_272 = vector.broadcast %ge3A : f32 to vector<16xf32>
        %ge3A_273 = arith.cmpf oge, %add3A_271, %ge3A_272 : vector<16xf32>
        %mul3A_274 = arith.constant 2.000000e-01 : f32
        %mul3A_275 = vector.broadcast %mul3A_274 : f32 to vector<16xf32>
        %mul3A_276 = arith.mulf %mul3A_275, %add3A_271 : vector<16xf32>
        %select_n3A_277 = arith.select %ge3A_273, %add3A_271, %mul3A_276 : vector<16xi1>, vector<16xf32>
        %exp3A = math.exp %select_n3A_277 : vector<16xf32>
        %swap3A_278 = arith.index_cast %add3A_264 : i32 to index
        %swap3A_279 = arith.constant 0 : index
        %swap3A_280 = tpu.vector_load %arg13[%swap3A_278, %swap3A_279] {strides = array<i32>} : memref<128x16xf32, #tpu.memory_space<vmem>>, vector<16xf32>,
        tpu.vector_store %arg13[%swap3A_278, %swap3A_279], %exp3A {strides = array<i32>} : memref<128x16xf32, #tpu.memory_space<vmem>>, vector<16xf32>,
        %swap3A_281 = arith.index_cast %add3A_260 : i32 to index
        %swap3A_282 = arith.constant 0 : index
        %swap3A_283 = tpu.vector_load %arg17[%swap3A_281, %swap3A_282] {strides = array<i32>} : memref<16x128xf32, #tpu.memory_space<vmem>>, vector<16xf32>,
        tpu.vector_store %arg17[%swap3A_281, %swap3A_282], %exp3A {strides = array<i32>} : memref<16x128xf32, #tpu.memory_space<vmem>>, vector<16xf32>,
        %mul3A_284 = arith.constant 8 : i32
        %mul3A_285 = arith.muli %mul3A_284, %add3A_260 : i32
        %add3A_286 = arith.constant 1 : i32
        %add3A_287 = arith.addi %mul3A_285, %add3A_286 : i32
        %get3A_288 = arith.index_cast %add3A_287 : i32 to index
        %get3A_289 = arith.constant 0 : index
        %get3A_290 = tpu.vector_load %arg13[%get3A_288, %get3A_289] {strides = array<i32>} : memref<128x16xf32, #tpu.memory_space<vmem>>, vector<16xf32>,
        %get3A_291 = arith.index_cast %add3A_287 : i32 to index
        %get3A_292 = arith.constant 0 : index
        %get3A_293 = tpu.vector_load %arg15[%get3A_291, %get3A_292] {strides = array<i32>} : memref<128x16xf32, #tpu.memory_space<vmem>>, vector<16xf32>,
        %add3A_294 = arith.addf %get3A_290, %get3A_293 : vector<16xf32>
        %ge3A_295 = arith.constant 0.000000e+00 : f32
        %ge3A_296 = vector.broadcast %ge3A_295 : f32 to vector<16xf32>
        %ge3A_297 = arith.cmpf oge, %add3A_294, %ge3A_296 : vector<16xf32>
        %mul3A_298 = arith.constant 2.000000e-01 : f32
        %mul3A_299 = vector.broadcast %mul3A_298 : f32 to vector<16xf32>
        %mul3A_300 = arith.mulf %mul3A_299, %add3A_294 : vector<16xf32>
        %select_n3A_301 = arith.select %ge3A_297, %add3A_294, %mul3A_300 : vector<16xi1>, vector<16xf32>
        %exp3A_302 = math.exp %select_n3A_301 : vector<16xf32>
        %swap3A_303 = arith.index_cast %add3A_287 : i32 to index
        %swap3A_304 = arith.constant 0 : index
        %swap3A_305 = tpu.vector_load %arg13[%swap3A_303, %swap3A_304] {strides = array<i32>} : memref<128x16xf32, #tpu.memory_space<vmem>>, vector<16xf32>,
        tpu.vector_store %arg13[%swap3A_303, %swap3A_304], %exp3A_302 {strides = array<i32>} : memref<128x16xf32, #tpu.memory_space<vmem>>, vector<16xf32>,
        %swap3A_306 = arith.index_cast %add3A_260 : i32 to index
        %swap3A_307 = arith.constant 16 : index
        %swap3A_308 = tpu.vector_load %arg17[%swap3A_306, %swap3A_307] {strides = array<i32>} : memref<16x128xf32, #tpu.memory_space<vmem>>, vector<16xf32>,
        tpu.vector_store %arg17[%swap3A_306, %swap3A_307], %exp3A_302 {strides = array<i32>} : memref<16x128xf32, #tpu.memory_space<vmem>>, vector<16xf32>,
        %mul3A_309 = arith.constant 8 : i32
        %mul3A_310 = arith.muli %mul3A_309, %add3A_260 : i32
        %add3A_311 = arith.constant 2 : i32
        %add3A_312 = arith.addi %mul3A_310, %add3A_311 : i32
        %get3A_313 = arith.index_cast %add3A_312 : i32 to index
        %get3A_314 = arith.constant 0 : index
        %get3A_315 = tpu.vector_load %arg13[%get3A_313, %get3A_314] {strides = array<i32>} : memref<128x16xf32, #tpu.memory_space<vmem>>, vector<16xf32>,
        %get3A_316 = arith.index_cast %add3A_312 : i32 to index
        %get3A_317 = arith.constant 0 : index
        %get3A_318 = tpu.vector_load %arg15[%get3A_316, %get3A_317] {strides = array<i32>} : memref<128x16xf32, #tpu.memory_space<vmem>>, vector<16xf32>,
        %add3A_319 = arith.addf %get3A_315, %get3A_318 : vector<16xf32>
        %ge3A_320 = arith.constant 0.000000e+00 : f32
        %ge3A_321 = vector.broadcast %ge3A_320 : f32 to vector<16xf32>
        %ge3A_322 = arith.cmpf oge, %add3A_319, %ge3A_321 : vector<16xf32>
        %mul3A_323 = arith.constant 2.000000e-01 : f32
        %mul3A_324 = vector.broadcast %mul3A_323 : f32 to vector<16xf32>
        %mul3A_325 = arith.mulf %mul3A_324, %add3A_319 : vector<16xf32>
        %select_n3A_326 = arith.select %ge3A_322, %add3A_319, %mul3A_325 : vector<16xi1>, vector<16xf32>
        %exp3A_327 = math.exp %select_n3A_326 : vector<16xf32>
        %swap3A_328 = arith.index_cast %add3A_312 : i32 to index
        %swap3A_329 = arith.constant 0 : index
        %swap3A_330 = tpu.vector_load %arg13[%swap3A_328, %swap3A_329] {strides = array<i32>} : memref<128x16xf32, #tpu.memory_space<vmem>>, vector<16xf32>,
        tpu.vector_store %arg13[%swap3A_328, %swap3A_329], %exp3A_327 {strides = array<i32>} : memref<128x16xf32, #tpu.memory_space<vmem>>, vector<16xf32>,
        %swap3A_331 = arith.index_cast %add3A_260 : i32 to index
        %swap3A_332 = arith.constant 32 : index
        %swap3A_333 = tpu.vector_load %arg17[%swap3A_331, %swap3A_332] {strides = array<i32>} : memref<16x128xf32, #tpu.memory_space<vmem>>, vector<16xf32>,
        tpu.vector_store %arg17[%swap3A_331, %swap3A_332], %exp3A_327 {strides = array<i32>} : memref<16x128xf32, #tpu.memory_space<vmem>>, vector<16xf32>,
        %mul3A_334 = arith.constant 8 : i32
        %mul3A_335 = arith.muli %mul3A_334, %add3A_260 : i32
        %add3A_336 = arith.constant 3 : i32
        %add3A_337 = arith.addi %mul3A_335, %add3A_336 : i32
        %get3A_338 = arith.index_cast %add3A_337 : i32 to index
        %get3A_339 = arith.constant 0 : index
        %get3A_340 = tpu.vector_load %arg13[%get3A_338, %get3A_339] {strides = array<i32>} : memref<128x16xf32, #tpu.memory_space<vmem>>, vector<16xf32>,
        %get3A_341 = arith.index_cast %add3A_337 : i32 to index
        %get3A_342 = arith.constant 0 : index
        %get3A_343 = tpu.vector_load %arg15[%get3A_341, %get3A_342] {strides = array<i32>} : memref<128x16xf32, #tpu.memory_space<vmem>>, vector<16xf32>,
        %add3A_344 = arith.addf %get3A_340, %get3A_343 : vector<16xf32>
        %ge3A_345 = arith.constant 0.000000e+00 : f32
        %ge3A_346 = vector.broadcast %ge3A_345 : f32 to vector<16xf32>
        %ge3A_347 = arith.cmpf oge, %add3A_344, %ge3A_346 : vector<16xf32>
        %mul3A_348 = arith.constant 2.000000e-01 : f32
        %mul3A_349 = vector.broadcast %mul3A_348 : f32 to vector<16xf32>
        %mul3A_350 = arith.mulf %mul3A_349, %add3A_344 : vector<16xf32>
        %select_n3A_351 = arith.select %ge3A_347, %add3A_344, %mul3A_350 : vector<16xi1>, vector<16xf32>
        %exp3A_352 = math.exp %select_n3A_351 : vector<16xf32>
        %swap3A_353 = arith.index_cast %add3A_337 : i32 to index
        %swap3A_354 = arith.constant 0 : index
        %swap3A_355 = tpu.vector_load %arg13[%swap3A_353, %swap3A_354] {strides = array<i32>} : memref<128x16xf32, #tpu.memory_space<vmem>>, vector<16xf32>,
        tpu.vector_store %arg13[%swap3A_353, %swap3A_354], %exp3A_352 {strides = array<i32>} : memref<128x16xf32, #tpu.memory_space<vmem>>, vector<16xf32>,
        %swap3A_356 = arith.index_cast %add3A_260 : i32 to index
        %swap3A_357 = arith.constant 48 : index
        %swap3A_358 = tpu.vector_load %arg17[%swap3A_356, %swap3A_357] {strides = array<i32>} : memref<16x128xf32, #tpu.memory_space<vmem>>, vector<16xf32>,
        tpu.vector_store %arg17[%swap3A_356, %swap3A_357], %exp3A_352 {strides = array<i32>} : memref<16x128xf32, #tpu.memory_space<vmem>>, vector<16xf32>,
        %mul3A_359 = arith.constant 8 : i32
        %mul3A_360 = arith.muli %mul3A_359, %add3A_260 : i32
        %add3A_361 = arith.constant 4 : i32
        %add3A_362 = arith.addi %mul3A_360, %add3A_361 : i32
        %get3A_363 = arith.index_cast %add3A_362 : i32 to index
        %get3A_364 = arith.constant 0 : index
        %get3A_365 = tpu.vector_load %arg13[%get3A_363, %get3A_364] {strides = array<i32>} : memref<128x16xf32, #tpu.memory_space<vmem>>, vector<16xf32>,
        %get3A_366 = arith.index_cast %add3A_362 : i32 to index
        %get3A_367 = arith.constant 0 : index
        %get3A_368 = tpu.vector_load %arg15[%get3A_366, %get3A_367] {strides = array<i32>} : memref<128x16xf32, #tpu.memory_space<vmem>>, vector<16xf32>,
        %add3A_369 = arith.addf %get3A_365, %get3A_368 : vector<16xf32>
        %ge3A_370 = arith.constant 0.000000e+00 : f32
        %ge3A_371 = vector.broadcast %ge3A_370 : f32 to vector<16xf32>
        %ge3A_372 = arith.cmpf oge, %add3A_369, %ge3A_371 : vector<16xf32>
        %mul3A_373 = arith.constant 2.000000e-01 : f32
        %mul3A_374 = vector.broadcast %mul3A_373 : f32 to vector<16xf32>
        %mul3A_375 = arith.mulf %mul3A_374, %add3A_369 : vector<16xf32>
        %select_n3A_376 = arith.select %ge3A_372, %add3A_369, %mul3A_375 : vector<16xi1>, vector<16xf32>
        %exp3A_377 = math.exp %select_n3A_376 : vector<16xf32>
        %swap3A_378 = arith.index_cast %add3A_362 : i32 to index
        %swap3A_379 = arith.constant 0 : index
        %swap3A_380 = tpu.vector_load %arg13[%swap3A_378, %swap3A_379] {strides = array<i32>} : memref<128x16xf32, #tpu.memory_space<vmem>>, vector<16xf32>,
        tpu.vector_store %arg13[%swap3A_378, %swap3A_379], %exp3A_377 {strides = array<i32>} : memref<128x16xf32, #tpu.memory_space<vmem>>, vector<16xf32>,
        %swap3A_381 = arith.index_cast %add3A_260 : i32 to index
        %swap3A_382 = arith.constant 64 : index
        %swap3A_383 = tpu.vector_load %arg17[%swap3A_381, %swap3A_382] {strides = array<i32>} : memref<16x128xf32, #tpu.memory_space<vmem>>, vector<16xf32>,
        tpu.vector_store %arg17[%swap3A_381, %swap3A_382], %exp3A_377 {strides = array<i32>} : memref<16x128xf32, #tpu.memory_space<vmem>>, vector<16xf32>,
        %mul3A_384 = arith.constant 8 : i32
        %mul3A_385 = arith.muli %mul3A_384, %add3A_260 : i32
        %add3A_386 = arith.constant 5 : i32
        %add3A_387 = arith.addi %mul3A_385, %add3A_386 : i32
        %get3A_388 = arith.index_cast %add3A_387 : i32 to index
        %get3A_389 = arith.constant 0 : index
        %get3A_390 = tpu.vector_load %arg13[%get3A_388, %get3A_389] {strides = array<i32>} : memref<128x16xf32, #tpu.memory_space<vmem>>, vector<16xf32>,
        %get3A_391 = arith.index_cast %add3A_387 : i32 to index
        %get3A_392 = arith.constant 0 : index
        %get3A_393 = tpu.vector_load %arg15[%get3A_391, %get3A_392] {strides = array<i32>} : memref<128x16xf32, #tpu.memory_space<vmem>>, vector<16xf32>,
        %add3A_394 = arith.addf %get3A_390, %get3A_393 : vector<16xf32>
        %ge3A_395 = arith.constant 0.000000e+00 : f32
        %ge3A_396 = vector.broadcast %ge3A_395 : f32 to vector<16xf32>
        %ge3A_397 = arith.cmpf oge, %add3A_394, %ge3A_396 : vector<16xf32>
        %mul3A_398 = arith.constant 2.000000e-01 : f32
        %mul3A_399 = vector.broadcast %mul3A_398 : f32 to vector<16xf32>
        %mul3A_400 = arith.mulf %mul3A_399, %add3A_394 : vector<16xf32>
        %select_n3A_401 = arith.select %ge3A_397, %add3A_394, %mul3A_400 : vector<16xi1>, vector<16xf32>
        %exp3A_402 = math.exp %select_n3A_401 : vector<16xf32>
        %swap3A_403 = arith.index_cast %add3A_387 : i32 to index
        %swap3A_404 = arith.constant 0 : index
        %swap3A_405 = tpu.vector_load %arg13[%swap3A_403, %swap3A_404] {strides = array<i32>} : memref<128x16xf32, #tpu.memory_space<vmem>>, vector<16xf32>,
        tpu.vector_store %arg13[%swap3A_403, %swap3A_404], %exp3A_402 {strides = array<i32>} : memref<128x16xf32, #tpu.memory_space<vmem>>, vector<16xf32>,
        %swap3A_406 = arith.index_cast %add3A_260 : i32 to index
        %swap3A_407 = arith.constant 80 : index
        %swap3A_408 = tpu.vector_load %arg17[%swap3A_406, %swap3A_407] {strides = array<i32>} : memref<16x128xf32, #tpu.memory_space<vmem>>, vector<16xf32>,
        tpu.vector_store %arg17[%swap3A_406, %swap3A_407], %exp3A_402 {strides = array<i32>} : memref<16x128xf32, #tpu.memory_space<vmem>>, vector<16xf32>,
        %mul3A_409 = arith.constant 8 : i32
        %mul3A_410 = arith.muli %mul3A_409, %add3A_260 : i32
        %add3A_411 = arith.constant 6 : i32
        %add3A_412 = arith.addi %mul3A_410, %add3A_411 : i32
        %get3A_413 = arith.index_cast %add3A_412 : i32 to index
        %get3A_414 = arith.constant 0 : index
        %get3A_415 = tpu.vector_load %arg13[%get3A_413, %get3A_414] {strides = array<i32>} : memref<128x16xf32, #tpu.memory_space<vmem>>, vector<16xf32>,
        %get3A_416 = arith.index_cast %add3A_412 : i32 to index
        %get3A_417 = arith.constant 0 : index
        %get3A_418 = tpu.vector_load %arg15[%get3A_416, %get3A_417] {strides = array<i32>} : memref<128x16xf32, #tpu.memory_space<vmem>>, vector<16xf32>,
        %add3A_419 = arith.addf %get3A_415, %get3A_418 : vector<16xf32>
        %ge3A_420 = arith.constant 0.000000e+00 : f32
        %ge3A_421 = vector.broadcast %ge3A_420 : f32 to vector<16xf32>
        %ge3A_422 = arith.cmpf oge, %add3A_419, %ge3A_421 : vector<16xf32>
        %mul3A_423 = arith.constant 2.000000e-01 : f32
        %mul3A_424 = vector.broadcast %mul3A_423 : f32 to vector<16xf32>
        %mul3A_425 = arith.mulf %mul3A_424, %add3A_419 : vector<16xf32>
        %select_n3A_426 = arith.select %ge3A_422, %add3A_419, %mul3A_425 : vector<16xi1>, vector<16xf32>
        %exp3A_427 = math.exp %select_n3A_426 : vector<16xf32>
        %swap3A_428 = arith.index_cast %add3A_412 : i32 to index
        %swap3A_429 = arith.constant 0 : index
        %swap3A_430 = tpu.vector_load %arg13[%swap3A_428, %swap3A_429] {strides = array<i32>} : memref<128x16xf32, #tpu.memory_space<vmem>>, vector<16xf32>,
        tpu.vector_store %arg13[%swap3A_428, %swap3A_429], %exp3A_427 {strides = array<i32>} : memref<128x16xf32, #tpu.memory_space<vmem>>, vector<16xf32>,
        %swap3A_431 = arith.index_cast %add3A_260 : i32 to index
        %swap3A_432 = arith.constant 96 : index
        %swap3A_433 = tpu.vector_load %arg17[%swap3A_431, %swap3A_432] {strides = array<i32>} : memref<16x128xf32, #tpu.memory_space<vmem>>, vector<16xf32>,
        tpu.vector_store %arg17[%swap3A_431, %swap3A_432], %exp3A_427 {strides = array<i32>} : memref<16x128xf32, #tpu.memory_space<vmem>>, vector<16xf32>,
        %mul3A_434 = arith.constant 8 : i32
        %mul3A_435 = arith.muli %mul3A_434, %add3A_260 : i32
        %add3A_436 = arith.constant 7 : i32
        %add3A_437 = arith.addi %mul3A_435, %add3A_436 : i32
        %get3A_438 = arith.index_cast %add3A_437 : i32 to index
        %get3A_439 = arith.constant 0 : index
        %get3A_440 = tpu.vector_load %arg13[%get3A_438, %get3A_439] {strides = array<i32>} : memref<128x16xf32, #tpu.memory_space<vmem>>, vector<16xf32>,
        %get3A_441 = arith.index_cast %add3A_437 : i32 to index
        %get3A_442 = arith.constant 0 : index
        %get3A_443 = tpu.vector_load %arg15[%get3A_441, %get3A_442] {strides = array<i32>} : memref<128x16xf32, #tpu.memory_space<vmem>>, vector<16xf32>,
        %add3A_444 = arith.addf %get3A_440, %get3A_443 : vector<16xf32>
        %ge3A_445 = arith.constant 0.000000e+00 : f32
        %ge3A_446 = vector.broadcast %ge3A_445 : f32 to vector<16xf32>
        %ge3A_447 = arith.cmpf oge, %add3A_444, %ge3A_446 : vector<16xf32>
        %mul3A_448 = arith.constant 2.000000e-01 : f32
        %mul3A_449 = vector.broadcast %mul3A_448 : f32 to vector<16xf32>
        %mul3A_450 = arith.mulf %mul3A_449, %add3A_444 : vector<16xf32>
        %select_n3A_451 = arith.select %ge3A_447, %add3A_444, %mul3A_450 : vector<16xi1>, vector<16xf32>
        %exp3A_452 = math.exp %select_n3A_451 : vector<16xf32>
        %swap3A_453 = arith.index_cast %add3A_437 : i32 to index
        %swap3A_454 = arith.constant 0 : index
        %swap3A_455 = tpu.vector_load %arg13[%swap3A_453, %swap3A_454] {strides = array<i32>} : memref<128x16xf32, #tpu.memory_space<vmem>>, vector<16xf32>,
        tpu.vector_store %arg13[%swap3A_453, %swap3A_454], %exp3A_452 {strides = array<i32>} : memref<128x16xf32, #tpu.memory_space<vmem>>, vector<16xf32>,
        %swap3A_456 = arith.index_cast %add3A_260 : i32 to index
        %swap3A_457 = arith.constant 112 : index
        %swap3A_458 = tpu.vector_load %arg17[%swap3A_456, %swap3A_457] {strides = array<i32>} : memref<16x128xf32, #tpu.memory_space<vmem>>, vector<16xf32>,
        tpu.vector_store %arg17[%swap3A_456, %swap3A_457], %exp3A_452 {strides = array<i32>} : memref<16x128xf32, #tpu.memory_space<vmem>>, vector<16xf32>,
      }
      %scan3A_133 = arith.constant 16 : i32
      %mul3A_134 = arith.constant 128 : i32
      %mul3A_135 = arith.muli %add3A_72, %mul3A_134 : i32
      %add3A_136 = arith.addi %mul3A_2, %mul3A_135 : i32
      %jit3A = arith.constant 8 : i32
      %div3A = arith.divsi %add3A_136, %jit3A : i32
      %sign3A = arith.constant 0 : i32
      %sign3A_137 = arith.cmpi sgt, %add3A_136, %sign3A : i32
      %sign3A_138 = arith.extui %sign3A_137 : i1 to i32
      %sign3A_139 = arith.constant 0 : i32
      %sign3A_140 = arith.cmpi slt, %add3A_136, %sign3A_139 : i32
      %sign3A_141 = arith.extui %sign3A_140 : i1 to i32
      %sign3A_142 = arith.subi %sign3A_138, %sign3A_141 : i32
      %sign3A_143 = arith.constant 0 : i32
      %sign3A_144 = arith.cmpi sgt, %jit3A, %sign3A_143 : i32
      %sign3A_145 = arith.extui %sign3A_144 : i1 to i32
      %sign3A_146 = arith.constant 0 : i32
      %sign3A_147 = arith.cmpi slt, %jit3A, %sign3A_146 : i32
      %sign3A_148 = arith.extui %sign3A_147 : i1 to i32
      %sign3A_149 = arith.subi %sign3A_145, %sign3A_148 : i32
      %ne3A = arith.cmpi ne, %sign3A_142, %sign3A_149 : i32
      %rem3A = arith.remsi %add3A_136, %jit3A : i32
      %ne3A_150 = arith.constant 0 : i32
      %ne3A_151 = arith.cmpi ne, %rem3A, %ne3A_150 : i32
      %and3A = arith.andi %ne3A, %ne3A_151 : i1
      %sub3A = arith.constant 1 : i32
      %sub3A_152 = arith.subi %div3A, %sub3A : i32
      %select_n3A = arith.select %and3A, %sub3A_152, %div3A : i32
      %dma_start3A_153 = arith.constant 0 : i32
      %dma_start3A_154 = tpu.memref_slice %arg6[%select_n3A, %dma_start3A_153] : memref<41984x128xf32, #tpu.memory_space<hbm>> -> memref<16x128xf32, #tpu.memory_space<hbm>>
      %dma_start3A_155 = arith.constant 0 : i32
      %dma_start3A_156 = tpu.memref_slice %arg6[%select_n3A, %dma_start3A_155] : memref<41984x128xf32, #tpu.memory_space<hbm>> -> memref<16x128xf32, #tpu.memory_space<hbm>>
      tpu.enqueue_dma source(%arg17 : memref<16x128xf32, #tpu.memory_space<vmem>>) target(%dma_start3A_156 : memref<16x128xf32, #tpu.memory_space<hbm>>) target_semaphore(%arg22 : memref<!tpu.dma_semaphore, #tpu.memory_space<semaphore_mem>>)
      "tpu.region"() ({
        %run_scoped3A = tpu.sem_alloc : memref<!tpu.dma_semaphore, #tpu.memory_space<semaphore_mem>>
        %dma_start3A_256 = arith.constant 0 : i32
        %dma_start3A_257 = arith.constant 0 : i32
        %dma_start3A_258 = tpu.memref_slice %arg19[%dma_start3A_256, %dma_start3A_257] : memref<10240x16xf32, #tpu.memory_space<vmem_shared>> -> memref<10240x16xf32, #tpu.memory_space<vmem_shared>>
        tpu.enqueue_indirect_dma source(%arg13 : memref<128x16xf32, #tpu.memory_space<vmem>>) target(%dma_start3A_258 : memref<10240x16xf32, #tpu.memory_space<vmem_shared>>) offsets(%arg11 : memref<128xi32, #tpu.memory_space<vmem>>) semaphore(%run_scoped3A : memref<!tpu.dma_semaphore, #tpu.memory_space<semaphore_mem>>) {add = true}
        %dma_wait3A_259 = arith.constant 0 : i32
        %dma_wait3A_260 = arith.constant 0 : i32
        %dma_wait3A_261 = tpu.memref_slice %arg19[%dma_wait3A_259, %dma_wait3A_260] : memref<10240x16xf32, #tpu.memory_space<vmem_shared>> -> memref<10240x16xf32, #tpu.memory_space<vmem_shared>>
        tpu.wait_indirect_dma semaphore(%run_scoped3A : memref<!tpu.dma_semaphore, #tpu.memory_space<semaphore_mem>>) src(%arg13 : memref<128x16xf32, #tpu.memory_space<vmem>>) dst(%dma_wait3A_261 : memref<10240x16xf32, #tpu.memory_space<vmem_shared>>)
        tpu.yield
      }) : () -> ()
      %mul3A_157 = arith.constant 2 : i32
      %mul3A_158 = arith.muli %mul3A_157, %add3A_68 : i32
      %add3A_159 = arith.constant 1 : i32
      %add3A_160 = arith.addi %mul3A_158, %add3A_159 : i32
      %dma_wait3A_161 = arith.constant 0 : i32
      %dma_wait3A_162 = arith.constant 0 : i32
      %dma_wait3A_163 = tpu.memref_slice %arg4[%dma_wait3A_161, %dma_wait3A_162] : memref<10240x16xf32, #tpu.memory_space<hbm>> -> memref<128x16xf32, #tpu.memory_space<hbm>>
      %dma_wait3A_164 = arith.constant 0 : i32
      %dma_wait3A_165 = arith.constant 0 : i32
      %dma_wait3A_166 = tpu.memref_slice %arg4[%dma_wait3A_164, %dma_wait3A_165] : memref<10240x16xf32, #tpu.memory_space<hbm>> -> memref<128x16xf32, #tpu.memory_space<hbm>>
      tpu.wait_dma2 semaphore(%arg21 : memref<!tpu.dma_semaphore, #tpu.memory_space<semaphore_mem>>) src(%dma_wait3A_166 : memref<128x16xf32, #tpu.memory_space<hbm>>) dst(%arg14 : memref<128x16xf32, #tpu.memory_space<vmem>>)
      %dma_wait3A_167 = arith.constant 0 : i32
      %dma_wait3A_168 = arith.constant 0 : i32
      %dma_wait3A_169 = tpu.memref_slice %arg5[%dma_wait3A_167, %dma_wait3A_168] : memref<10240x16xf32, #tpu.memory_space<hbm>> -> memref<128x16xf32, #tpu.memory_space<hbm>>
      %dma_wait3A_170 = arith.constant 0 : i32
      %dma_wait3A_171 = arith.constant 0 : i32
      %dma_wait3A_172 = tpu.memref_slice %arg5[%dma_wait3A_170, %dma_wait3A_171] : memref<10240x16xf32, #tpu.memory_space<hbm>> -> memref<128x16xf32, #tpu.memory_space<hbm>>
      tpu.wait_dma2 semaphore(%arg21 : memref<!tpu.dma_semaphore, #tpu.memory_space<semaphore_mem>>) src(%dma_wait3A_172 : memref<128x16xf32, #tpu.memory_space<hbm>>) dst(%arg16 : memref<128x16xf32, #tpu.memory_space<vmem>>)
      %get3A_173 = arith.index_cast %add3A_160 : i32 to index
      %get3A_174 = arith.constant 0 : index
      %get3A_175 = tpu.vector_load %arg10[%get3A_173, %get3A_174] {strides = array<i32>} : memref<82x128xi32, #tpu.memory_space<vmem>>, vector<16xi32>,
      %swap3A_176 = arith.constant 0 : index
      %swap3A_177 = tpu.vector_load %arg12[%swap3A_176] {strides = array<i32>} : memref<128xi32, #tpu.memory_space<vmem>>, vector<16xi32>,
      tpu.vector_store %arg12[%swap3A_176], %get3A_175 {strides = array<i32>} : memref<128xi32, #tpu.memory_space<vmem>>, vector<16xi32>,
      %get3A_178 = arith.index_cast %add3A_160 : i32 to index
      %get3A_179 = arith.constant 16 : index
      %get3A_180 = tpu.vector_load %arg10[%get3A_178, %get3A_179] {strides = array<i32>} : memref<82x128xi32, #tpu.memory_space<vmem>>, vector<16xi32>,
      %swap3A_181 = arith.constant 16 : index
      %swap3A_182 = tpu.vector_load %arg12[%swap3A_181] {strides = array<i32>} : memref<128xi32, #tpu.memory_space<vmem>>, vector<16xi32>,
      tpu.vector_store %arg12[%swap3A_181], %get3A_180 {strides = array<i32>} : memref<128xi32, #tpu.memory_space<vmem>>, vector<16xi32>,
      %get3A_183 = arith.index_cast %add3A_160 : i32 to index
      %get3A_184 = arith.constant 32 : index
      %get3A_185 = tpu.vector_load %arg10[%get3A_183, %get3A_184] {strides = array<i32>} : memref<82x128xi32, #tpu.memory_space<vmem>>, vector<16xi32>,
      %swap3A_186 = arith.constant 32 : index
      %swap3A_187 = tpu.vector_load %arg12[%swap3A_186] {strides = array<i32>} : memref<128xi32, #tpu.memory_space<vmem>>, vector<16xi32>,
      tpu.vector_store %arg12[%swap3A_186], %get3A_185 {strides = array<i32>} : memref<128xi32, #tpu.memory_space<vmem>>, vector<16xi32>,
      %get3A_188 = arith.index_cast %add3A_160 : i32 to index
      %get3A_189 = arith.constant 48 : index
      %get3A_190 = tpu.vector_load %arg10[%get3A_188, %get3A_189] {strides = array<i32>} : memref<82x128xi32, #tpu.memory_space<vmem>>, vector<16xi32>,
      %swap3A_191 = arith.constant 48 : index
      %swap3A_192 = tpu.vector_load %arg12[%swap3A_191] {strides = array<i32>} : memref<128xi32, #tpu.memory_space<vmem>>, vector<16xi32>,
      tpu.vector_store %arg12[%swap3A_191], %get3A_190 {strides = array<i32>} : memref<128xi32, #tpu.memory_space<vmem>>, vector<16xi32>,
      %get3A_193 = arith.index_cast %add3A_160 : i32 to index
      %get3A_194 = arith.constant 64 : index
      %get3A_195 = tpu.vector_load %arg10[%get3A_193, %get3A_194] {strides = array<i32>} : memref<82x128xi32, #tpu.memory_space<vmem>>, vector<16xi32>,
      %swap3A_196 = arith.constant 64 : index
      %swap3A_197 = tpu.vector_load %arg12[%swap3A_196] {strides = array<i32>} : memref<128xi32, #tpu.memory_space<vmem>>, vector<16xi32>,
      tpu.vector_store %arg12[%swap3A_196], %get3A_195 {strides = array<i32>} : memref<128xi32, #tpu.memory_space<vmem>>, vector<16xi32>,
      %get3A_198 = arith.index_cast %add3A_160 : i32 to index
      %get3A_199 = arith.constant 80 : index
      %get3A_200 = tpu.vector_load %arg10[%get3A_198, %get3A_199] {strides = array<i32>} : memref<82x128xi32, #tpu.memory_space<vmem>>, vector<16xi32>,
      %swap3A_201 = arith.constant 80 : index
      %swap3A_202 = tpu.vector_load %arg12[%swap3A_201] {strides = array<i32>} : memref<128xi32, #tpu.memory_space<vmem>>, vector<16xi32>,
      tpu.vector_store %arg12[%swap3A_201], %get3A_200 {strides = array<i32>} : memref<128xi32, #tpu.memory_space<vmem>>, vector<16xi32>,
      %get3A_203 = arith.index_cast %add3A_160 : i32 to index
      %get3A_204 = arith.constant 96 : index
      %get3A_205 = tpu.vector_load %arg10[%get3A_203, %get3A_204] {strides = array<i32>} : memref<82x128xi32, #tpu.memory_space<vmem>>, vector<16xi32>,
      %swap3A_206 = arith.constant 96 : index
      %swap3A_207 = tpu.vector_load %arg12[%swap3A_206] {strides = array<i32>} : memref<128xi32, #tpu.memory_space<vmem>>, vector<16xi32>,
      tpu.vector_store %arg12[%swap3A_206], %get3A_205 {strides = array<i32>} : memref<128xi32, #tpu.memory_space<vmem>>, vector<16xi32>,
      %get3A_208 = arith.index_cast %add3A_160 : i32 to index
      %get3A_209 = arith.constant 112 : index
      %get3A_210 = tpu.vector_load %arg10[%get3A_208, %get3A_209] {strides = array<i32>} : memref<82x128xi32, #tpu.memory_space<vmem>>, vector<16xi32>,
      %swap3A_211 = arith.constant 112 : index
      %swap3A_212 = tpu.vector_load %arg12[%swap3A_211] {strides = array<i32>} : memref<128xi32, #tpu.memory_space<vmem>>, vector<16xi32>,
      tpu.vector_store %arg12[%swap3A_211], %get3A_210 {strides = array<i32>} : memref<128xi32, #tpu.memory_space<vmem>>, vector<16xi32>,
      %add3A_213 = arith.constant 1 : i32
      %add3A_214 = arith.addi %add3A_160, %add3A_213 : i32
      %lt3A_215 = arith.constant 82 : i32
      %lt3A_216 = arith.cmpi slt, %add3A_214, %lt3A_215 : i32
      %convert_element_type3A_217 = arith.extui %lt3A_216 : i1 to i32
      %cond3A_218 = arith.constant 0 : i32
      %cond3A_219 = arith.cmpi ne, %convert_element_type3A_217, %cond3A_218 : i32
      scf.if %cond3A_219 {
        %ge3A = arith.constant 1 : i32
        %ge3A_256 = arith.cmpi sge, %add3A_160, %ge3A : i32
        %convert_element_type3A_257 = arith.extui %ge3A_256 : i1 to i32
        %cond3A_258 = arith.constant 0 : i32
        %cond3A_259 = arith.cmpi ne, %convert_element_type3A_257, %cond3A_258 : i32
        scf.if %cond3A_259 {
          %dma_wait3A_274 = arith.constant 0 : i32
          %dma_wait3A_275 = arith.constant 0 : i32
          %dma_wait3A_276 = tpu.memref_slice %arg6[%dma_wait3A_274, %dma_wait3A_275] : memref<41984x128xf32, #tpu.memory_space<hbm>> -> memref<16x128xf32, #tpu.memory_space<hbm>>
          %dma_wait3A_277 = arith.constant 0 : i32
          %dma_wait3A_278 = arith.constant 0 : i32
          %dma_wait3A_279 = tpu.memref_slice %arg6[%dma_wait3A_277, %dma_wait3A_278] : memref<41984x128xf32, #tpu.memory_space<hbm>> -> memref<16x128xf32, #tpu.memory_space<hbm>>
          tpu.wait_dma2 semaphore(%arg22 : memref<!tpu.dma_semaphore, #tpu.memory_space<semaphore_mem>>) src(%arg17 : memref<16x128xf32, #tpu.memory_space<vmem>>) dst(%dma_wait3A_279 : memref<16x128xf32, #tpu.memory_space<hbm>>)
        } else {
        }
        %add3A_260 = arith.constant 1 : i32
        %add3A_261 = arith.addi %add3A_160, %add3A_260 : i32
        %dma_start3A_262 = arith.constant 0 : i32
        %dma_start3A_263 = tpu.memref_slice %arg9[%add3A_261, %dma_start3A_262] : memref<82x128xi32, #tpu.memory_space<vmem>> -> memref<1x128xi32, #tpu.memory_space<vmem>>
        %dma_start3A_264 = tpu.memref_squeeze %dma_start3A_263 : memref<1x128xi32, #tpu.memory_space<vmem>> -> memref<128xi32, #tpu.memory_space<vmem>>
        %dma_start3A_265 = arith.constant 0 : i32
        %dma_start3A_266 = arith.constant 0 : i32
        %dma_start3A_267 = tpu.memref_slice %arg4[%dma_start3A_265, %dma_start3A_266] : memref<10240x16xf32, #tpu.memory_space<hbm>> -> memref<10240x16xf32, #tpu.memory_space<hbm>>
        tpu.enqueue_indirect_dma source(%dma_start3A_267 : memref<10240x16xf32, #tpu.memory_space<hbm>>) target(%arg13 : memref<128x16xf32, #tpu.memory_space<vmem>>) offsets(%dma_start3A_264 : memref<128xi32, #tpu.memory_space<vmem>>) semaphore(%arg20 : memref<!tpu.dma_semaphore, #tpu.memory_space<semaphore_mem>>)
        %dma_start3A_268 = arith.constant 0 : i32
        %dma_start3A_269 = tpu.memref_slice %arg10[%add3A_261, %dma_start3A_268] : memref<82x128xi32, #tpu.memory_space<vmem>> -> memref<1x128xi32, #tpu.memory_space<vmem>>
        %dma_start3A_270 = tpu.memref_squeeze %dma_start3A_269 : memref<1x128xi32, #tpu.memory_space<vmem>> -> memref<128xi32, #tpu.memory_space<vmem>>
        %dma_start3A_271 = arith.constant 0 : i32
        %dma_start3A_272 = arith.constant 0 : i32
        %dma_start3A_273 = tpu.memref_slice %arg5[%dma_start3A_271, %dma_start3A_272] : memref<10240x16xf32, #tpu.memory_space<hbm>> -> memref<10240x16xf32, #tpu.memory_space<hbm>>
        tpu.enqueue_indirect_dma source(%dma_start3A_273 : memref<10240x16xf32, #tpu.memory_space<hbm>>) target(%arg15 : memref<128x16xf32, #tpu.memory_space<vmem>>) offsets(%dma_start3A_270 : memref<128xi32, #tpu.memory_space<vmem>>) semaphore(%arg20 : memref<!tpu.dma_semaphore, #tpu.memory_space<semaphore_mem>>)
      } else {
      }
      %scan3A_220 = arith.constant 0 : i32
      %scan3A_221 = arith.constant 16 : i32
      %scan3A_222 = arith.addi %scan3A_220, %scan3A_221 : i32
      %scan3A_223 = arith.constant 1 : i32
      scf.for %scan3A_256 = %scan3A_220 to %scan3A_222 step %scan3A_223  : i32 {
        %mul3A_257 = arith.constant 1 : i32
        %mul3A_258 = arith.muli %scan3A_256, %mul3A_257 : i32
        %add3A_259 = arith.constant 0 : i32
        %add3A_260 = arith.addi %add3A_259, %mul3A_258 : i32
        %mul3A_261 = arith.constant 8 : i32
        %mul3A_262 = arith.muli %mul3A_261, %add3A_260 : i32
        %add3A_263 = arith.constant 0 : i32
        %add3A_264 = arith.addi %mul3A_262, %add3A_263 : i32
        %get3A_265 = arith.index_cast %add3A_264 : i32 to index
        %get3A_266 = arith.constant 0 : index
        %get3A_267 = tpu.vector_load %arg14[%get3A_265, %get3A_266] {strides = array<i32>} : memref<128x16xf32, #tpu.memory_space<vmem>>, vector<16xf32>,
        %get3A_268 = arith.index_cast %add3A_264 : i32 to index
        %get3A_269 = arith.constant 0 : index
        %get3A_270 = tpu.vector_load %arg16[%get3A_268, %get3A_269] {strides = array<i32>} : memref<128x16xf32, #tpu.memory_space<vmem>>, vector<16xf32>,
        %add3A_271 = arith.addf %get3A_267, %get3A_270 : vector<16xf32>
        %ge3A = arith.constant 0.000000e+00 : f32
        %ge3A_272 = vector.broadcast %ge3A : f32 to vector<16xf32>
        %ge3A_273 = arith.cmpf oge, %add3A_271, %ge3A_272 : vector<16xf32>
        %mul3A_274 = arith.constant 2.000000e-01 : f32
        %mul3A_275 = vector.broadcast %mul3A_274 : f32 to vector<16xf32>
        %mul3A_276 = arith.mulf %mul3A_275, %add3A_271 : vector<16xf32>
        %select_n3A_277 = arith.select %ge3A_273, %add3A_271, %mul3A_276 : vector<16xi1>, vector<16xf32>
        %exp3A = math.exp %select_n3A_277 : vector<16xf32>
        %swap3A_278 = arith.index_cast %add3A_264 : i32 to index
        %swap3A_279 = arith.constant 0 : index
        %swap3A_280 = tpu.vector_load %arg14[%swap3A_278, %swap3A_279] {strides = array<i32>} : memref<128x16xf32, #tpu.memory_space<vmem>>, vector<16xf32>,
        tpu.vector_store %arg14[%swap3A_278, %swap3A_279], %exp3A {strides = array<i32>} : memref<128x16xf32, #tpu.memory_space<vmem>>, vector<16xf32>,
        %swap3A_281 = arith.index_cast %add3A_260 : i32 to index
        %swap3A_282 = arith.constant 0 : index
        %swap3A_283 = tpu.vector_load %arg18[%swap3A_281, %swap3A_282] {strides = array<i32>} : memref<16x128xf32, #tpu.memory_space<vmem>>, vector<16xf32>,
        tpu.vector_store %arg18[%swap3A_281, %swap3A_282], %exp3A {strides = array<i32>} : memref<16x128xf32, #tpu.memory_space<vmem>>, vector<16xf32>,
        %mul3A_284 = arith.constant 8 : i32
        %mul3A_285 = arith.muli %mul3A_284, %add3A_260 : i32
        %add3A_286 = arith.constant 1 : i32
        %add3A_287 = arith.addi %mul3A_285, %add3A_286 : i32
        %get3A_288 = arith.index_cast %add3A_287 : i32 to index
        %get3A_289 = arith.constant 0 : index
        %get3A_290 = tpu.vector_load %arg14[%get3A_288, %get3A_289] {strides = array<i32>} : memref<128x16xf32, #tpu.memory_space<vmem>>, vector<16xf32>,
        %get3A_291 = arith.index_cast %add3A_287 : i32 to index
        %get3A_292 = arith.constant 0 : index
        %get3A_293 = tpu.vector_load %arg16[%get3A_291, %get3A_292] {strides = array<i32>} : memref<128x16xf32, #tpu.memory_space<vmem>>, vector<16xf32>,
        %add3A_294 = arith.addf %get3A_290, %get3A_293 : vector<16xf32>
        %ge3A_295 = arith.constant 0.000000e+00 : f32
        %ge3A_296 = vector.broadcast %ge3A_295 : f32 to vector<16xf32>
        %ge3A_297 = arith.cmpf oge, %add3A_294, %ge3A_296 : vector<16xf32>
        %mul3A_298 = arith.constant 2.000000e-01 : f32
        %mul3A_299 = vector.broadcast %mul3A_298 : f32 to vector<16xf32>
        %mul3A_300 = arith.mulf %mul3A_299, %add3A_294 : vector<16xf32>
        %select_n3A_301 = arith.select %ge3A_297, %add3A_294, %mul3A_300 : vector<16xi1>, vector<16xf32>
        %exp3A_302 = math.exp %select_n3A_301 : vector<16xf32>
        %swap3A_303 = arith.index_cast %add3A_287 : i32 to index
        %swap3A_304 = arith.constant 0 : index
        %swap3A_305 = tpu.vector_load %arg14[%swap3A_303, %swap3A_304] {strides = array<i32>} : memref<128x16xf32, #tpu.memory_space<vmem>>, vector<16xf32>,
        tpu.vector_store %arg14[%swap3A_303, %swap3A_304], %exp3A_302 {strides = array<i32>} : memref<128x16xf32, #tpu.memory_space<vmem>>, vector<16xf32>,
        %swap3A_306 = arith.index_cast %add3A_260 : i32 to index
        %swap3A_307 = arith.constant 16 : index
        %swap3A_308 = tpu.vector_load %arg18[%swap3A_306, %swap3A_307] {strides = array<i32>} : memref<16x128xf32, #tpu.memory_space<vmem>>, vector<16xf32>,
        tpu.vector_store %arg18[%swap3A_306, %swap3A_307], %exp3A_302 {strides = array<i32>} : memref<16x128xf32, #tpu.memory_space<vmem>>, vector<16xf32>,
        %mul3A_309 = arith.constant 8 : i32
        %mul3A_310 = arith.muli %mul3A_309, %add3A_260 : i32
        %add3A_311 = arith.constant 2 : i32
        %add3A_312 = arith.addi %mul3A_310, %add3A_311 : i32
        %get3A_313 = arith.index_cast %add3A_312 : i32 to index
        %get3A_314 = arith.constant 0 : index
        %get3A_315 = tpu.vector_load %arg14[%get3A_313, %get3A_314] {strides = array<i32>} : memref<128x16xf32, #tpu.memory_space<vmem>>, vector<16xf32>,
        %get3A_316 = arith.index_cast %add3A_312 : i32 to index
        %get3A_317 = arith.constant 0 : index
        %get3A_318 = tpu.vector_load %arg16[%get3A_316, %get3A_317] {strides = array<i32>} : memref<128x16xf32, #tpu.memory_space<vmem>>, vector<16xf32>,
        %add3A_319 = arith.addf %get3A_315, %get3A_318 : vector<16xf32>
        %ge3A_320 = arith.constant 0.000000e+00 : f32
        %ge3A_321 = vector.broadcast %ge3A_320 : f32 to vector<16xf32>
        %ge3A_322 = arith.cmpf oge, %add3A_319, %ge3A_321 : vector<16xf32>
        %mul3A_323 = arith.constant 2.000000e-01 : f32
        %mul3A_324 = vector.broadcast %mul3A_323 : f32 to vector<16xf32>
        %mul3A_325 = arith.mulf %mul3A_324, %add3A_319 : vector<16xf32>
        %select_n3A_326 = arith.select %ge3A_322, %add3A_319, %mul3A_325 : vector<16xi1>, vector<16xf32>
        %exp3A_327 = math.exp %select_n3A_326 : vector<16xf32>
        %swap3A_328 = arith.index_cast %add3A_312 : i32 to index
        %swap3A_329 = arith.constant 0 : index
        %swap3A_330 = tpu.vector_load %arg14[%swap3A_328, %swap3A_329] {strides = array<i32>} : memref<128x16xf32, #tpu.memory_space<vmem>>, vector<16xf32>,
        tpu.vector_store %arg14[%swap3A_328, %swap3A_329], %exp3A_327 {strides = array<i32>} : memref<128x16xf32, #tpu.memory_space<vmem>>, vector<16xf32>,
        %swap3A_331 = arith.index_cast %add3A_260 : i32 to index
        %swap3A_332 = arith.constant 32 : index
        %swap3A_333 = tpu.vector_load %arg18[%swap3A_331, %swap3A_332] {strides = array<i32>} : memref<16x128xf32, #tpu.memory_space<vmem>>, vector<16xf32>,
        tpu.vector_store %arg18[%swap3A_331, %swap3A_332], %exp3A_327 {strides = array<i32>} : memref<16x128xf32, #tpu.memory_space<vmem>>, vector<16xf32>,
        %mul3A_334 = arith.constant 8 : i32
        %mul3A_335 = arith.muli %mul3A_334, %add3A_260 : i32
        %add3A_336 = arith.constant 3 : i32
        %add3A_337 = arith.addi %mul3A_335, %add3A_336 : i32
        %get3A_338 = arith.index_cast %add3A_337 : i32 to index
        %get3A_339 = arith.constant 0 : index
        %get3A_340 = tpu.vector_load %arg14[%get3A_338, %get3A_339] {strides = array<i32>} : memref<128x16xf32, #tpu.memory_space<vmem>>, vector<16xf32>,
        %get3A_341 = arith.index_cast %add3A_337 : i32 to index
        %get3A_342 = arith.constant 0 : index
        %get3A_343 = tpu.vector_load %arg16[%get3A_341, %get3A_342] {strides = array<i32>} : memref<128x16xf32, #tpu.memory_space<vmem>>, vector<16xf32>,
        %add3A_344 = arith.addf %get3A_340, %get3A_343 : vector<16xf32>
        %ge3A_345 = arith.constant 0.000000e+00 : f32
        %ge3A_346 = vector.broadcast %ge3A_345 : f32 to vector<16xf32>
        %ge3A_347 = arith.cmpf oge, %add3A_344, %ge3A_346 : vector<16xf32>
        %mul3A_348 = arith.constant 2.000000e-01 : f32
        %mul3A_349 = vector.broadcast %mul3A_348 : f32 to vector<16xf32>
        %mul3A_350 = arith.mulf %mul3A_349, %add3A_344 : vector<16xf32>
        %select_n3A_351 = arith.select %ge3A_347, %add3A_344, %mul3A_350 : vector<16xi1>, vector<16xf32>
        %exp3A_352 = math.exp %select_n3A_351 : vector<16xf32>
        %swap3A_353 = arith.index_cast %add3A_337 : i32 to index
        %swap3A_354 = arith.constant 0 : index
        %swap3A_355 = tpu.vector_load %arg14[%swap3A_353, %swap3A_354] {strides = array<i32>} : memref<128x16xf32, #tpu.memory_space<vmem>>, vector<16xf32>,
        tpu.vector_store %arg14[%swap3A_353, %swap3A_354], %exp3A_352 {strides = array<i32>} : memref<128x16xf32, #tpu.memory_space<vmem>>, vector<16xf32>,
        %swap3A_356 = arith.index_cast %add3A_260 : i32 to index
        %swap3A_357 = arith.constant 48 : index
        %swap3A_358 = tpu.vector_load %arg18[%swap3A_356, %swap3A_357] {strides = array<i32>} : memref<16x128xf32, #tpu.memory_space<vmem>>, vector<16xf32>,
        tpu.vector_store %arg18[%swap3A_356, %swap3A_357], %exp3A_352 {strides = array<i32>} : memref<16x128xf32, #tpu.memory_space<vmem>>, vector<16xf32>,
        %mul3A_359 = arith.constant 8 : i32
        %mul3A_360 = arith.muli %mul3A_359, %add3A_260 : i32
        %add3A_361 = arith.constant 4 : i32
        %add3A_362 = arith.addi %mul3A_360, %add3A_361 : i32
        %get3A_363 = arith.index_cast %add3A_362 : i32 to index
        %get3A_364 = arith.constant 0 : index
        %get3A_365 = tpu.vector_load %arg14[%get3A_363, %get3A_364] {strides = array<i32>} : memref<128x16xf32, #tpu.memory_space<vmem>>, vector<16xf32>,
        %get3A_366 = arith.index_cast %add3A_362 : i32 to index
        %get3A_367 = arith.constant 0 : index
        %get3A_368 = tpu.vector_load %arg16[%get3A_366, %get3A_367] {strides = array<i32>} : memref<128x16xf32, #tpu.memory_space<vmem>>, vector<16xf32>,
        %add3A_369 = arith.addf %get3A_365, %get3A_368 : vector<16xf32>
        %ge3A_370 = arith.constant 0.000000e+00 : f32
        %ge3A_371 = vector.broadcast %ge3A_370 : f32 to vector<16xf32>
        %ge3A_372 = arith.cmpf oge, %add3A_369, %ge3A_371 : vector<16xf32>
        %mul3A_373 = arith.constant 2.000000e-01 : f32
        %mul3A_374 = vector.broadcast %mul3A_373 : f32 to vector<16xf32>
        %mul3A_375 = arith.mulf %mul3A_374, %add3A_369 : vector<16xf32>
        %select_n3A_376 = arith.select %ge3A_372, %add3A_369, %mul3A_375 : vector<16xi1>, vector<16xf32>
        %exp3A_377 = math.exp %select_n3A_376 : vector<16xf32>
        %swap3A_378 = arith.index_cast %add3A_362 : i32 to index
        %swap3A_379 = arith.constant 0 : index
        %swap3A_380 = tpu.vector_load %arg14[%swap3A_378, %swap3A_379] {strides = array<i32>} : memref<128x16xf32, #tpu.memory_space<vmem>>, vector<16xf32>,
        tpu.vector_store %arg14[%swap3A_378, %swap3A_379], %exp3A_377 {strides = array<i32>} : memref<128x16xf32, #tpu.memory_space<vmem>>, vector<16xf32>,
        %swap3A_381 = arith.index_cast %add3A_260 : i32 to index
        %swap3A_382 = arith.constant 64 : index
        %swap3A_383 = tpu.vector_load %arg18[%swap3A_381, %swap3A_382] {strides = array<i32>} : memref<16x128xf32, #tpu.memory_space<vmem>>, vector<16xf32>,
        tpu.vector_store %arg18[%swap3A_381, %swap3A_382], %exp3A_377 {strides = array<i32>} : memref<16x128xf32, #tpu.memory_space<vmem>>, vector<16xf32>,
        %mul3A_384 = arith.constant 8 : i32
        %mul3A_385 = arith.muli %mul3A_384, %add3A_260 : i32
        %add3A_386 = arith.constant 5 : i32
        %add3A_387 = arith.addi %mul3A_385, %add3A_386 : i32
        %get3A_388 = arith.index_cast %add3A_387 : i32 to index
        %get3A_389 = arith.constant 0 : index
        %get3A_390 = tpu.vector_load %arg14[%get3A_388, %get3A_389] {strides = array<i32>} : memref<128x16xf32, #tpu.memory_space<vmem>>, vector<16xf32>,
        %get3A_391 = arith.index_cast %add3A_387 : i32 to index
        %get3A_392 = arith.constant 0 : index
        %get3A_393 = tpu.vector_load %arg16[%get3A_391, %get3A_392] {strides = array<i32>} : memref<128x16xf32, #tpu.memory_space<vmem>>, vector<16xf32>,
        %add3A_394 = arith.addf %get3A_390, %get3A_393 : vector<16xf32>
        %ge3A_395 = arith.constant 0.000000e+00 : f32
        %ge3A_396 = vector.broadcast %ge3A_395 : f32 to vector<16xf32>
        %ge3A_397 = arith.cmpf oge, %add3A_394, %ge3A_396 : vector<16xf32>
        %mul3A_398 = arith.constant 2.000000e-01 : f32
        %mul3A_399 = vector.broadcast %mul3A_398 : f32 to vector<16xf32>
        %mul3A_400 = arith.mulf %mul3A_399, %add3A_394 : vector<16xf32>
        %select_n3A_401 = arith.select %ge3A_397, %add3A_394, %mul3A_400 : vector<16xi1>, vector<16xf32>
        %exp3A_402 = math.exp %select_n3A_401 : vector<16xf32>
        %swap3A_403 = arith.index_cast %add3A_387 : i32 to index
        %swap3A_404 = arith.constant 0 : index
        %swap3A_405 = tpu.vector_load %arg14[%swap3A_403, %swap3A_404] {strides = array<i32>} : memref<128x16xf32, #tpu.memory_space<vmem>>, vector<16xf32>,
        tpu.vector_store %arg14[%swap3A_403, %swap3A_404], %exp3A_402 {strides = array<i32>} : memref<128x16xf32, #tpu.memory_space<vmem>>, vector<16xf32>,
        %swap3A_406 = arith.index_cast %add3A_260 : i32 to index
        %swap3A_407 = arith.constant 80 : index
        %swap3A_408 = tpu.vector_load %arg18[%swap3A_406, %swap3A_407] {strides = array<i32>} : memref<16x128xf32, #tpu.memory_space<vmem>>, vector<16xf32>,
        tpu.vector_store %arg18[%swap3A_406, %swap3A_407], %exp3A_402 {strides = array<i32>} : memref<16x128xf32, #tpu.memory_space<vmem>>, vector<16xf32>,
        %mul3A_409 = arith.constant 8 : i32
        %mul3A_410 = arith.muli %mul3A_409, %add3A_260 : i32
        %add3A_411 = arith.constant 6 : i32
        %add3A_412 = arith.addi %mul3A_410, %add3A_411 : i32
        %get3A_413 = arith.index_cast %add3A_412 : i32 to index
        %get3A_414 = arith.constant 0 : index
        %get3A_415 = tpu.vector_load %arg14[%get3A_413, %get3A_414] {strides = array<i32>} : memref<128x16xf32, #tpu.memory_space<vmem>>, vector<16xf32>,
        %get3A_416 = arith.index_cast %add3A_412 : i32 to index
        %get3A_417 = arith.constant 0 : index
        %get3A_418 = tpu.vector_load %arg16[%get3A_416, %get3A_417] {strides = array<i32>} : memref<128x16xf32, #tpu.memory_space<vmem>>, vector<16xf32>,
        %add3A_419 = arith.addf %get3A_415, %get3A_418 : vector<16xf32>
        %ge3A_420 = arith.constant 0.000000e+00 : f32
        %ge3A_421 = vector.broadcast %ge3A_420 : f32 to vector<16xf32>
        %ge3A_422 = arith.cmpf oge, %add3A_419, %ge3A_421 : vector<16xf32>
        %mul3A_423 = arith.constant 2.000000e-01 : f32
        %mul3A_424 = vector.broadcast %mul3A_423 : f32 to vector<16xf32>
        %mul3A_425 = arith.mulf %mul3A_424, %add3A_419 : vector<16xf32>
        %select_n3A_426 = arith.select %ge3A_422, %add3A_419, %mul3A_425 : vector<16xi1>, vector<16xf32>
        %exp3A_427 = math.exp %select_n3A_426 : vector<16xf32>
        %swap3A_428 = arith.index_cast %add3A_412 : i32 to index
        %swap3A_429 = arith.constant 0 : index
        %swap3A_430 = tpu.vector_load %arg14[%swap3A_428, %swap3A_429] {strides = array<i32>} : memref<128x16xf32, #tpu.memory_space<vmem>>, vector<16xf32>,
        tpu.vector_store %arg14[%swap3A_428, %swap3A_429], %exp3A_427 {strides = array<i32>} : memref<128x16xf32, #tpu.memory_space<vmem>>, vector<16xf32>,
        %swap3A_431 = arith.index_cast %add3A_260 : i32 to index
        %swap3A_432 = arith.constant 96 : index
        %swap3A_433 = tpu.vector_load %arg18[%swap3A_431, %swap3A_432] {strides = array<i32>} : memref<16x128xf32, #tpu.memory_space<vmem>>, vector<16xf32>,
        tpu.vector_store %arg18[%swap3A_431, %swap3A_432], %exp3A_427 {strides = array<i32>} : memref<16x128xf32, #tpu.memory_space<vmem>>, vector<16xf32>,
        %mul3A_434 = arith.constant 8 : i32
        %mul3A_435 = arith.muli %mul3A_434, %add3A_260 : i32
        %add3A_436 = arith.constant 7 : i32
        %add3A_437 = arith.addi %mul3A_435, %add3A_436 : i32
        %get3A_438 = arith.index_cast %add3A_437 : i32 to index
        %get3A_439 = arith.constant 0 : index
        %get3A_440 = tpu.vector_load %arg14[%get3A_438, %get3A_439] {strides = array<i32>} : memref<128x16xf32, #tpu.memory_space<vmem>>, vector<16xf32>,
        %get3A_441 = arith.index_cast %add3A_437 : i32 to index
        %get3A_442 = arith.constant 0 : index
        %get3A_443 = tpu.vector_load %arg16[%get3A_441, %get3A_442] {strides = array<i32>} : memref<128x16xf32, #tpu.memory_space<vmem>>, vector<16xf32>,
        %add3A_444 = arith.addf %get3A_440, %get3A_443 : vector<16xf32>
        %ge3A_445 = arith.constant 0.000000e+00 : f32
        %ge3A_446 = vector.broadcast %ge3A_445 : f32 to vector<16xf32>
        %ge3A_447 = arith.cmpf oge, %add3A_444, %ge3A_446 : vector<16xf32>
        %mul3A_448 = arith.constant 2.000000e-01 : f32
        %mul3A_449 = vector.broadcast %mul3A_448 : f32 to vector<16xf32>
        %mul3A_450 = arith.mulf %mul3A_449, %add3A_444 : vector<16xf32>
        %select_n3A_451 = arith.select %ge3A_447, %add3A_444, %mul3A_450 : vector<16xi1>, vector<16xf32>
        %exp3A_452 = math.exp %select_n3A_451 : vector<16xf32>
        %swap3A_453 = arith.index_cast %add3A_437 : i32 to index
        %swap3A_454 = arith.constant 0 : index
        %swap3A_455 = tpu.vector_load %arg14[%swap3A_453, %swap3A_454] {strides = array<i32>} : memref<128x16xf32, #tpu.memory_space<vmem>>, vector<16xf32>,
        tpu.vector_store %arg14[%swap3A_453, %swap3A_454], %exp3A_452 {strides = array<i32>} : memref<128x16xf32, #tpu.memory_space<vmem>>, vector<16xf32>,
        %swap3A_456 = arith.index_cast %add3A_260 : i32 to index
        %swap3A_457 = arith.constant 112 : index
        %swap3A_458 = tpu.vector_load %arg18[%swap3A_456, %swap3A_457] {strides = array<i32>} : memref<16x128xf32, #tpu.memory_space<vmem>>, vector<16xf32>,
        tpu.vector_store %arg18[%swap3A_456, %swap3A_457], %exp3A_452 {strides = array<i32>} : memref<16x128xf32, #tpu.memory_space<vmem>>, vector<16xf32>,
      }
      %scan3A_224 = arith.constant 16 : i32
      %mul3A_225 = arith.constant 128 : i32
      %mul3A_226 = arith.muli %add3A_160, %mul3A_225 : i32
      %add3A_227 = arith.addi %mul3A_2, %mul3A_226 : i32
      %jit3A_228 = arith.constant 8 : i32
      %div3A_229 = arith.divsi %add3A_227, %jit3A_228 : i32
      %sign3A_230 = arith.constant 0 : i32
      %sign3A_231 = arith.cmpi sgt, %add3A_227, %sign3A_230 : i32
      %sign3A_232 = arith.extui %sign3A_231 : i1 to i32
      %sign3A_233 = arith.constant 0 : i32
      %sign3A_234 = arith.cmpi slt, %add3A_227, %sign3A_233 : i32
      %sign3A_235 = arith.extui %sign3A_234 : i1 to i32
      %sign3A_236 = arith.subi %sign3A_232, %sign3A_235 : i32
      %sign3A_237 = arith.constant 0 : i32
      %sign3A_238 = arith.cmpi sgt, %jit3A_228, %sign3A_237 : i32
      %sign3A_239 = arith.extui %sign3A_238 : i1 to i32
      %sign3A_240 = arith.constant 0 : i32
      %sign3A_241 = arith.cmpi slt, %jit3A_228, %sign3A_240 : i32
      %sign3A_242 = arith.extui %sign3A_241 : i1 to i32
      %sign3A_243 = arith.subi %sign3A_239, %sign3A_242 : i32
      %ne3A_244 = arith.cmpi ne, %sign3A_236, %sign3A_243 : i32
      %rem3A_245 = arith.remsi %add3A_227, %jit3A_228 : i32
      %ne3A_246 = arith.constant 0 : i32
      %ne3A_247 = arith.cmpi ne, %rem3A_245, %ne3A_246 : i32
      %and3A_248 = arith.andi %ne3A_244, %ne3A_247 : i1
      %sub3A_249 = arith.constant 1 : i32
      %sub3A_250 = arith.subi %div3A_229, %sub3A_249 : i32
      %select_n3A_251 = arith.select %and3A_248, %sub3A_250, %div3A_229 : i32
      %dma_start3A_252 = arith.constant 0 : i32
      %dma_start3A_253 = tpu.memref_slice %arg6[%select_n3A_251, %dma_start3A_252] : memref<41984x128xf32, #tpu.memory_space<hbm>> -> memref<16x128xf32, #tpu.memory_space<hbm>>
      %dma_start3A_254 = arith.constant 0 : i32
      %dma_start3A_255 = tpu.memref_slice %arg6[%select_n3A_251, %dma_start3A_254] : memref<41984x128xf32, #tpu.memory_space<hbm>> -> memref<16x128xf32, #tpu.memory_space<hbm>>
      tpu.enqueue_dma source(%arg18 : memref<16x128xf32, #tpu.memory_space<vmem>>) target(%dma_start3A_255 : memref<16x128xf32, #tpu.memory_space<hbm>>) target_semaphore(%arg23 : memref<!tpu.dma_semaphore, #tpu.memory_space<semaphore_mem>>)
      "tpu.region"() ({
        %run_scoped3A = tpu.sem_alloc : memref<!tpu.dma_semaphore, #tpu.memory_space<semaphore_mem>>
        %dma_start3A_256 = arith.constant 0 : i32
        %dma_start3A_257 = arith.constant 0 : i32
        %dma_start3A_258 = tpu.memref_slice %arg19[%dma_start3A_256, %dma_start3A_257] : memref<10240x16xf32, #tpu.memory_space<vmem_shared>> -> memref<10240x16xf32, #tpu.memory_space<vmem_shared>>
        tpu.enqueue_indirect_dma source(%arg14 : memref<128x16xf32, #tpu.memory_space<vmem>>) target(%dma_start3A_258 : memref<10240x16xf32, #tpu.memory_space<vmem_shared>>) offsets(%arg12 : memref<128xi32, #tpu.memory_space<vmem>>) semaphore(%run_scoped3A : memref<!tpu.dma_semaphore, #tpu.memory_space<semaphore_mem>>) {add = true}
        %dma_wait3A_259 = arith.constant 0 : i32
        %dma_wait3A_260 = arith.constant 0 : i32
        %dma_wait3A_261 = tpu.memref_slice %arg19[%dma_wait3A_259, %dma_wait3A_260] : memref<10240x16xf32, #tpu.memory_space<vmem_shared>> -> memref<10240x16xf32, #tpu.memory_space<vmem_shared>>
        tpu.wait_indirect_dma semaphore(%run_scoped3A : memref<!tpu.dma_semaphore, #tpu.memory_space<semaphore_mem>>) src(%arg14 : memref<128x16xf32, #tpu.memory_space<vmem>>) dst(%dma_wait3A_261 : memref<10240x16xf32, #tpu.memory_space<vmem_shared>>)
        tpu.yield
      }) : () -> ()
    }
    %scan3A_44 = arith.constant 41 : i32
    %dma_wait3A = arith.constant 0 : i32
    %dma_wait3A_45 = arith.constant 0 : i32
    %dma_wait3A_46 = tpu.memref_slice %arg6[%dma_wait3A, %dma_wait3A_45] : memref<41984x128xf32, #tpu.memory_space<hbm>> -> memref<16x128xf32, #tpu.memory_space<hbm>>
    %dma_wait3A_47 = arith.constant 0 : i32
    %dma_wait3A_48 = arith.constant 0 : i32
    %dma_wait3A_49 = tpu.memref_slice %arg6[%dma_wait3A_47, %dma_wait3A_48] : memref<41984x128xf32, #tpu.memory_space<hbm>> -> memref<16x128xf32, #tpu.memory_space<hbm>>
    tpu.wait_dma2 semaphore(%arg22 : memref<!tpu.dma_semaphore, #tpu.memory_space<semaphore_mem>>) src(%arg17 : memref<16x128xf32, #tpu.memory_space<vmem>>) dst(%dma_wait3A_49 : memref<16x128xf32, #tpu.memory_space<hbm>>)
    %dma_wait3A_50 = arith.constant 0 : i32
    %dma_wait3A_51 = arith.constant 0 : i32
    %dma_wait3A_52 = tpu.memref_slice %arg6[%dma_wait3A_50, %dma_wait3A_51] : memref<41984x128xf32, #tpu.memory_space<hbm>> -> memref<16x128xf32, #tpu.memory_space<hbm>>
    %dma_wait3A_53 = arith.constant 0 : i32
    %dma_wait3A_54 = arith.constant 0 : i32
    %dma_wait3A_55 = tpu.memref_slice %arg6[%dma_wait3A_53, %dma_wait3A_54] : memref<41984x128xf32, #tpu.memory_space<hbm>> -> memref<16x128xf32, #tpu.memory_space<hbm>>
    tpu.wait_dma2 semaphore(%arg23 : memref<!tpu.dma_semaphore, #tpu.memory_space<semaphore_mem>>) src(%arg18 : memref<16x128xf32, #tpu.memory_space<vmem>>) dst(%dma_wait3A_55 : memref<16x128xf32, #tpu.memory_space<hbm>>)
    %barrier3A_56 = arith.constant 0 : index
    tpu.barrier barrier_id(%barrier3A_56)
    %eq3A = arith.constant 0 : i32
    %eq3A_57 = arith.cmpi eq, %arg0, %eq3A : i32
    %convert_element_type3A = arith.extui %eq3A_57 : i1 to i32
    %cond3A = arith.constant 0 : i32
    %cond3A_58 = arith.cmpi ne, %convert_element_type3A, %cond3A : i32
    scf.if %cond3A_58 {
      %mul3A_64 = arith.constant 640 : i32
      %mul3A_65 = arith.muli %arg1, %mul3A_64 : i32
      %mul3A_66 = arith.constant 640 : i32
      %mul3A_67 = arith.muli %arg1, %mul3A_66 : i32
      "tpu.region"() ({
        %run_scoped3A = tpu.sem_alloc : memref<!tpu.dma_semaphore, #tpu.memory_space<semaphore_mem>>
        %dma_start3A_68 = arith.constant 0 : i32
        %dma_start3A_69 = tpu.memref_slice %arg7[%mul3A_67, %dma_start3A_68] : memref<10240x16xf32, #tpu.memory_space<hbm>> -> memref<640x16xf32, #tpu.memory_space<hbm>>
        %dma_start3A_70 = arith.constant 0 : i32
        %dma_start3A_71 = tpu.memref_slice %arg19[%mul3A_65, %dma_start3A_70] : memref<10240x16xf32, #tpu.memory_space<vmem_shared>> -> memref<640x16xf32, #tpu.memory_space<vmem_shared>>
        tpu.enqueue_dma source(%dma_start3A_71 : memref<640x16xf32, #tpu.memory_space<vmem_shared>>) target(%dma_start3A_69 : memref<640x16xf32, #tpu.memory_space<hbm>>) target_semaphore(%run_scoped3A : memref<!tpu.dma_semaphore, #tpu.memory_space<semaphore_mem>>)
        %dma_wait3A_72 = arith.constant 0 : i32
        %dma_wait3A_73 = tpu.memref_slice %arg7[%mul3A_67, %dma_wait3A_72] : memref<10240x16xf32, #tpu.memory_space<hbm>> -> memref<640x16xf32, #tpu.memory_space<hbm>>
        %dma_wait3A_74 = arith.constant 0 : i32
        %dma_wait3A_75 = tpu.memref_slice %arg19[%mul3A_65, %dma_wait3A_74] : memref<10240x16xf32, #tpu.memory_space<vmem_shared>> -> memref<640x16xf32, #tpu.memory_space<vmem_shared>>
        tpu.wait_dma2 semaphore(%run_scoped3A : memref<!tpu.dma_semaphore, #tpu.memory_space<semaphore_mem>>) src(%dma_wait3A_75 : memref<640x16xf32, #tpu.memory_space<vmem_shared>>) dst(%dma_wait3A_73 : memref<640x16xf32, #tpu.memory_space<hbm>>)
        tpu.yield
      }) : () -> ()
    } else {
    }
    %eq3A_59 = arith.constant 1 : i32
    %eq3A_60 = arith.cmpi eq, %arg0, %eq3A_59 : i32
    %convert_element_type3A_61 = arith.extui %eq3A_60 : i1 to i32
    %cond3A_62 = arith.constant 0 : i32
    %cond3A_63 = arith.cmpi ne, %convert_element_type3A_61, %cond3A_62 : i32
    scf.if %cond3A_63 {
      %mul3A_64 = arith.constant 640 : i32
      %mul3A_65 = arith.muli %arg1, %mul3A_64 : i32
      %mul3A_66 = arith.constant 640 : i32
      %mul3A_67 = arith.muli %arg1, %mul3A_66 : i32
      "tpu.region"() ({
        %run_scoped3A = tpu.sem_alloc : memref<!tpu.dma_semaphore, #tpu.memory_space<semaphore_mem>>
        %dma_start3A_68 = arith.constant 0 : i32
        %dma_start3A_69 = tpu.memref_slice %arg8[%mul3A_67, %dma_start3A_68] : memref<10240x16xf32, #tpu.memory_space<hbm>> -> memref<640x16xf32, #tpu.memory_space<hbm>>
        %dma_start3A_70 = arith.constant 0 : i32
        %dma_start3A_71 = tpu.memref_slice %arg19[%mul3A_65, %dma_start3A_70] : memref<10240x16xf32, #tpu.memory_space<vmem_shared>> -> memref<640x16xf32, #tpu.memory_space<vmem_shared>>
        tpu.enqueue_dma source(%dma_start3A_71 : memref<640x16xf32, #tpu.memory_space<vmem_shared>>) target(%dma_start3A_69 : memref<640x16xf32, #tpu.memory_space<hbm>>) target_semaphore(%run_scoped3A : memref<!tpu.dma_semaphore, #tpu.memory_space<semaphore_mem>>)
        %dma_wait3A_72 = arith.constant 0 : i32
        %dma_wait3A_73 = tpu.memref_slice %arg8[%mul3A_67, %dma_wait3A_72] : memref<10240x16xf32, #tpu.memory_space<hbm>> -> memref<640x16xf32, #tpu.memory_space<hbm>>
        %dma_wait3A_74 = arith.constant 0 : i32
        %dma_wait3A_75 = tpu.memref_slice %arg19[%mul3A_65, %dma_wait3A_74] : memref<10240x16xf32, #tpu.memory_space<vmem_shared>> -> memref<640x16xf32, #tpu.memory_space<vmem_shared>>
        tpu.wait_dma2 semaphore(%run_scoped3A : memref<!tpu.dma_semaphore, #tpu.memory_space<semaphore_mem>>) src(%dma_wait3A_75 : memref<640x16xf32, #tpu.memory_space<vmem_shared>>) dst(%dma_wait3A_73 : memref<640x16xf32, #tpu.memory_space<hbm>>)
        tpu.yield
      }) : () -> ()
    } else {
    }
    return
  }
}

module attributes {stable_mosaic.version = 14 : i64} {
  func.func @_tc_prep_body(%arg0: i32, %arg1: memref<1280x128xf32, #tpu.memory_space<vmem>>, %arg2: memref<128x128xf32, #tpu.memory_space<vmem>>, %arg3: memref<128x16xf32, #tpu.memory_space<vmem>>, %arg4: memref<128x16xf32, #tpu.memory_space<vmem>>, %arg5: memref<1280x128xf32, #tpu.memory_space<vmem>>, %arg6: memref<1280x16xf32, #tpu.memory_space<vmem>>, %arg7: memref<1280x16xf32, #tpu.memory_space<vmem>>) attributes {dimension_semantics = [#tpu.dimension_semantics<arbitrary>], iteration_bounds = array<i64: 8>, scalar_prefetch = 0 : i64, scratch_operands = 0 : i64, tpu.core_type = #tpu.core_type<tc>, window_params = [{transform_indices = @transform_0, window_bounds = array<i64: 1280, 128>}, {pipeline_mode = #tpu.pipeline_mode<synchronous>, transform_indices = @transform_1, window_bounds = array<i64: 128, 128>}, {pipeline_mode = #tpu.pipeline_mode<synchronous>, transform_indices = @transform_2, window_bounds = array<i64: 128, 16>}, {pipeline_mode = #tpu.pipeline_mode<synchronous>, transform_indices = @transform_3, window_bounds = array<i64: 128, 16>}, {transform_indices = @transform_4, window_bounds = array<i64: 1280, 128>}, {transform_indices = @transform_5, window_bounds = array<i64: 1280, 16>}, {transform_indices = @transform_6, window_bounds = array<i64: 1280, 16>}]} {
    %get3A = arith.constant 0 : index
    %get3A_0 = arith.constant 0 : index
    %get3A_1 = vector.load %arg1[%get3A, %get3A_0] : memref<1280x128xf32, #tpu.memory_space<vmem>>, vector<1280x128xf32>
    %get3A_2 = arith.constant 0 : index
    %get3A_3 = arith.constant 0 : index
    %get3A_4 = vector.load %arg2[%get3A_2, %get3A_3] : memref<128x128xf32, #tpu.memory_space<vmem>>, vector<128x128xf32>
    %dot_general3A = arith.constant dense<0.000000e+00> : vector<1280x128xf32>
    %dot_general3A_5 = tpu.matmul %get3A_1, %get3A_4, %dot_general3A {dimension_numbers = #tpu.dot_dimension_numbers<[1], [0], [0], [1], [0, 0, 1, 1], [], []>, precision = #tpu.contract_precision<fp32>, transpose_lhs_hint = false} : vector<1280x128xf32>, vector<128x128xf32>, vector<1280x128xf32> -> vector<1280x128xf32>
    %swap3A = arith.constant 0 : index
    %swap3A_6 = arith.constant 0 : index
    %swap3A_7 = vector.load %arg5[%swap3A, %swap3A_6] : memref<1280x128xf32, #tpu.memory_space<vmem>>, vector<1280x128xf32>
    tpu.vector_store %arg5[%swap3A, %swap3A_6], %dot_general3A_5 {strides = array<i32>} : memref<1280x128xf32, #tpu.memory_space<vmem>>, vector<1280x128xf32>,
    %get3A_8 = arith.constant 0 : index
    %get3A_9 = arith.constant 0 : index
    %get3A_10 = vector.load %arg3[%get3A_8, %get3A_9] : memref<128x16xf32, #tpu.memory_space<vmem>>, vector<128x16xf32>
    %dot_general3A_11 = arith.constant dense<0.000000e+00> : vector<1280x16xf32>
    %dot_general3A_12 = tpu.matmul %dot_general3A_5, %get3A_10, %dot_general3A_11 {dimension_numbers = #tpu.dot_dimension_numbers<[1], [0], [0], [1], [0, 0, 1, 1], [], []>, precision = #tpu.contract_precision<fp32>, transpose_lhs_hint = false} : vector<1280x128xf32>, vector<128x16xf32>, vector<1280x16xf32> -> vector<1280x16xf32>
    %swap3A_13 = arith.constant 0 : index
    %swap3A_14 = arith.constant 0 : index
    %swap3A_15 = vector.load %arg6[%swap3A_13, %swap3A_14] : memref<1280x16xf32, #tpu.memory_space<vmem>>, vector<1280x16xf32>
    tpu.vector_store %arg6[%swap3A_13, %swap3A_14], %dot_general3A_12 {strides = array<i32>} : memref<1280x16xf32, #tpu.memory_space<vmem>>, vector<1280x16xf32>,
    %get3A_16 = arith.constant 0 : index
    %get3A_17 = arith.constant 0 : index
    %get3A_18 = vector.load %arg4[%get3A_16, %get3A_17] : memref<128x16xf32, #tpu.memory_space<vmem>>, vector<128x16xf32>
    %dot_general3A_19 = arith.constant dense<0.000000e+00> : vector<1280x16xf32>
    %dot_general3A_20 = tpu.matmul %dot_general3A_5, %get3A_18, %dot_general3A_19 {dimension_numbers = #tpu.dot_dimension_numbers<[1], [0], [0], [1], [0, 0, 1, 1], [], []>, precision = #tpu.contract_precision<fp32>, transpose_lhs_hint = false} : vector<1280x128xf32>, vector<128x16xf32>, vector<1280x16xf32> -> vector<1280x16xf32>
    %swap3A_21 = arith.constant 0 : index
    %swap3A_22 = arith.constant 0 : index
    %swap3A_23 = vector.load %arg7[%swap3A_21, %swap3A_22] : memref<1280x16xf32, #tpu.memory_space<vmem>>, vector<1280x16xf32>
    tpu.vector_store %arg7[%swap3A_21, %swap3A_22], %dot_general3A_20 {strides = array<i32>} : memref<1280x16xf32, #tpu.memory_space<vmem>>, vector<1280x16xf32>,
    return
  }
  func.func @transform_0(%arg0: i32) -> (i32, i32) {
    %c0_i32 = arith.constant 0 : i32
    %c0_i32_0 = arith.constant 0 : i32
    return %arg0, %c0_i32 : i32, i32
  }
  func.func @transform_1(%arg0: i32) -> (i32, i32) {
    %c0_i32 = arith.constant 0 : i32
    %c0_i32_0 = arith.constant 0 : i32
    %c0_i32_1 = arith.constant 0 : i32
    return %c0_i32, %c0_i32_0 : i32, i32
  }
  func.func @transform_2(%arg0: i32) -> (i32, i32) {
    %c0_i32 = arith.constant 0 : i32
    %c0_i32_0 = arith.constant 0 : i32
    %c0_i32_1 = arith.constant 0 : i32
    return %c0_i32, %c0_i32_0 : i32, i32
  }
  func.func @transform_3(%arg0: i32) -> (i32, i32) {
    %c0_i32 = arith.constant 0 : i32
    %c0_i32_0 = arith.constant 0 : i32
    %c0_i32_1 = arith.constant 0 : i32
    return %c0_i32, %c0_i32_0 : i32, i32
  }
  func.func @transform_4(%arg0: i32) -> (i32, i32) {
    %c0_i32 = arith.constant 0 : i32
    %c0_i32_0 = arith.constant 0 : i32
    return %arg0, %c0_i32 : i32, i32
  }
  func.func @transform_5(%arg0: i32) -> (i32, i32) {
    %c0_i32 = arith.constant 0 : i32
    %c0_i32_0 = arith.constant 0 : i32
    return %arg0, %c0_i32 : i32, i32
  }
  func.func @transform_6(%arg0: i32) -> (i32, i32) {
    %c0_i32 = arith.constant 0 : i32
    %c0_i32_0 = arith.constant 0 : i32
    return %arg0, %c0_i32 : i32, i32
  }
}

module attributes {stable_mosaic.version = 14 : i64} {
  func.func @_tc_final_body(%arg0: i32, %arg1: memref<1000x128xf32, #tpu.memory_space<vmem>>, %arg2: memref<1000x128xf32, #tpu.memory_space<vmem>>, %arg3: memref<1x128xf32, #tpu.memory_space<vmem>>, %arg4: memref<1000x128xf32, #tpu.memory_space<vmem>>) attributes {dimension_semantics = [#tpu.dimension_semantics<arbitrary>], iteration_bounds = array<i64: 10>, scalar_prefetch = 0 : i64, scratch_operands = 0 : i64, tpu.core_type = #tpu.core_type<tc>, window_params = [{transform_indices = @transform_0, window_bounds = array<i64: 1000, 128>}, {transform_indices = @transform_1, window_bounds = array<i64: 1000, 128>}, {pipeline_mode = #tpu.pipeline_mode<synchronous>, transform_indices = @transform_2, window_bounds = array<i64: 1, 128>}, {transform_indices = @transform_3, window_bounds = array<i64: 1000, 128>}]} {
    %get3A = arith.constant 0 : index
    %get3A_0 = arith.constant 0 : index
    %get3A_1 = vector.load %arg1[%get3A, %get3A_0] : memref<1000x128xf32, #tpu.memory_space<vmem>>, vector<1000x128xf32>
    %get3A_2 = arith.constant 0 : index
    %get3A_3 = arith.constant 0 : index
    %get3A_4 = vector.load %arg2[%get3A_2, %get3A_3] : memref<1000x128xf32, #tpu.memory_space<vmem>>, vector<1000x128xf32>
    %add3A = arith.addf %get3A_1, %get3A_4 : vector<1000x128xf32>
    %get3A_5 = arith.constant 0 : index
    %get3A_6 = arith.constant 0 : index
    %get3A_7 = vector.load %arg3[%get3A_5, %get3A_6] : memref<1x128xf32, #tpu.memory_space<vmem>>, vector<1x128xf32>
    %add3A_8 = vector.broadcast %get3A_7 : vector<1x128xf32> to vector<1000x128xf32>
    %add3A_9 = arith.addf %add3A, %add3A_8 : vector<1000x128xf32>
    %swap3A = arith.constant 0 : index
    %swap3A_10 = arith.constant 0 : index
    %swap3A_11 = vector.load %arg4[%swap3A, %swap3A_10] : memref<1000x128xf32, #tpu.memory_space<vmem>>, vector<1000x128xf32>
    tpu.vector_store %arg4[%swap3A, %swap3A_10], %add3A_9 {strides = array<i32>} : memref<1000x128xf32, #tpu.memory_space<vmem>>, vector<1000x128xf32>,
    return
  }
  func.func @transform_0(%arg0: i32) -> (i32, i32) {
    %c0_i32 = arith.constant 0 : i32
    %c0_i32_0 = arith.constant 0 : i32
    return %arg0, %c0_i32 : i32, i32
  }
  func.func @transform_1(%arg0: i32) -> (i32, i32) {
    %c0_i32 = arith.constant 0 : i32
    %c0_i32_0 = arith.constant 0 : i32
    return %arg0, %c0_i32 : i32, i32
  }
  func.func @transform_2(%arg0: i32) -> (i32, i32) {
    %c0_i32 = arith.constant 0 : i32
    %c0_i32_0 = arith.constant 0 : i32
    %c0_i32_1 = arith.constant 0 : i32
    return %c0_i32, %c0_i32_0 : i32, i32
  }
  func.func @transform_3(%arg0: i32) -> (i32, i32) {
    %c0_i32 = arith.constant 0 : i32
    %c0_i32_0 = arith.constant 0 : i32
    return %arg0, %c0_i32 : i32, i32
  }
}

</mosaic_0001>

<sc_bundles>
// kernel: kernel.6.cloned.1.call-start
scs
__scs_entry_jumppad:
0x0: {  	(pc) =	sbr.rel $0x88, $3  }
0x1: {  	(tag) =	ssettag $0x0;
	lr =	simm.s32 $0x1  }
0x2: {  	[smem:$0x3F9B] =	sst lr;
	_ =	strace $0xD0000000  }
0x3: {  	_ = 	snop  }
0x4: {  	_ = 	snop  }
0x5: {  	_ = 	snop  }
0x6: {  	_ = 	snop  }
0x7: {  	_ = 	snop  }
__scs_overlays_trampoline_lowered:
0x8: {  	[smem:$0x3FAA] =	sst s0  }
0x9: {  	[smem:$0x3FAB] =	sst s1  }
0xa: {  	[smem:$0x3FAC] =	sst s2  }
0xb: {  	[smem:$0x3FAD] =	sst s3  }
0xc: {  	[smem:$0x3FAE] =	sst s4  }
0xd: {  	[smem:$0x3FAF] =	sst s5  }
0xe: {  	[smem:$0x3FB0] =	sst s6  }
0xf: {  	[smem:$0x3FB1] =	sst s7  }
0x10: {  	[smem:$0x3FB2] =	sst s8  }
0x11: {  	[smem:$0x3FB3] =	sst s9;
	s0 =	simm.s32 @!p0 $0x0  }
0x12: {  	s1 =	sld [smem:$0x3F99];
	s0 =	simm.s32 @p0 $0x1  }
0x13: {  	[smem:$0x3FB4] =	sst s0;
	s0 =	simm.s32 @!p1 $0x0  }
0x14: {  	s2 =	sld [smem:$0x3F98];
	s0 =	simm.s32 @p1 $0x1  }
0x15: {  	[smem:$0x3FB5] =	sst s0;
	s0 =	simm.s32 @!p2 $0x0  }
0x16: {  	s3 =	sld [smem:$0x3FDB];
	s0 =	simm.s32 @p2 $0x1  }
0x17: {  	s4 =	simm.s32 $0x1BF5;
	[smem:$0x3FB7] =	sst s0  }
0x18: {  	s0 =	sld [smem:$0x3F9A];
	_ =	swait.ge [sflag:s4], $0x0  }
0x19: {  	s7 =	sld [smem:$0x3F9B]  }
0x1a: {  	s8 =	sadd.s32 $0xFFFFE003, lr  }
0x1b: {  	s9 =	sadd.s32 $0xFFFFFEF7, lr;
	s5 =	simm.s32 $0xFFFFFFFF;
	p2 =	slt.u32 s8, $0xFFFFF086  }
0x1c: {  	p1 =	slt.u32 s9, $0xF7A;
	s5 =	simm.s32 @!p2 $0x0  }
0x1d: {  	s5 =	simm.s32 @p1 $0x1;
	p0 =	seq.s32 s7, s2  }
0x1e: {  	s7 =	smul.u32 @!p0 $0xF7A, s2;
	p2 =	seq.s32 @!p0 s5, $0x0  }
0x1f: {  	s9 =	smul.u32 $0xF7A, s1;
	s8 =	simm.s32 @!p0 $0x1BF5;
	p2 =	por !p2, p0  }
0x20: {  	[sflag:s8] =	ssyncset.s32 @!p0 $0xFFFFF086;
	s6 =	sadd.s32 @!p0 s3, s7;
	s7 =	simm.s32 @!p0 $0x108  }
0x21: {  	s3 =	sadd.s32 s3, s9;
	s6 =	sadd.s32 @!p0 $0x88, s6;
	s7 =	simm.s32 @p2 $0x1082  }
0x22: {  	[simem:s7], [sflag:s8] =	dma.local @!p0 [hbm:s6], $0xF7A  }
0x23: {  	s9 =	sor.u32 $0xD0000000, s2;
	s6 =	simm.s32 $0x108;
	_ =	swait.ge @!p0 [sflag:s8], $0x0  }
0x24: {  	s3 =	sadd.s32 $0x88, s3;
	s6 =	simm.s32 @!p1 $0x1082;
	[sflag:s4] =	ssyncset.s32 $0xFFFFF086  }
0x25: {  	[simem:s6], [sflag:s4] =	dma.local [hbm:s3], $0xF7A  }
0x26: {  	[smem:$0x3F9B] =	sst s1;
	(tag) =	ssettag s2;
	_ =	strace s9  }
0x27: {  	s1 =	sld [smem:$0x3FAB]  }
0x28: {  	s2 =	sld [smem:$0x3FAC]  }
0x29: {  	s4 =	sld [smem:$0x3FAE]  }
0x2a: {  	p0 =	seq.s32 s5, $0x0;
	s5 =	sld [smem:$0x3FAF]  }
0x2b: {  	s6 =	sld [smem:$0x3FB0]  }
0x2c: {  	s7 =	sld [smem:$0x3FB1]  }
0x2d: {  	s3 =	simm.s32 $0x108;
	s8 =	sld [smem:$0x3FB2]  }
0x2e: {  	s3 =	simm.s32 @!p0 $0x1082;
	s9 =	sld [smem:$0x3FB3]  }
0x2f: {  	lr =	sadd.s32 s0, s3;
	s0 =	sld [smem:$0x3FAA]  }
0x30: {  	s3 =	sld [smem:$0x3FAD]  }
0x31: {  	[smem:$0x3FB6] =	sst s10  }
0x32: {  	s10 =	sld [smem:$0x3FB4];
	_ =	sdelay $0x3  }
0x33: {  	p0 =	seq.s32 s10, $0x1;
	s10 =	sld [smem:$0x3FB6];
	_ =	sdelay $0x3  }
0x34: {  	[smem:$0x3FB6] =	sst s10  }
0x35: {  	s10 =	sld [smem:$0x3FB5];
	_ =	sdelay $0x3  }
0x36: {  	p1 =	seq.s32 s10, $0x1;
	s10 =	sld [smem:$0x3FB6];
	_ =	sdelay $0x3  }
0x37: {  	[smem:$0x3FB6] =	sst s10  }
0x38: {  	s10 =	sld [smem:$0x3FB7]  }
0x39: {  	_ = 	snop;
	(pc) =	sbr.ind lr, $3  }
0x3a: {  	_ = 	snop  }
0x3b: {  	_ = 	snop  }
0x3c: {  	p2 =	seq.s32 s10, $0x1;
	s10 =	sld [smem:$0x3FB6]  }
0x3d: {  	_ =	shalt  }
0x3e: {  	_ =	shalt  }
0x3f: {  	_ =	shalt  }
0x40: {  	_ =	shalt  }
0x41: {  	_ =	shalt  }
0x42: {  	_ =	shalt  }
0x43: {  	_ =	shalt  }
0x44: {  	_ =	shalt  }
0x45: {  	_ =	shalt  }
0x46: {  	_ =	shalt  }
0x47: {  	_ =	shalt  }
0x48: {  	_ =	shalt  }
0x49: {  	_ =	shalt  }
0x4a: {  	_ =	shalt  }
0x4b: {  	_ =	shalt  }
0x4c: {  	_ =	shalt  }
0x4d: {  	_ =	shalt  }
0x4e: {  	_ =	shalt  }
0x4f: {  	_ =	shalt  }
0x50: {  	_ =	shalt  }
0x51: {  	_ =	shalt  }
0x52: {  	_ =	shalt  }
0x53: {  	_ =	shalt  }
0x54: {  	_ =	shalt  }
0x55: {  	_ =	shalt  }
0x56: {  	_ =	shalt  }
0x57: {  	_ =	shalt  }
0x58: {  	_ =	shalt  }
0x59: {  	_ =	shalt  }
0x5a: {  	_ =	shalt  }
0x5b: {  	_ =	shalt  }
0x5c: {  	_ =	shalt  }
0x5d: {  	_ =	shalt  }
0x5e: {  	_ =	shalt  }
0x5f: {  	_ =	shalt  }
0x60: {  	_ =	shalt  }
0x61: {  	_ =	shalt  }
0x62: {  	_ =	shalt  }
0x63: {  	_ =	shalt  }
0x64: {  	_ =	shalt  }
0x65: {  	_ =	shalt  }
0x66: {  	_ =	shalt  }
0x67: {  	_ =	shalt  }
0x68: {  	_ =	shalt  }
0x69: {  	_ =	shalt  }
0x6a: {  	_ =	shalt  }
0x6b: {  	_ =	shalt  }
0x6c: {  	_ =	shalt  }
0x6d: {  	_ =	shalt  }
0x6e: {  	_ =	shalt  }
0x6f: {  	_ =	shalt  }
0x70: {  	_ =	shalt  }
0x71: {  	_ =	shalt  }
0x72: {  	_ =	shalt  }
0x73: {  	_ =	shalt  }
0x74: {  	_ =	shalt  }
0x75: {  	_ =	shalt  }
0x76: {  	_ =	shalt  }
0x77: {  	_ =	shalt  }
0x78: {  	_ =	shalt  }
0x79: {  	_ =	shalt  }
0x7a: {  	_ =	shalt  }
0x7b: {  	_ =	shalt  }
0x7c: {  	_ =	shalt  }
0x7d: {  	_ =	shalt  }
0x7e: {  	_ =	shalt  }
0x7f: {  	_ =	shalt  }
0x80: {  	_ =	shalt  }
0x81: {  	_ =	shalt  }
0x82: {  	_ =	shalt  }
0x83: {  	_ =	shalt  }
0x84: {  	_ =	shalt  }
0x85: {  	_ =	shalt  }
0x86: {  	_ =	shalt  }
0x87: {  	_ =	shalt  }
.Lfunc_end0:
.L_simem_size_0:
called_computation_lowered:
.L_overlay_start_0:
0x88: {  	s2 =	sld [smem:$0x3FD9]  }
0x89: {  	s3 =	sld [smem:$0x3FFE];
	_ =	sdelay $0x1  }
0x8a: {  	s1 =	srdreg.scid  }
0x8b: {  	s0 =	sand.u32 $0x1, s1  }
0x8c: {  	s14 =	sshll.u32 s0, $0xA;
	s2 =	sadd.s32 s3, s2  }
0x8d: {  	s2 =	sadd.s32 s2, s14  }
0x8e: {  	[smem:$0x3FC2] =	sst s2  }
0x8f: {  	_ = 	snop  }
0x90: {  	s2 =	sld [smem:$0x3FD0];
	_ =	sdelay $0x2  }
0x91: {  	s15 =	simm.s32 $0xA;
	s4 =	simm.s32 $0x10  }
0x92: {  	[smem:s4], [sflag:s15] =	dma.local [hbm:s2], $0x1  }
0x93: {  	_ =	swait.eq [sflag:s15], $0x1  }
0x94: {  	[sflag:s15] =	ssyncset.done $0x0  }
0x95: {  	[sflag:s15] =	ssyncadd.s32 $0xFFFFFFFF  }
0x96: {  	s16 =	sld [smem:$0x10];
	(tm) =	ssettm $0x1  }
0x97: {  	s17 =	sld [smem:$0x3FFB];
	_ =	sdelay $0x3  }
0x98: {  	_ =	strace s17  }
0x99: {  	s3 =	sld [smem:$0x3FFC];
	_ =	sdelay $0x3  }
0x9a: {  	_ =	strace s3  }
0x9b: {  	s3 =	sld [smem:$0x3FFD];
	_ =	sdelay $0x3  }
0x9c: {  	_ =	strace s3  }
0x9d: {  	_ =	strace $0x8FFFFFFF  }
0x9e: {  	s18 =	sld [smem:$0x3FDB];
	_ =	sdelay $0x1  }
0x9f: {  	s19 =	simm.s32 $_scs_section_size  }
0xa0: {  	s5 =	simm.s32 $_size__tile_overlayer_lowered;
	s6 =	simm.s32 $_tile_overlayer_lowered  }
0xa1: {  	s22 =	simm.s32 $0x1BFF;
	s21 =	sshll.u32 s6, $0x1;
	s3 =	sadd.s32 s19, s18  }
0xa2: {  	s7 =	simm.s32 $0x0;
	s20 =	sshll.u32 s5, $0x1;
	s5 =	sadd.s32 s21, s3  }
0xa3: {  	[timem:s7], [sflag:s22] =	dma.local [hbm:s5], s20  }
0xa4: {  	_ =	swait.ge [sflag:s22], s20  }
0xa5: {  	s4 =	ssub.s32 $0x0, s20;
	[sflag:s22] =	ssyncset.done $0x0  }
0xa6: {  	[sflag:s22] =	ssyncadd.s32 s4;
	_ =	sdelay $0x1  }
0xa7: {  	s23 =	simm.s32 $0x1B8B  }
0xa8: {  	_ =	swait.ge [sflag:s23], $0x1  }
0xa9: {  	[sflag:s23] =	ssyncset.done $0x0  }
0xaa: {  	s25 =	simm.s32 $0x1B8E;
	s24 =	sld [smem:$0x3FFE];
	[sflag:s23] =	ssyncadd.s32 $0xFFFFFFFF  }
0xab: {  	s26 =	simm.s32 $execute0_lowered;
	[smem:$0x3FD2] =	sst s25  }
0xac: {  	s5 =	sshll.u32 s26, $0x1;
	_ =	strace $0x80000046;
	[dreg:$0x1] =	wrdreg $0xFFFFFFFF  }
0xad: {  	s28 =	simm.s32 $_size_execute0_lowered;
	s3 =	sadd.s32 s3, s5;
	[dreg:$0x0] =	wrdreg $0x0  }
0xae: {  	s5 =	sshll.u32 s28, $0x1;
	[dreg:$0x2] =	wrdreg s3  }
0xaf: {  	[dreg:$0x3] =	wrdreg s5  }
0xb0: {  	[dreg:$0x4] =	wrdreg $0xC0  }
0xb1: {  	_ =	task [dreg:s7], $0x5FFFF  }
0xb2: {  	[dreg:$0x1] =	wrdreg $0xFFFFFFFF  }
0xb3: {  	[dreg:$0x0] =	wrdreg $0x60  }
0xb4: {  	[dreg:$0x2] =	wrdreg s16  }
0xb5: {  	[dreg:$0x3] =	wrdreg s24  }
0xb6: {  	[dreg:$0x4] =	wrdreg $0x83000  }
0xb7: {  	[dreg:$0x5] =	wrdreg $0x9  }
0xb8: {  	_ =	task.clear_ibuf [dreg:s7], $0x6FFFF;
	_ =	strace $0x90000046  }
0xb9: {  	s29 =	simm.s32 $0x9;
	_ =	strace $0x80000048  }
0xba: {  	_ =	swait.ge [sflag:s29], $0x1  }
0xbb: {  	[sflag:s29] =	ssyncadd.s32 $0xFFFFFFFF  }
0xbc: {  	_ =	strace $0x90000048  }
0xbd: {  	_ =	sfence  }
0xbe: {  	s30 =	sld [smem:$0x0];
	_ =	sdelay $0x2  }
0xbf: {  	s31 =	sshll.u32 s1, $0xD;
	s1 =	sshrl.u32 s1, $0x2  }
0xc0: {  	s3 =	sand.u32 $0x4000, s31;
	s1 =	sadd.s32 s1, s30  }
0xc1: {  	s0 =	sor.u32 s3, s0;
	s1 =	sshll.u32 s1, $0x11  }
0xc2: {  	s0 =	sor.u32 s1, s0  }
0xc3: {  	s0 =	sadd.s32 $0x8F2B, s0  }
0xc4: {  	[sflag:s0] =	ssyncadd.remote.s32 $0x1  }
0xc5: {  	_ =	sfence.sel $0xFFFF  }
0xc6: {  	[dreg:$0x0] =	wrdreg $0xFFFFFFFF;
	(pc) =	sbr.abs _section_cstart, $3  }
0xc7: {  	[dreg:$0x1] =	wrdreg $0xFFFFFFFF  }
0xc8: {  	_ =	task.clear_ibuf [dreg:s7], $0x2FFFF;
	_ =	strace $0x9FFFFFFF  }
0xc9: {  	(tm) =	ssettm $0x7FFFFFFF  }
tec
execute0_lowered:
.L_overlay_start_1:
0x0: {  	(tag) =	ssettag $0x1  }
0x1: {  	s0 =	rddreg [dreg:$0x0]  }
0x2: {  	s1 =	srdreg.scid;
	s9 =	rddreg [dreg:$0x1]  }
0x3: {  	s7 =	stileid.u32;
	s2 =	rddreg [dreg:$0x2];
	s18 =	simm.s32 $0x5300  }
0x4: {  	s19 =	simm.s32 $0x5;
	s28 =	simm.s32 $0x5200;
	s29 =	simm.s32 $0x2  }
0x5: {  	s30 =	simm.s32 $0x7B00;
	s31 =	simm.s32 $0x5280;
	s1 =	sand.u32 $0x1, s1  }
0x6: {  	s3 =	sshll.u32 s7, $0x1;
	s5 =	sadd.s32 $0x2200, s9;
	s8 =	smul.u32 $0xA000, s7  }
0x7: {  	s6 =	sadd.s32 $0x7200, s9;
	s14 =	smul.u32 $0x2800, s7;
	s7 =	sadd.s32 $0x16600, s9  }
0x8: {  	s10 =	sor.u32 s1, s3;
	s3 =	simm.s32 $0x0;
	s13 =	ssub.s32 $0x2, s1  }
0x9: {  	p0 =	seq.s32 s1, $0x1;
	s1 =	simm.s32 $0xBF600;
	s4 =	smul.u32 $0x2900, s10  }
0xa: {  	[smem:$0x7FF] =	sst s3;
	s15 =	sshrl.u32 s13, $0x1;
	s16 =	sshrl.u32 s8, $0x2  }
0xb: {  	s8 =	sadd.s32 s14, s2;
	s1 =	simm.s32 @!p0 $0xBA600;
	s25 =	sshrl.u32 s14, $0x3  }
0xc: {  	_ =	strace $0x80000047;
	s13 =	ssub.s32 s13, s15;
	s21 =	sadd.s32 s16, s2  }
0xd: {  	s1 =	sadd.s32 s1, s9;
	s11 =	sshrl.u32 s4, $0x3;
	s16 =	sadd.s32 $0x800, s21  }
0xe: {  	s22 =	sadd.s32 $0x1000, s21;
	s23 =	sadd.s32 $0x1800, s21;
	s15 =	sadd.s32 $0x2000, s21  }
0xf: {  	s26 =	smax.u32 s13, $0x1;
	s17 =	sadd.s32 s1, s25;
	[dreg:$0x4] =	wrdreg s16  }
0x10: {  	s21 =	simm.s32 $0x80;
	s25 =	simm.s32 $0x6B00;
	[dreg:$0x5] =	wrdreg s22  }
0x11: {  	s1 =	simm.s32 $0x3;
	s12 =	sadd.s32 s11, s9;
	[dreg:$0x6] =	wrdreg s23  }
0x12: {  	[dreg:$0x7] =	wrdreg s15;
	s0 =	sadd.s32 s0, s11;
	s15 =	smul.u32 $0x29000, s10  }
0x13: {  	[dreg:$0xa] =	wrdreg s26;
	s23 =	simm.s32 $0x1;
	s26 =	simm.s32 $0x7300  }
0x14: {  	s22 =	simm.s32 $0x4;
	[dreg:$0x8] =	wrdreg s0;
	s24 =	sadd.s32 $0xC200, s12  }
0x15: {  	v0 =	vimm.f32 $0.0e+00;
	s0 =	simm.s32 $0x0;
	[dreg:$0x9] =	wrdreg s24;
	s24 =	simm.s32 $0x5B00  }
.LBB2_1:
0x16: {  	s9 =	simm.s32 $0x40;
	s10 =	simm.s32 $0x0  }
.LBB2_2:
0x17: {  	p0 =	sne.s32 s9, $0x1FC0;
	[tilespmem:s10+$0x5300] =	vst v0;
	s10 =	smov.u32 s9;
	s9 =	sadd.s32 $0x40, s9  }
.Ltmp0:
0x18: {  	(pc) =	sbr.rel @p0 .LBB2_2-.Ltmp0, $2  }
0x19: {  	_ =	sdelay $0x2  }
0x1a: {  	s10 =	sshra.s32 s10, $0x2  }
0x1b: {  	[tilespmem:s10+$0x5300] =	vst v0  }
0x1c: {  	[spmem:s8] =	stream.linear.scatter [tilespmem:s18], [sflag:$0x5], $0x800, $0x38;
	[tilespmem:$0xAB00] =	vst v63  }
0x1d: {  	_ =	swait.ge [sflag:s19], $0x800  }
0x1e: {  	[sflag:s19] =	ssyncset.done $0x0  }
0x1f: {  	s9 =	rddreg [dreg:$0x4];
	[sflag:s19] =	ssyncadd.s32 $0xFFFFF800  }
0x20: {  	[spmem:s9] =	stream.linear.scatter [tilespmem:s18], [sflag:$0x5], $0x800, $0x38;
	[tilespmem:$0xAB00] =	vst v63  }
0x21: {  	_ =	swait.ge [sflag:s19], $0x800  }
0x22: {  	[sflag:s19] =	ssyncset.done $0x0  }
0x23: {  	s11 =	rddreg [dreg:$0x5];
	[sflag:s19] =	ssyncadd.s32 $0xFFFFF800  }
0x24: {  	[spmem:s11] =	stream.linear.scatter [tilespmem:s18], [sflag:$0x5], $0x800, $0x38;
	[tilespmem:$0xAB00] =	vst v63  }
0x25: {  	_ =	swait.ge [sflag:s19], $0x800  }
0x26: {  	[sflag:s19] =	ssyncset.done $0x0  }
0x27: {  	s12 =	rddreg [dreg:$0x6];
	[sflag:s19] =	ssyncadd.s32 $0xFFFFF800  }
0x28: {  	[spmem:s12] =	stream.linear.scatter [tilespmem:s18], [sflag:$0x5], $0x800, $0x38;
	[tilespmem:$0xAB00] =	vst v63  }
0x29: {  	_ =	swait.ge [sflag:s19], $0x800  }
0x2a: {  	[sflag:s19] =	ssyncset.done $0x0  }
0x2b: {  	s13 =	rddreg [dreg:$0x7];
	[sflag:s19] =	ssyncadd.s32 $0xFFFFF800  }
0x2c: {  	[spmem:s13] =	stream.linear.scatter [tilespmem:s18], [sflag:$0x5], $0x800, $0x38;
	[tilespmem:$0xAB00] =	vst v63  }
0x2d: {  	_ =	swait.ge [sflag:s19], $0x800  }
0x2e: {  	[sflag:s19] =	ssyncset.done $0x0  }
0x2f: {  	s9 =	simm.s32 $0x0;
	s14 =	rddreg [dreg:$0x8];
	[sflag:s19] =	ssyncadd.s32 $0xFFFFF800  }
0x30: {  	[tilespmem:s9], [sflag:$0x5] =	stream.linear.gather [hbm4b:s14+s9], $0x2900, $0x38;
	[tilespmem:$0xAB00] =	vst v63  }
0x31: {  	_ =	swait.ge [sflag:s19], $0x2900  }
0x32: {  	[sflag:s19] =	ssyncset.done $0x0  }
0x33: {  	s11 =	simm.s32 $0x2900;
	s16 =	rddreg [dreg:$0x9];
	[sflag:s19] =	ssyncadd.s32 $0xFFFFD700  }
0x34: {  	[tilespmem:s11], [sflag:$0x5] =	stream.linear.gather [hbm4b:s16+s9], $0x2900, $0x38;
	[tilespmem:$0xAB00] =	vst v63  }
0x35: {  	_ =	swait.ge [sflag:s19], $0x2900  }
0x36: {  	[sflag:s19] =	ssyncset.done $0x0  }
0x37: {  	[sflag:s19] =	ssyncadd.s32 $0xFFFFD700  }
0x38: {  	[bflag:$0x0] =	sbarrier.arrive $0xFFFF  }
0x39: {  	[tilespmem:s18], [sflag:$0x1] =	stream.indirect.gather [hbm4b:s5+s21], $0x10, s9, s21, $0xb8;
	[tilespmem:$0xAB00] =	vst v63  }
0x3a: {  	s20 =	simm.s32 $0x6300  }
0x3b: {  	[tilespmem:s20], [sflag:$0x1] =	stream.indirect.gather [hbm4b:s6+s21], $0x10, s11, s21, $0xb8;
	[tilespmem:$0xAB00] =	vst v63  }
.LBB2_4:
0x3c: {  	_ =	swait.ge [sflag:s23], $0x800  }
0x3d: {  	[sflag:s23] =	ssyncset.done $0x0  }
0x3e: {  	[sflag:s23] =	ssyncadd.s32 $0xFFFFF800  }
0x3f: {  	_ =	swait.ge [sflag:s23], $0x800  }
0x40: {  	[sflag:s23] =	ssyncset.done $0x0  }
0x41: {  	s10 =	sshll.u32 s9, $0x8;
	[sflag:s23] =	ssyncadd.s32 $0xFFFFF800  }
0x42: {  	v1 =	vld [tilespmem:s10+$0x2900];
	_ =	sdelay $0x4  }
0x43: {  	[tilespmem:$0x5200] =	vst v1  }
0x44: {  	v1 =	vld [tilespmem:s10+$0x2910];
	_ =	sdelay $0x4  }
0x45: {  	[tilespmem:$0x5210] =	vst v1  }
0x46: {  	v1 =	vld [tilespmem:s10+$0x2920];
	_ =	sdelay $0x4  }
0x47: {  	[tilespmem:$0x5220] =	vst v1  }
0x48: {  	v1 =	vld [tilespmem:s10+$0x2930];
	_ =	sdelay $0x4  }
0x49: {  	[tilespmem:$0x5230] =	vst v1  }
0x4a: {  	v1 =	vld [tilespmem:s10+$0x2940];
	_ =	sdelay $0x4  }
0x4b: {  	[tilespmem:$0x5240] =	vst v1  }
0x4c: {  	v1 =	vld [tilespmem:s10+$0x2950];
	_ =	sdelay $0x4  }
0x4d: {  	[tilespmem:$0x5250] =	vst v1  }
0x4e: {  	v1 =	vld [tilespmem:s10+$0x2960];
	_ =	sdelay $0x4  }
0x4f: {  	[tilespmem:$0x5260] =	vst v1  }
0x50: {  	v1 =	vld [tilespmem:s10+$0x2970];
	_ =	sdelay $0x3  }
0x51: {  	p0 =	seq.s32 s9, $0x0  }
0x52: {  	s11 =	simm.s32 @!p0 $0x4;
	[tilespmem:$0x5270] =	vst v1  }
0x53: {  	_ =	swait.ge @!p0 [sflag:s11], $0x800  }
0x54: {  	[sflag:s11] =	ssyncset.done @!p0 $0x0  }
0x55: {  	s20 =	sor.u32 $0x80, s10;
	[sflag:s11] =	ssyncadd.s32 @!p0 $0xFFFFF800  }
0x56: {  	[tilespmem:s24], [sflag:$0x2] =	stream.indirect.gather [hbm4b:s5+s21], $0x10, s20, s21, $0xb8;
	[tilespmem:$0xAB00] =	vst v63  }
0x57: {  	s12 =	simm.s32 $0x0;
	s16 =	sadd.s32 $0x2900, s20  }
0x58: {  	[tilespmem:s25], [sflag:$0x2] =	stream.indirect.gather [hbm4b:s6+s21], $0x10, s16, s21, $0xb8;
	[tilespmem:$0xAB00] =	vst v63  }
0x59: {  	v1 =	vld [tilespmem:s12+$0x6320]  }
0x5a: {  	v2 =	vld [tilespmem:s12+$0x5320];
	_ =	sdelay $0x2  }
0x5b: {  	v3 =	vld [tilespmem:s12+$0x6350]  }
0x5c: {  	v4 =	vld [tilespmem:s12+$0x5350]  }
0x5d: {  	v5 =	vld [tilespmem:s12+$0x5300];
	v1 =	vadd.f32 v1, v2  }
0x5e: {  	v2 =	vld [tilespmem:s12+$0x6300]  }
0x5f: {  	v6 =	vmul.f32 $2.000000030e-01, v1  }
0x60: {  	vm0 =	vge.f32 v1, $0.0e+00  }
0x61: {  	v1 =	vsel vm0, v1, v6  }
0x62: {  	v3 =	vadd.f32 v3, v4;
	v1 =	vmul.f32 $1.442695020e+00, v1  }
0x63: {  	v7 =	vld [tilespmem:s12+$0x6340];
	v2 =	vadd.f32 v2, v5  }
0x64: {  	v5 =	vmul.f32 $2.000000030e-01, v3;
	(erf) = vpow2.f32 v1;
	v1 =	vld [tilespmem:s12+$0x5340]  }
0x65: {  	v9 =	vld [tilespmem:s12+$0x5330];
	vm7 =	vge.f32 v3, $0.0e+00;
	v8 =	vmul.f32 $2.000000030e-01, v2  }
0x66: {  	v4 =	vld [tilespmem:s12+$0x6330];
	v3 =	vsel vm7, v3, v5;
	vm8 =	vge.f32 v2, $0.0e+00  }
0x67: {  	v5 =	vld [tilespmem:s12+$0x6310];
	v3 =	vmul.f32 $1.442695020e+00, v3;
	v2 =	vsel vm8, v2, v8  }
0x68: {  	v8 =	vld [tilespmem:s12+$0x5310];
	v2 =	vmul.f32 $1.442695020e+00, v2  }
0x69: {  	(erf) = vpow2.f32 v3;
	v1 =	vadd.f32 v7, v1  }
0x6a: {  	v6 =	vld [tilespmem:s12+$0x6370];
	(erf) = vpow2.f32 v2  }
0x6b: {  	v3 =	vld [tilespmem:s12+$0x6360];
	v10 =	vmul.f32 $2.000000030e-01, v1  }
0x6c: {  	v4 =	vadd.f32 v4, v9;
	v7 =	vld [tilespmem:s12+$0x5370];
	vm9 =	vge.f32 v1, $0.0e+00  }
0x6d: {  	v2 =	vld [tilespmem:s12+$0x5360];
	v5 =	vadd.f32 v5, v8;
	v1 =	vsel vm9, v1, v10  }
0x6e: {  	s11 =	simm.s32 $0x80;
	v8 =	vmul.f32 $2.000000030e-01, v4;
	v1 =	vmul.f32 $1.442695020e+00, v1  }
0x6f: {  	v11 =	vld [tilespmem:s11+$0x6300];
	vm10 =	vge.f32 v4, $0.0e+00;
	v12 =	vpop (erf);
	v61 =	vmul.f32 $2.000000030e-01, v5  }
0x70: {  	v13 =	vld [tilespmem:s11+$0x6320];
	v4 =	vsel vm10, v4, v8;
	vm11 =	vge.f32 v5, $0.0e+00;
	[tilespmem:s12+$0x5320] =	vst v12;
	(erf) = vpow2.f32 v1  }
0x71: {  	v4 =	vmul.f32 $1.442695020e+00, v4;
	v6 =	vadd.f32 v6, v7;
	v9 =	vld [tilespmem:s11+$0x5320];
	[tilespmem:s12+$0x7320] =	vst v12;
	v5 =	vsel vm11, v5, v61  }
0x72: {  	v3 =	vadd.f32 v3, v2;
	v10 =	vld [tilespmem:s11+$0x6350];
	v8 =	vpop (erf);
	v5 =	vmul.f32 $1.442695020e+00, v5  }
0x73: {  	v1 =	vld [tilespmem:s11+$0x6370];
	[tilespmem:s12+$0x5350] =	vst v8;
	(erf) = vpow2.f32 v4;
	v4 =	vmul.f32 $2.000000030e-01, v6;
	v62 =	vpop (erf)  }
0x74: {  	vm12 =	vge.f32 v6, $0.0e+00;
	v14 =	vld [tilespmem:s11+$0x5350];
	(erf) = vpow2.f32 v5;
	v5 =	vmul.f32 $2.000000030e-01, v3;
	[tilespmem:s12+$0x5300] =	vst v62  }
0x75: {  	vm1 =	vge.f32 v3, $0.0e+00;
	v4 =	vsel vm12, v6, v4;
	v7 =	vld [tilespmem:s11+$0x5300]  }
0x76: {  	v3 =	vsel vm1, v3, v5;
	v4 =	vmul.f32 $1.442695020e+00, v4;
	v6 =	vadd.f32 v13, v9  }
0x77: {  	v3 =	vmul.f32 $1.442695020e+00, v3  }
0x78: {  	(erf) = vpow2.f32 v4;
	v9 =	vmul.f32 $2.000000030e-01, v6  }
0x79: {  	vm13 =	vge.f32 v6, $0.0e+00;
	v5 =	vpop (erf);
	(erf) = vpow2.f32 v3;
	v3 =	vadd.f32 v10, v14  }
0x7a: {  	[tilespmem:s12+$0x7300] =	vst v62;
	v6 =	vsel vm13, v6, v9;
	v7 =	vadd.f32 v11, v7  }
0x7b: {  	v2 =	vld [tilespmem:s11+$0x6330];
	[tilespmem:s12+$0x7350] =	vst v8;
	v63 =	vmul.f32 $1.442695020e+00, v6;
	v10 =	vmul.f32 $2.000000030e-01, v3  }
0x7c: {  	v12 =	vld [tilespmem:s11+$0x6340];
	[tilespmem:s12+$0x5340] =	vst v5;
	v8 =	vpop (erf);
	v9 =	vmul.f32 $2.000000030e-01, v7;
	vm14 =	vge.f32 v3, $0.0e+00  }
0x7d: {  	v15 =	vld [tilespmem:s11+$0x5340];
	[tilespmem:s12+$0x7340] =	vst v5;
	v11 =	vpop (erf);
	vm15 =	vge.f32 v7, $0.0e+00;
	(erf) = vpow2.f32 v63;
	v3 =	vsel vm14, v3, v10  }
0x7e: {  	v4 =	vld [tilespmem:s11+$0x6310];
	[tilespmem:s12+$0x5330] =	vst v8;
	v7 =	vsel vm15, v7, v9;
	v3 =	vmul.f32 $1.442695020e+00, v3  }
0x7f: {  	v5 =	vld [tilespmem:s11+$0x5330];
	[tilespmem:s12+$0x5310] =	vst v11;
	v7 =	vmul.f32 $1.442695020e+00, v7  }
0x80: {  	v6 =	vld [tilespmem:s11+$0x5310];
	[tilespmem:s12+$0x7310] =	vst v11;
	(erf) = vpow2.f32 v3  }
0x81: {  	[tilespmem:s12+$0x7330] =	vst v8;
	v8 =	vpop (erf);
	(erf) = vpow2.f32 v7  }
0x82: {  	s13 =	simm.s32 $0x400;
	s14 =	simm.s32 $0x600;
	v3 =	vld [tilespmem:s11+$0x6360];
	[tilespmem:s12+$0x5370] =	vst v8;
	v7 =	vadd.f32 v12, v15;
	v9 =	vpop (erf)  }
.LBB2_5:
0x83: {  	p0 =	sne.s32 s14, $0x1E00  }
0x84: {  	s16 =	sshra.s32 s13, $0x2;
	v10 =	vmul.f32 $2.000000030e-01, v7;
	v11 =	vld [tilespmem:s11+$0x5370];
	[tilespmem:s12+$0x5360] =	vst v9;
	s13 =	smov.u32 s14;
	s14 =	sadd.s32 $0x200, s14  }
0x85: {  	vm0 =	vge.f32 v7, $0.0e+00;
	v2 =	vadd.f32 v2, v5;
	v5 =	vld [tilespmem:s11+$0x5360];
	[tilespmem:s12+$0x7370] =	vst v8  }
0x86: {  	v8 =	vld [tilespmem:s16+$0x6300];
	v4 =	vadd.f32 v4, v6;
	v6 =	vsel vm0, v7, v10;
	v7 =	vpop (erf);
	[tilespmem:s12+$0x7360] =	vst v9;
	s12 =	smov.u32 s11;
	s11 =	smov.u32 s16  }
0x87: {  	v9 =	vld [tilespmem:s11+$0x6320];
	[tilespmem:s12+$0x5320] =	vst v7;
	vm0 =	vge.f32 v2, $0.0e+00;
	v10 =	vmul.f32 $2.000000030e-01, v2;
	v14 =	vmul.f32 $1.442695020e+00, v6  }
0x88: {  	v12 =	vld [tilespmem:s11+$0x5320];
	vm1 =	vge.f32 v4, $0.0e+00;
	v13 =	vmul.f32 $2.000000030e-01, v4;
	[tilespmem:s12+$0x7320] =	vst v7  }
0x89: {  	v7 =	vld [tilespmem:s11+$0x6350];
	v2 =	vsel vm0, v2, v10;
	v10 =	vadd.f32 v1, v11;
	(erf) = vpow2.f32 v14;
	v6 =	vpop (erf)  }
0x8a: {  	v1 =	vld [tilespmem:s11+$0x6370];
	v4 =	vsel vm1, v4, v13;
	v2 =	vmul.f32 $1.442695020e+00, v2;
	[tilespmem:s12+$0x5350] =	vst v6;
	v3 =	vadd.f32 v3, v5;
	v5 =	vpop (erf)  }
0x8b: {  	v11 =	vld [tilespmem:s11+$0x5350];
	[tilespmem:s12+$0x5300] =	vst v5;
	v4 =	vmul.f32 $1.442695020e+00, v4;
	vm0 =	vge.f32 v10, $0.0e+00;
	v13 =	vmul.f32 $2.000000030e-01, v10  }
0x8c: {  	v14 =	vld [tilespmem:s11+$0x5300];
	[tilespmem:s12+$0x7300] =	vst v5;
	vm1 =	vge.f32 v3, $0.0e+00;
	v5 =	vmul.f32 $2.000000030e-01, v3;
	(erf) = vpow2.f32 v2  }
0x8d: {  	v9 =	vadd.f32 v9, v12;
	v2 =	vld [tilespmem:s11+$0x6330];
	[tilespmem:s12+$0x7350] =	vst v6;
	v6 =	vsel vm0, v10, v13;
	(erf) = vpow2.f32 v4  }
0x8e: {  	v10 =	vld [tilespmem:s11+$0x6340];
	v3 =	vsel vm1, v3, v5;
	v4 =	vmul.f32 $1.442695020e+00, v6  }
0x8f: {  	v5 =	vmul.f32 $2.000000030e-01, v9;
	v3 =	vmul.f32 $1.442695020e+00, v3  }
0x90: {  	vm0 =	vge.f32 v9, $0.0e+00;
	v6 =	vadd.f32 v7, v11;
	(erf) = vpow2.f32 v4  }
0x91: {  	v4 =	vadd.f32 v8, v14;
	v5 =	vsel vm0, v9, v5;
	(erf) = vpow2.f32 v3  }
0x92: {  	v3 =	vmul.f32 $1.442695020e+00, v5;
	v5 =	vmul.f32 $2.000000030e-01, v6;
	v7 =	vpop (erf)  }
0x93: {  	vm0 =	vge.f32 v6, $0.0e+00;
	v11 =	vmul.f32 $2.000000030e-01, v4;
	[tilespmem:s12+$0x5340] =	vst v7  }
0x94: {  	vm1 =	vge.f32 v4, $0.0e+00;
	v9 =	vld [tilespmem:s11+$0x5340];
	v5 =	vsel vm0, v6, v5;
	(erf) = vpow2.f32 v3;
	[tilespmem:s12+$0x7340] =	vst v7  }
0x95: {  	v3 =	vsel vm1, v4, v11;
	v6 =	vmul.f32 $1.442695020e+00, v5;
	v8 =	vpop (erf)  }
.Ltmp1:
0x96: {  	v3 =	vmul.f32 $1.442695020e+00, v3;
	v4 =	vld [tilespmem:s11+$0x6310];
	[tilespmem:s12+$0x5330] =	vst v8;
	v7 =	vpop (erf);
	(pc) =	sbr.rel @p0 .LBB2_5-.Ltmp1, $4  }
0x97: {  	v5 =	vld [tilespmem:s11+$0x5330];
	(erf) = vpow2.f32 v6;
	[tilespmem:s12+$0x5310] =	vst v7  }
0x98: {  	v6 =	vld [tilespmem:s11+$0x5310];
	(erf) = vpow2.f32 v3;
	[tilespmem:s12+$0x7310] =	vst v7  }
0x99: {  	v7 =	vadd.f32 v10, v9;
	[tilespmem:s12+$0x7330] =	vst v8;
	v8 =	vpop (erf)  }
0x9a: {  	v3 =	vld [tilespmem:s11+$0x6360];
	[tilespmem:s12+$0x5370] =	vst v8;
	v9 =	vpop (erf)  }
0x9b: {  	v12 =	vmul.f32 $2.000000030e-01, v7  }
0x9c: {  	vm0 =	vge.f32 v7, $0.0e+00  }
0x9d: {  	v2 =	vadd.f32 v2, v5;
	v5 =	vsel vm0, v7, v12  }
0x9e: {  	v10 =	vld [tilespmem:s11+$0x5370];
	[tilespmem:s12+$0x5360] =	vst v9;
	v4 =	vadd.f32 v4, v6;
	v5 =	vmul.f32 $1.442695020e+00, v5  }
0x9f: {  	s13 =	sshra.s32 s13, $0x2;
	v11 =	vld [tilespmem:s11+$0x5360];
	[tilespmem:s12+$0x7370] =	vst v8;
	v6 =	vmul.f32 $2.000000030e-01, v2  }
0xa0: {  	v8 =	vld [tilespmem:s13+$0x6300];
	[tilespmem:s12+$0x7360] =	vst v9;
	v9 =	vpop (erf);
	(erf) = vpow2.f32 v5;
	v5 =	vmul.f32 $2.000000030e-01, v4  }
0xa1: {  	v13 =	vld [tilespmem:s13+$0x6320];
	[tilespmem:s11+$0x5320] =	vst v9;
	vm6 =	vge.f32 v2, $0.0e+00  }
0xa2: {  	v7 =	vld [tilespmem:s13+$0x5320];
	[tilespmem:s11+$0x7320] =	vst v9;
	vm7 =	vge.f32 v4, $0.0e+00;
	v2 =	vsel vm6, v2, v6  }
0xa3: {  	v9 =	vld [tilespmem:s13+$0x6350];
	v1 =	vadd.f32 v1, v10;
	v2 =	vmul.f32 $1.442695020e+00, v2;
	v6 =	vpop (erf);
	v4 =	vsel vm7, v4, v5  }
0xa4: {  	v55 =	vld [tilespmem:s13+$0x6370];
	v3 =	vadd.f32 v3, v11;
	[tilespmem:s11+$0x5350] =	vst v6;
	v4 =	vmul.f32 $1.442695020e+00, v4;
	v5 =	vpop (erf)  }
0xa5: {  	v10 =	vmul.f32 $2.000000030e-01, v1;
	v14 =	vld [tilespmem:s13+$0x5350];
	(erf) = vpow2.f32 v2;
	[tilespmem:s11+$0x5300] =	vst v5  }
0xa6: {  	vm8 =	vge.f32 v1, $0.0e+00;
	(erf) = vpow2.f32 v4;
	v2 =	vld [tilespmem:s13+$0x5300];
	[tilespmem:s11+$0x7300] =	vst v5;
	v5 =	vmul.f32 $2.000000030e-01, v3  }
0xa7: {  	vm9 =	vge.f32 v3, $0.0e+00;
	v1 =	vsel vm8, v1, v10  }
0xa8: {  	v1 =	vmul.f32 $1.442695020e+00, v1;
	v3 =	vsel vm9, v3, v5  }
0xa9: {  	v3 =	vmul.f32 $1.442695020e+00, v3  }
0xaa: {  	(erf) = vpow2.f32 v1  }
0xab: {  	v4 =	vld [tilespmem:s13+$0x6330];
	[tilespmem:s11+$0x7350] =	vst v6;
	v10 =	vpop (erf);
	(erf) = vpow2.f32 v3  }
0xac: {  	v7 =	vadd.f32 v13, v7;
	v6 =	vld [tilespmem:s13+$0x6340];
	[tilespmem:s11+$0x5340] =	vst v10  }
0xad: {  	v1 =	vld [tilespmem:s13+$0x5340]  }
0xae: {  	v13 =	vmul.f32 $2.000000030e-01, v7;
	v9 =	vadd.f32 v9, v14;
	[tilespmem:s11+$0x7340] =	vst v10;
	v3 =	vpop (erf)  }
0xaf: {  	vm10 =	vge.f32 v7, $0.0e+00;
	v2 =	vadd.f32 v8, v2;
	v5 =	vld [tilespmem:s13+$0x6310];
	[tilespmem:s11+$0x5330] =	vst v3;
	v10 =	vpop (erf)  }
0xb0: {  	v7 =	vsel vm10, v7, v13;
	v8 =	vmul.f32 $2.000000030e-01, v9;
	v11 =	vld [tilespmem:s13+$0x5330];
	[tilespmem:s11+$0x5310] =	vst v10  }
0xb1: {  	vm11 =	vge.f32 v9, $0.0e+00;
	v56 =	vld [tilespmem:s13+$0x5310];
	[tilespmem:s11+$0x7330] =	vst v3;
	v3 =	vmul.f32 $1.442695020e+00, v7;
	v7 =	vmul.f32 $2.000000030e-01, v2  }
0xb2: {  	vm1 =	vge.f32 v2, $0.0e+00;
	v8 =	vsel vm11, v9, v8;
	v1 =	vadd.f32 v6, v1  }
0xb3: {  	[tilespmem:s11+$0x7310] =	vst v10;
	v10 =	vpop (erf);
	(erf) = vpow2.f32 v3;
	v2 =	vsel vm1, v2, v7;
	v3 =	vmul.f32 $1.442695020e+00, v8  }
0xb4: {  	v57 =	vld [tilespmem:s13+$0x6360];
	[tilespmem:s11+$0x5370] =	vst v10;
	v8 =	vmul.f32 $2.000000030e-01, v1;
	v2 =	vmul.f32 $1.442695020e+00, v2;
	v6 =	vpop (erf)  }
0xb5: {  	v7 =	vld [tilespmem:s13+$0x5370];
	vm12 =	vge.f32 v1, $0.0e+00;
	(erf) = vpow2.f32 v3;
	v3 =	vadd.f32 v4, v11;
	[tilespmem:s11+$0x5360] =	vst v6  }
0xb6: {  	v1 =	vsel vm12, v1, v8;
	(erf) = vpow2.f32 v2;
	v2 =	vadd.f32 v5, v56;
	v4 =	vld [tilespmem:s13+$0x5360]  }
0xb7: {  	v1 =	vmul.f32 $1.442695020e+00, v1;
	v5 =	vmul.f32 $2.000000030e-01, v3  }
0xb8: {  	vm13 =	vge.f32 v3, $0.0e+00;
	v8 =	vmul.f32 $2.000000030e-01, v2  }
0xb9: {  	vm14 =	vge.f32 v2, $0.0e+00;
	(erf) = vpow2.f32 v1;
	v3 =	vsel vm13, v3, v5  }
0xba: {  	v5 =	vadd.f32 v55, v7;
	v1 =	vsel vm14, v2, v8;
	v2 =	vmul.f32 $1.442695020e+00, v3  }
0xbb: {  	v3 =	vadd.f32 v57, v4  }
0xbc: {  	v1 =	vmul.f32 $1.442695020e+00, v1;
	v4 =	vmul.f32 $2.000000030e-01, v5  }
0xbd: {  	[tilespmem:s11+$0x7370] =	vst v10;
	vm15 =	vge.f32 v5, $0.0e+00;
	(erf) = vpow2.f32 v2;
	v7 =	vmul.f32 $2.000000030e-01, v3  }
0xbe: {  	[tilespmem:s11+$0x7360] =	vst v6;
	v2 =	vpop (erf);
	vm4 =	vge.f32 v3, $0.0e+00;
	v4 =	vsel vm15, v5, v4  }
0xbf: {  	(erf) = vpow2.f32 v1;
	[tilespmem:s13+$0x5320] =	vst v2;
	v1 =	vsel vm4, v3, v7;
	v3 =	vmul.f32 $1.442695020e+00, v4  }
0xc0: {  	[tilespmem:s13+$0x7320] =	vst v2;
	v2 =	vpop (erf);
	v1 =	vmul.f32 $1.442695020e+00, v1  }
0xc1: {  	[tilespmem:s13+$0x5350] =	vst v2;
	(erf) = vpow2.f32 v3  }
0xc2: {  	[tilespmem:s13+$0x7350] =	vst v2;
	v4 =	vpop (erf)  }
0xc3: {  	[tilespmem:s13+$0x5300] =	vst v4;
	(erf) = vpow2.f32 v1  }
0xc4: {  	[tilespmem:s13+$0x7300] =	vst v4;
	v1 =	vpop (erf)  }
0xc5: {  	[tilespmem:s13+$0x5340] =	vst v1  }
0xc6: {  	[tilespmem:s13+$0x7340] =	vst v1;
	v1 =	vpop (erf)  }
0xc7: {  	[tilespmem:s13+$0x5330] =	vst v1  }
0xc8: {  	v2 =	vpop (erf);
	[tilespmem:s13+$0x7330] =	vst v1  }
0xc9: {  	[tilespmem:s13+$0x5310] =	vst v2  }
0xca: {  	[tilespmem:s13+$0x7310] =	vst v2;
	v1 =	vpop (erf)  }
0xcb: {  	s16 =	sshll.u32 s9, $0xC;
	[tilespmem:s13+$0x5370] =	vst v1  }
0xcc: {  	s11 =	sadd.s32 s15, s16;
	v2 =	vpop (erf);
	[tilespmem:s13+$0x7370] =	vst v1  }
0xcd: {  	s11 =	sshrl.u32 s11, $0x3;
	[tilespmem:s13+$0x5360] =	vst v2  }
0xce: {  	s11 =	sadd.s32 s7, s11;
	[tilespmem:s13+$0x7360] =	vst v2  }
0xcf: {  	[hbm4b:s11+s3] =	stream.linear.scatter [tilespmem:s26], [sflag:$0x3], $0x800, $0x38;
	[tilespmem:$0xAB00] =	vst v63  }
0xd0: {  	_ = 	snop  }
0xd1: {  	[spmem:s2] =	stream.indirect.scatter.add.f32 [tilespmem:s18], [sflag:$0x5], $0x10, s28, s21, $0xb8;
	[tilespmem:$0xAB00] =	vst v63  }
0xd2: {  	_ =	swait.ge [sflag:s19], $0x800  }
0xd3: {  	[sflag:s19] =	ssyncset.done $0x0  }
0xd4: {  	[sflag:s19] =	ssyncadd.s32 $0xFFFFF800  }
0xd5: {  	_ =	swait.ge [sflag:s29], $0x800  }
0xd6: {  	[sflag:s29] =	ssyncset.done $0x0  }
0xd7: {  	[sflag:s29] =	ssyncadd.s32 $0xFFFFF800  }
0xd8: {  	_ =	swait.ge [sflag:s29], $0x800  }
0xd9: {  	[sflag:s29] =	ssyncset.done $0x0  }
0xda: {  	[sflag:s29] =	ssyncadd.s32 $0xFFFFF800  }
0xdb: {  	v1 =	vld [tilespmem:s20+$0x2900];
	_ =	sdelay $0x4  }
0xdc: {  	[tilespmem:$0x5280] =	vst v1  }
0xdd: {  	v1 =	vld [tilespmem:s20+$0x2910];
	_ =	sdelay $0x4  }
0xde: {  	[tilespmem:$0x5290] =	vst v1  }
0xdf: {  	v1 =	vld [tilespmem:s20+$0x2920];
	_ =	sdelay $0x4  }
0xe0: {  	[tilespmem:$0x52A0] =	vst v1  }
0xe1: {  	v1 =	vld [tilespmem:s20+$0x2930];
	_ =	sdelay $0x4  }
0xe2: {  	[tilespmem:$0x52B0] =	vst v1  }
0xe3: {  	v1 =	vld [tilespmem:s20+$0x2940];
	_ =	sdelay $0x4  }
0xe4: {  	[tilespmem:$0x52C0] =	vst v1  }
0xe5: {  	v1 =	vld [tilespmem:s20+$0x2950];
	_ =	sdelay $0x4  }
0xe6: {  	[tilespmem:$0x52D0] =	vst v1  }
0xe7: {  	v1 =	vld [tilespmem:s20+$0x2960];
	_ =	sdelay $0x4  }
0xe8: {  	[tilespmem:$0x52E0] =	vst v1  }
0xe9: {  	v1 =	vld [tilespmem:s20+$0x2970];
	_ =	sdelay $0x3  }
0xea: {  	p0 =	seq.s32 s9, $0x28  }
0xeb: {  	s11 =	simm.s32 @!p0 $0x3;
	[tilespmem:$0x52F0] =	vst v1  }
0xec: {  	_ =	swait.ge @!p0 [sflag:s11], $0x800  }
0xed: {  	s12 =	simm.s32 @!p0 $0x80;
	[sflag:s11] =	ssyncset.done @!p0 $0x0  }
0xee: {  	s13 =	simm.s32 @!p0 $0x5300;
	[sflag:s11] =	ssyncadd.s32 @!p0 $0xFFFFF800;
	s11 =	sadd.s32 @!p0 $0x100, s10  }
0xef: {  	[tilespmem:s13], [sflag:$0x1] =	stream.indirect.gather @!p0 [hbm4b:s5+s12], $0x10, s11, s12, $0xb8;
	[tilespmem:$0xAB00] =	vst v63  }
0xf0: {  	s10 =	sadd.s32 @!p0 $0x2A00, s10;
	s11 =	simm.s32 @!p0 $0x6300  }
0xf1: {  	[tilespmem:s11], [sflag:$0x1] =	stream.indirect.gather @!p0 [hbm4b:s6+s12], $0x10, s10, s12, $0xb8;
	[tilespmem:$0xAB00] =	vst v63  }
0xf2: {  	s11 =	simm.s32 $0x0  }
0xf3: {  	v1 =	vld [tilespmem:s11+$0x6B20]  }
0xf4: {  	v2 =	vld [tilespmem:s11+$0x5B20];
	_ =	sdelay $0x2  }
0xf5: {  	v3 =	vld [tilespmem:s11+$0x6B50]  }
0xf6: {  	v4 =	vld [tilespmem:s11+$0x5B50]  }
0xf7: {  	v5 =	vld [tilespmem:s11+$0x5B00];
	v1 =	vadd.f32 v1, v2  }
0xf8: {  	v2 =	vld [tilespmem:s11+$0x6B00]  }
0xf9: {  	v6 =	vmul.f32 $2.000000030e-01, v1  }
0xfa: {  	vm5 =	vge.f32 v1, $0.0e+00  }
0xfb: {  	v1 =	vsel vm5, v1, v6  }
0xfc: {  	v3 =	vadd.f32 v3, v4;
	v1 =	vmul.f32 $1.442695020e+00, v1  }
0xfd: {  	v7 =	vld [tilespmem:s11+$0x6B40];
	v2 =	vadd.f32 v2, v5  }
0xfe: {  	v5 =	vmul.f32 $2.000000030e-01, v3;
	(erf) = vpow2.f32 v1;
	v1 =	vld [tilespmem:s11+$0x5B40]  }
0xff: {  	v9 =	vld [tilespmem:s11+$0x5B30];
	vm6 =	vge.f32 v3, $0.0e+00;
	v8 =	vmul.f32 $2.000000030e-01, v2  }
0x100: {  	v4 =	vld [tilespmem:s11+$0x6B30];
	v3 =	vsel vm6, v3, v5;
	vm7 =	vge.f32 v2, $0.0e+00  }
0x101: {  	v5 =	vld [tilespmem:s11+$0x6B10];
	v3 =	vmul.f32 $1.442695020e+00, v3;
	v2 =	vsel vm7, v2, v8  }
0x102: {  	v8 =	vld [tilespmem:s11+$0x5B10];
	v2 =	vmul.f32 $1.442695020e+00, v2  }
0x103: {  	(erf) = vpow2.f32 v3;
	v1 =	vadd.f32 v7, v1  }
0x104: {  	v6 =	vld [tilespmem:s11+$0x6B70];
	(erf) = vpow2.f32 v2  }
0x105: {  	v3 =	vld [tilespmem:s11+$0x6B60];
	v10 =	vmul.f32 $2.000000030e-01, v1  }
0x106: {  	v4 =	vadd.f32 v4, v9;
	v7 =	vld [tilespmem:s11+$0x5B70];
	vm8 =	vge.f32 v1, $0.0e+00  }
0x107: {  	v2 =	vld [tilespmem:s11+$0x5B60];
	v5 =	vadd.f32 v5, v8;
	v1 =	vsel vm8, v1, v10  }
0x108: {  	s10 =	simm.s32 $0x80;
	v8 =	vmul.f32 $2.000000030e-01, v4;
	v1 =	vmul.f32 $1.442695020e+00, v1  }
0x109: {  	v11 =	vld [tilespmem:s10+$0x6B00];
	vm9 =	vge.f32 v4, $0.0e+00;
	v58 =	vpop (erf);
	v60 =	vmul.f32 $2.000000030e-01, v5  }
0x10a: {  	v59 =	vld [tilespmem:s10+$0x6B20];
	v4 =	vsel vm9, v4, v8;
	vm10 =	vge.f32 v5, $0.0e+00;
	[tilespmem:s11+$0x5B20] =	vst v58;
	(erf) = vpow2.f32 v1  }
0x10b: {  	v4 =	vmul.f32 $1.442695020e+00, v4;
	v6 =	vadd.f32 v6, v7;
	v9 =	vld [tilespmem:s10+$0x5B20];
	[tilespmem:s11+$0x7B20] =	vst v58;
	v5 =	vsel vm10, v5, v60  }
0x10c: {  	v3 =	vadd.f32 v3, v2;
	v10 =	vld [tilespmem:s10+$0x6B50];
	v8 =	vpop (erf);
	v5 =	vmul.f32 $1.442695020e+00, v5  }
0x10d: {  	v1 =	vld [tilespmem:s10+$0x6B70];
	[tilespmem:s11+$0x5B50] =	vst v8;
	(erf) = vpow2.f32 v4;
	v4 =	vmul.f32 $2.000000030e-01, v6;
	v61 =	vpop (erf)  }
0x10e: {  	vm11 =	vge.f32 v6, $0.0e+00;
	v62 =	vld [tilespmem:s10+$0x5B50];
	(erf) = vpow2.f32 v5;
	v5 =	vmul.f32 $2.000000030e-01, v3;
	[tilespmem:s11+$0x5B00] =	vst v61  }
0x10f: {  	vm12 =	vge.f32 v3, $0.0e+00;
	v4 =	vsel vm11, v6, v4;
	v7 =	vld [tilespmem:s10+$0x5B00]  }
0x110: {  	v3 =	vsel vm12, v3, v5;
	v4 =	vmul.f32 $1.442695020e+00, v4;
	v6 =	vadd.f32 v59, v9  }
0x111: {  	v3 =	vmul.f32 $1.442695020e+00, v3  }
0x112: {  	(erf) = vpow2.f32 v4;
	v9 =	vmul.f32 $2.000000030e-01, v6  }
0x113: {  	vm13 =	vge.f32 v6, $0.0e+00;
	v5 =	vpop (erf);
	(erf) = vpow2.f32 v3;
	v3 =	vadd.f32 v10, v62  }
0x114: {  	[tilespmem:s11+$0x7B00] =	vst v61;
	v6 =	vsel vm13, v6, v9;
	v7 =	vadd.f32 v11, v7  }
0x115: {  	v2 =	vld [tilespmem:s10+$0x6B30];
	[tilespmem:s11+$0x7B50] =	vst v8;
	v63 =	vmul.f32 $1.442695020e+00, v6;
	v10 =	vmul.f32 $2.000000030e-01, v3  }
0x116: {  	v12 =	vld [tilespmem:s10+$0x6B40];
	[tilespmem:s11+$0x5B40] =	vst v5;
	v8 =	vpop (erf);
	v9 =	vmul.f32 $2.000000030e-01, v7;
	vm14 =	vge.f32 v3, $0.0e+00  }
0x117: {  	v15 =	vld [tilespmem:s10+$0x5B40];
	[tilespmem:s11+$0x7B40] =	vst v5;
	v11 =	vpop (erf);
	vm15 =	vge.f32 v7, $0.0e+00;
	(erf) = vpow2.f32 v63;
	v3 =	vsel vm14, v3, v10  }
0x118: {  	v4 =	vld [tilespmem:s10+$0x6B10];
	[tilespmem:s11+$0x5B30] =	vst v8;
	v7 =	vsel vm15, v7, v9;
	v3 =	vmul.f32 $1.442695020e+00, v3  }
0x119: {  	v5 =	vld [tilespmem:s10+$0x5B30];
	[tilespmem:s11+$0x5B10] =	vst v11;
	v7 =	vmul.f32 $1.442695020e+00, v7  }
0x11a: {  	v6 =	vld [tilespmem:s10+$0x5B10];
	[tilespmem:s11+$0x7B10] =	vst v11;
	(erf) = vpow2.f32 v3  }
0x11b: {  	[tilespmem:s11+$0x7B30] =	vst v8;
	v8 =	vpop (erf);
	(erf) = vpow2.f32 v7  }
0x11c: {  	s13 =	simm.s32 $0x600;
	s12 =	simm.s32 $0x400;
	v3 =	vld [tilespmem:s10+$0x6B60];
	[tilespmem:s11+$0x5B70] =	vst v8;
	v7 =	vadd.f32 v12, v15;
	v9 =	vpop (erf)  }
.LBB2_7:
0x11d: {  	p0 =	sne.s32 s13, $0x1E00  }
0x11e: {  	s14 =	sshra.s32 s12, $0x2;
	v10 =	vmul.f32 $2.000000030e-01, v7;
	v11 =	vld [tilespmem:s10+$0x5B70];
	[tilespmem:s11+$0x5B60] =	vst v9;
	s12 =	smov.u32 s13;
	s13 =	sadd.s32 $0x200, s13  }
0x11f: {  	vm0 =	vge.f32 v7, $0.0e+00;
	v2 =	vadd.f32 v2, v5;
	v5 =	vld [tilespmem:s10+$0x5B60];
	[tilespmem:s11+$0x7B70] =	vst v8  }
0x120: {  	v8 =	vld [tilespmem:s14+$0x6B00];
	v4 =	vadd.f32 v4, v6;
	v6 =	vsel vm0, v7, v10;
	v7 =	vpop (erf);
	[tilespmem:s11+$0x7B60] =	vst v9;
	s11 =	smov.u32 s10;
	s10 =	smov.u32 s14  }
0x121: {  	v9 =	vld [tilespmem:s10+$0x6B20];
	[tilespmem:s11+$0x5B20] =	vst v7;
	vm0 =	vge.f32 v2, $0.0e+00;
	v10 =	vmul.f32 $2.000000030e-01, v2;
	v14 =	vmul.f32 $1.442695020e+00, v6  }
0x122: {  	v12 =	vld [tilespmem:s10+$0x5B20];
	vm1 =	vge.f32 v4, $0.0e+00;
	v13 =	vmul.f32 $2.000000030e-01, v4;
	[tilespmem:s11+$0x7B20] =	vst v7  }
0x123: {  	v7 =	vld [tilespmem:s10+$0x6B50];
	v2 =	vsel vm0, v2, v10;
	v10 =	vadd.f32 v1, v11;
	(erf) = vpow2.f32 v14;
	v6 =	vpop (erf)  }
0x124: {  	v1 =	vld [tilespmem:s10+$0x6B70];
	v4 =	vsel vm1, v4, v13;
	v2 =	vmul.f32 $1.442695020e+00, v2;
	[tilespmem:s11+$0x5B50] =	vst v6;
	v3 =	vadd.f32 v3, v5;
	v5 =	vpop (erf)  }
0x125: {  	v11 =	vld [tilespmem:s10+$0x5B50];
	[tilespmem:s11+$0x5B00] =	vst v5;
	v4 =	vmul.f32 $1.442695020e+00, v4;
	vm0 =	vge.f32 v10, $0.0e+00;
	v13 =	vmul.f32 $2.000000030e-01, v10  }
0x126: {  	v14 =	vld [tilespmem:s10+$0x5B00];
	[tilespmem:s11+$0x7B00] =	vst v5;
	vm1 =	vge.f32 v3, $0.0e+00;
	v5 =	vmul.f32 $2.000000030e-01, v3;
	(erf) = vpow2.f32 v2  }
0x127: {  	v9 =	vadd.f32 v9, v12;
	v2 =	vld [tilespmem:s10+$0x6B30];
	[tilespmem:s11+$0x7B50] =	vst v6;
	v6 =	vsel vm0, v10, v13;
	(erf) = vpow2.f32 v4  }
0x128: {  	v10 =	vld [tilespmem:s10+$0x6B40];
	v3 =	vsel vm1, v3, v5;
	v4 =	vmul.f32 $1.442695020e+00, v6  }
0x129: {  	v5 =	vmul.f32 $2.000000030e-01, v9;
	v3 =	vmul.f32 $1.442695020e+00, v3  }
0x12a: {  	vm0 =	vge.f32 v9, $0.0e+00;
	v6 =	vadd.f32 v7, v11;
	(erf) = vpow2.f32 v4  }
0x12b: {  	v4 =	vadd.f32 v8, v14;
	v5 =	vsel vm0, v9, v5;
	(erf) = vpow2.f32 v3  }
0x12c: {  	v3 =	vmul.f32 $1.442695020e+00, v5;
	v5 =	vmul.f32 $2.000000030e-01, v6;
	v7 =	vpop (erf)  }
0x12d: {  	vm0 =	vge.f32 v6, $0.0e+00;
	v11 =	vmul.f32 $2.000000030e-01, v4;
	[tilespmem:s11+$0x5B40] =	vst v7  }
0x12e: {  	vm1 =	vge.f32 v4, $0.0e+00;
	v9 =	vld [tilespmem:s10+$0x5B40];
	v5 =	vsel vm0, v6, v5;
	(erf) = vpow2.f32 v3;
	[tilespmem:s11+$0x7B40] =	vst v7  }
0x12f: {  	v3 =	vsel vm1, v4, v11;
	v6 =	vmul.f32 $1.442695020e+00, v5;
	v8 =	vpop (erf)  }
.Ltmp2:
0x130: {  	v3 =	vmul.f32 $1.442695020e+00, v3;
	v4 =	vld [tilespmem:s10+$0x6B10];
	[tilespmem:s11+$0x5B30] =	vst v8;
	v7 =	vpop (erf);
	(pc) =	sbr.rel @p0 .LBB2_7-.Ltmp2, $4  }
0x131: {  	v5 =	vld [tilespmem:s10+$0x5B30];
	(erf) = vpow2.f32 v6;
	[tilespmem:s11+$0x5B10] =	vst v7  }
0x132: {  	v6 =	vld [tilespmem:s10+$0x5B10];
	(erf) = vpow2.f32 v3;
	[tilespmem:s11+$0x7B10] =	vst v7  }
0x133: {  	v7 =	vadd.f32 v10, v9;
	[tilespmem:s11+$0x7B30] =	vst v8;
	v8 =	vpop (erf)  }
0x134: {  	v3 =	vld [tilespmem:s10+$0x6B60];
	[tilespmem:s11+$0x5B70] =	vst v8;
	v9 =	vpop (erf)  }
0x135: {  	v10 =	vld [tilespmem:s10+$0x5B70];
	v12 =	vmul.f32 $2.000000030e-01, v7  }
0x136: {  	[tilespmem:s11+$0x5B60] =	vst v9;
	vm0 =	vge.f32 v7, $0.0e+00;
	v2 =	vadd.f32 v2, v5  }
0x137: {  	v11 =	vld [tilespmem:s10+$0x5B60];
	v36 =	vsel vm0, v7, v12;
	v4 =	vadd.f32 v4, v6  }
0x138: {  	v5 =	vmul.f32 $1.442695020e+00, v36;
	v38 =	vmul.f32 $2.000000030e-01, v2  }
0x139: {  	vm5 =	vge.f32 v2, $0.0e+00;
	v39 =	vmul.f32 $2.000000030e-01, v4;
	vm6 =	vge.f32 v4, $0.0e+00  }
0x13a: {  	s12 =	sshra.s32 s12, $0x2;
	[tilespmem:s11+$0x7B70] =	vst v8;
	(erf) = vpow2.f32 v5;
	v2 =	vsel vm5, v2, v38;
	v1 =	vadd.f32 v1, v10  }
0x13b: {  	v8 =	vld [tilespmem:s12+$0x6B00];
	[tilespmem:s11+$0x7B60] =	vst v9;
	v35 =	vpop (erf);
	v2 =	vmul.f32 $1.442695020e+00, v2;
	v4 =	vsel vm6, v4, v39  }
0x13c: {  	v13 =	vld [tilespmem:s12+$0x6B20];
	[tilespmem:s10+$0x5B20] =	vst v35;
	v40 =	vpop (erf);
	v3 =	vadd.f32 v3, v11;
	v4 =	vmul.f32 $1.442695020e+00, v4;
	v10 =	vmul.f32 $2.000000030e-01, v1  }
0x13d: {  	v37 =	vld [tilespmem:s12+$0x5B20];
	[tilespmem:s10+$0x7B20] =	vst v35;
	v42 =	vpop (erf);
	vm7 =	vge.f32 v1, $0.0e+00;
	(erf) = vpow2.f32 v2  }
0x13e: {  	v9 =	vld [tilespmem:s12+$0x6B50];
	v44 =	vmul.f32 $2.000000030e-01, v3;
	(erf) = vpow2.f32 v4;
	v1 =	vsel vm7, v1, v10  }
0x13f: {  	v41 =	vld [tilespmem:s12+$0x6B70];
	[tilespmem:s10+$0x5B50] =	vst v40;
	vm8 =	vge.f32 v3, $0.0e+00;
	v1 =	vmul.f32 $1.442695020e+00, v1  }
0x140: {  	v14 =	vld [tilespmem:s12+$0x5B50];
	[tilespmem:s10+$0x5B00] =	vst v42;
	v3 =	vsel vm8, v3, v44  }
0x141: {  	v2 =	vld [tilespmem:s12+$0x5B00];
	v3 =	vmul.f32 $1.442695020e+00, v3;
	(erf) = vpow2.f32 v1;
	_ =	sdelay $0x1  }
0x142: {  	[tilespmem:s10+$0x7B00] =	vst v42;
	v45 =	vpop (erf);
	(erf) = vpow2.f32 v3  }
0x143: {  	v43 =	vld [tilespmem:s12+$0x6B30];
	[tilespmem:s10+$0x7B50] =	vst v40;
	v7 =	vadd.f32 v13, v37  }
0x144: {  	v6 =	vld [tilespmem:s12+$0x6B40];
	[tilespmem:s10+$0x5B40] =	vst v45  }
0x145: {  	v13 =	vmul.f32 $2.000000030e-01, v7;
	v9 =	vadd.f32 v9, v14;
	v2 =	vadd.f32 v8, v2;
	v1 =	vld [tilespmem:s12+$0x5B40];
	[tilespmem:s10+$0x7B40] =	vst v45;
	v3 =	vpop (erf)  }
0x146: {  	vm9 =	vge.f32 v7, $0.0e+00;
	v46 =	vld [tilespmem:s12+$0x6B10];
	[tilespmem:s10+$0x5B30] =	vst v3;
	v47 =	vpop (erf)  }
0x147: {  	v7 =	vsel vm9, v7, v13;
	v50 =	vmul.f32 $2.000000030e-01, v9;
	v51 =	vmul.f32 $2.000000030e-01, v2;
	v48 =	vld [tilespmem:s12+$0x5B30];
	[tilespmem:s10+$0x5B10] =	vst v47  }
0x148: {  	vm10 =	vge.f32 v9, $0.0e+00;
	vm1 =	vge.f32 v2, $0.0e+00;
	v49 =	vld [tilespmem:s12+$0x5B10];
	[tilespmem:s10+$0x7B30] =	vst v3;
	v3 =	vmul.f32 $1.442695020e+00, v7  }
0x149: {  	v8 =	vsel vm10, v9, v50;
	v2 =	vsel vm1, v2, v51;
	[tilespmem:s10+$0x7B10] =	vst v47;
	v52 =	vpop (erf)  }
0x14a: {  	v53 =	vld [tilespmem:s12+$0x6B60];
	v1 =	vadd.f32 v6, v1;
	[tilespmem:s10+$0x5B70] =	vst v52;
	(erf) = vpow2.f32 v3;
	v3 =	vmul.f32 $1.442695020e+00, v8  }
0x14b: {  	v2 =	vmul.f32 $1.442695020e+00, v2;
	v54 =	vpop (erf);
	v55 =	vld [tilespmem:s12+$0x5B70]  }
0x14c: {  	v56 =	vmul.f32 $2.000000030e-01, v1;
	[tilespmem:s10+$0x5B60] =	vst v54;
	(erf) = vpow2.f32 v3;
	v3 =	vadd.f32 v43, v48  }
0x14d: {  	vm11 =	vge.f32 v1, $0.0e+00;
	v57 =	vld [tilespmem:s12+$0x5B60];
	(erf) = vpow2.f32 v2;
	v2 =	vadd.f32 v46, v49  }
0x14e: {  	v1 =	vsel vm11, v1, v56;
	v58 =	vmul.f32 $2.000000030e-01, v3  }
0x14f: {  	v1 =	vmul.f32 $1.442695020e+00, v1;
	vm12 =	vge.f32 v3, $0.0e+00;
	v59 =	vmul.f32 $2.000000030e-01, v2  }
0x150: {  	vm13 =	vge.f32 v2, $0.0e+00;
	v3 =	vsel vm12, v3, v58;
	v60 =	vadd.f32 v41, v55  }
0x151: {  	(erf) = vpow2.f32 v1;
	v1 =	vsel vm13, v2, v59;
	v2 =	vmul.f32 $1.442695020e+00, v3  }
0x152: {  	v3 =	vadd.f32 v53, v57  }
0x153: {  	v1 =	vmul.f32 $1.442695020e+00, v1;
	v61 =	vmul.f32 $2.000000030e-01, v60  }
0x154: {  	[tilespmem:s10+$0x7B70] =	vst v52;
	vm14 =	vge.f32 v60, $0.0e+00;
	(erf) = vpow2.f32 v2;
	v62 =	vmul.f32 $2.000000030e-01, v3  }
0x155: {  	[tilespmem:s10+$0x7B60] =	vst v54;
	vm15 =	vge.f32 v3, $0.0e+00;
	v4 =	vsel vm14, v60, v61;
	v2 =	vpop (erf)  }
0x156: {  	(erf) = vpow2.f32 v1;
	[tilespmem:s12+$0x5B20] =	vst v2;
	v1 =	vsel vm15, v3, v62;
	v3 =	vmul.f32 $1.442695020e+00, v4  }
0x157: {  	[tilespmem:s12+$0x7B20] =	vst v2;
	v2 =	vpop (erf);
	v1 =	vmul.f32 $1.442695020e+00, v1  }
0x158: {  	[tilespmem:s12+$0x5B50] =	vst v2;
	(erf) = vpow2.f32 v3  }
0x159: {  	v63 =	vpop (erf);
	[tilespmem:s12+$0x7B50] =	vst v2  }
0x15a: {  	[tilespmem:s12+$0x5B00] =	vst v63;
	(erf) = vpow2.f32 v1  }
0x15b: {  	[tilespmem:s12+$0x7B00] =	vst v63;
	v1 =	vpop (erf)  }
0x15c: {  	[tilespmem:s12+$0x5B40] =	vst v1  }
0x15d: {  	[tilespmem:s12+$0x7B40] =	vst v1;
	v1 =	vpop (erf)  }
0x15e: {  	[tilespmem:s12+$0x5B30] =	vst v1  }
0x15f: {  	[tilespmem:s12+$0x7B30] =	vst v1;
	v2 =	vpop (erf)  }
0x160: {  	[tilespmem:s12+$0x5B10] =	vst v2  }
0x161: {  	[tilespmem:s12+$0x7B10] =	vst v2;
	v1 =	vpop (erf)  }
0x162: {  	s20 =	sadd.s32 s4, s20;
	[tilespmem:s12+$0x5B70] =	vst v1  }
0x163: {  	s10 =	sshll.u32 s20, $0x1;
	v2 =	vpop (erf);
	[tilespmem:s12+$0x7B70] =	vst v1  }
0x164: {  	s9 =	sadd.s32 $0x1, s9;
	s10 =	sand.u32 $0x1FFFFF00, s10;
	[tilespmem:s12+$0x5B60] =	vst v2  }
0x165: {  	p0 =	sne.s32 s9, $0x29;
	s10 =	sadd.s32 s7, s10;
	[tilespmem:s12+$0x7B60] =	vst v2  }
0x166: {  	[hbm4b:s10+s3] =	stream.linear.scatter [tilespmem:s30], [sflag:$0x4], $0x800, $0x38;
	[tilespmem:$0xAB00] =	vst v63  }
.Ltmp3:
0x167: {  	_ = 	snop;
	(pc) =	sbr.rel @p0 .LBB2_4-.Ltmp3, $4  }
0x168: {  	[spmem:s2] =	stream.indirect.scatter.add.f32 [tilespmem:s24], [sflag:$0x5], $0x10, s31, s21, $0xb8;
	[tilespmem:$0xAB00] =	vst v63  }
0x169: {  	_ =	swait.ge [sflag:s19], $0x800  }
0x16a: {  	[sflag:s19] =	ssyncset.done $0x0  }
0x16b: {  	[sflag:s19] =	ssyncadd.s32 $0xFFFFF800  }
0x16c: {  	_ =	swait.ge [sflag:s1], $0x800  }
0x16d: {  	[sflag:s1] =	ssyncset.done $0x0  }
0x16e: {  	[sflag:s1] =	ssyncadd.s32 $0xFFFFF800  }
0x16f: {  	_ =	swait.ge [sflag:s22], $0x800  }
0x170: {  	s9 =	stileid.u32;
	[sflag:s22] =	ssyncset.done $0x0  }
0x171: {  	s9 =	sshll.u32 s9, $0x6;
	[sflag:s22] =	ssyncadd.s32 $0xFFFFF800  }
0x172: {  	s10 =	sshrl.u32 s8, $0x3;
	s9 =	sor.u32 $0x1C05, s9;
	[bflag:$0x0] =	sbarrier.arrive $0xFFFF  }
0x173: {  	[hbm:s17], [sflag:s9] =	dma.local [spmem:s10], $0x500  }
0x174: {  	_ =	swait.ge [sflag:s19], $0x500  }
0x175: {  	s0 =	sadd.s32 $0x1, s0;
	s20 =	rddreg [dreg:$0xa]  }
0x176: {  	p0 =	sne.s32 s0, s20  }
.Ltmp4:
0x177: {  	_ = 	snop;
	(pc) =	sbr.rel @p0 .LBB2_1-.Ltmp4, $3  }
0x178: {  	_ =	sdelay $0x1  }
0x179: {  	[sflag:s19] =	ssyncset.done $0x0  }
0x17a: {  	[sflag:s19] =	ssyncadd.s32 $0xFFFFFB00  }
0x17b: {  	_ =	sfence.sel $0x180000  }
0x17c: {  	[bflag:$0x0] =	sbarrier.arrive $0xFFFF  }
0x17d: {  	_ =	strace $0x90000047  }
0x17e: {  	s0 =	stileid.u32;
	[bflag:$0x2] =	sbarrier.arrive $0xFFFF  }
0x17f: {  	p0 =	sne.s32 s0, $0x0;
	s0 =	rddreg [dreg:$0x3]  }
0x180: {  	s0 =	sadd.s32 @!p0 $0x100000, s0  }
0x181: {  	[sflag:s0] =	ssyncadd.tile.s32 @!p0 $0x1;
	_ =	shalt  }
.Lfunc_end2:
_tile_overlayer_lowered:
.L_overlay_start_2:
0x182: {  	(tag) =	ssettag $0x2  }
0x183: {  	s0 =	rddreg [dreg:$0x0];
	s2 =	stileid.u32  }
0x184: {  	s1 =	rddreg [dreg:$0x1];
	p0 =	sne.s32 s2, $0x0  }
0x185: {  	s3 =	rddreg [dreg:$0x2];
	[bflag:$0x3] =	sbarrier.arrive $0xFFFF;
	s2 =	simm.s32 @!p0 $0x1C05  }
0x186: {  	[timem:s3], [sflag:s2] =	dma.local @!p0 [hbm:s0], s1  }
0x187: {  	s0 =	simm.s32 @!p0 $0x5  }
0x188: {  	_ =	swait.ge @!p0 [sflag:s0], s1  }
0x189: {  	s1 =	ssub.s32 @!p0 $0x0, s1;
	[sflag:s0] =	ssyncset.done @!p0 $0x0  }
0x18a: {  	[sflag:s0] =	ssyncadd.s32 @!p0 s1  }
0x18b: {  	[bflag:$0x3] =	sbarrier.arrive $0xFFFF  }
0x18c: {  	_ =	shalt  }

// kernel: kernel.9.cloned.1.call-start
scs
__scs_entry_jumppad:
0x0: {  	(pc) =	sbr.rel $0x88, $3  }
0x1: {  	(tag) =	ssettag $0x0;
	lr =	simm.s32 $0x1  }
0x2: {  	[smem:$0x3F9B] =	sst lr;
	_ =	strace $0xD0000000  }
0x3: {  	_ = 	snop  }
0x4: {  	_ = 	snop  }
0x5: {  	_ = 	snop  }
0x6: {  	_ = 	snop  }
0x7: {  	_ = 	snop  }
__scs_overlays_trampoline_lowered:
0x8: {  	[smem:$0x3FAA] =	sst s0  }
0x9: {  	[smem:$0x3FAB] =	sst s1  }
0xa: {  	[smem:$0x3FAC] =	sst s2  }
0xb: {  	[smem:$0x3FAD] =	sst s3  }
0xc: {  	[smem:$0x3FAE] =	sst s4  }
0xd: {  	[smem:$0x3FAF] =	sst s5  }
0xe: {  	[smem:$0x3FB0] =	sst s6  }
0xf: {  	[smem:$0x3FB1] =	sst s7  }
0x10: {  	[smem:$0x3FB2] =	sst s8  }
0x11: {  	[smem:$0x3FB3] =	sst s9;
	s0 =	simm.s32 @!p0 $0x0  }
0x12: {  	s1 =	sld [smem:$0x3F99];
	s0 =	simm.s32 @p0 $0x1  }
0x13: {  	[smem:$0x3FB4] =	sst s0;
	s0 =	simm.s32 @!p1 $0x0  }
0x14: {  	s2 =	sld [smem:$0x3F98];
	s0 =	simm.s32 @p1 $0x1  }
0x15: {  	[smem:$0x3FB5] =	sst s0;
	s0 =	simm.s32 @!p2 $0x0  }
0x16: {  	s3 =	sld [smem:$0x3FDB];
	s0 =	simm.s32 @p2 $0x1  }
0x17: {  	s4 =	simm.s32 $0x1BF5;
	[smem:$0x3FB7] =	sst s0  }
0x18: {  	s0 =	sld [smem:$0x3F9A];
	_ =	swait.ge [sflag:s4], $0x0  }
0x19: {  	s7 =	sld [smem:$0x3F9B]  }
0x1a: {  	s8 =	sadd.s32 $0xFFFFE003, lr  }
0x1b: {  	s9 =	sadd.s32 $0xFFFFFEF7, lr;
	s5 =	simm.s32 $0xFFFFFFFF;
	p2 =	slt.u32 s8, $0xFFFFF086  }
0x1c: {  	p1 =	slt.u32 s9, $0xF7A;
	s5 =	simm.s32 @!p2 $0x0  }
0x1d: {  	s5 =	simm.s32 @p1 $0x1;
	p0 =	seq.s32 s7, s2  }
0x1e: {  	s7 =	smul.u32 @!p0 $0xF7A, s2;
	p2 =	seq.s32 @!p0 s5, $0x0  }
0x1f: {  	s9 =	smul.u32 $0xF7A, s1;
	s8 =	simm.s32 @!p0 $0x1BF5;
	p2 =	por !p2, p0  }
0x20: {  	[sflag:s8] =	ssyncset.s32 @!p0 $0xFFFFF086;
	s6 =	sadd.s32 @!p0 s3, s7;
	s7 =	simm.s32 @!p0 $0x108  }
0x21: {  	s3 =	sadd.s32 s3, s9;
	s6 =	sadd.s32 @!p0 $0x88, s6;
	s7 =	simm.s32 @p2 $0x1082  }
0x22: {  	[simem:s7], [sflag:s8] =	dma.local @!p0 [hbm:s6], $0xF7A  }
0x23: {  	s9 =	sor.u32 $0xD0000000, s2;
	s6 =	simm.s32 $0x108;
	_ =	swait.ge @!p0 [sflag:s8], $0x0  }
0x24: {  	s3 =	sadd.s32 $0x88, s3;
	s6 =	simm.s32 @!p1 $0x1082;
	[sflag:s4] =	ssyncset.s32 $0xFFFFF086  }
0x25: {  	[simem:s6], [sflag:s4] =	dma.local [hbm:s3], $0xF7A  }
0x26: {  	[smem:$0x3F9B] =	sst s1;
	(tag) =	ssettag s2;
	_ =	strace s9  }
0x27: {  	s1 =	sld [smem:$0x3FAB]  }
0x28: {  	s2 =	sld [smem:$0x3FAC]  }
0x29: {  	s4 =	sld [smem:$0x3FAE]  }
0x2a: {  	p0 =	seq.s32 s5, $0x0;
	s5 =	sld [smem:$0x3FAF]  }
0x2b: {  	s6 =	sld [smem:$0x3FB0]  }
0x2c: {  	s7 =	sld [smem:$0x3FB1]  }
0x2d: {  	s3 =	simm.s32 $0x108;
	s8 =	sld [smem:$0x3FB2]  }
0x2e: {  	s3 =	simm.s32 @!p0 $0x1082;
	s9 =	sld [smem:$0x3FB3]  }
0x2f: {  	lr =	sadd.s32 s0, s3;
	s0 =	sld [smem:$0x3FAA]  }
0x30: {  	s3 =	sld [smem:$0x3FAD]  }
0x31: {  	[smem:$0x3FB6] =	sst s10  }
0x32: {  	s10 =	sld [smem:$0x3FB4];
	_ =	sdelay $0x3  }
0x33: {  	p0 =	seq.s32 s10, $0x1;
	s10 =	sld [smem:$0x3FB6];
	_ =	sdelay $0x3  }
0x34: {  	[smem:$0x3FB6] =	sst s10  }
0x35: {  	s10 =	sld [smem:$0x3FB5];
	_ =	sdelay $0x3  }
0x36: {  	p1 =	seq.s32 s10, $0x1;
	s10 =	sld [smem:$0x3FB6];
	_ =	sdelay $0x3  }
0x37: {  	[smem:$0x3FB6] =	sst s10  }
0x38: {  	s10 =	sld [smem:$0x3FB7]  }
0x39: {  	_ = 	snop;
	(pc) =	sbr.ind lr, $3  }
0x3a: {  	_ = 	snop  }
0x3b: {  	_ = 	snop  }
0x3c: {  	p2 =	seq.s32 s10, $0x1;
	s10 =	sld [smem:$0x3FB6]  }
0x3d: {  	_ =	shalt  }
0x3e: {  	_ =	shalt  }
0x3f: {  	_ =	shalt  }
0x40: {  	_ =	shalt  }
0x41: {  	_ =	shalt  }
0x42: {  	_ =	shalt  }
0x43: {  	_ =	shalt  }
0x44: {  	_ =	shalt  }
0x45: {  	_ =	shalt  }
0x46: {  	_ =	shalt  }
0x47: {  	_ =	shalt  }
0x48: {  	_ =	shalt  }
0x49: {  	_ =	shalt  }
0x4a: {  	_ =	shalt  }
0x4b: {  	_ =	shalt  }
0x4c: {  	_ =	shalt  }
0x4d: {  	_ =	shalt  }
0x4e: {  	_ =	shalt  }
0x4f: {  	_ =	shalt  }
0x50: {  	_ =	shalt  }
0x51: {  	_ =	shalt  }
0x52: {  	_ =	shalt  }
0x53: {  	_ =	shalt  }
0x54: {  	_ =	shalt  }
0x55: {  	_ =	shalt  }
0x56: {  	_ =	shalt  }
0x57: {  	_ =	shalt  }
0x58: {  	_ =	shalt  }
0x59: {  	_ =	shalt  }
0x5a: {  	_ =	shalt  }
0x5b: {  	_ =	shalt  }
0x5c: {  	_ =	shalt  }
0x5d: {  	_ =	shalt  }
0x5e: {  	_ =	shalt  }
0x5f: {  	_ =	shalt  }
0x60: {  	_ =	shalt  }
0x61: {  	_ =	shalt  }
0x62: {  	_ =	shalt  }
0x63: {  	_ =	shalt  }
0x64: {  	_ =	shalt  }
0x65: {  	_ =	shalt  }
0x66: {  	_ =	shalt  }
0x67: {  	_ =	shalt  }
0x68: {  	_ =	shalt  }
0x69: {  	_ =	shalt  }
0x6a: {  	_ =	shalt  }
0x6b: {  	_ =	shalt  }
0x6c: {  	_ =	shalt  }
0x6d: {  	_ =	shalt  }
0x6e: {  	_ =	shalt  }
0x6f: {  	_ =	shalt  }
0x70: {  	_ =	shalt  }
0x71: {  	_ =	shalt  }
0x72: {  	_ =	shalt  }
0x73: {  	_ =	shalt  }
0x74: {  	_ =	shalt  }
0x75: {  	_ =	shalt  }
0x76: {  	_ =	shalt  }
0x77: {  	_ =	shalt  }
0x78: {  	_ =	shalt  }
0x79: {  	_ =	shalt  }
0x7a: {  	_ =	shalt  }
0x7b: {  	_ =	shalt  }
0x7c: {  	_ =	shalt  }
0x7d: {  	_ =	shalt  }
0x7e: {  	_ =	shalt  }
0x7f: {  	_ =	shalt  }
0x80: {  	_ =	shalt  }
0x81: {  	_ =	shalt  }
0x82: {  	_ =	shalt  }
0x83: {  	_ =	shalt  }
0x84: {  	_ =	shalt  }
0x85: {  	_ =	shalt  }
0x86: {  	_ =	shalt  }
0x87: {  	_ =	shalt  }
.Lfunc_end0:
.L_simem_size_0:
called_computation.1_lowered:
.L_overlay_start_0:
0x88: {  	s2 =	sld [smem:$0x3FD9]  }
0x89: {  	s3 =	sld [smem:$0x3FFE];
	_ =	sdelay $0x1  }
0x8a: {  	s1 =	srdreg.scid  }
0x8b: {  	s0 =	sand.u32 $0x1, s1  }
0x8c: {  	s14 =	sshll.u32 s0, $0xA;
	s2 =	sadd.s32 s3, s2  }
0x8d: {  	s2 =	sadd.s32 s2, s14  }
0x8e: {  	[smem:$0x3FC2] =	sst s2  }
0x8f: {  	_ = 	snop  }
0x90: {  	s2 =	sld [smem:$0x3FD0];
	_ =	sdelay $0x2  }
0x91: {  	s15 =	simm.s32 $0xA;
	s4 =	simm.s32 $0x10  }
0x92: {  	[smem:s4], [sflag:s15] =	dma.local [hbm:s2], $0x1  }
0x93: {  	_ =	swait.eq [sflag:s15], $0x1  }
0x94: {  	[sflag:s15] =	ssyncset.done $0x0  }
0x95: {  	s16 =	sld [smem:$0x10];
	[sflag:s15] =	ssyncadd.s32 $0xFFFFFFFF  }
0x96: {  	s17 =	sld [smem:$0x12];
	(tm) =	ssettm $0x1  }
0x97: {  	s18 =	sld [smem:$0x3FFB];
	_ =	sdelay $0x3  }
0x98: {  	_ =	strace s18  }
0x99: {  	s4 =	sld [smem:$0x3FFC];
	_ =	sdelay $0x3  }
0x9a: {  	_ =	strace s4  }
0x9b: {  	s4 =	sld [smem:$0x3FFD];
	_ =	sdelay $0x3  }
0x9c: {  	_ =	strace s4  }
0x9d: {  	_ =	strace $0x8FFFFFFF  }
0x9e: {  	s19 =	sld [smem:$0x3FDB];
	_ =	sdelay $0x1  }
0x9f: {  	s5 =	simm.s32 $_scs_section_size  }
0xa0: {  	s6 =	simm.s32 $_size__tile_overlayer_lowered;
	s7 =	simm.s32 $_tile_overlayer_lowered  }
0xa1: {  	s22 =	simm.s32 $0x1BFF;
	s21 =	sshll.u32 s7, $0x1;
	s4 =	sadd.s32 s5, s19  }
0xa2: {  	s8 =	simm.s32 $0x0;
	s20 =	sshll.u32 s6, $0x1;
	s6 =	sadd.s32 s21, s4  }
0xa3: {  	[timem:s8], [sflag:s22] =	dma.local [hbm:s6], s20  }
0xa4: {  	_ =	swait.ge [sflag:s22], s20  }
0xa5: {  	s5 =	ssub.s32 $0x0, s20;
	[sflag:s22] =	ssyncset.done $0x0  }
0xa6: {  	[sflag:s22] =	ssyncadd.s32 s5;
	_ =	sdelay $0x1  }
0xa7: {  	s23 =	simm.s32 $0x1B8B  }
0xa8: {  	_ =	swait.ge [sflag:s23], $0x1  }
0xa9: {  	[sflag:s23] =	ssyncset.done $0x0  }
0xaa: {  	s25 =	simm.s32 $0x1B8E;
	s24 =	sld [smem:$0x3FFE];
	[sflag:s23] =	ssyncadd.s32 $0xFFFFFFFF  }
0xab: {  	s26 =	simm.s32 $execute0_lowered;
	[smem:$0x3FD2] =	sst s25  }
0xac: {  	s6 =	sshll.u32 s26, $0x1;
	_ =	strace $0x80000049;
	[dreg:$0x1] =	wrdreg $0xFFFFFFFF  }
0xad: {  	s28 =	simm.s32 $_size_execute0_lowered;
	s4 =	sadd.s32 s4, s6;
	[dreg:$0x0] =	wrdreg $0x0  }
0xae: {  	s6 =	sshll.u32 s28, $0x1;
	[dreg:$0x2] =	wrdreg s4  }
0xaf: {  	[dreg:$0x3] =	wrdreg s6  }
0xb0: {  	[dreg:$0x4] =	wrdreg $0xC0  }
0xb1: {  	_ =	task [dreg:s8], $0x5FFFF  }
0xb2: {  	[dreg:$0x1] =	wrdreg $0xFFFFFFFF  }
0xb3: {  	[dreg:$0x0] =	wrdreg $0x60  }
0xb4: {  	[dreg:$0x2] =	wrdreg s16  }
0xb5: {  	[dreg:$0x3] =	wrdreg s24  }
0xb6: {  	[dreg:$0x4] =	wrdreg s17  }
0xb7: {  	[dreg:$0x5] =	wrdreg $0xB3000  }
0xb8: {  	[dreg:$0x6] =	wrdreg $0x9  }
0xb9: {  	_ =	task.clear_ibuf [dreg:s8], $0x7FFFF;
	_ =	strace $0x90000049  }
0xba: {  	s29 =	simm.s32 $0x9;
	_ =	strace $0x8000004B  }
0xbb: {  	_ =	swait.ge [sflag:s29], $0x1  }
0xbc: {  	[sflag:s29] =	ssyncadd.s32 $0xFFFFFFFF  }
0xbd: {  	_ =	strace $0x9000004B  }
0xbe: {  	_ =	sfence  }
0xbf: {  	s30 =	sld [smem:$0x0];
	_ =	sdelay $0x2  }
0xc0: {  	s31 =	sshll.u32 s1, $0xD;
	s1 =	sshrl.u32 s1, $0x2  }
0xc1: {  	s3 =	sand.u32 $0x4000, s31;
	s1 =	sadd.s32 s1, s30  }
0xc2: {  	s0 =	sor.u32 s3, s0;
	s1 =	sshll.u32 s1, $0x11  }
0xc3: {  	s0 =	sor.u32 s1, s0  }
0xc4: {  	s0 =	sadd.s32 $0x8F2B, s0  }
0xc5: {  	[sflag:s0] =	ssyncadd.remote.s32 $0x1  }
0xc6: {  	_ =	sfence.sel $0xFFFF  }
0xc7: {  	[dreg:$0x0] =	wrdreg $0xFFFFFFFF;
	(pc) =	sbr.abs _section_cstart, $3  }
0xc8: {  	[dreg:$0x1] =	wrdreg $0xFFFFFFFF  }
0xc9: {  	_ =	task.clear_ibuf [dreg:s8], $0x2FFFF;
	_ =	strace $0x9FFFFFFF  }
0xca: {  	(tm) =	ssettm $0x7FFFFFFF  }
0xcb: {  	_ =	shalt  }
tec
execute0_lowered:
.L_overlay_start_1:
0x0: {  	(tag) =	ssettag $0x1  }
0x1: {  	s1 =	rddreg [dreg:$0x0]  }
0x2: {  	s0 =	rddreg [dreg:$0x1]  }
0x3: {  	s2 =	rddreg [dreg:$0x2]  }
0x4: {  	s3 =	rddreg [dreg:$0x3]  }
0x5: {  	s4 =	simm.s32 $0x0;
	s5 =	srdreg.scid;
	s15 =	stileid.u32  }
0x6: {  	s29 =	simm.s32 $0x3300;
	s30 =	simm.s32 $0x7;
	[smem:$0x7FF] =	sst s4  }
0x7: {  	s6 =	sadd.s32 $0xC200, s0;
	s7 =	sadd.s32 $0x16600, s0;
	s8 =	sadd.s32 $0xBA600, s0  }
0x8: {  	s5 =	sand.u32 $0x1, s5;
	s9 =	sadd.s32 $0xBF600, s0;
	s12 =	smul.u32 $0x50000, s15  }
0x9: {  	s10 =	sadd.s32 $0xC4600, s0;
	s14 =	sshll.u32 s15, $0x1;
	s15 =	smul.u32 $0x14000, s15  }
0xa: {  	_ =	strace $0x8000004A;
	s11 =	ssub.s32 $0x2, s5;
	s14 =	sor.u32 s5, s14  }
0xb: {  	p0 =	seq.s32 s5, $0x1;
	s5 =	simm.s32 $0x190600;
	s13 =	sshrl.u32 s11, $0x1  }
0xc: {  	s12 =	sshrl.u32 s12, $0x2;
	s18 =	smul.u32 $0x2900, s14;
	s17 =	sadd.s32 s15, s3  }
0xd: {  	s5 =	simm.s32 @!p0 $0x168600;
	s25 =	smul.u32 $0x5200, s14;
	s26 =	sshrl.u32 s15, $0x3  }
0xe: {  	s15 =	simm.s32 $0xB00;
	s11 =	ssub.s32 s11, s13;
	s12 =	sadd.s32 s12, s3  }
0xf: {  	s0 =	sadd.s32 s5, s0;
	[dreg:$0x5] =	wrdreg s17;
	s16 =	sadd.s32 $0x4000, s12  }
0x10: {  	s13 =	simm.s32 $0x1;
	s19 =	sadd.s32 $0x8000, s12;
	[dreg:$0x6] =	wrdreg s16  }
0x11: {  	s20 =	sadd.s32 $0xC000, s12;
	s12 =	sadd.s32 $0x10000, s12;
	[dreg:$0x7] =	wrdreg s19  }
0x12: {  	s21 =	sshrl.u32 s18, $0x3;
	s5 =	sadd.s32 s7, s25;
	[dreg:$0x8] =	wrdreg s20  }
0x13: {  	s0 =	sadd.s32 s0, s26;
	s31 =	smax.u32 s11, $0x1;
	[dreg:$0x9] =	wrdreg s12  }
0x14: {  	s22 =	sadd.s32 s1, s21;
	s23 =	sadd.s32 s6, s21;
	[dreg:$0xe] =	wrdreg s5  }
0x15: {  	s12 =	sor.u32 $0x10, s21;
	s20 =	smul.u32 $0x29000, s14;
	[dreg:$0xf] =	wrdreg s0  }
0x16: {  	[dreg:$0x10] =	wrdreg s31;
	s0 =	simm.s32 $0x80;
	s5 =	simm.s32 $0x180  }
0x17: {  	s14 =	simm.s32 $0x4;
	s21 =	simm.s32 $0x2;
	[dreg:$0xa] =	wrdreg s22  }
0x18: {  	s16 =	simm.s32 $0x0;
	[dreg:$0xb] =	wrdreg s23;
	s24 =	sadd.s32 s1, s12  }
0x19: {  	v0 =	vimm.f32 $0.0e+00;
	v1 =	vimm.s32 $0x0;
	v2 =	vimm.s32 $0x1;
	s12 =	sadd.s32 s6, s12;
	s23 =	sadd.s32 $0x100, s18;
	[dreg:$0xc] =	wrdreg s24  }
0x1a: {  	v3 =	vimm.s32 $0x2;
	v4 =	vimm.s32 $0x3;
	v5 =	vimm.s32 $0x4;
	[dreg:$0xd] =	wrdreg s12;
	s24 =	sadd.s32 $0x180, s18;
	s26 =	sor.u32 $0x800, s20  }
0x1b: {  	v6 =	vimm.s32 $0x5;
	v7 =	vimm.s32 $0x6;
	v8 =	vimm.s32 $0x7;
	s28 =	sadd.s32 $0x1000, s20;
	s12 =	simm.s32 $0x300;
	s18 =	simm.s32 $0x7300  }
.LBB2_1:
0x1c: {  	[dreg:$0x11] =	wrdreg s16;
	s11 =	simm.s32 $0x0;
	s16 =	simm.s32 $0x200  }
.LBB2_2:
0x1d: {  	p0 =	sne.s32 s16, $0xFE00;
	[tilespmem:s11+$0x3370] =	vst v0  }
0x1e: {  	[tilespmem:s11+$0x3300] =	vst v0  }
0x1f: {  	[tilespmem:s11+$0x3310] =	vst v0  }
.Ltmp0:
0x20: {  	[tilespmem:s11+$0x3320] =	vst v0;
	(pc) =	sbr.rel @p0 .LBB2_2-.Ltmp0, $4  }
0x21: {  	[tilespmem:s11+$0x3330] =	vst v0  }
0x22: {  	[tilespmem:s11+$0x3340] =	vst v0  }
0x23: {  	[tilespmem:s11+$0x3350] =	vst v0  }
0x24: {  	[tilespmem:s11+$0x3360] =	vst v0;
	s11 =	sshra.s32 s16, $0x2;
	s16 =	sadd.s32 $0x200, s16  }
0x25: {  	[tilespmem:s11+$0x3370] =	vst v0  }
0x26: {  	[tilespmem:s11+$0x3300] =	vst v0  }
0x27: {  	[tilespmem:s11+$0x3310] =	vst v0  }
0x28: {  	[tilespmem:s11+$0x3320] =	vst v0  }
0x29: {  	[tilespmem:s11+$0x3330] =	vst v0  }
0x2a: {  	[tilespmem:s11+$0x3340] =	vst v0  }
0x2b: {  	[tilespmem:s11+$0x3350] =	vst v0  }
0x2c: {  	[tilespmem:s11+$0x3360] =	vst v0  }
0x2d: {  	[spmem:s17] =	stream.linear.scatter [tilespmem:s29], [sflag:$0x7], $0x4000, $0x38;
	[tilespmem:$0x1F300] =	vst v63  }
0x2e: {  	_ =	swait.ge [sflag:s30], $0x4000  }
0x2f: {  	[sflag:s30] =	ssyncset.done $0x0  }
0x30: {  	s22 =	rddreg [dreg:$0x6];
	[sflag:s30] =	ssyncadd.s32 $0xFFFFC000  }
0x31: {  	[spmem:s22] =	stream.linear.scatter [tilespmem:s29], [sflag:$0x7], $0x4000, $0x38;
	[tilespmem:$0x1F300] =	vst v63  }
0x32: {  	_ =	swait.ge [sflag:s30], $0x4000  }
0x33: {  	[sflag:s30] =	ssyncset.done $0x0  }
0x34: {  	s25 =	rddreg [dreg:$0x7];
	[sflag:s30] =	ssyncadd.s32 $0xFFFFC000  }
0x35: {  	[spmem:s25] =	stream.linear.scatter [tilespmem:s29], [sflag:$0x7], $0x4000, $0x38;
	[tilespmem:$0x1F300] =	vst v63  }
0x36: {  	_ =	swait.ge [sflag:s30], $0x4000  }
0x37: {  	[sflag:s30] =	ssyncset.done $0x0  }
0x38: {  	s16 =	rddreg [dreg:$0x8];
	[sflag:s30] =	ssyncadd.s32 $0xFFFFC000  }
0x39: {  	[spmem:s16] =	stream.linear.scatter [tilespmem:s29], [sflag:$0x7], $0x4000, $0x38;
	[tilespmem:$0x1F300] =	vst v63  }
0x3a: {  	_ =	swait.ge [sflag:s30], $0x4000  }
0x3b: {  	[sflag:s30] =	ssyncset.done $0x0  }
0x3c: {  	s17 =	rddreg [dreg:$0x9];
	[sflag:s30] =	ssyncadd.s32 $0xFFFFC000  }
0x3d: {  	[spmem:s17] =	stream.linear.scatter [tilespmem:s29], [sflag:$0x7], $0x4000, $0x38;
	[tilespmem:$0x1F300] =	vst v63  }
0x3e: {  	_ =	swait.ge [sflag:s30], $0x4000  }
0x3f: {  	[sflag:s30] =	ssyncset.done $0x0  }
0x40: {  	[sflag:s30] =	ssyncadd.s32 $0xFFFFC000  }
0x41: {  	[bflag:$0x0] =	sbarrier.arrive $0xFFFF  }
0x42: {  	s31 =	simm.s32 $0x0;
	s19 =	rddreg [dreg:$0xa]  }
0x43: {  	[tilespmem:s31], [sflag:$0x7] =	stream.linear.gather [hbm4b:s19+s31], $0x80, $0x38;
	[tilespmem:$0x1F300] =	vst v63  }
0x44: {  	_ =	swait.ge [sflag:s30], $0x80  }
0x45: {  	[sflag:s30] =	ssyncset.done $0x0  }
0x46: {  	s16 =	simm.s32 $0x100;
	s22 =	rddreg [dreg:$0xb];
	[sflag:s30] =	ssyncadd.s32 $0xFFFFFF80  }
0x47: {  	[tilespmem:s16], [sflag:$0x7] =	stream.linear.gather [hbm4b:s22+s31], $0x80, $0x38;
	[tilespmem:$0x1F300] =	vst v63  }
0x48: {  	_ =	swait.ge [sflag:s30], $0x80  }
0x49: {  	[sflag:s30] =	ssyncset.done $0x0  }
0x4a: {  	s25 =	rddreg [dreg:$0xc];
	[sflag:s30] =	ssyncadd.s32 $0xFFFFFF80  }
0x4b: {  	[tilespmem:s0], [sflag:$0x4] =	stream.linear.gather [hbm4b:s25+s31], $0x80, $0x38;
	[tilespmem:$0x1F300] =	vst v63  }
0x4c: {  	s17 =	rddreg [dreg:$0xd]  }
0x4d: {  	[tilespmem:s5], [sflag:$0x4] =	stream.linear.gather [hbm4b:s17+s31], $0x80, $0x38;
	[tilespmem:$0x1F300] =	vst v63  }
0x4e: {  	s19 =	rddreg [dreg:$0xe]  }
0x4f: {  	[tilespmem:s12], [sflag:$0x1] =	stream.linear.gather [hbm4b:s19+s31], $0x800, $0x38;
	[tilespmem:$0x1F300] =	vst v63  }
0x50: {  	s22 =	simm.s32 $0x1300  }
0x51: {  	[tilespmem:s22], [sflag:$0x1] =	stream.indirect.gather [hbm4b:s8+s0], $0x10, s16, s0, $0xb8;
	[tilespmem:$0x1F300] =	vst v63  }
0x52: {  	s25 =	simm.s32 $0x2300  }
0x53: {  	[tilespmem:s25], [sflag:$0x1] =	stream.indirect.gather [hbm4b:s9+s0], $0x10, s16, s0, $0xb8;
	[tilespmem:$0x1F300] =	vst v63  }
0x54: {  	_ = 	snop  }
0x55: {  	[tilespmem:s29], [sflag:$0x1] =	stream.indirect.gather [hbm4b:s2+s0], $0x80, s31, s0, $0xb8;
	[tilespmem:$0x1F300] =	vst v63  }
.LBB2_4:
0x56: {  	_ =	swait.ge [sflag:s13], $0x800  }
0x57: {  	[sflag:s13] =	ssyncset.done $0x0  }
0x58: {  	[sflag:s13] =	ssyncadd.s32 $0xFFFFF800  }
0x59: {  	_ =	swait.ge [sflag:s13], $0x800  }
0x5a: {  	[sflag:s13] =	ssyncset.done $0x0  }
0x5b: {  	[sflag:s13] =	ssyncadd.s32 $0xFFFFF800  }
0x5c: {  	_ =	swait.ge [sflag:s13], $0x800  }
0x5d: {  	[sflag:s13] =	ssyncset.done $0x0  }
0x5e: {  	[sflag:s13] =	ssyncadd.s32 $0xFFFFF800  }
0x5f: {  	_ =	swait.ge [sflag:s13], $0x4000  }
0x60: {  	[sflag:s13] =	ssyncset.done $0x0  }
0x61: {  	[sflag:s13] =	ssyncadd.s32 $0xFFFFC000  }
0x62: {  	v9 =	vld [tilespmem:$0x100]  }
0x63: {  	v10 =	vld [tilespmem:$0x110]  }
0x64: {  	v11 =	vld [tilespmem:$0x120]  }
0x65: {  	v12 =	vld [tilespmem:$0x130]  }
0x66: {  	v13 =	vld [tilespmem:$0x140]  }
0x67: {  	[tilespmem:$0x200] =	vst v9;
	v9 =	vld [tilespmem:$0x150]  }
0x68: {  	[tilespmem:$0x210] =	vst v10;
	v10 =	vld [tilespmem:$0x160]  }
0x69: {  	[tilespmem:$0x220] =	vst v11;
	v11 =	vld [tilespmem:$0x170]  }
0x6a: {  	[tilespmem:$0x230] =	vst v12  }
0x6b: {  	[tilespmem:$0x240] =	vst v13  }
0x6c: {  	[tilespmem:$0x250] =	vst v9  }
0x6d: {  	p0 =	seq.s32 s31, $0x0;
	[tilespmem:$0x260] =	vst v10  }
0x6e: {  	s11 =	simm.s32 @!p0 $0x6;
	[tilespmem:$0x270] =	vst v11  }
0x6f: {  	_ =	swait.ge @!p0 [sflag:s11], $0x800  }
0x70: {  	[sflag:s11] =	ssyncset.done @!p0 $0x0  }
0x71: {  	[sflag:s11] =	ssyncadd.s32 @!p0 $0xFFFFF800  }
0x72: {  	_ =	swait.ge [sflag:s14], $0x80  }
0x73: {  	[sflag:s14] =	ssyncset.done $0x0  }
0x74: {  	s16 =	sshll.u32 s31, $0xC;
	[sflag:s14] =	ssyncadd.s32 $0xFFFFFF80  }
0x75: {  	s19 =	sadd.s32 s16, s26;
	_ =	swait.ge [sflag:s14], $0x80  }
0x76: {  	s11 =	sshrl.u32 s19, $0x3;
	[sflag:s14] =	ssyncset.done $0x0  }
0x77: {  	s17 =	sadd.s32 s7, s11;
	[sflag:s14] =	ssyncadd.s32 $0xFFFFFF80  }
0x78: {  	[tilespmem:s15], [sflag:$0x2] =	stream.linear.gather [hbm4b:s17+s4], $0x800, $0x38;
	[tilespmem:$0x1F300] =	vst v63  }
0x79: {  	s22 =	simm.s32 $0x1B00  }
0x7a: {  	[tilespmem:s22], [sflag:$0x2] =	stream.indirect.gather [hbm4b:s8+s0], $0x10, s5, s0, $0xb8;
	[tilespmem:$0x1F300] =	vst v63  }
0x7b: {  	s25 =	simm.s32 $0x2B00;
	p0 =	seq.s32 s31, $0x28  }
0x7c: {  	[tilespmem:s25], [sflag:$0x2] =	stream.indirect.gather [hbm4b:s9+s0], $0x10, s5, s0, $0xb8;
	[tilespmem:$0x1F300] =	vst v63  }
0x7d: {  	s25 =	sshll.u32 @!p0 s31, $0x8  }
0x7e: {  	s17 =	sadd.s32 @!p0 s25, s23  }
0x7f: {  	[tilespmem:s18], [sflag:$0x2] =	stream.indirect.gather [hbm4b:s2+s0], $0x80, s0, s0, $0xb8;
	[tilespmem:$0x1F300] =	vst v63  }
0x80: {  	s17 =	sshrl.u32 @!p0 s17, $0x3  }
0x81: {  	s22 =	simm.s32 @!p0 $0x0;
	s19 =	sadd.s32 @!p0 s1, s17  }
0x82: {  	[tilespmem:s22], [sflag:$0x3] =	stream.linear.gather @!p0 [hbm4b:s19+s22], $0x80, $0x38;
	[tilespmem:$0x1F300] =	vst v63  }
0x83: {  	s17 =	sadd.s32 @!p0 s6, s17;
	s19 =	simm.s32 @!p0 $0x100  }
0x84: {  	[tilespmem:s19], [sflag:$0x3] =	stream.linear.gather @!p0 [hbm4b:s17+s22], $0x80, $0x38;
	[tilespmem:$0x1F300] =	vst v63  }
0x85: {  	s17 =	simm.s32 $0x3500;
	s19 =	simm.s32 $0x0  }
.LBB2_5:
0x86: {  	s22 =	sshra.s32 s19, $0x2  }
0x87: {  	v9 =	vld [tilespmem:s22+$0x1300]  }
0x88: {  	v10 =	vld [tilespmem:s22+$0x2300];
	_ =	sdelay $0x4  }
0x89: {  	v9 =	vadd.f32 v10, v9;
	_ =	sdelay $0x1  }
0x8a: {  	v9 =	vadd.f32 $1.000000020e-16, v9;
	_ =	sdelay $0x1  }
0x8b: {  	(erf) = vrcp.f32 v9;
	_ =	sdelay $0x4  }
0x8c: {  	v9 =	vld [tilespmem:s22+$0x300];
	_ =	sdelay $0x3  }
0x8d: {  	v10 =	vpop (erf)  }
0x8e: {  	v9 =	vmul.f32 v10, v9;
	_ =	sdelay $0x1  }
0x8f: {  	[tilespmem:s22+$0x300] =	vst v9  }
0x90: {  	v10 =	vld [tilespmem:s17+$0xFFFFFE00];
	_ =	sdelay $0x2  }
0x91: {  	v11 =	vperm.xlane v9, v1;
	_ =	sdelay $0x1  }
0x92: {  	v10 =	vmul.f32 v10, v11;
	_ =	sdelay $0x1  }
0x93: {  	[tilespmem:s17+$0xFFFFFE00] =	vst v10;
	v10 =	vld [tilespmem:s17+$0xFFFFFE10];
	_ =	sdelay $0x2  }
0x94: {  	v11 =	vperm.xlane v9, v2;
	_ =	sdelay $0x1  }
0x95: {  	v10 =	vmul.f32 v10, v11;
	_ =	sdelay $0x1  }
0x96: {  	[tilespmem:s17+$0xFFFFFE10] =	vst v10;
	v10 =	vld [tilespmem:s17+$0xFFFFFE20];
	_ =	sdelay $0x2  }
0x97: {  	v11 =	vperm.xlane v9, v3;
	_ =	sdelay $0x1  }
0x98: {  	v10 =	vmul.f32 v10, v11;
	_ =	sdelay $0x1  }
0x99: {  	[tilespmem:s17+$0xFFFFFE20] =	vst v10;
	v10 =	vld [tilespmem:s17+$0xFFFFFE30];
	_ =	sdelay $0x2  }
0x9a: {  	v11 =	vperm.xlane v9, v4;
	_ =	sdelay $0x1  }
0x9b: {  	v10 =	vmul.f32 v10, v11;
	_ =	sdelay $0x1  }
0x9c: {  	[tilespmem:s17+$0xFFFFFE30] =	vst v10;
	v10 =	vld [tilespmem:s17+$0xFFFFFE40];
	_ =	sdelay $0x2  }
0x9d: {  	v11 =	vperm.xlane v9, v5;
	_ =	sdelay $0x1  }
0x9e: {  	v10 =	vmul.f32 v10, v11;
	_ =	sdelay $0x1  }
0x9f: {  	[tilespmem:s17+$0xFFFFFE40] =	vst v10;
	v10 =	vld [tilespmem:s17+$0xFFFFFE50];
	_ =	sdelay $0x2  }
0xa0: {  	v11 =	vperm.xlane v9, v6;
	_ =	sdelay $0x1  }
0xa1: {  	v10 =	vmul.f32 v10, v11;
	_ =	sdelay $0x1  }
0xa2: {  	[tilespmem:s17+$0xFFFFFE50] =	vst v10;
	v10 =	vld [tilespmem:s17+$0xFFFFFE60];
	_ =	sdelay $0x2  }
0xa3: {  	v11 =	vperm.xlane v9, v7;
	_ =	sdelay $0x1  }
0xa4: {  	v10 =	vmul.f32 v10, v11;
	_ =	sdelay $0x1  }
0xa5: {  	[tilespmem:s17+$0xFFFFFE60] =	vst v10;
	v10 =	vld [tilespmem:s17+$0xFFFFFE70];
	_ =	sdelay $0x2  }
0xa6: {  	v9 =	vperm.xlane v9, v8;
	_ =	sdelay $0x1  }
0xa7: {  	v9 =	vmul.f32 v10, v9;
	_ =	sdelay $0x1  }
0xa8: {  	[tilespmem:s17+$0xFFFFFE70] =	vst v9  }
0xa9: {  	v9 =	vld [tilespmem:s22+$0x1310]  }
0xaa: {  	v10 =	vld [tilespmem:s22+$0x2310];
	_ =	sdelay $0x4  }
0xab: {  	v9 =	vadd.f32 v10, v9;
	_ =	sdelay $0x1  }
0xac: {  	v9 =	vadd.f32 $1.000000020e-16, v9;
	_ =	sdelay $0x1  }
0xad: {  	(erf) = vrcp.f32 v9;
	_ =	sdelay $0x4  }
0xae: {  	v9 =	vld [tilespmem:s22+$0x310];
	_ =	sdelay $0x3  }
0xaf: {  	v10 =	vpop (erf)  }
0xb0: {  	v9 =	vmul.f32 v10, v9;
	_ =	sdelay $0x1  }
0xb1: {  	[tilespmem:s22+$0x310] =	vst v9  }
0xb2: {  	v10 =	vld [tilespmem:s17+$0xFFFFFE80];
	_ =	sdelay $0x2  }
0xb3: {  	v11 =	vperm.xlane v9, v1;
	_ =	sdelay $0x1  }
0xb4: {  	v10 =	vmul.f32 v10, v11;
	_ =	sdelay $0x1  }
0xb5: {  	[tilespmem:s17+$0xFFFFFE80] =	vst v10;
	v10 =	vld [tilespmem:s17+$0xFFFFFE90];
	_ =	sdelay $0x2  }
0xb6: {  	v11 =	vperm.xlane v9, v2;
	_ =	sdelay $0x1  }
0xb7: {  	v10 =	vmul.f32 v10, v11;
	_ =	sdelay $0x1  }
0xb8: {  	[tilespmem:s17+$0xFFFFFE90] =	vst v10;
	v10 =	vld [tilespmem:s17+$0xFFFFFEA0];
	_ =	sdelay $0x2  }
0xb9: {  	v11 =	vperm.xlane v9, v3;
	_ =	sdelay $0x1  }
0xba: {  	v10 =	vmul.f32 v10, v11;
	_ =	sdelay $0x1  }
0xbb: {  	[tilespmem:s17+$0xFFFFFEA0] =	vst v10;
	v10 =	vld [tilespmem:s17+$0xFFFFFEB0];
	_ =	sdelay $0x2  }
0xbc: {  	v11 =	vperm.xlane v9, v4;
	_ =	sdelay $0x1  }
0xbd: {  	v10 =	vmul.f32 v10, v11;
	_ =	sdelay $0x1  }
0xbe: {  	[tilespmem:s17+$0xFFFFFEB0] =	vst v10;
	v10 =	vld [tilespmem:s17+$0xFFFFFEC0];
	_ =	sdelay $0x2  }
0xbf: {  	v11 =	vperm.xlane v9, v5;
	_ =	sdelay $0x1  }
0xc0: {  	v10 =	vmul.f32 v10, v11;
	_ =	sdelay $0x1  }
0xc1: {  	[tilespmem:s17+$0xFFFFFEC0] =	vst v10;
	v10 =	vld [tilespmem:s17+$0xFFFFFED0];
	_ =	sdelay $0x2  }
0xc2: {  	v11 =	vperm.xlane v9, v6;
	_ =	sdelay $0x1  }
0xc3: {  	v10 =	vmul.f32 v10, v11;
	_ =	sdelay $0x1  }
0xc4: {  	[tilespmem:s17+$0xFFFFFED0] =	vst v10;
	v10 =	vld [tilespmem:s17+$0xFFFFFEE0];
	_ =	sdelay $0x2  }
0xc5: {  	v11 =	vperm.xlane v9, v7;
	_ =	sdelay $0x1  }
0xc6: {  	v10 =	vmul.f32 v10, v11;
	_ =	sdelay $0x1  }
0xc7: {  	[tilespmem:s17+$0xFFFFFEE0] =	vst v10;
	v10 =	vld [tilespmem:s17+$0xFFFFFEF0];
	_ =	sdelay $0x2  }
0xc8: {  	v9 =	vperm.xlane v9, v8;
	_ =	sdelay $0x1  }
0xc9: {  	v9 =	vmul.f32 v10, v9;
	_ =	sdelay $0x1  }
0xca: {  	[tilespmem:s17+$0xFFFFFEF0] =	vst v9  }
0xcb: {  	v9 =	vld [tilespmem:s22+$0x1320]  }
0xcc: {  	v10 =	vld [tilespmem:s22+$0x2320];
	_ =	sdelay $0x4  }
0xcd: {  	v9 =	vadd.f32 v10, v9;
	_ =	sdelay $0x1  }
0xce: {  	v9 =	vadd.f32 $1.000000020e-16, v9;
	_ =	sdelay $0x1  }
0xcf: {  	(erf) = vrcp.f32 v9;
	_ =	sdelay $0x4  }
0xd0: {  	v9 =	vld [tilespmem:s22+$0x320];
	_ =	sdelay $0x3  }
0xd1: {  	v10 =	vpop (erf)  }
0xd2: {  	v9 =	vmul.f32 v10, v9;
	_ =	sdelay $0x1  }
0xd3: {  	[tilespmem:s22+$0x320] =	vst v9  }
0xd4: {  	v10 =	vld [tilespmem:s17+$0xFFFFFF00];
	_ =	sdelay $0x2  }
0xd5: {  	v11 =	vperm.xlane v9, v1;
	_ =	sdelay $0x1  }
0xd6: {  	v10 =	vmul.f32 v10, v11;
	_ =	sdelay $0x1  }
0xd7: {  	[tilespmem:s17+$0xFFFFFF00] =	vst v10;
	v10 =	vld [tilespmem:s17+$0xFFFFFF10];
	_ =	sdelay $0x2  }
0xd8: {  	v11 =	vperm.xlane v9, v2;
	_ =	sdelay $0x1  }
0xd9: {  	v10 =	vmul.f32 v10, v11;
	_ =	sdelay $0x1  }
0xda: {  	[tilespmem:s17+$0xFFFFFF10] =	vst v10;
	v10 =	vld [tilespmem:s17+$0xFFFFFF20];
	_ =	sdelay $0x2  }
0xdb: {  	v11 =	vperm.xlane v9, v3;
	_ =	sdelay $0x1  }
0xdc: {  	v10 =	vmul.f32 v10, v11;
	_ =	sdelay $0x1  }
0xdd: {  	[tilespmem:s17+$0xFFFFFF20] =	vst v10;
	v10 =	vld [tilespmem:s17+$0xFFFFFF30];
	_ =	sdelay $0x2  }
0xde: {  	v11 =	vperm.xlane v9, v4;
	_ =	sdelay $0x1  }
0xdf: {  	v10 =	vmul.f32 v10, v11;
	_ =	sdelay $0x1  }
0xe0: {  	[tilespmem:s17+$0xFFFFFF30] =	vst v10;
	v10 =	vld [tilespmem:s17+$0xFFFFFF40];
	_ =	sdelay $0x2  }
0xe1: {  	v11 =	vperm.xlane v9, v5;
	_ =	sdelay $0x1  }
0xe2: {  	v10 =	vmul.f32 v10, v11;
	_ =	sdelay $0x1  }
0xe3: {  	[tilespmem:s17+$0xFFFFFF40] =	vst v10;
	v10 =	vld [tilespmem:s17+$0xFFFFFF50];
	_ =	sdelay $0x2  }
0xe4: {  	v11 =	vperm.xlane v9, v6;
	_ =	sdelay $0x1  }
0xe5: {  	v10 =	vmul.f32 v10, v11;
	_ =	sdelay $0x1  }
0xe6: {  	[tilespmem:s17+$0xFFFFFF50] =	vst v10;
	v10 =	vld [tilespmem:s17+$0xFFFFFF60];
	_ =	sdelay $0x2  }
0xe7: {  	v11 =	vperm.xlane v9, v7;
	_ =	sdelay $0x1  }
0xe8: {  	v10 =	vmul.f32 v10, v11;
	_ =	sdelay $0x1  }
0xe9: {  	[tilespmem:s17+$0xFFFFFF60] =	vst v10;
	v10 =	vld [tilespmem:s17+$0xFFFFFF70];
	_ =	sdelay $0x2  }
0xea: {  	v9 =	vperm.xlane v9, v8;
	_ =	sdelay $0x1  }
0xeb: {  	v9 =	vmul.f32 v10, v9;
	_ =	sdelay $0x1  }
0xec: {  	[tilespmem:s17+$0xFFFFFF70] =	vst v9  }
0xed: {  	v9 =	vld [tilespmem:s22+$0x1330]  }
0xee: {  	v10 =	vld [tilespmem:s22+$0x2330];
	_ =	sdelay $0x4  }
0xef: {  	v9 =	vadd.f32 v10, v9;
	_ =	sdelay $0x1  }
0xf0: {  	v9 =	vadd.f32 $1.000000020e-16, v9;
	_ =	sdelay $0x1  }
0xf1: {  	(erf) = vrcp.f32 v9;
	_ =	sdelay $0x4  }
0xf2: {  	v9 =	vld [tilespmem:s22+$0x330];
	_ =	sdelay $0x3  }
0xf3: {  	v10 =	vpop (erf)  }
0xf4: {  	v9 =	vmul.f32 v10, v9;
	_ =	sdelay $0x1  }
0xf5: {  	[tilespmem:s22+$0x330] =	vst v9  }
0xf6: {  	v10 =	vld [tilespmem:s17+$0xFFFFFF80];
	_ =	sdelay $0x2  }
0xf7: {  	v11 =	vperm.xlane v9, v1;
	_ =	sdelay $0x1  }
0xf8: {  	v10 =	vmul.f32 v10, v11;
	_ =	sdelay $0x1  }
0xf9: {  	[tilespmem:s17+$0xFFFFFF80] =	vst v10;
	v10 =	vld [tilespmem:s17+$0xFFFFFF90];
	_ =	sdelay $0x2  }
0xfa: {  	v11 =	vperm.xlane v9, v2;
	_ =	sdelay $0x1  }
0xfb: {  	v10 =	vmul.f32 v10, v11;
	_ =	sdelay $0x1  }
0xfc: {  	[tilespmem:s17+$0xFFFFFF90] =	vst v10;
	v10 =	vld [tilespmem:s17+$0xFFFFFFA0];
	_ =	sdelay $0x2  }
0xfd: {  	v11 =	vperm.xlane v9, v3;
	_ =	sdelay $0x1  }
0xfe: {  	v10 =	vmul.f32 v10, v11;
	_ =	sdelay $0x1  }
0xff: {  	[tilespmem:s17+$0xFFFFFFA0] =	vst v10;
	v10 =	vld [tilespmem:s17+$0xFFFFFFB0];
	_ =	sdelay $0x2  }
0x100: {  	v11 =	vperm.xlane v9, v4;
	_ =	sdelay $0x1  }
0x101: {  	v10 =	vmul.f32 v10, v11;
	_ =	sdelay $0x1  }
0x102: {  	[tilespmem:s17+$0xFFFFFFB0] =	vst v10;
	v10 =	vld [tilespmem:s17+$0xFFFFFFC0];
	_ =	sdelay $0x2  }
0x103: {  	v11 =	vperm.xlane v9, v5;
	_ =	sdelay $0x1  }
0x104: {  	v10 =	vmul.f32 v10, v11;
	_ =	sdelay $0x1  }
0x105: {  	[tilespmem:s17+$0xFFFFFFC0] =	vst v10;
	v10 =	vld [tilespmem:s17+$0xFFFFFFD0];
	_ =	sdelay $0x2  }
0x106: {  	v11 =	vperm.xlane v9, v6;
	_ =	sdelay $0x1  }
0x107: {  	v10 =	vmul.f32 v10, v11;
	_ =	sdelay $0x1  }
0x108: {  	[tilespmem:s17+$0xFFFFFFD0] =	vst v10;
	v10 =	vld [tilespmem:s17+$0xFFFFFFE0];
	_ =	sdelay $0x2  }
0x109: {  	v11 =	vperm.xlane v9, v7;
	_ =	sdelay $0x1  }
0x10a: {  	v10 =	vmul.f32 v10, v11;
	_ =	sdelay $0x1  }
0x10b: {  	[tilespmem:s17+$0xFFFFFFE0] =	vst v10;
	v10 =	vld [tilespmem:s17+$0xFFFFFFF0];
	_ =	sdelay $0x2  }
0x10c: {  	v9 =	vperm.xlane v9, v8;
	_ =	sdelay $0x1  }
0x10d: {  	v9 =	vmul.f32 v10, v9;
	_ =	sdelay $0x1  }
0x10e: {  	[tilespmem:s17+$0xFFFFFFF0] =	vst v9  }
0x10f: {  	v9 =	vld [tilespmem:s22+$0x1340]  }
0x110: {  	v10 =	vld [tilespmem:s22+$0x2340];
	_ =	sdelay $0x4  }
0x111: {  	v9 =	vadd.f32 v10, v9;
	_ =	sdelay $0x1  }
0x112: {  	v9 =	vadd.f32 $1.000000020e-16, v9;
	_ =	sdelay $0x1  }
0x113: {  	(erf) = vrcp.f32 v9;
	_ =	sdelay $0x4  }
0x114: {  	v9 =	vld [tilespmem:s22+$0x340];
	_ =	sdelay $0x3  }
0x115: {  	v10 =	vpop (erf)  }
0x116: {  	v9 =	vmul.f32 v10, v9;
	_ =	sdelay $0x1  }
0x117: {  	[tilespmem:s22+$0x340] =	vst v9  }
0x118: {  	v10 =	vld [tilespmem:s17+$0x0];
	_ =	sdelay $0x2  }
0x119: {  	v11 =	vperm.xlane v9, v1;
	_ =	sdelay $0x1  }
0x11a: {  	v10 =	vmul.f32 v10, v11;
	_ =	sdelay $0x1  }
0x11b: {  	[tilespmem:s17+$0x0] =	vst v10;
	v10 =	vld [tilespmem:s17+$0x10];
	_ =	sdelay $0x2  }
0x11c: {  	v11 =	vperm.xlane v9, v2;
	_ =	sdelay $0x1  }
0x11d: {  	v10 =	vmul.f32 v10, v11;
	_ =	sdelay $0x1  }
0x11e: {  	[tilespmem:s17+$0x10] =	vst v10;
	v10 =	vld [tilespmem:s17+$0x20];
	_ =	sdelay $0x2  }
0x11f: {  	v11 =	vperm.xlane v9, v3;
	_ =	sdelay $0x1  }
0x120: {  	v10 =	vmul.f32 v10, v11;
	_ =	sdelay $0x1  }
0x121: {  	[tilespmem:s17+$0x20] =	vst v10;
	v10 =	vld [tilespmem:s17+$0x30];
	_ =	sdelay $0x2  }
0x122: {  	v11 =	vperm.xlane v9, v4;
	_ =	sdelay $0x1  }
0x123: {  	v10 =	vmul.f32 v10, v11;
	_ =	sdelay $0x1  }
0x124: {  	[tilespmem:s17+$0x30] =	vst v10;
	v10 =	vld [tilespmem:s17+$0x40];
	_ =	sdelay $0x2  }
0x125: {  	v11 =	vperm.xlane v9, v5;
	_ =	sdelay $0x1  }
0x126: {  	v10 =	vmul.f32 v10, v11;
	_ =	sdelay $0x1  }
0x127: {  	[tilespmem:s17+$0x40] =	vst v10;
	v10 =	vld [tilespmem:s17+$0x50];
	_ =	sdelay $0x2  }
0x128: {  	v11 =	vperm.xlane v9, v6;
	_ =	sdelay $0x1  }
0x129: {  	v10 =	vmul.f32 v10, v11;
	_ =	sdelay $0x1  }
0x12a: {  	[tilespmem:s17+$0x50] =	vst v10;
	v10 =	vld [tilespmem:s17+$0x60];
	_ =	sdelay $0x2  }
0x12b: {  	v11 =	vperm.xlane v9, v7;
	_ =	sdelay $0x1  }
0x12c: {  	v10 =	vmul.f32 v10, v11;
	_ =	sdelay $0x1  }
0x12d: {  	[tilespmem:s17+$0x60] =	vst v10;
	v10 =	vld [tilespmem:s17+$0x70];
	_ =	sdelay $0x2  }
0x12e: {  	v9 =	vperm.xlane v9, v8;
	_ =	sdelay $0x1  }
0x12f: {  	v9 =	vmul.f32 v10, v9;
	_ =	sdelay $0x1  }
0x130: {  	[tilespmem:s17+$0x70] =	vst v9  }
0x131: {  	v9 =	vld [tilespmem:s22+$0x1350]  }
0x132: {  	v10 =	vld [tilespmem:s22+$0x2350];
	_ =	sdelay $0x4  }
0x133: {  	v9 =	vadd.f32 v10, v9;
	_ =	sdelay $0x1  }
0x134: {  	v9 =	vadd.f32 $1.000000020e-16, v9;
	_ =	sdelay $0x1  }
0x135: {  	(erf) = vrcp.f32 v9;
	_ =	sdelay $0x4  }
0x136: {  	v9 =	vld [tilespmem:s22+$0x350];
	_ =	sdelay $0x3  }
0x137: {  	v10 =	vpop (erf)  }
0x138: {  	v9 =	vmul.f32 v10, v9;
	_ =	sdelay $0x1  }
0x139: {  	[tilespmem:s22+$0x350] =	vst v9  }
0x13a: {  	v10 =	vld [tilespmem:s17+$0x80];
	_ =	sdelay $0x2  }
0x13b: {  	v11 =	vperm.xlane v9, v1;
	_ =	sdelay $0x1  }
0x13c: {  	v10 =	vmul.f32 v10, v11;
	_ =	sdelay $0x1  }
0x13d: {  	[tilespmem:s17+$0x80] =	vst v10;
	v10 =	vld [tilespmem:s17+$0x90];
	_ =	sdelay $0x2  }
0x13e: {  	v11 =	vperm.xlane v9, v2;
	_ =	sdelay $0x1  }
0x13f: {  	v10 =	vmul.f32 v10, v11;
	_ =	sdelay $0x1  }
0x140: {  	[tilespmem:s17+$0x90] =	vst v10;
	v10 =	vld [tilespmem:s17+$0xA0];
	_ =	sdelay $0x2  }
0x141: {  	v11 =	vperm.xlane v9, v3;
	_ =	sdelay $0x1  }
0x142: {  	v10 =	vmul.f32 v10, v11;
	_ =	sdelay $0x1  }
0x143: {  	[tilespmem:s17+$0xA0] =	vst v10;
	v10 =	vld [tilespmem:s17+$0xB0];
	_ =	sdelay $0x2  }
0x144: {  	v11 =	vperm.xlane v9, v4;
	_ =	sdelay $0x1  }
0x145: {  	v10 =	vmul.f32 v10, v11;
	_ =	sdelay $0x1  }
0x146: {  	[tilespmem:s17+$0xB0] =	vst v10;
	v10 =	vld [tilespmem:s17+$0xC0];
	_ =	sdelay $0x2  }
0x147: {  	v11 =	vperm.xlane v9, v5;
	_ =	sdelay $0x1  }
0x148: {  	v10 =	vmul.f32 v10, v11;
	_ =	sdelay $0x1  }
0x149: {  	[tilespmem:s17+$0xC0] =	vst v10;
	v10 =	vld [tilespmem:s17+$0xD0];
	_ =	sdelay $0x2  }
0x14a: {  	v11 =	vperm.xlane v9, v6;
	_ =	sdelay $0x1  }
0x14b: {  	v10 =	vmul.f32 v10, v11;
	_ =	sdelay $0x1  }
0x14c: {  	[tilespmem:s17+$0xD0] =	vst v10;
	v10 =	vld [tilespmem:s17+$0xE0];
	_ =	sdelay $0x2  }
0x14d: {  	v11 =	vperm.xlane v9, v7;
	_ =	sdelay $0x1  }
0x14e: {  	v10 =	vmul.f32 v10, v11;
	_ =	sdelay $0x1  }
0x14f: {  	[tilespmem:s17+$0xE0] =	vst v10;
	v10 =	vld [tilespmem:s17+$0xF0];
	_ =	sdelay $0x2  }
0x150: {  	v9 =	vperm.xlane v9, v8;
	_ =	sdelay $0x1  }
0x151: {  	v9 =	vmul.f32 v10, v9;
	_ =	sdelay $0x1  }
0x152: {  	[tilespmem:s17+$0xF0] =	vst v9  }
0x153: {  	v9 =	vld [tilespmem:s22+$0x1360]  }
0x154: {  	v10 =	vld [tilespmem:s22+$0x2360];
	_ =	sdelay $0x4  }
0x155: {  	v9 =	vadd.f32 v10, v9;
	_ =	sdelay $0x1  }
0x156: {  	v9 =	vadd.f32 $1.000000020e-16, v9;
	_ =	sdelay $0x1  }
0x157: {  	(erf) = vrcp.f32 v9;
	_ =	sdelay $0x4  }
0x158: {  	v9 =	vld [tilespmem:s22+$0x360];
	_ =	sdelay $0x3  }
0x159: {  	v10 =	vpop (erf)  }
0x15a: {  	v9 =	vmul.f32 v10, v9;
	_ =	sdelay $0x1  }
0x15b: {  	[tilespmem:s22+$0x360] =	vst v9  }
0x15c: {  	v10 =	vld [tilespmem:s17+$0x100];
	_ =	sdelay $0x2  }
0x15d: {  	v11 =	vperm.xlane v9, v1;
	_ =	sdelay $0x1  }
0x15e: {  	v10 =	vmul.f32 v10, v11;
	_ =	sdelay $0x1  }
0x15f: {  	[tilespmem:s17+$0x100] =	vst v10;
	v10 =	vld [tilespmem:s17+$0x110];
	_ =	sdelay $0x2  }
0x160: {  	v11 =	vperm.xlane v9, v2;
	_ =	sdelay $0x1  }
0x161: {  	v10 =	vmul.f32 v10, v11;
	_ =	sdelay $0x1  }
0x162: {  	[tilespmem:s17+$0x110] =	vst v10;
	v10 =	vld [tilespmem:s17+$0x120];
	_ =	sdelay $0x2  }
0x163: {  	v11 =	vperm.xlane v9, v3;
	_ =	sdelay $0x1  }
0x164: {  	v10 =	vmul.f32 v10, v11;
	_ =	sdelay $0x1  }
0x165: {  	[tilespmem:s17+$0x120] =	vst v10;
	v10 =	vld [tilespmem:s17+$0x130];
	_ =	sdelay $0x2  }
0x166: {  	v11 =	vperm.xlane v9, v4;
	_ =	sdelay $0x1  }
0x167: {  	v10 =	vmul.f32 v10, v11;
	_ =	sdelay $0x1  }
0x168: {  	[tilespmem:s17+$0x130] =	vst v10;
	v10 =	vld [tilespmem:s17+$0x140];
	_ =	sdelay $0x2  }
0x169: {  	v11 =	vperm.xlane v9, v5;
	_ =	sdelay $0x1  }
0x16a: {  	v10 =	vmul.f32 v10, v11;
	_ =	sdelay $0x1  }
0x16b: {  	[tilespmem:s17+$0x140] =	vst v10;
	v10 =	vld [tilespmem:s17+$0x150];
	_ =	sdelay $0x2  }
0x16c: {  	v11 =	vperm.xlane v9, v6;
	_ =	sdelay $0x1  }
0x16d: {  	v10 =	vmul.f32 v10, v11;
	_ =	sdelay $0x1  }
0x16e: {  	[tilespmem:s17+$0x150] =	vst v10;
	v10 =	vld [tilespmem:s17+$0x160];
	_ =	sdelay $0x2  }
0x16f: {  	v11 =	vperm.xlane v9, v7;
	_ =	sdelay $0x1  }
0x170: {  	v10 =	vmul.f32 v10, v11;
	_ =	sdelay $0x1  }
0x171: {  	[tilespmem:s17+$0x160] =	vst v10;
	v10 =	vld [tilespmem:s17+$0x170];
	_ =	sdelay $0x2  }
0x172: {  	v9 =	vperm.xlane v9, v8;
	_ =	sdelay $0x1  }
0x173: {  	v9 =	vmul.f32 v10, v9;
	_ =	sdelay $0x1  }
0x174: {  	[tilespmem:s17+$0x170] =	vst v9  }
0x175: {  	v9 =	vld [tilespmem:s22+$0x1370]  }
0x176: {  	v10 =	vld [tilespmem:s22+$0x2370];
	_ =	sdelay $0x4  }
0x177: {  	v9 =	vadd.f32 v10, v9;
	_ =	sdelay $0x1  }
0x178: {  	v9 =	vadd.f32 $1.000000020e-16, v9;
	_ =	sdelay $0x1  }
0x179: {  	(erf) = vrcp.f32 v9;
	_ =	sdelay $0x4  }
0x17a: {  	v9 =	vld [tilespmem:s22+$0x370];
	_ =	sdelay $0x3  }
0x17b: {  	v10 =	vpop (erf)  }
0x17c: {  	v9 =	vmul.f32 v10, v9;
	_ =	sdelay $0x1  }
0x17d: {  	[tilespmem:s22+$0x370] =	vst v9  }
0x17e: {  	v10 =	vld [tilespmem:s17+$0x180];
	_ =	sdelay $0x2  }
0x17f: {  	v11 =	vperm.xlane v9, v1;
	_ =	sdelay $0x1  }
0x180: {  	v10 =	vmul.f32 v10, v11;
	_ =	sdelay $0x1  }
0x181: {  	[tilespmem:s17+$0x180] =	vst v10;
	v10 =	vld [tilespmem:s17+$0x190];
	_ =	sdelay $0x2  }
0x182: {  	v11 =	vperm.xlane v9, v2;
	_ =	sdelay $0x1  }
0x183: {  	v10 =	vmul.f32 v10, v11;
	_ =	sdelay $0x1  }
0x184: {  	[tilespmem:s17+$0x190] =	vst v10;
	v10 =	vld [tilespmem:s17+$0x1A0];
	_ =	sdelay $0x2  }
0x185: {  	v11 =	vperm.xlane v9, v3;
	_ =	sdelay $0x1  }
0x186: {  	v10 =	vmul.f32 v10, v11;
	_ =	sdelay $0x1  }
0x187: {  	[tilespmem:s17+$0x1A0] =	vst v10;
	v10 =	vld [tilespmem:s17+$0x1B0];
	_ =	sdelay $0x2  }
0x188: {  	v11 =	vperm.xlane v9, v4;
	_ =	sdelay $0x1  }
0x189: {  	v10 =	vmul.f32 v10, v11;
	_ =	sdelay $0x1  }
0x18a: {  	[tilespmem:s17+$0x1B0] =	vst v10;
	v10 =	vld [tilespmem:s17+$0x1C0];
	_ =	sdelay $0x2  }
0x18b: {  	v11 =	vperm.xlane v9, v5;
	_ =	sdelay $0x1  }
0x18c: {  	v10 =	vmul.f32 v10, v11;
	_ =	sdelay $0x1  }
0x18d: {  	[tilespmem:s17+$0x1C0] =	vst v10;
	v10 =	vld [tilespmem:s17+$0x1D0];
	_ =	sdelay $0x2  }
0x18e: {  	v11 =	vperm.xlane v9, v6;
	_ =	sdelay $0x1  }
0x18f: {  	v10 =	vmul.f32 v10, v11;
	_ =	sdelay $0x1  }
0x190: {  	[tilespmem:s17+$0x1D0] =	vst v10;
	v10 =	vld [tilespmem:s17+$0x1E0];
	_ =	sdelay $0x2  }
0x191: {  	v11 =	vperm.xlane v9, v7;
	_ =	sdelay $0x1  }
0x192: {  	v10 =	vmul.f32 v10, v11;
	_ =	sdelay $0x1  }
0x193: {  	[tilespmem:s17+$0x1E0] =	vst v10;
	v10 =	vld [tilespmem:s17+$0x1F0];
	_ =	sdelay $0x1  }
0x194: {  	p1 =	sne.s32 s19, $0x1E00  }
.Ltmp1:
0x195: {  	v9 =	vperm.xlane v9, v8;
	(pc) =	sbr.rel @p1 .LBB2_5-.Ltmp1, $3  }
0x196: {  	_ = 	snop  }
0x197: {  	v9 =	vmul.f32 v10, v9;
	_ =	sdelay $0x1  }
0x198: {  	s19 =	sadd.s32 $0x200, s19;
	[tilespmem:s17+$0x1F0] =	vst v9;
	s17 =	sadd.s32 $0x400, s17  }
0x199: {  	s17 =	sadd.s32 s20, s16  }
0x19a: {  	s17 =	sshrl.u32 s17, $0x3  }
0x19b: {  	s17 =	sadd.s32 s10, s17  }
0x19c: {  	[hbm4b:s17+s4] =	stream.linear.scatter [tilespmem:s12], [sflag:$0x5], $0x800, $0x38;
	[tilespmem:$0x1F300] =	vst v63  }
0x19d: {  	s22 =	simm.s32 $0x200  }
0x19e: {  	[spmem:s3] =	stream.indirect.scatter.add.f32 [tilespmem:s29], [sflag:$0x7], $0x80, s22, s0, $0xb8;
	[tilespmem:$0x1F300] =	vst v63  }
0x19f: {  	_ =	swait.ge [sflag:s30], $0x4000  }
0x1a0: {  	[sflag:s30] =	ssyncset.done $0x0  }
0x1a1: {  	[sflag:s30] =	ssyncadd.s32 $0xFFFFC000  }
0x1a2: {  	_ =	swait.ge [sflag:s21], $0x800  }
0x1a3: {  	[sflag:s21] =	ssyncset.done $0x0  }
0x1a4: {  	[sflag:s21] =	ssyncadd.s32 $0xFFFFF800  }
0x1a5: {  	_ =	swait.ge [sflag:s21], $0x800  }
0x1a6: {  	[sflag:s21] =	ssyncset.done $0x0  }
0x1a7: {  	[sflag:s21] =	ssyncadd.s32 $0xFFFFF800  }
0x1a8: {  	_ =	swait.ge [sflag:s21], $0x800  }
0x1a9: {  	[sflag:s21] =	ssyncset.done $0x0  }
0x1aa: {  	[sflag:s21] =	ssyncadd.s32 $0xFFFFF800  }
0x1ab: {  	_ =	swait.ge [sflag:s21], $0x4000  }
0x1ac: {  	[sflag:s21] =	ssyncset.done $0x0  }
0x1ad: {  	[sflag:s21] =	ssyncadd.s32 $0xFFFFC000  }
0x1ae: {  	v9 =	vld [tilespmem:$0x180]  }
0x1af: {  	v10 =	vld [tilespmem:$0x190]  }
0x1b0: {  	v11 =	vld [tilespmem:$0x1A0]  }
0x1b1: {  	v12 =	vld [tilespmem:$0x1B0]  }
0x1b2: {  	v13 =	vld [tilespmem:$0x1C0]  }
0x1b3: {  	[tilespmem:$0x280] =	vst v9;
	v9 =	vld [tilespmem:$0x1D0]  }
0x1b4: {  	[tilespmem:$0x290] =	vst v10;
	v10 =	vld [tilespmem:$0x1E0]  }
0x1b5: {  	[tilespmem:$0x2A0] =	vst v11;
	v11 =	vld [tilespmem:$0x1F0]  }
0x1b6: {  	[tilespmem:$0x2B0] =	vst v12  }
0x1b7: {  	[tilespmem:$0x2C0] =	vst v13  }
0x1b8: {  	[tilespmem:$0x2D0] =	vst v9  }
0x1b9: {  	[tilespmem:$0x2E0] =	vst v10  }
0x1ba: {  	s17 =	simm.s32 @!p0 $0x5;
	[tilespmem:$0x2F0] =	vst v11  }
0x1bb: {  	_ =	swait.ge @!p0 [sflag:s17], $0x800  }
0x1bc: {  	[sflag:s17] =	ssyncset.done @!p0 $0x0  }
0x1bd: {  	[sflag:s17] =	ssyncadd.s32 @!p0 $0xFFFFF800;
	s17 =	simm.s32 @!p0 $0x3  }
0x1be: {  	_ =	swait.ge @!p0 [sflag:s17], $0x80  }
0x1bf: {  	[sflag:s17] =	ssyncset.done @!p0 $0x0  }
0x1c0: {  	[sflag:s17] =	ssyncadd.s32 @!p0 $0xFFFFFF80  }
0x1c1: {  	s16 =	sadd.s32 @!p0 s16, s28;
	_ =	swait.ge @!p0 [sflag:s17], $0x80  }
0x1c2: {  	s19 =	simm.s32 @!p0 $0x300;
	s16 =	sshrl.u32 @!p0 s16, $0x3;
	[sflag:s17] =	ssyncset.done @!p0 $0x0  }
0x1c3: {  	s16 =	sadd.s32 @!p0 s7, s16;
	[sflag:s17] =	ssyncadd.s32 @!p0 $0xFFFFFF80;
	s17 =	simm.s32 @!p0 $0x0  }
0x1c4: {  	[tilespmem:s19], [sflag:$0x1] =	stream.linear.gather @!p0 [hbm4b:s16+s17], $0x800, $0x38;
	[tilespmem:$0x1F300] =	vst v63  }
0x1c5: {  	s22 =	simm.s32 @!p0 $0x1300;
	s16 =	simm.s32 @!p0 $0x80;
	s19 =	simm.s32 @!p0 $0x100  }
0x1c6: {  	[tilespmem:s22], [sflag:$0x1] =	stream.indirect.gather @!p0 [hbm4b:s8+s16], $0x10, s19, s16, $0xb8;
	[tilespmem:$0x1F300] =	vst v63  }
0x1c7: {  	s22 =	simm.s32 @!p0 $0x2300  }
0x1c8: {  	[tilespmem:s22], [sflag:$0x1] =	stream.indirect.gather @!p0 [hbm4b:s9+s16], $0x10, s19, s16, $0xb8;
	[tilespmem:$0x1F300] =	vst v63  }
0x1c9: {  	s19 =	simm.s32 @!p0 $0x3300  }
0x1ca: {  	[tilespmem:s19], [sflag:$0x1] =	stream.indirect.gather @!p0 [hbm4b:s2+s16], $0x80, s17, s16, $0xb8;
	[tilespmem:$0x1F300] =	vst v63  }
0x1cb: {  	s19 =	sadd.s32 @!p0 s25, s24  }
0x1cc: {  	s19 =	sshrl.u32 @!p0 s19, $0x3  }
0x1cd: {  	s22 =	sadd.s32 @!p0 s1, s19  }
0x1ce: {  	[tilespmem:s16], [sflag:$0x4] =	stream.linear.gather @!p0 [hbm4b:s22+s17], $0x80, $0x38;
	[tilespmem:$0x1F300] =	vst v63  }
0x1cf: {  	s16 =	sadd.s32 @!p0 s6, s19;
	s19 =	simm.s32 @!p0 $0x180  }
0x1d0: {  	[tilespmem:s19], [sflag:$0x4] =	stream.linear.gather @!p0 [hbm4b:s16+s17], $0x80, $0x38;
	[tilespmem:$0x1F300] =	vst v63  }
0x1d1: {  	s16 =	simm.s32 $0x0;
	s17 =	simm.s32 $0x7500  }
.LBB2_7:
0x1d2: {  	s19 =	sshra.s32 s16, $0x2  }
0x1d3: {  	v9 =	vld [tilespmem:s19+$0x1B00]  }
0x1d4: {  	v10 =	vld [tilespmem:s19+$0x2B00];
	_ =	sdelay $0x4  }
0x1d5: {  	v9 =	vadd.f32 v10, v9;
	_ =	sdelay $0x1  }
0x1d6: {  	v9 =	vadd.f32 $1.000000020e-16, v9;
	_ =	sdelay $0x1  }
0x1d7: {  	(erf) = vrcp.f32 v9;
	_ =	sdelay $0x4  }
0x1d8: {  	v9 =	vld [tilespmem:s19+$0xB00];
	_ =	sdelay $0x3  }
0x1d9: {  	v10 =	vpop (erf)  }
0x1da: {  	v9 =	vmul.f32 v10, v9;
	_ =	sdelay $0x1  }
0x1db: {  	[tilespmem:s19+$0xB00] =	vst v9  }
0x1dc: {  	v10 =	vld [tilespmem:s17+$0xFFFFFE00];
	_ =	sdelay $0x2  }
0x1dd: {  	v11 =	vperm.xlane v9, v1;
	_ =	sdelay $0x1  }
0x1de: {  	v10 =	vmul.f32 v10, v11;
	_ =	sdelay $0x1  }
0x1df: {  	[tilespmem:s17+$0xFFFFFE00] =	vst v10;
	v10 =	vld [tilespmem:s17+$0xFFFFFE10];
	_ =	sdelay $0x2  }
0x1e0: {  	v11 =	vperm.xlane v9, v2;
	_ =	sdelay $0x1  }
0x1e1: {  	v10 =	vmul.f32 v10, v11;
	_ =	sdelay $0x1  }
0x1e2: {  	[tilespmem:s17+$0xFFFFFE10] =	vst v10;
	v10 =	vld [tilespmem:s17+$0xFFFFFE20];
	_ =	sdelay $0x2  }
0x1e3: {  	v11 =	vperm.xlane v9, v3;
	_ =	sdelay $0x1  }
0x1e4: {  	v10 =	vmul.f32 v10, v11;
	_ =	sdelay $0x1  }
0x1e5: {  	[tilespmem:s17+$0xFFFFFE20] =	vst v10;
	v10 =	vld [tilespmem:s17+$0xFFFFFE30];
	_ =	sdelay $0x2  }
0x1e6: {  	v11 =	vperm.xlane v9, v4;
	_ =	sdelay $0x1  }
0x1e7: {  	v10 =	vmul.f32 v10, v11;
	_ =	sdelay $0x1  }
0x1e8: {  	[tilespmem:s17+$0xFFFFFE30] =	vst v10;
	v10 =	vld [tilespmem:s17+$0xFFFFFE40];
	_ =	sdelay $0x2  }
0x1e9: {  	v11 =	vperm.xlane v9, v5;
	_ =	sdelay $0x1  }
0x1ea: {  	v10 =	vmul.f32 v10, v11;
	_ =	sdelay $0x1  }
0x1eb: {  	[tilespmem:s17+$0xFFFFFE40] =	vst v10;
	v10 =	vld [tilespmem:s17+$0xFFFFFE50];
	_ =	sdelay $0x2  }
0x1ec: {  	v11 =	vperm.xlane v9, v6;
	_ =	sdelay $0x1  }
0x1ed: {  	v10 =	vmul.f32 v10, v11;
	_ =	sdelay $0x1  }
0x1ee: {  	[tilespmem:s17+$0xFFFFFE50] =	vst v10;
	v10 =	vld [tilespmem:s17+$0xFFFFFE60];
	_ =	sdelay $0x2  }
0x1ef: {  	v11 =	vperm.xlane v9, v7;
	_ =	sdelay $0x1  }
0x1f0: {  	v10 =	vmul.f32 v10, v11;
	_ =	sdelay $0x1  }
0x1f1: {  	[tilespmem:s17+$0xFFFFFE60] =	vst v10;
	v10 =	vld [tilespmem:s17+$0xFFFFFE70];
	_ =	sdelay $0x2  }
0x1f2: {  	v9 =	vperm.xlane v9, v8;
	_ =	sdelay $0x1  }
0x1f3: {  	v9 =	vmul.f32 v10, v9;
	_ =	sdelay $0x1  }
0x1f4: {  	[tilespmem:s17+$0xFFFFFE70] =	vst v9  }
0x1f5: {  	v9 =	vld [tilespmem:s19+$0x1B10]  }
0x1f6: {  	v10 =	vld [tilespmem:s19+$0x2B10];
	_ =	sdelay $0x4  }
0x1f7: {  	v9 =	vadd.f32 v10, v9;
	_ =	sdelay $0x1  }
0x1f8: {  	v9 =	vadd.f32 $1.000000020e-16, v9;
	_ =	sdelay $0x1  }
0x1f9: {  	(erf) = vrcp.f32 v9;
	_ =	sdelay $0x4  }
0x1fa: {  	v9 =	vld [tilespmem:s19+$0xB10];
	_ =	sdelay $0x3  }
0x1fb: {  	v10 =	vpop (erf)  }
0x1fc: {  	v9 =	vmul.f32 v10, v9;
	_ =	sdelay $0x1  }
0x1fd: {  	[tilespmem:s19+$0xB10] =	vst v9  }
0x1fe: {  	v10 =	vld [tilespmem:s17+$0xFFFFFE80];
	_ =	sdelay $0x2  }
0x1ff: {  	v11 =	vperm.xlane v9, v1;
	_ =	sdelay $0x1  }
0x200: {  	v10 =	vmul.f32 v10, v11;
	_ =	sdelay $0x1  }
0x201: {  	[tilespmem:s17+$0xFFFFFE80] =	vst v10;
	v10 =	vld [tilespmem:s17+$0xFFFFFE90];
	_ =	sdelay $0x2  }
0x202: {  	v11 =	vperm.xlane v9, v2;
	_ =	sdelay $0x1  }
0x203: {  	v10 =	vmul.f32 v10, v11;
	_ =	sdelay $0x1  }
0x204: {  	[tilespmem:s17+$0xFFFFFE90] =	vst v10;
	v10 =	vld [tilespmem:s17+$0xFFFFFEA0];
	_ =	sdelay $0x2  }
0x205: {  	v11 =	vperm.xlane v9, v3;
	_ =	sdelay $0x1  }
0x206: {  	v10 =	vmul.f32 v10, v11;
	_ =	sdelay $0x1  }
0x207: {  	[tilespmem:s17+$0xFFFFFEA0] =	vst v10;
	v10 =	vld [tilespmem:s17+$0xFFFFFEB0];
	_ =	sdelay $0x2  }
0x208: {  	v11 =	vperm.xlane v9, v4;
	_ =	sdelay $0x1  }
0x209: {  	v10 =	vmul.f32 v10, v11;
	_ =	sdelay $0x1  }
0x20a: {  	[tilespmem:s17+$0xFFFFFEB0] =	vst v10;
	v10 =	vld [tilespmem:s17+$0xFFFFFEC0];
	_ =	sdelay $0x2  }
0x20b: {  	v11 =	vperm.xlane v9, v5;
	_ =	sdelay $0x1  }
0x20c: {  	v10 =	vmul.f32 v10, v11;
	_ =	sdelay $0x1  }
0x20d: {  	[tilespmem:s17+$0xFFFFFEC0] =	vst v10;
	v10 =	vld [tilespmem:s17+$0xFFFFFED0];
	_ =	sdelay $0x2  }
0x20e: {  	v11 =	vperm.xlane v9, v6;
	_ =	sdelay $0x1  }
0x20f: {  	v10 =	vmul.f32 v10, v11;
	_ =	sdelay $0x1  }
0x210: {  	[tilespmem:s17+$0xFFFFFED0] =	vst v10;
	v10 =	vld [tilespmem:s17+$0xFFFFFEE0];
	_ =	sdelay $0x2  }
0x211: {  	v11 =	vperm.xlane v9, v7;
	_ =	sdelay $0x1  }
0x212: {  	v10 =	vmul.f32 v10, v11;
	_ =	sdelay $0x1  }
0x213: {  	[tilespmem:s17+$0xFFFFFEE0] =	vst v10;
	v10 =	vld [tilespmem:s17+$0xFFFFFEF0];
	_ =	sdelay $0x2  }
0x214: {  	v9 =	vperm.xlane v9, v8;
	_ =	sdelay $0x1  }
0x215: {  	v9 =	vmul.f32 v10, v9;
	_ =	sdelay $0x1  }
0x216: {  	[tilespmem:s17+$0xFFFFFEF0] =	vst v9  }
0x217: {  	v9 =	vld [tilespmem:s19+$0x1B20]  }
0x218: {  	v10 =	vld [tilespmem:s19+$0x2B20];
	_ =	sdelay $0x4  }
0x219: {  	v9 =	vadd.f32 v10, v9;
	_ =	sdelay $0x1  }
0x21a: {  	v9 =	vadd.f32 $1.000000020e-16, v9;
	_ =	sdelay $0x1  }
0x21b: {  	(erf) = vrcp.f32 v9;
	_ =	sdelay $0x4  }
0x21c: {  	v9 =	vld [tilespmem:s19+$0xB20];
	_ =	sdelay $0x3  }
0x21d: {  	v10 =	vpop (erf)  }
0x21e: {  	v9 =	vmul.f32 v10, v9;
	_ =	sdelay $0x1  }
0x21f: {  	[tilespmem:s19+$0xB20] =	vst v9  }
0x220: {  	v10 =	vld [tilespmem:s17+$0xFFFFFF00];
	_ =	sdelay $0x2  }
0x221: {  	v11 =	vperm.xlane v9, v1;
	_ =	sdelay $0x1  }
0x222: {  	v10 =	vmul.f32 v10, v11;
	_ =	sdelay $0x1  }
0x223: {  	[tilespmem:s17+$0xFFFFFF00] =	vst v10;
	v10 =	vld [tilespmem:s17+$0xFFFFFF10];
	_ =	sdelay $0x2  }
0x224: {  	v11 =	vperm.xlane v9, v2;
	_ =	sdelay $0x1  }
0x225: {  	v10 =	vmul.f32 v10, v11;
	_ =	sdelay $0x1  }
0x226: {  	[tilespmem:s17+$0xFFFFFF10] =	vst v10;
	v10 =	vld [tilespmem:s17+$0xFFFFFF20];
	_ =	sdelay $0x2  }
0x227: {  	v11 =	vperm.xlane v9, v3;
	_ =	sdelay $0x1  }
0x228: {  	v10 =	vmul.f32 v10, v11;
	_ =	sdelay $0x1  }
0x229: {  	[tilespmem:s17+$0xFFFFFF20] =	vst v10;
	v10 =	vld [tilespmem:s17+$0xFFFFFF30];
	_ =	sdelay $0x2  }
0x22a: {  	v11 =	vperm.xlane v9, v4;
	_ =	sdelay $0x1  }
0x22b: {  	v10 =	vmul.f32 v10, v11;
	_ =	sdelay $0x1  }
0x22c: {  	[tilespmem:s17+$0xFFFFFF30] =	vst v10;
	v10 =	vld [tilespmem:s17+$0xFFFFFF40];
	_ =	sdelay $0x2  }
0x22d: {  	v11 =	vperm.xlane v9, v5;
	_ =	sdelay $0x1  }
0x22e: {  	v10 =	vmul.f32 v10, v11;
	_ =	sdelay $0x1  }
0x22f: {  	[tilespmem:s17+$0xFFFFFF40] =	vst v10;
	v10 =	vld [tilespmem:s17+$0xFFFFFF50];
	_ =	sdelay $0x2  }
0x230: {  	v11 =	vperm.xlane v9, v6;
	_ =	sdelay $0x1  }
0x231: {  	v10 =	vmul.f32 v10, v11;
	_ =	sdelay $0x1  }
0x232: {  	[tilespmem:s17+$0xFFFFFF50] =	vst v10;
	v10 =	vld [tilespmem:s17+$0xFFFFFF60];
	_ =	sdelay $0x2  }
0x233: {  	v11 =	vperm.xlane v9, v7;
	_ =	sdelay $0x1  }
0x234: {  	v10 =	vmul.f32 v10, v11;
	_ =	sdelay $0x1  }
0x235: {  	[tilespmem:s17+$0xFFFFFF60] =	vst v10;
	v10 =	vld [tilespmem:s17+$0xFFFFFF70];
	_ =	sdelay $0x2  }
0x236: {  	v9 =	vperm.xlane v9, v8;
	_ =	sdelay $0x1  }
0x237: {  	v9 =	vmul.f32 v10, v9;
	_ =	sdelay $0x1  }
0x238: {  	[tilespmem:s17+$0xFFFFFF70] =	vst v9  }
0x239: {  	v9 =	vld [tilespmem:s19+$0x1B30]  }
0x23a: {  	v10 =	vld [tilespmem:s19+$0x2B30];
	_ =	sdelay $0x4  }
0x23b: {  	v9 =	vadd.f32 v10, v9;
	_ =	sdelay $0x1  }
0x23c: {  	v9 =	vadd.f32 $1.000000020e-16, v9;
	_ =	sdelay $0x1  }
0x23d: {  	(erf) = vrcp.f32 v9;
	_ =	sdelay $0x4  }
0x23e: {  	v9 =	vld [tilespmem:s19+$0xB30];
	_ =	sdelay $0x3  }
0x23f: {  	v10 =	vpop (erf)  }
0x240: {  	v9 =	vmul.f32 v10, v9;
	_ =	sdelay $0x1  }
0x241: {  	[tilespmem:s19+$0xB30] =	vst v9  }
0x242: {  	v10 =	vld [tilespmem:s17+$0xFFFFFF80];
	_ =	sdelay $0x2  }
0x243: {  	v11 =	vperm.xlane v9, v1;
	_ =	sdelay $0x1  }
0x244: {  	v10 =	vmul.f32 v10, v11;
	_ =	sdelay $0x1  }
0x245: {  	[tilespmem:s17+$0xFFFFFF80] =	vst v10;
	v10 =	vld [tilespmem:s17+$0xFFFFFF90];
	_ =	sdelay $0x2  }
0x246: {  	v11 =	vperm.xlane v9, v2;
	_ =	sdelay $0x1  }
0x247: {  	v10 =	vmul.f32 v10, v11;
	_ =	sdelay $0x1  }
0x248: {  	[tilespmem:s17+$0xFFFFFF90] =	vst v10;
	v10 =	vld [tilespmem:s17+$0xFFFFFFA0];
	_ =	sdelay $0x2  }
0x249: {  	v11 =	vperm.xlane v9, v3;
	_ =	sdelay $0x1  }
0x24a: {  	v10 =	vmul.f32 v10, v11;
	_ =	sdelay $0x1  }
0x24b: {  	[tilespmem:s17+$0xFFFFFFA0] =	vst v10;
	v10 =	vld [tilespmem:s17+$0xFFFFFFB0];
	_ =	sdelay $0x2  }
0x24c: {  	v11 =	vperm.xlane v9, v4;
	_ =	sdelay $0x1  }
0x24d: {  	v10 =	vmul.f32 v10, v11;
	_ =	sdelay $0x1  }
0x24e: {  	[tilespmem:s17+$0xFFFFFFB0] =	vst v10;
	v10 =	vld [tilespmem:s17+$0xFFFFFFC0];
	_ =	sdelay $0x2  }
0x24f: {  	v11 =	vperm.xlane v9, v5;
	_ =	sdelay $0x1  }
0x250: {  	v10 =	vmul.f32 v10, v11;
	_ =	sdelay $0x1  }
0x251: {  	[tilespmem:s17+$0xFFFFFFC0] =	vst v10;
	v10 =	vld [tilespmem:s17+$0xFFFFFFD0];
	_ =	sdelay $0x2  }
0x252: {  	v11 =	vperm.xlane v9, v6;
	_ =	sdelay $0x1  }
0x253: {  	v10 =	vmul.f32 v10, v11;
	_ =	sdelay $0x1  }
0x254: {  	[tilespmem:s17+$0xFFFFFFD0] =	vst v10;
	v10 =	vld [tilespmem:s17+$0xFFFFFFE0];
	_ =	sdelay $0x2  }
0x255: {  	v11 =	vperm.xlane v9, v7;
	_ =	sdelay $0x1  }
0x256: {  	v10 =	vmul.f32 v10, v11;
	_ =	sdelay $0x1  }
0x257: {  	[tilespmem:s17+$0xFFFFFFE0] =	vst v10;
	v10 =	vld [tilespmem:s17+$0xFFFFFFF0];
	_ =	sdelay $0x2  }
0x258: {  	v9 =	vperm.xlane v9, v8;
	_ =	sdelay $0x1  }
0x259: {  	v9 =	vmul.f32 v10, v9;
	_ =	sdelay $0x1  }
0x25a: {  	[tilespmem:s17+$0xFFFFFFF0] =	vst v9  }
0x25b: {  	v9 =	vld [tilespmem:s19+$0x1B40]  }
0x25c: {  	v10 =	vld [tilespmem:s19+$0x2B40];
	_ =	sdelay $0x4  }
0x25d: {  	v9 =	vadd.f32 v10, v9;
	_ =	sdelay $0x1  }
0x25e: {  	v9 =	vadd.f32 $1.000000020e-16, v9;
	_ =	sdelay $0x1  }
0x25f: {  	(erf) = vrcp.f32 v9;
	_ =	sdelay $0x4  }
0x260: {  	v9 =	vld [tilespmem:s19+$0xB40];
	_ =	sdelay $0x3  }
0x261: {  	v10 =	vpop (erf)  }
0x262: {  	v9 =	vmul.f32 v10, v9;
	_ =	sdelay $0x1  }
0x263: {  	[tilespmem:s19+$0xB40] =	vst v9  }
0x264: {  	v10 =	vld [tilespmem:s17+$0x0];
	_ =	sdelay $0x2  }
0x265: {  	v11 =	vperm.xlane v9, v1;
	_ =	sdelay $0x1  }
0x266: {  	v10 =	vmul.f32 v10, v11;
	_ =	sdelay $0x1  }
0x267: {  	[tilespmem:s17+$0x0] =	vst v10;
	v10 =	vld [tilespmem:s17+$0x10];
	_ =	sdelay $0x2  }
0x268: {  	v11 =	vperm.xlane v9, v2;
	_ =	sdelay $0x1  }
0x269: {  	v10 =	vmul.f32 v10, v11;
	_ =	sdelay $0x1  }
0x26a: {  	[tilespmem:s17+$0x10] =	vst v10;
	v10 =	vld [tilespmem:s17+$0x20];
	_ =	sdelay $0x2  }
0x26b: {  	v11 =	vperm.xlane v9, v3;
	_ =	sdelay $0x1  }
0x26c: {  	v10 =	vmul.f32 v10, v11;
	_ =	sdelay $0x1  }
0x26d: {  	[tilespmem:s17+$0x20] =	vst v10;
	v10 =	vld [tilespmem:s17+$0x30];
	_ =	sdelay $0x2  }
0x26e: {  	v11 =	vperm.xlane v9, v4;
	_ =	sdelay $0x1  }
0x26f: {  	v10 =	vmul.f32 v10, v11;
	_ =	sdelay $0x1  }
0x270: {  	[tilespmem:s17+$0x30] =	vst v10;
	v10 =	vld [tilespmem:s17+$0x40];
	_ =	sdelay $0x2  }
0x271: {  	v11 =	vperm.xlane v9, v5;
	_ =	sdelay $0x1  }
0x272: {  	v10 =	vmul.f32 v10, v11;
	_ =	sdelay $0x1  }
0x273: {  	[tilespmem:s17+$0x40] =	vst v10;
	v10 =	vld [tilespmem:s17+$0x50];
	_ =	sdelay $0x2  }
0x274: {  	v11 =	vperm.xlane v9, v6;
	_ =	sdelay $0x1  }
0x275: {  	v10 =	vmul.f32 v10, v11;
	_ =	sdelay $0x1  }
0x276: {  	[tilespmem:s17+$0x50] =	vst v10;
	v10 =	vld [tilespmem:s17+$0x60];
	_ =	sdelay $0x2  }
0x277: {  	v11 =	vperm.xlane v9, v7;
	_ =	sdelay $0x1  }
0x278: {  	v10 =	vmul.f32 v10, v11;
	_ =	sdelay $0x1  }
0x279: {  	[tilespmem:s17+$0x60] =	vst v10;
	v10 =	vld [tilespmem:s17+$0x70];
	_ =	sdelay $0x2  }
0x27a: {  	v9 =	vperm.xlane v9, v8;
	_ =	sdelay $0x1  }
0x27b: {  	v9 =	vmul.f32 v10, v9;
	_ =	sdelay $0x1  }
0x27c: {  	[tilespmem:s17+$0x70] =	vst v9  }
0x27d: {  	v9 =	vld [tilespmem:s19+$0x1B50]  }
0x27e: {  	v10 =	vld [tilespmem:s19+$0x2B50];
	_ =	sdelay $0x4  }
0x27f: {  	v9 =	vadd.f32 v10, v9;
	_ =	sdelay $0x1  }
0x280: {  	v9 =	vadd.f32 $1.000000020e-16, v9;
	_ =	sdelay $0x1  }
0x281: {  	(erf) = vrcp.f32 v9;
	_ =	sdelay $0x4  }
0x282: {  	v9 =	vld [tilespmem:s19+$0xB50];
	_ =	sdelay $0x3  }
0x283: {  	v10 =	vpop (erf)  }
0x284: {  	v9 =	vmul.f32 v10, v9;
	_ =	sdelay $0x1  }
0x285: {  	[tilespmem:s19+$0xB50] =	vst v9  }
0x286: {  	v10 =	vld [tilespmem:s17+$0x80];
	_ =	sdelay $0x2  }
0x287: {  	v11 =	vperm.xlane v9, v1;
	_ =	sdelay $0x1  }
0x288: {  	v10 =	vmul.f32 v10, v11;
	_ =	sdelay $0x1  }
0x289: {  	[tilespmem:s17+$0x80] =	vst v10;
	v10 =	vld [tilespmem:s17+$0x90];
	_ =	sdelay $0x2  }
0x28a: {  	v11 =	vperm.xlane v9, v2;
	_ =	sdelay $0x1  }
0x28b: {  	v10 =	vmul.f32 v10, v11;
	_ =	sdelay $0x1  }
0x28c: {  	[tilespmem:s17+$0x90] =	vst v10;
	v10 =	vld [tilespmem:s17+$0xA0];
	_ =	sdelay $0x2  }
0x28d: {  	v11 =	vperm.xlane v9, v3;
	_ =	sdelay $0x1  }
0x28e: {  	v10 =	vmul.f32 v10, v11;
	_ =	sdelay $0x1  }
0x28f: {  	[tilespmem:s17+$0xA0] =	vst v10;
	v10 =	vld [tilespmem:s17+$0xB0];
	_ =	sdelay $0x2  }
0x290: {  	v11 =	vperm.xlane v9, v4;
	_ =	sdelay $0x1  }
0x291: {  	v10 =	vmul.f32 v10, v11;
	_ =	sdelay $0x1  }
0x292: {  	[tilespmem:s17+$0xB0] =	vst v10;
	v10 =	vld [tilespmem:s17+$0xC0];
	_ =	sdelay $0x2  }
0x293: {  	v11 =	vperm.xlane v9, v5;
	_ =	sdelay $0x1  }
0x294: {  	v10 =	vmul.f32 v10, v11;
	_ =	sdelay $0x1  }
0x295: {  	[tilespmem:s17+$0xC0] =	vst v10;
	v10 =	vld [tilespmem:s17+$0xD0];
	_ =	sdelay $0x2  }
0x296: {  	v11 =	vperm.xlane v9, v6;
	_ =	sdelay $0x1  }
0x297: {  	v10 =	vmul.f32 v10, v11;
	_ =	sdelay $0x1  }
0x298: {  	[tilespmem:s17+$0xD0] =	vst v10;
	v10 =	vld [tilespmem:s17+$0xE0];
	_ =	sdelay $0x2  }
0x299: {  	v11 =	vperm.xlane v9, v7;
	_ =	sdelay $0x1  }
0x29a: {  	v10 =	vmul.f32 v10, v11;
	_ =	sdelay $0x1  }
0x29b: {  	[tilespmem:s17+$0xE0] =	vst v10;
	v10 =	vld [tilespmem:s17+$0xF0];
	_ =	sdelay $0x2  }
0x29c: {  	v9 =	vperm.xlane v9, v8;
	_ =	sdelay $0x1  }
0x29d: {  	v9 =	vmul.f32 v10, v9;
	_ =	sdelay $0x1  }
0x29e: {  	[tilespmem:s17+$0xF0] =	vst v9  }
0x29f: {  	v9 =	vld [tilespmem:s19+$0x1B60]  }
0x2a0: {  	v10 =	vld [tilespmem:s19+$0x2B60];
	_ =	sdelay $0x4  }
0x2a1: {  	v9 =	vadd.f32 v10, v9;
	_ =	sdelay $0x1  }
0x2a2: {  	v9 =	vadd.f32 $1.000000020e-16, v9;
	_ =	sdelay $0x1  }
0x2a3: {  	(erf) = vrcp.f32 v9;
	_ =	sdelay $0x4  }
0x2a4: {  	v9 =	vld [tilespmem:s19+$0xB60];
	_ =	sdelay $0x3  }
0x2a5: {  	v10 =	vpop (erf)  }
0x2a6: {  	v9 =	vmul.f32 v10, v9;
	_ =	sdelay $0x1  }
0x2a7: {  	[tilespmem:s19+$0xB60] =	vst v9  }
0x2a8: {  	v10 =	vld [tilespmem:s17+$0x100];
	_ =	sdelay $0x2  }
0x2a9: {  	v11 =	vperm.xlane v9, v1;
	_ =	sdelay $0x1  }
0x2aa: {  	v10 =	vmul.f32 v10, v11;
	_ =	sdelay $0x1  }
0x2ab: {  	[tilespmem:s17+$0x100] =	vst v10;
	v10 =	vld [tilespmem:s17+$0x110];
	_ =	sdelay $0x2  }
0x2ac: {  	v11 =	vperm.xlane v9, v2;
	_ =	sdelay $0x1  }
0x2ad: {  	v10 =	vmul.f32 v10, v11;
	_ =	sdelay $0x1  }
0x2ae: {  	[tilespmem:s17+$0x110] =	vst v10;
	v10 =	vld [tilespmem:s17+$0x120];
	_ =	sdelay $0x2  }
0x2af: {  	v11 =	vperm.xlane v9, v3;
	_ =	sdelay $0x1  }
0x2b0: {  	v10 =	vmul.f32 v10, v11;
	_ =	sdelay $0x1  }
0x2b1: {  	[tilespmem:s17+$0x120] =	vst v10;
	v10 =	vld [tilespmem:s17+$0x130];
	_ =	sdelay $0x2  }
0x2b2: {  	v11 =	vperm.xlane v9, v4;
	_ =	sdelay $0x1  }
0x2b3: {  	v10 =	vmul.f32 v10, v11;
	_ =	sdelay $0x1  }
0x2b4: {  	[tilespmem:s17+$0x130] =	vst v10;
	v10 =	vld [tilespmem:s17+$0x140];
	_ =	sdelay $0x2  }
0x2b5: {  	v11 =	vperm.xlane v9, v5;
	_ =	sdelay $0x1  }
0x2b6: {  	v10 =	vmul.f32 v10, v11;
	_ =	sdelay $0x1  }
0x2b7: {  	[tilespmem:s17+$0x140] =	vst v10;
	v10 =	vld [tilespmem:s17+$0x150];
	_ =	sdelay $0x2  }
0x2b8: {  	v11 =	vperm.xlane v9, v6;
	_ =	sdelay $0x1  }
0x2b9: {  	v10 =	vmul.f32 v10, v11;
	_ =	sdelay $0x1  }
0x2ba: {  	[tilespmem:s17+$0x150] =	vst v10;
	v10 =	vld [tilespmem:s17+$0x160];
	_ =	sdelay $0x2  }
0x2bb: {  	v11 =	vperm.xlane v9, v7;
	_ =	sdelay $0x1  }
0x2bc: {  	v10 =	vmul.f32 v10, v11;
	_ =	sdelay $0x1  }
0x2bd: {  	[tilespmem:s17+$0x160] =	vst v10;
	v10 =	vld [tilespmem:s17+$0x170];
	_ =	sdelay $0x2  }
0x2be: {  	v9 =	vperm.xlane v9, v8;
	_ =	sdelay $0x1  }
0x2bf: {  	v9 =	vmul.f32 v10, v9;
	_ =	sdelay $0x1  }
0x2c0: {  	[tilespmem:s17+$0x170] =	vst v9  }
0x2c1: {  	v9 =	vld [tilespmem:s19+$0x1B70]  }
0x2c2: {  	v10 =	vld [tilespmem:s19+$0x2B70];
	_ =	sdelay $0x4  }
0x2c3: {  	v9 =	vadd.f32 v10, v9;
	_ =	sdelay $0x1  }
0x2c4: {  	v9 =	vadd.f32 $1.000000020e-16, v9;
	_ =	sdelay $0x1  }
0x2c5: {  	(erf) = vrcp.f32 v9;
	_ =	sdelay $0x4  }
0x2c6: {  	v9 =	vld [tilespmem:s19+$0xB70];
	_ =	sdelay $0x3  }
0x2c7: {  	v10 =	vpop (erf)  }
0x2c8: {  	v9 =	vmul.f32 v10, v9;
	_ =	sdelay $0x1  }
0x2c9: {  	[tilespmem:s19+$0xB70] =	vst v9  }
0x2ca: {  	v10 =	vld [tilespmem:s17+$0x180];
	_ =	sdelay $0x2  }
0x2cb: {  	v11 =	vperm.xlane v9, v1;
	_ =	sdelay $0x1  }
0x2cc: {  	v10 =	vmul.f32 v10, v11;
	_ =	sdelay $0x1  }
0x2cd: {  	[tilespmem:s17+$0x180] =	vst v10;
	v10 =	vld [tilespmem:s17+$0x190];
	_ =	sdelay $0x2  }
0x2ce: {  	v11 =	vperm.xlane v9, v2;
	_ =	sdelay $0x1  }
0x2cf: {  	v10 =	vmul.f32 v10, v11;
	_ =	sdelay $0x1  }
0x2d0: {  	[tilespmem:s17+$0x190] =	vst v10;
	v10 =	vld [tilespmem:s17+$0x1A0];
	_ =	sdelay $0x2  }
0x2d1: {  	v11 =	vperm.xlane v9, v3;
	_ =	sdelay $0x1  }
0x2d2: {  	v10 =	vmul.f32 v10, v11;
	_ =	sdelay $0x1  }
0x2d3: {  	[tilespmem:s17+$0x1A0] =	vst v10;
	v10 =	vld [tilespmem:s17+$0x1B0];
	_ =	sdelay $0x2  }
0x2d4: {  	v11 =	vperm.xlane v9, v4;
	_ =	sdelay $0x1  }
0x2d5: {  	v10 =	vmul.f32 v10, v11;
	_ =	sdelay $0x1  }
0x2d6: {  	[tilespmem:s17+$0x1B0] =	vst v10;
	v10 =	vld [tilespmem:s17+$0x1C0];
	_ =	sdelay $0x2  }
0x2d7: {  	v11 =	vperm.xlane v9, v5;
	_ =	sdelay $0x1  }
0x2d8: {  	v10 =	vmul.f32 v10, v11;
	_ =	sdelay $0x1  }
0x2d9: {  	[tilespmem:s17+$0x1C0] =	vst v10;
	v10 =	vld [tilespmem:s17+$0x1D0];
	_ =	sdelay $0x2  }
0x2da: {  	v11 =	vperm.xlane v9, v6;
	_ =	sdelay $0x1  }
0x2db: {  	v10 =	vmul.f32 v10, v11;
	_ =	sdelay $0x1  }
0x2dc: {  	[tilespmem:s17+$0x1D0] =	vst v10;
	v10 =	vld [tilespmem:s17+$0x1E0];
	_ =	sdelay $0x2  }
0x2dd: {  	v11 =	vperm.xlane v9, v7;
	_ =	sdelay $0x1  }
0x2de: {  	v10 =	vmul.f32 v10, v11;
	_ =	sdelay $0x1  }
0x2df: {  	[tilespmem:s17+$0x1E0] =	vst v10;
	v10 =	vld [tilespmem:s17+$0x1F0];
	_ =	sdelay $0x1  }
0x2e0: {  	p0 =	sne.s32 s16, $0x1E00  }
.Ltmp2:
0x2e1: {  	v9 =	vperm.xlane v9, v8;
	(pc) =	sbr.rel @p0 .LBB2_7-.Ltmp2, $3  }
0x2e2: {  	_ = 	snop  }
0x2e3: {  	v9 =	vmul.f32 v10, v9;
	_ =	sdelay $0x1  }
0x2e4: {  	s16 =	sadd.s32 $0x200, s16;
	[tilespmem:s17+$0x1F0] =	vst v9;
	s17 =	sadd.s32 $0x400, s17  }
0x2e5: {  	s11 =	sadd.s32 s10, s11;
	s31 =	sadd.s32 $0x1, s31  }
0x2e6: {  	[hbm4b:s11+s4] =	stream.linear.scatter [tilespmem:s15], [sflag:$0x6], $0x800, $0x38;
	[tilespmem:$0x1F300] =	vst v63  }
0x2e7: {  	p0 =	sne.s32 s31, $0x29  }
.Ltmp3:
0x2e8: {  	s25 =	simm.s32 $0x280;
	(pc) =	sbr.rel @p0 .LBB2_4-.Ltmp3, $4  }
0x2e9: {  	[spmem:s3] =	stream.indirect.scatter.add.f32 [tilespmem:s18], [sflag:$0x7], $0x80, s25, s0, $0xb8;
	[tilespmem:$0x1F300] =	vst v63  }
0x2ea: {  	_ =	swait.ge [sflag:s30], $0x4000  }
0x2eb: {  	[sflag:s30] =	ssyncset.done $0x0  }
0x2ec: {  	[sflag:s30] =	ssyncadd.s32 $0xFFFFC000  }
0x2ed: {  	s11 =	simm.s32 $0x5  }
0x2ee: {  	_ =	swait.ge [sflag:s11], $0x800  }
0x2ef: {  	[sflag:s11] =	ssyncset.done $0x0  }
0x2f0: {  	s19 =	simm.s32 $0x6;
	[sflag:s11] =	ssyncadd.s32 $0xFFFFF800  }
0x2f1: {  	_ =	swait.ge [sflag:s19], $0x800  }
0x2f2: {  	[sflag:s19] =	ssyncset.done $0x0  }
0x2f3: {  	[sflag:s19] =	ssyncadd.s32 $0xFFFFF800  }
0x2f4: {  	s22 =	stileid.u32;
	[bflag:$0x0] =	sbarrier.arrive $0xFFFF  }
0x2f5: {  	s11 =	sshll.u32 s22, $0x6;
	s17 =	rddreg [dreg:$0x5]  }
0x2f6: {  	s11 =	sor.u32 $0x1C07, s11;
	s19 =	rddreg [dreg:$0xf];
	s16 =	sshrl.u32 s17, $0x3  }
0x2f7: {  	[hbm:s19], [sflag:s11] =	dma.local [spmem:s16], $0x2800  }
0x2f8: {  	_ =	swait.ge [sflag:s30], $0x2800  }
0x2f9: {  	s25 =	rddreg [dreg:$0x11]  }
0x2fa: {  	s31 =	rddreg [dreg:$0x10];
	s16 =	sadd.s32 $0x1, s25  }
0x2fb: {  	p0 =	sne.s32 s16, s31  }
.Ltmp4:
0x2fc: {  	_ = 	snop;
	(pc) =	sbr.rel @p0 .LBB2_1-.Ltmp4, $3  }
0x2fd: {  	_ =	sdelay $0x1  }
0x2fe: {  	[sflag:s30] =	ssyncset.done $0x0  }
0x2ff: {  	[sflag:s30] =	ssyncadd.s32 $0xFFFFD800  }
0x300: {  	_ =	sfence.sel $0x180000  }
0x301: {  	[bflag:$0x0] =	sbarrier.arrive $0xFFFF  }
0x302: {  	_ =	strace $0x9000004A  }
0x303: {  	s0 =	stileid.u32;
	[bflag:$0x2] =	sbarrier.arrive $0xFFFF  }
0x304: {  	p0 =	sne.s32 s0, $0x0;
	s0 =	rddreg [dreg:$0x4]  }
0x305: {  	s0 =	sadd.s32 @!p0 $0x100000, s0  }
0x306: {  	[sflag:s0] =	ssyncadd.tile.s32 @!p0 $0x1;
	_ =	shalt  }
.Lfunc_end2:
_tile_overlayer_lowered:
.L_overlay_start_2:
0x307: {  	(tag) =	ssettag $0x2  }
0x308: {  	s0 =	rddreg [dreg:$0x0];
	s2 =	stileid.u32  }
0x309: {  	s1 =	rddreg [dreg:$0x1];
	p0 =	sne.s32 s2, $0x0  }
0x30a: {  	s3 =	rddreg [dreg:$0x2];
	[bflag:$0x3] =	sbarrier.arrive $0xFFFF;
	s2 =	simm.s32 @!p0 $0x1C07  }
0x30b: {  	[timem:s3], [sflag:s2] =	dma.local @!p0 [hbm:s0], s1  }
0x30c: {  	s0 =	simm.s32 @!p0 $0x7  }
0x30d: {  	_ =	swait.ge @!p0 [sflag:s0], s1  }
0x30e: {  	s1 =	ssub.s32 @!p0 $0x0, s1;
	[sflag:s0] =	ssyncset.done @!p0 $0x0  }
0x30f: {  	[sflag:s0] =	ssyncadd.s32 @!p0 s1  }
0x310: {  	[bflag:$0x3] =	sbarrier.arrive $0xFFFF  }
0x311: {  	_ =	shalt  }

</sc_bundles>
